<compile_context>
chip_gen: v7x
topology: tpu7x:2x2x1
jax: 0.10.2.dev20260603
libtpu: 0.0.44.dev20260713+nightly
codegen_flags: <defaults>
</compile_context>

<pallas_src>
import functools

import jax
import jax.numpy as jnp
from jax import lax
from jax.experimental import pallas as pl
from jax.experimental.pallas import tpu as pltpu
from jax.experimental.pallas import tpu_sc as plsc

FUSE_K = 8
D = 128
L = 16
NC, NS = 2, 16
NW = NC * NS
CH = 16
ROWS = CH * FUSE_K
CW = 48


def _prep_body(map_ref, xyz_ref, cen_ref, coef_ref, idx_ref):
    m = map_ref[...]
    mask = m == 0
    gf = m[0:1, :]
    idx_ref[...] = jnp.where(mask, jnp.broadcast_to(gf, m.shape), m)
    xyz = xyz_ref[...]
    cen = cen_ref[...]
    xf = xyz[0:3, :]
    parts = []
    for k in range(FUSE_K):
        xk = xyz[3 * k:3 * k + 3, :]
        mk = jnp.broadcast_to(mask[k:k + 1, :], xk.shape)
        xm = jnp.where(mk, xf, xk)
        off = xm - cen
        dist = jnp.sqrt(jnp.sum(off * off, axis=0, keepdims=True))
        parts.append(xm)
        parts.append(dist)
    parts.append(cen)
    parts.append(jnp.zeros((CW - 3 - 4 * FUSE_K, cen.shape[1]), jnp.float32))
    coef_ref[...] = jnp.concatenate(parts, axis=0)


def _prep(mpT, xyzT, cenT):
    N = mpT.shape[1]
    Bn = 2048
    return pl.pallas_call(
        _prep_body,
        grid=(pl.cdiv(N, Bn),),
        in_specs=[
            pl.BlockSpec((FUSE_K, Bn), lambda i: (0, i)),
            pl.BlockSpec((3 * FUSE_K, Bn), lambda i: (0, i)),
            pl.BlockSpec((3, Bn), lambda i: (0, i)),
        ],
        out_specs=[
            pl.BlockSpec((CW, Bn), lambda i: (0, i)),
            pl.BlockSpec((FUSE_K, Bn), lambda i: (0, i)),
        ],
        out_shape=[
            jax.ShapeDtypeStruct((CW, N), jnp.float32),
            jax.ShapeDtypeStruct((FUSE_K, N), jnp.int32),
        ],
    )(mpT, xyzT, cenT)


_GDN = lax.GatherDimensionNumbers(
    offset_dims=(), collapsed_slice_dims=(0,), start_index_map=(0,))


def _bc(q, lane):
    idx = jnp.full((L, 1), lane, jnp.int32)
    return lax.gather(q, idx, dimension_numbers=_GDN, slice_sizes=(1,),
                      mode=lax.GatherScatterMode.PROMISE_IN_BOUNDS)


def _sc_body(coef_hbm, idx_hbm, feat_hbm, wp_hbm, out_hbm,
             idx_v, rows_v, coef_v, out_v, wp_v,
             sem_g, sem_i, sem_c, sem_o):
    cid = lax.axis_index("c")
    sid = lax.axis_index("s")
    wid = sid * NC + cid
    nchunks = coef_hbm.shape[0] // CH
    nch_w = (nchunks - wid + NW - 1) // NW
    pltpu.sync_copy(wp_hbm, wp_v)

    def wp(i, c):
        return wp_v[i, pl.ds(L * c, L)]

    def chunk_of(t):
        return wid + jnp.minimum(t, nch_w - 1) * NW

    def start_gather(t):
        slot = lax.rem(t, 2)
        pltpu.async_copy(feat_hbm.at[idx_v.at[lax.rem(t, 3)]],
                         rows_v.at[slot], sem_g)

    def start_idx(t):
        pltpu.async_copy(idx_hbm.at[chunk_of(t)], idx_v.at[lax.rem(t, 3)],
                         sem_i)

    def start_coef(t):
        pltpu.async_copy(coef_hbm.at[pl.ds(chunk_of(t) * CH, CH)],
                         coef_v.at[lax.rem(t, 2)], sem_c)

    def wait_g():
        pltpu.make_async_copy(feat_hbm.at[idx_v.at[0]], rows_v.at[0],
                              sem_g).wait()

    def wait_i():
        pltpu.make_async_copy(idx_hbm.at[0], idx_v.at[0], sem_i).wait()

    def wait_c():
        pltpu.make_async_copy(coef_hbm.at[pl.ds(0, CH)], coef_v.at[0],
                              sem_c).wait()

    def wait_o():
        pltpu.make_async_copy(out_v.at[0], out_hbm.at[pl.ds(0, CH)],
                              sem_o).wait()

    def compute(slot, v, _):
        q0 = coef_v[slot, v, pl.ds(0, L)]
        q1 = coef_v[slot, v, pl.ds(L, L)]
        q2 = coef_v[slot, v, pl.ds(2 * L, L)]
        c0 = _bc(q2, 0)
        c1 = _bc(q2, 1)
        c2 = _bc(q2, 2)
        for half in range(2):
            cs = range(half * 4, half * 4 + 4)
            S = [None] * 4
            X0 = [None] * 4
            X1 = [None] * 4
            X2 = [None] * 4
            DD = [None] * 4
            for k in range(FUSE_K):
                q = q0 if k < 4 else q1
                o = (k % 4) * 4
                x0 = _bc(q, o)
                x1 = _bc(q, o + 1)
                x2 = _bc(q, o + 2)
                dd = _bc(q, o + 3)
                r = v * FUSE_K + k
                for i, c in enumerate(cs):
                    row = rows_v[slot, r, pl.ds(L * c, L)]
                    if k == 0:
                        S[i] = row
                        X0[i] = x0 * row
                        X1[i] = x1 * row
                        X2[i] = x2 * row
                        DD[i] = dd * row
                    else:
                        S[i] = S[i] + row
                        X0[i] = X0[i] + x0 * row
                        X1[i] = X1[i] + x1 * row
                        X2[i] = X2[i] + x2 * row
                        DD[i] = DD[i] + dd * row
            for i, c in enumerate(cs):
                base = (wp(7, c) + c0 * wp(4, c) + c1 * wp(5, c)
                        + c2 * wp(6, c))
                res = (base * S[i] + X0[i] * wp(0, c) + X1[i] * wp(1, c)
                       + X2[i] * wp(2, c) + DD[i] * wp(3, c))
                out_v[slot, v, pl.ds(L * c, L)] = res
        return 0

    start_idx(0)
    wait_i()
    start_gather(0)
    start_idx(1)
    start_coef(0)

    def loop_body(t, _):
        slot = lax.rem(t, 2)
        wait_i()
        start_gather(t + 1)
        start_idx(t + 2)
        wait_c()
        start_coef(t + 1)
        wait_g()
        lax.fori_loop(0, CH, functools.partial(compute, slot), 0,
                      unroll=False)

        @pl.when(t > 0)
        def _():
            wait_o()

        pltpu.async_copy(out_v.at[slot],
                         out_hbm.at[pl.ds(chunk_of(t) * CH, CH)], sem_o)
        return 0

    lax.fori_loop(0, nch_w, loop_body, 0, unroll=False)
    wait_g()
    wait_c()
    wait_i()
    wait_o()


def _sc_call(coef, idx2d, src_feat, wpack):
    N = coef.shape[0]
    mesh = plsc.VectorSubcoreMesh(core_axis_name="c", subcore_axis_name="s",
                                  num_cores=NC, num_subcores=NS)
    f = pl.kernel(
        _sc_body,
        out_type=jax.ShapeDtypeStruct((N, D), jnp.float32),
        mesh=mesh,
        scratch_types=[
            pltpu.VMEM((3, ROWS), jnp.int32),
            pltpu.VMEM((2, ROWS, D), jnp.float32),
            pltpu.VMEM((2, CH, CW), jnp.float32),
            pltpu.VMEM((2, CH, D), jnp.float32),
            pltpu.VMEM((FUSE_K, D), jnp.float32),
            pltpu.SemaphoreType.DMA,
            pltpu.SemaphoreType.DMA,
            pltpu.SemaphoreType.DMA,
            pltpu.SemaphoreType.DMA,
        ],
    )
    return f(coef, idx2d, src_feat, wpack)


def kernel(invoxel_xyz, invoxel_map, src_feat, voxel_center, W, b):
    N = invoxel_map.shape[0]
    xyzT = invoxel_xyz.reshape(N, 3 * FUSE_K).T
    coefT, idxT = _prep(invoxel_map.T, xyzT, voxel_center.T)
    coef = coefT.T
    idx2d = idxT.T.reshape(N * FUSE_K // ROWS, ROWS)
    Wt = W.T
    wpack = jnp.stack([
        Wt[0] + Wt[6], Wt[1] + Wt[7], Wt[2] + Wt[8], Wt[9],
        Wt[3] - Wt[0], Wt[4] - Wt[1], Wt[5] - Wt[2], b,
    ], axis=0) * (1.0 / FUSE_K)
    return _sc_call(coef, idx2d, src_feat, wpack)

# --- scband reference (transcript-rebuilt; emitter-appended) ---
"""Pipeline reference for scband-voxel-pooling-49031346651672 (READ-ONLY COPY).

The authoritative reference and input builder live on the scoring server;
editing this copy changes nothing except your own understanding.
"""

import jax, jax.numpy as jnp
import numpy as np

FUSE_K = 8
M_FEAT = 128

def setup_inputs(seed: int = 0):
    key = jax.random.key(seed)
    k1, k2, k3, k4, k5, k6 = jax.random.split(key, 6)
    N = 100000
    P = 200000
    invoxel_xyz = jax.random.normal(k1, (N, FUSE_K, 3), dtype=jnp.float32)
    invoxel_map = jax.random.randint(k2, (N, FUSE_K), 0, P, dtype=jnp.int32)
    src_feat = jax.random.normal(k3, (P, M_FEAT), dtype=jnp.float32)
    voxel_center = jax.random.normal(k4, (N, 3), dtype=jnp.float32)
    W = jax.random.normal(k5, (M_FEAT, 10), dtype=jnp.float32) * 0.1
    b = jax.random.normal(k6, (M_FEAT,), dtype=jnp.float32) * 0.01
    return {"invoxel_xyz": invoxel_xyz, "invoxel_map": invoxel_map, "src_feat": src_feat, "voxel_center": voxel_center, "W": W, "b": b}

def reference(invoxel_xyz, invoxel_map, src_feat, voxel_center, W, b):
    # voxel2point_map = invoxel_map[:, :fuse_k]
    idx = invoxel_map[:, :FUSE_K]
    N, K = idx.shape
    # index_feat: replace zero indices with the group's first index
    group_first = jnp.broadcast_to(idx[:, :1], (N, K))
    mask = idx == 0
    idx = jnp.where(mask, group_first, idx)
    feats = jnp.take(src_feat, idx.reshape(N * K), axis=0).reshape(N, K, -1)
    # relation pooling branch (fuse_k > 1, pooling_type == 'relation')
    xyz = invoxel_xyz[:, :FUSE_K, :]
    gf_xyz = jnp.broadcast_to(xyz[:, :1, :], (N, K, 3))
    xyz = jnp.where(mask[:, :, None], gf_xyz, xyz)
    tile_center = jnp.broadcast_to(voxel_center[:, None, :], (N, K, 3))
    offset = xyz - tile_center
    dist = jnp.sqrt(jnp.sum(offset * offset, axis=-1, keepdims=True))
    relation = jnp.concatenate([offset, tile_center, xyz, dist], axis=-1)  # [N, K, 10]
    # Conv1d(10, m, kernel=1) applied to relation.permute(0,2,1): out [N, m, K]
    group_w = jnp.einsum('nki,oi->nok', relation, W) + b[None, :, None]
    feats_p = jnp.transpose(feats, (0, 2, 1))  # [N, C, K]
    feats_p = feats_p * group_w
    return jnp.mean(feats_p, axis=2)

if __name__ == "__main__":
    import jax
    _d = setup_inputs()
    print(jax.jit(kernel)(*tuple(_d.values())))

</pallas_src>

<mosaic_0001>
#map = affine_map<(d0, d1) -> (0, 0)>
module attributes {stable_mosaic.version = 14 : i64} {
  func.func @_sc_body(%arg0: i32, %arg1: i32, %arg2: memref<100000x48xf32, #tpu.memory_space<hbm>>, %arg3: memref<6250x128xi32, #tpu.memory_space<hbm>>, %arg4: memref<200000x128xf32, #tpu.memory_space<hbm>>, %arg5: memref<8x128xf32, #tpu.memory_space<hbm>>, %arg6: memref<100000x128xf32, #tpu.memory_space<hbm>>, %arg7: memref<3x128xi32, #tpu.memory_space<vmem>>, %arg8: memref<2x128x128xf32, #tpu.memory_space<vmem>>, %arg9: memref<2x16x48xf32, #tpu.memory_space<vmem>>, %arg10: memref<2x16x128xf32, #tpu.memory_space<vmem>>, %arg11: memref<8x128xf32, #tpu.memory_space<vmem>>, %arg12: memref<!tpu.dma_semaphore, #tpu.memory_space<semaphore_mem>>, %arg13: memref<!tpu.dma_semaphore, #tpu.memory_space<semaphore_mem>>, %arg14: memref<!tpu.dma_semaphore, #tpu.memory_space<semaphore_mem>>, %arg15: memref<!tpu.dma_semaphore, #tpu.memory_space<semaphore_mem>>) attributes {dimension_semantics = [#tpu.dimension_semantics<core_parallel>, #tpu.dimension_semantics<subcore_parallel>], iteration_bounds = array<i64: 2, 16>, scalar_prefetch = 0 : i64, scratch_operands = 9 : i64, tpu.core_type = #tpu.core_type<sc_vector_subcore>, window_params = [{transform_indices = #map}, {transform_indices = #map}, {transform_indices = #map}, {transform_indices = #map}, {transform_indices = #map}]} {
    %mul3A = arith.constant 2 : i32
    %mul3A_0 = arith.muli %arg1, %mul3A : i32
    %add3A = arith.addi %mul3A_0, %arg0 : i32
    %sub3A = arith.constant 6250 : i32
    %sub3A_1 = arith.subi %sub3A, %add3A : i32
    %add3A_2 = arith.constant 32 : i32
    %add3A_3 = arith.addi %sub3A_1, %add3A_2 : i32
    %sub3A_4 = arith.constant 1 : i32
    %sub3A_5 = arith.subi %add3A_3, %sub3A_4 : i32
    %jit3A = arith.constant 32 : i32
    %div3A = arith.divsi %sub3A_5, %jit3A : i32
    %sign3A = arith.constant 0 : i32
    %sign3A_6 = arith.cmpi sgt, %sub3A_5, %sign3A : i32
    %sign3A_7 = arith.extui %sign3A_6 : i1 to i32
    %sign3A_8 = arith.constant 0 : i32
    %sign3A_9 = arith.cmpi slt, %sub3A_5, %sign3A_8 : i32
    %sign3A_10 = arith.extui %sign3A_9 : i1 to i32
    %sign3A_11 = arith.subi %sign3A_7, %sign3A_10 : i32
    %sign3A_12 = arith.constant 0 : i32
    %sign3A_13 = arith.cmpi sgt, %jit3A, %sign3A_12 : i32
    %sign3A_14 = arith.extui %sign3A_13 : i1 to i32
    %sign3A_15 = arith.constant 0 : i32
    %sign3A_16 = arith.cmpi slt, %jit3A, %sign3A_15 : i32
    %sign3A_17 = arith.extui %sign3A_16 : i1 to i32
    %sign3A_18 = arith.subi %sign3A_14, %sign3A_17 : i32
    %ne3A = arith.cmpi ne, %sign3A_11, %sign3A_18 : i32
    %rem3A = arith.remsi %sub3A_5, %jit3A : i32
    %ne3A_19 = arith.constant 0 : i32
    %ne3A_20 = arith.cmpi ne, %rem3A, %ne3A_19 : i32
    %and3A = arith.andi %ne3A, %ne3A_20 : i1
    %sub3A_21 = arith.constant 1 : i32
    %sub3A_22 = arith.subi %div3A, %sub3A_21 : i32
    %select_n3A = arith.select %and3A, %sub3A_22, %div3A : i32
    "tpu.region"() ({
      %run_scoped3A = tpu.sem_alloc : memref<!tpu.dma_semaphore, #tpu.memory_space<semaphore_mem>>
      tpu.enqueue_dma source(%arg5 : memref<8x128xf32, #tpu.memory_space<hbm>>) target(%arg11 : memref<8x128xf32, #tpu.memory_space<vmem>>) target_semaphore(%run_scoped3A : memref<!tpu.dma_semaphore, #tpu.memory_space<semaphore_mem>>)
      tpu.wait_dma2 semaphore(%run_scoped3A : memref<!tpu.dma_semaphore, #tpu.memory_space<semaphore_mem>>) src(%arg5 : memref<8x128xf32, #tpu.memory_space<hbm>>) dst(%arg11 : memref<8x128xf32, #tpu.memory_space<vmem>>)
      tpu.yield
    }) : () -> ()
    %sub3A_23 = arith.constant 1 : i32
    %sub3A_24 = arith.subi %select_n3A, %sub3A_23 : i32
    %min3A = arith.constant 0 : i32
    %min3A_25 = arith.minsi %min3A, %sub3A_24 : i32
    %mul3A_26 = arith.constant 32 : i32
    %mul3A_27 = arith.muli %min3A_25, %mul3A_26 : i32
    %add3A_28 = arith.addi %add3A, %mul3A_27 : i32
    %rem3A_29 = arith.constant 0 : i32
    %rem3A_30 = arith.constant 3 : i32
    %rem3A_31 = arith.remsi %rem3A_29, %rem3A_30 : i32
    %dma_start3A = arith.constant 0 : i32
    %dma_start3A_32 = tpu.memref_slice %arg7[%rem3A_31, %dma_start3A] : memref<3x128xi32, #tpu.memory_space<vmem>> -> memref<1x128xi32, #tpu.memory_space<vmem>>
    %dma_start3A_33 = tpu.memref_squeeze %dma_start3A_32 : memref<1x128xi32, #tpu.memory_space<vmem>> -> memref<128xi32, #tpu.memory_space<vmem>>
    %dma_start3A_34 = arith.constant 0 : i32
    %dma_start3A_35 = tpu.memref_slice %arg3[%add3A_28, %dma_start3A_34] : memref<6250x128xi32, #tpu.memory_space<hbm>> -> memref<1x128xi32, #tpu.memory_space<hbm>>
    %dma_start3A_36 = tpu.memref_squeeze %dma_start3A_35 : memref<1x128xi32, #tpu.memory_space<hbm>> -> memref<128xi32, #tpu.memory_space<hbm>>
    %dma_start3A_37 = arith.constant 0 : i32
    %dma_start3A_38 = tpu.memref_slice %arg7[%rem3A_31, %dma_start3A_37] : memref<3x128xi32, #tpu.memory_space<vmem>> -> memref<1x128xi32, #tpu.memory_space<vmem>>
    %dma_start3A_39 = tpu.memref_squeeze %dma_start3A_38 : memref<1x128xi32, #tpu.memory_space<vmem>> -> memref<128xi32, #tpu.memory_space<vmem>>
    %dma_start3A_40 = arith.constant 0 : i32
    %dma_start3A_41 = tpu.memref_slice %arg3[%add3A_28, %dma_start3A_40] : memref<6250x128xi32, #tpu.memory_space<hbm>> -> memref<1x128xi32, #tpu.memory_space<hbm>>
    %dma_start3A_42 = tpu.memref_squeeze %dma_start3A_41 : memref<1x128xi32, #tpu.memory_space<hbm>> -> memref<128xi32, #tpu.memory_space<hbm>>
    tpu.enqueue_dma source(%dma_start3A_42 : memref<128xi32, #tpu.memory_space<hbm>>) target(%dma_start3A_39 : memref<128xi32, #tpu.memory_space<vmem>>) target_semaphore(%arg13 : memref<!tpu.dma_semaphore, #tpu.memory_space<semaphore_mem>>)
    %dma_wait3A = arith.constant 0 : i32
    %dma_wait3A_43 = arith.constant 0 : i32
    %dma_wait3A_44 = arith.constant 0 : i32
    %dma_wait3A_45 = tpu.memref_slice %arg7[%dma_wait3A_43, %dma_wait3A_44] : memref<3x128xi32, #tpu.memory_space<vmem>> -> memref<1x128xi32, #tpu.memory_space<vmem>>
    %dma_wait3A_46 = tpu.memref_squeeze %dma_wait3A_45 : memref<1x128xi32, #tpu.memory_space<vmem>> -> memref<128xi32, #tpu.memory_space<vmem>>
    %dma_wait3A_47 = arith.constant 0 : i32
    %dma_wait3A_48 = tpu.memref_slice %arg3[%dma_wait3A, %dma_wait3A_47] : memref<6250x128xi32, #tpu.memory_space<hbm>> -> memref<1x128xi32, #tpu.memory_space<hbm>>
    %dma_wait3A_49 = tpu.memref_squeeze %dma_wait3A_48 : memref<1x128xi32, #tpu.memory_space<hbm>> -> memref<128xi32, #tpu.memory_space<hbm>>
    %dma_wait3A_50 = arith.constant 0 : i32
    %dma_wait3A_51 = tpu.memref_slice %arg7[%dma_wait3A_43, %dma_wait3A_50] : memref<3x128xi32, #tpu.memory_space<vmem>> -> memref<1x128xi32, #tpu.memory_space<vmem>>
    %dma_wait3A_52 = tpu.memref_squeeze %dma_wait3A_51 : memref<1x128xi32, #tpu.memory_space<vmem>> -> memref<128xi32, #tpu.memory_space<vmem>>
    %dma_wait3A_53 = arith.constant 0 : i32
    %dma_wait3A_54 = tpu.memref_slice %arg3[%dma_wait3A, %dma_wait3A_53] : memref<6250x128xi32, #tpu.memory_space<hbm>> -> memref<1x128xi32, #tpu.memory_space<hbm>>
    %dma_wait3A_55 = tpu.memref_squeeze %dma_wait3A_54 : memref<1x128xi32, #tpu.memory_space<hbm>> -> memref<128xi32, #tpu.memory_space<hbm>>
    tpu.wait_dma2 semaphore(%arg13 : memref<!tpu.dma_semaphore, #tpu.memory_space<semaphore_mem>>) src(%dma_wait3A_55 : memref<128xi32, #tpu.memory_space<hbm>>) dst(%dma_wait3A_52 : memref<128xi32, #tpu.memory_space<vmem>>)
    %rem3A_56 = arith.constant 0 : i32
    %rem3A_57 = arith.constant 2 : i32
    %rem3A_58 = arith.remsi %rem3A_56, %rem3A_57 : i32
    %rem3A_59 = arith.constant 0 : i32
    %rem3A_60 = arith.constant 3 : i32
    %rem3A_61 = arith.remsi %rem3A_59, %rem3A_60 : i32
    %dma_start3A_62 = arith.constant 0 : i32
    %dma_start3A_63 = arith.constant 0 : i32
    %dma_start3A_64 = tpu.memref_slice %arg8[%rem3A_58, %dma_start3A_62, %dma_start3A_63] : memref<2x128x128xf32, #tpu.memory_space<vmem>> -> memref<1x128x128xf32, #tpu.memory_space<vmem>>
    %dma_start3A_65 = tpu.memref_squeeze %dma_start3A_64 : memref<1x128x128xf32, #tpu.memory_space<vmem>> -> memref<128x128xf32, #tpu.memory_space<vmem>>
    %dma_start3A_66 = arith.constant 0 : i32
    %dma_start3A_67 = tpu.memref_slice %arg7[%rem3A_61, %dma_start3A_66] : memref<3x128xi32, #tpu.memory_space<vmem>> -> memref<1x128xi32, #tpu.memory_space<vmem>>
    %dma_start3A_68 = tpu.memref_squeeze %dma_start3A_67 : memref<1x128xi32, #tpu.memory_space<vmem>> -> memref<128xi32, #tpu.memory_space<vmem>>
    %dma_start3A_69 = arith.constant 0 : i32
    %dma_start3A_70 = arith.constant 0 : i32
    %dma_start3A_71 = tpu.memref_slice %arg4[%dma_start3A_69, %dma_start3A_70] : memref<200000x128xf32, #tpu.memory_space<hbm>> -> memref<200000x128xf32, #tpu.memory_space<hbm>>
    tpu.enqueue_indirect_dma source(%dma_start3A_71 : memref<200000x128xf32, #tpu.memory_space<hbm>>) target(%dma_start3A_65 : memref<128x128xf32, #tpu.memory_space<vmem>>) offsets(%dma_start3A_68 : memref<128xi32, #tpu.memory_space<vmem>>) semaphore(%arg12 : memref<!tpu.dma_semaphore, #tpu.memory_space<semaphore_mem>>)
    %sub3A_72 = arith.constant 1 : i32
    %sub3A_73 = arith.subi %select_n3A, %sub3A_72 : i32
    %min3A_74 = arith.constant 1 : i32
    %min3A_75 = arith.minsi %min3A_74, %sub3A_73 : i32
    %mul3A_76 = arith.constant 32 : i32
    %mul3A_77 = arith.muli %min3A_75, %mul3A_76 : i32
    %add3A_78 = arith.addi %add3A, %mul3A_77 : i32
    %rem3A_79 = arith.constant 1 : i32
    %rem3A_80 = arith.constant 3 : i32
    %rem3A_81 = arith.remsi %rem3A_79, %rem3A_80 : i32
    %dma_start3A_82 = arith.constant 0 : i32
    %dma_start3A_83 = tpu.memref_slice %arg7[%rem3A_81, %dma_start3A_82] : memref<3x128xi32, #tpu.memory_space<vmem>> -> memref<1x128xi32, #tpu.memory_space<vmem>>
    %dma_start3A_84 = tpu.memref_squeeze %dma_start3A_83 : memref<1x128xi32, #tpu.memory_space<vmem>> -> memref<128xi32, #tpu.memory_space<vmem>>
    %dma_start3A_85 = arith.constant 0 : i32
    %dma_start3A_86 = tpu.memref_slice %arg3[%add3A_78, %dma_start3A_85] : memref<6250x128xi32, #tpu.memory_space<hbm>> -> memref<1x128xi32, #tpu.memory_space<hbm>>
    %dma_start3A_87 = tpu.memref_squeeze %dma_start3A_86 : memref<1x128xi32, #tpu.memory_space<hbm>> -> memref<128xi32, #tpu.memory_space<hbm>>
    %dma_start3A_88 = arith.constant 0 : i32
    %dma_start3A_89 = tpu.memref_slice %arg7[%rem3A_81, %dma_start3A_88] : memref<3x128xi32, #tpu.memory_space<vmem>> -> memref<1x128xi32, #tpu.memory_space<vmem>>
    %dma_start3A_90 = tpu.memref_squeeze %dma_start3A_89 : memref<1x128xi32, #tpu.memory_space<vmem>> -> memref<128xi32, #tpu.memory_space<vmem>>
    %dma_start3A_91 = arith.constant 0 : i32
    %dma_start3A_92 = tpu.memref_slice %arg3[%add3A_78, %dma_start3A_91] : memref<6250x128xi32, #tpu.memory_space<hbm>> -> memref<1x128xi32, #tpu.memory_space<hbm>>
    %dma_start3A_93 = tpu.memref_squeeze %dma_start3A_92 : memref<1x128xi32, #tpu.memory_space<hbm>> -> memref<128xi32, #tpu.memory_space<hbm>>
    tpu.enqueue_dma source(%dma_start3A_93 : memref<128xi32, #tpu.memory_space<hbm>>) target(%dma_start3A_90 : memref<128xi32, #tpu.memory_space<vmem>>) target_semaphore(%arg13 : memref<!tpu.dma_semaphore, #tpu.memory_space<semaphore_mem>>)
    %sub3A_94 = arith.constant 1 : i32
    %sub3A_95 = arith.subi %select_n3A, %sub3A_94 : i32
    %min3A_96 = arith.constant 0 : i32
    %min3A_97 = arith.minsi %min3A_96, %sub3A_95 : i32
    %mul3A_98 = arith.constant 32 : i32
    %mul3A_99 = arith.muli %min3A_97, %mul3A_98 : i32
    %add3A_100 = arith.addi %add3A, %mul3A_99 : i32
    %mul3A_101 = arith.constant 16 : i32
    %mul3A_102 = arith.muli %add3A_100, %mul3A_101 : i32
    %rem3A_103 = arith.constant 0 : i32
    %rem3A_104 = arith.constant 2 : i32
    %rem3A_105 = arith.remsi %rem3A_103, %rem3A_104 : i32
    %dma_start3A_106 = arith.constant 0 : i32
    %dma_start3A_107 = arith.constant 0 : i32
    %dma_start3A_108 = tpu.memref_slice %arg9[%rem3A_105, %dma_start3A_106, %dma_start3A_107] : memref<2x16x48xf32, #tpu.memory_space<vmem>> -> memref<1x16x48xf32, #tpu.memory_space<vmem>>
    %dma_start3A_109 = tpu.memref_squeeze %dma_start3A_108 : memref<1x16x48xf32, #tpu.memory_space<vmem>> -> memref<16x48xf32, #tpu.memory_space<vmem>>
    %dma_start3A_110 = arith.constant 0 : i32
    %dma_start3A_111 = tpu.memref_slice %arg2[%mul3A_102, %dma_start3A_110] : memref<100000x48xf32, #tpu.memory_space<hbm>> -> memref<16x48xf32, #tpu.memory_space<hbm>>
    %dma_start3A_112 = arith.constant 0 : i32
    %dma_start3A_113 = arith.constant 0 : i32
    %dma_start3A_114 = tpu.memref_slice %arg9[%rem3A_105, %dma_start3A_112, %dma_start3A_113] : memref<2x16x48xf32, #tpu.memory_space<vmem>> -> memref<1x16x48xf32, #tpu.memory_space<vmem>>
    %dma_start3A_115 = tpu.memref_squeeze %dma_start3A_114 : memref<1x16x48xf32, #tpu.memory_space<vmem>> -> memref<16x48xf32, #tpu.memory_space<vmem>>
    %dma_start3A_116 = arith.constant 0 : i32
    %dma_start3A_117 = tpu.memref_slice %arg2[%mul3A_102, %dma_start3A_116] : memref<100000x48xf32, #tpu.memory_space<hbm>> -> memref<16x48xf32, #tpu.memory_space<hbm>>
    tpu.enqueue_dma source(%dma_start3A_117 : memref<16x48xf32, #tpu.memory_space<hbm>>) target(%dma_start3A_115 : memref<16x48xf32, #tpu.memory_space<vmem>>) target_semaphore(%arg14 : memref<!tpu.dma_semaphore, #tpu.memory_space<semaphore_mem>>)
    %while3A = arith.constant 0 : i32
    %while3A_118 = arith.constant 0 : i32
    %while3A_119 = arith.subi %select_n3A, %while3A : i32
    %while3A_120 = arith.addi %while3A, %while3A_119 : i32
    %while3A_121 = arith.constant 1 : i32
    %while3A_122 = arith.divsi %while3A_119, %while3A_121 : i32
    %while3A_123 = arith.muli %while3A_122, %while3A_121 : i32
    %while3A_124 = arith.addi %while3A, %while3A_123 : i32
    %while3A_125 = arith.constant 1 : i32
    %while3A_126 = scf.for %while3A_185 = %while3A to %while3A_124 step %while3A_125 iter_args(%while3A_186 = %while3A_118) -> (i32)  : i32 {
      %rem3A_187 = arith.constant 2 : i32
      %rem3A_188 = arith.remsi %while3A_185, %rem3A_187 : i32
      %dma_wait3A_189 = arith.constant 0 : i32
      %dma_wait3A_190 = arith.constant 0 : i32
      %dma_wait3A_191 = arith.constant 0 : i32
      %dma_wait3A_192 = tpu.memref_slice %arg7[%dma_wait3A_190, %dma_wait3A_191] : memref<3x128xi32, #tpu.memory_space<vmem>> -> memref<1x128xi32, #tpu.memory_space<vmem>>
      %dma_wait3A_193 = tpu.memref_squeeze %dma_wait3A_192 : memref<1x128xi32, #tpu.memory_space<vmem>> -> memref<128xi32, #tpu.memory_space<vmem>>
      %dma_wait3A_194 = arith.constant 0 : i32
      %dma_wait3A_195 = tpu.memref_slice %arg3[%dma_wait3A_189, %dma_wait3A_194] : memref<6250x128xi32, #tpu.memory_space<hbm>> -> memref<1x128xi32, #tpu.memory_space<hbm>>
      %dma_wait3A_196 = tpu.memref_squeeze %dma_wait3A_195 : memref<1x128xi32, #tpu.memory_space<hbm>> -> memref<128xi32, #tpu.memory_space<hbm>>
      %dma_wait3A_197 = arith.constant 0 : i32
      %dma_wait3A_198 = tpu.memref_slice %arg7[%dma_wait3A_190, %dma_wait3A_197] : memref<3x128xi32, #tpu.memory_space<vmem>> -> memref<1x128xi32, #tpu.memory_space<vmem>>
      %dma_wait3A_199 = tpu.memref_squeeze %dma_wait3A_198 : memref<1x128xi32, #tpu.memory_space<vmem>> -> memref<128xi32, #tpu.memory_space<vmem>>
      %dma_wait3A_200 = arith.constant 0 : i32
      %dma_wait3A_201 = tpu.memref_slice %arg3[%dma_wait3A_189, %dma_wait3A_200] : memref<6250x128xi32, #tpu.memory_space<hbm>> -> memref<1x128xi32, #tpu.memory_space<hbm>>
      %dma_wait3A_202 = tpu.memref_squeeze %dma_wait3A_201 : memref<1x128xi32, #tpu.memory_space<hbm>> -> memref<128xi32, #tpu.memory_space<hbm>>
      tpu.wait_dma2 semaphore(%arg13 : memref<!tpu.dma_semaphore, #tpu.memory_space<semaphore_mem>>) src(%dma_wait3A_202 : memref<128xi32, #tpu.memory_space<hbm>>) dst(%dma_wait3A_199 : memref<128xi32, #tpu.memory_space<vmem>>)
      %add3A_203 = arith.constant 1 : i32
      %add3A_204 = arith.addi %while3A_185, %add3A_203 : i32
      %rem3A_205 = arith.constant 2 : i32
      %rem3A_206 = arith.remsi %add3A_204, %rem3A_205 : i32
      %rem3A_207 = arith.constant 3 : i32
      %rem3A_208 = arith.remsi %add3A_204, %rem3A_207 : i32
      %dma_start3A_209 = arith.constant 0 : i32
      %dma_start3A_210 = arith.constant 0 : i32
      %dma_start3A_211 = tpu.memref_slice %arg8[%rem3A_206, %dma_start3A_209, %dma_start3A_210] : memref<2x128x128xf32, #tpu.memory_space<vmem>> -> memref<1x128x128xf32, #tpu.memory_space<vmem>>
      %dma_start3A_212 = tpu.memref_squeeze %dma_start3A_211 : memref<1x128x128xf32, #tpu.memory_space<vmem>> -> memref<128x128xf32, #tpu.memory_space<vmem>>
      %dma_start3A_213 = arith.constant 0 : i32
      %dma_start3A_214 = tpu.memref_slice %arg7[%rem3A_208, %dma_start3A_213] : memref<3x128xi32, #tpu.memory_space<vmem>> -> memref<1x128xi32, #tpu.memory_space<vmem>>
      %dma_start3A_215 = tpu.memref_squeeze %dma_start3A_214 : memref<1x128xi32, #tpu.memory_space<vmem>> -> memref<128xi32, #tpu.memory_space<vmem>>
      %dma_start3A_216 = arith.constant 0 : i32
      %dma_start3A_217 = arith.constant 0 : i32
      %dma_start3A_218 = tpu.memref_slice %arg4[%dma_start3A_216, %dma_start3A_217] : memref<200000x128xf32, #tpu.memory_space<hbm>> -> memref<200000x128xf32, #tpu.memory_space<hbm>>
      tpu.enqueue_indirect_dma source(%dma_start3A_218 : memref<200000x128xf32, #tpu.memory_space<hbm>>) target(%dma_start3A_212 : memref<128x128xf32, #tpu.memory_space<vmem>>) offsets(%dma_start3A_215 : memref<128xi32, #tpu.memory_space<vmem>>) semaphore(%arg12 : memref<!tpu.dma_semaphore, #tpu.memory_space<semaphore_mem>>)
      %add3A_219 = arith.constant 2 : i32
      %add3A_220 = arith.addi %while3A_185, %add3A_219 : i32
      %sub3A_221 = arith.constant 1 : i32
      %sub3A_222 = arith.subi %select_n3A, %sub3A_221 : i32
      %min3A_223 = arith.minsi %add3A_220, %sub3A_222 : i32
      %mul3A_224 = arith.constant 32 : i32
      %mul3A_225 = arith.muli %min3A_223, %mul3A_224 : i32
      %add3A_226 = arith.addi %add3A, %mul3A_225 : i32
      %rem3A_227 = arith.constant 3 : i32
      %rem3A_228 = arith.remsi %add3A_220, %rem3A_227 : i32
      %dma_start3A_229 = arith.constant 0 : i32
      %dma_start3A_230 = tpu.memref_slice %arg7[%rem3A_228, %dma_start3A_229] : memref<3x128xi32, #tpu.memory_space<vmem>> -> memref<1x128xi32, #tpu.memory_space<vmem>>
      %dma_start3A_231 = tpu.memref_squeeze %dma_start3A_230 : memref<1x128xi32, #tpu.memory_space<vmem>> -> memref<128xi32, #tpu.memory_space<vmem>>
      %dma_start3A_232 = arith.constant 0 : i32
      %dma_start3A_233 = tpu.memref_slice %arg3[%add3A_226, %dma_start3A_232] : memref<6250x128xi32, #tpu.memory_space<hbm>> -> memref<1x128xi32, #tpu.memory_space<hbm>>
      %dma_start3A_234 = tpu.memref_squeeze %dma_start3A_233 : memref<1x128xi32, #tpu.memory_space<hbm>> -> memref<128xi32, #tpu.memory_space<hbm>>
      %dma_start3A_235 = arith.constant 0 : i32
      %dma_start3A_236 = tpu.memref_slice %arg7[%rem3A_228, %dma_start3A_235] : memref<3x128xi32, #tpu.memory_space<vmem>> -> memref<1x128xi32, #tpu.memory_space<vmem>>
      %dma_start3A_237 = tpu.memref_squeeze %dma_start3A_236 : memref<1x128xi32, #tpu.memory_space<vmem>> -> memref<128xi32, #tpu.memory_space<vmem>>
      %dma_start3A_238 = arith.constant 0 : i32
      %dma_start3A_239 = tpu.memref_slice %arg3[%add3A_226, %dma_start3A_238] : memref<6250x128xi32, #tpu.memory_space<hbm>> -> memref<1x128xi32, #tpu.memory_space<hbm>>
      %dma_start3A_240 = tpu.memref_squeeze %dma_start3A_239 : memref<1x128xi32, #tpu.memory_space<hbm>> -> memref<128xi32, #tpu.memory_space<hbm>>
      tpu.enqueue_dma source(%dma_start3A_240 : memref<128xi32, #tpu.memory_space<hbm>>) target(%dma_start3A_237 : memref<128xi32, #tpu.memory_space<vmem>>) target_semaphore(%arg13 : memref<!tpu.dma_semaphore, #tpu.memory_space<semaphore_mem>>)
      %dma_wait3A_241 = arith.constant 0 : i32
      %dma_wait3A_242 = arith.constant 0 : i32
      %dma_wait3A_243 = arith.constant 0 : i32
      %dma_wait3A_244 = tpu.memref_slice %arg9[%dma_wait3A_241, %dma_wait3A_242, %dma_wait3A_243] : memref<2x16x48xf32, #tpu.memory_space<vmem>> -> memref<1x16x48xf32, #tpu.memory_space<vmem>>
      %dma_wait3A_245 = tpu.memref_squeeze %dma_wait3A_244 : memref<1x16x48xf32, #tpu.memory_space<vmem>> -> memref<16x48xf32, #tpu.memory_space<vmem>>
      %dma_wait3A_246 = arith.constant 0 : i32
      %dma_wait3A_247 = arith.constant 0 : i32
      %dma_wait3A_248 = tpu.memref_slice %arg2[%dma_wait3A_246, %dma_wait3A_247] : memref<100000x48xf32, #tpu.memory_space<hbm>> -> memref<16x48xf32, #tpu.memory_space<hbm>>
      %dma_wait3A_249 = arith.constant 0 : i32
      %dma_wait3A_250 = arith.constant 0 : i32
      %dma_wait3A_251 = tpu.memref_slice %arg9[%dma_wait3A_241, %dma_wait3A_249, %dma_wait3A_250] : memref<2x16x48xf32, #tpu.memory_space<vmem>> -> memref<1x16x48xf32, #tpu.memory_space<vmem>>
      %dma_wait3A_252 = tpu.memref_squeeze %dma_wait3A_251 : memref<1x16x48xf32, #tpu.memory_space<vmem>> -> memref<16x48xf32, #tpu.memory_space<vmem>>
      %dma_wait3A_253 = arith.constant 0 : i32
      %dma_wait3A_254 = arith.constant 0 : i32
      %dma_wait3A_255 = tpu.memref_slice %arg2[%dma_wait3A_253, %dma_wait3A_254] : memref<100000x48xf32, #tpu.memory_space<hbm>> -> memref<16x48xf32, #tpu.memory_space<hbm>>
      tpu.wait_dma2 semaphore(%arg14 : memref<!tpu.dma_semaphore, #tpu.memory_space<semaphore_mem>>) src(%dma_wait3A_255 : memref<16x48xf32, #tpu.memory_space<hbm>>) dst(%dma_wait3A_252 : memref<16x48xf32, #tpu.memory_space<vmem>>)
      %add3A_256 = arith.constant 1 : i32
      %add3A_257 = arith.addi %while3A_185, %add3A_256 : i32
      %sub3A_258 = arith.constant 1 : i32
      %sub3A_259 = arith.subi %select_n3A, %sub3A_258 : i32
      %min3A_260 = arith.minsi %add3A_257, %sub3A_259 : i32
      %mul3A_261 = arith.constant 32 : i32
      %mul3A_262 = arith.muli %min3A_260, %mul3A_261 : i32
      %add3A_263 = arith.addi %add3A, %mul3A_262 : i32
      %mul3A_264 = arith.constant 16 : i32
      %mul3A_265 = arith.muli %add3A_263, %mul3A_264 : i32
      %rem3A_266 = arith.constant 2 : i32
      %rem3A_267 = arith.remsi %add3A_257, %rem3A_266 : i32
      %dma_start3A_268 = arith.constant 0 : i32
      %dma_start3A_269 = arith.constant 0 : i32
      %dma_start3A_270 = tpu.memref_slice %arg9[%rem3A_267, %dma_start3A_268, %dma_start3A_269] : memref<2x16x48xf32, #tpu.memory_space<vmem>> -> memref<1x16x48xf32, #tpu.memory_space<vmem>>
      %dma_start3A_271 = tpu.memref_squeeze %dma_start3A_270 : memref<1x16x48xf32, #tpu.memory_space<vmem>> -> memref<16x48xf32, #tpu.memory_space<vmem>>
      %dma_start3A_272 = arith.constant 0 : i32
      %dma_start3A_273 = tpu.memref_slice %arg2[%mul3A_265, %dma_start3A_272] : memref<100000x48xf32, #tpu.memory_space<hbm>> -> memref<16x48xf32, #tpu.memory_space<hbm>>
      %dma_start3A_274 = arith.constant 0 : i32
      %dma_start3A_275 = arith.constant 0 : i32
      %dma_start3A_276 = tpu.memref_slice %arg9[%rem3A_267, %dma_start3A_274, %dma_start3A_275] : memref<2x16x48xf32, #tpu.memory_space<vmem>> -> memref<1x16x48xf32, #tpu.memory_space<vmem>>
      %dma_start3A_277 = tpu.memref_squeeze %dma_start3A_276 : memref<1x16x48xf32, #tpu.memory_space<vmem>> -> memref<16x48xf32, #tpu.memory_space<vmem>>
      %dma_start3A_278 = arith.constant 0 : i32
      %dma_start3A_279 = tpu.memref_slice %arg2[%mul3A_265, %dma_start3A_278] : memref<100000x48xf32, #tpu.memory_space<hbm>> -> memref<16x48xf32, #tpu.memory_space<hbm>>
      tpu.enqueue_dma source(%dma_start3A_279 : memref<16x48xf32, #tpu.memory_space<hbm>>) target(%dma_start3A_277 : memref<16x48xf32, #tpu.memory_space<vmem>>) target_semaphore(%arg14 : memref<!tpu.dma_semaphore, #tpu.memory_space<semaphore_mem>>)
      %dma_wait3A_280 = arith.constant 0 : i32
      %dma_wait3A_281 = arith.constant 0 : i32
      %dma_wait3A_282 = arith.constant 0 : i32
      %dma_wait3A_283 = arith.constant 0 : i32
      %dma_wait3A_284 = tpu.memref_slice %arg8[%dma_wait3A_281, %dma_wait3A_282, %dma_wait3A_283] : memref<2x128x128xf32, #tpu.memory_space<vmem>> -> memref<1x128x128xf32, #tpu.memory_space<vmem>>
      %dma_wait3A_285 = tpu.memref_squeeze %dma_wait3A_284 : memref<1x128x128xf32, #tpu.memory_space<vmem>> -> memref<128x128xf32, #tpu.memory_space<vmem>>
      %dma_wait3A_286 = arith.constant 0 : i32
      %dma_wait3A_287 = tpu.memref_slice %arg7[%dma_wait3A_280, %dma_wait3A_286] : memref<3x128xi32, #tpu.memory_space<vmem>> -> memref<1x128xi32, #tpu.memory_space<vmem>>
      %dma_wait3A_288 = tpu.memref_squeeze %dma_wait3A_287 : memref<1x128xi32, #tpu.memory_space<vmem>> -> memref<128xi32, #tpu.memory_space<vmem>>
      %dma_wait3A_289 = arith.constant 0 : i32
      %dma_wait3A_290 = arith.constant 0 : i32
      %dma_wait3A_291 = tpu.memref_slice %arg4[%dma_wait3A_289, %dma_wait3A_290] : memref<200000x128xf32, #tpu.memory_space<hbm>> -> memref<200000x128xf32, #tpu.memory_space<hbm>>
      tpu.wait_indirect_dma semaphore(%arg12 : memref<!tpu.dma_semaphore, #tpu.memory_space<semaphore_mem>>) src(%dma_wait3A_291 : memref<200000x128xf32, #tpu.memory_space<hbm>>) dst(%dma_wait3A_285 : memref<128x128xf32, #tpu.memory_space<vmem>>)
      %scan3A = arith.constant 0 : i32
      %scan3A_292 = arith.constant 0 : i32
      %scan3A_293 = arith.constant 16 : i32
      %scan3A_294 = arith.addi %scan3A_292, %scan3A_293 : i32
      %scan3A_295 = arith.constant 1 : i32
      %scan3A_296 = scf.for %scan3A_321 = %scan3A_292 to %scan3A_294 step %scan3A_295 iter_args(%scan3A_322 = %scan3A) -> (i32)  : i32 {
        %get3A = arith.index_cast %rem3A_188 : i32 to index
        %get3A_323 = arith.index_cast %scan3A_321 : i32 to index
        %get3A_324 = arith.constant 0 : index
        %get3A_325 = tpu.vector_load %arg9[%get3A, %get3A_323, %get3A_324] {strides = array<i32>} : memref<2x16x48xf32, #tpu.memory_space<vmem>>, vector<1x1x16xf32>,
        %get3A_326 = vector.shape_cast %get3A_325 : vector<1x1x16xf32> to vector<16xf32>
        %get3A_327 = arith.index_cast %rem3A_188 : i32 to index
        %get3A_328 = arith.index_cast %scan3A_321 : i32 to index
        %get3A_329 = arith.constant 16 : index
        %get3A_330 = tpu.vector_load %arg9[%get3A_327, %get3A_328, %get3A_329] {strides = array<i32>} : memref<2x16x48xf32, #tpu.memory_space<vmem>>, vector<1x1x16xf32>,
        %get3A_331 = vector.shape_cast %get3A_330 : vector<1x1x16xf32> to vector<16xf32>
        %get3A_332 = arith.index_cast %rem3A_188 : i32 to index
        %get3A_333 = arith.index_cast %scan3A_321 : i32 to index
        %get3A_334 = arith.constant 32 : index
        %get3A_335 = tpu.vector_load %arg9[%get3A_332, %get3A_333, %get3A_334] {strides = array<i32>} : memref<2x16x48xf32, #tpu.memory_space<vmem>>, vector<1x1x16xf32>,
        %get3A_336 = vector.shape_cast %get3A_335 : vector<1x1x16xf32> to vector<16xf32>
        %broadcast_in_dim3A = arith.constant 0 : i32
        %broadcast_in_dim3A_337 = vector.broadcast %broadcast_in_dim3A : i32 to vector<16x1xi32>
        %gather3A = vector.shape_cast %broadcast_in_dim3A_337 : vector<16x1xi32> to vector<16xi32>
        %gather3A_338 = tpu.dynamic_gather %get3A_336[%gather3A] in [0] : vector<16xf32>, vector<16xi32> -> vector<16xf32>
        %broadcast_in_dim3A_339 = arith.constant 1 : i32
        %broadcast_in_dim3A_340 = vector.broadcast %broadcast_in_dim3A_339 : i32 to vector<16x1xi32>
        %gather3A_341 = vector.shape_cast %broadcast_in_dim3A_340 : vector<16x1xi32> to vector<16xi32>
        %gather3A_342 = tpu.dynamic_gather %get3A_336[%gather3A_341] in [0] : vector<16xf32>, vector<16xi32> -> vector<16xf32>
        %broadcast_in_dim3A_343 = arith.constant 2 : i32
        %broadcast_in_dim3A_344 = vector.broadcast %broadcast_in_dim3A_343 : i32 to vector<16x1xi32>
        %gather3A_345 = vector.shape_cast %broadcast_in_dim3A_344 : vector<16x1xi32> to vector<16xi32>
        %gather3A_346 = tpu.dynamic_gather %get3A_336[%gather3A_345] in [0] : vector<16xf32>, vector<16xi32> -> vector<16xf32>
        %broadcast_in_dim3A_347 = arith.constant 0 : i32
        %broadcast_in_dim3A_348 = vector.broadcast %broadcast_in_dim3A_347 : i32 to vector<16x1xi32>
        %gather3A_349 = vector.shape_cast %broadcast_in_dim3A_348 : vector<16x1xi32> to vector<16xi32>
        %gather3A_350 = tpu.dynamic_gather %get3A_326[%gather3A_349] in [0] : vector<16xf32>, vector<16xi32> -> vector<16xf32>
        %broadcast_in_dim3A_351 = arith.constant 1 : i32
        %broadcast_in_dim3A_352 = vector.broadcast %broadcast_in_dim3A_351 : i32 to vector<16x1xi32>
        %gather3A_353 = vector.shape_cast %broadcast_in_dim3A_352 : vector<16x1xi32> to vector<16xi32>
        %gather3A_354 = tpu.dynamic_gather %get3A_326[%gather3A_353] in [0] : vector<16xf32>, vector<16xi32> -> vector<16xf32>
        %broadcast_in_dim3A_355 = arith.constant 2 : i32
        %broadcast_in_dim3A_356 = vector.broadcast %broadcast_in_dim3A_355 : i32 to vector<16x1xi32>
        %gather3A_357 = vector.shape_cast %broadcast_in_dim3A_356 : vector<16x1xi32> to vector<16xi32>
        %gather3A_358 = tpu.dynamic_gather %get3A_326[%gather3A_357] in [0] : vector<16xf32>, vector<16xi32> -> vector<16xf32>
        %broadcast_in_dim3A_359 = arith.constant 3 : i32
        %broadcast_in_dim3A_360 = vector.broadcast %broadcast_in_dim3A_359 : i32 to vector<16x1xi32>
        %gather3A_361 = vector.shape_cast %broadcast_in_dim3A_360 : vector<16x1xi32> to vector<16xi32>
        %gather3A_362 = tpu.dynamic_gather %get3A_326[%gather3A_361] in [0] : vector<16xf32>, vector<16xi32> -> vector<16xf32>
        %mul3A_363 = arith.constant 8 : i32
        %mul3A_364 = arith.muli %scan3A_321, %mul3A_363 : i32
        %add3A_365 = arith.constant 0 : i32
        %add3A_366 = arith.addi %mul3A_364, %add3A_365 : i32
        %get3A_367 = arith.index_cast %rem3A_188 : i32 to index
        %get3A_368 = arith.index_cast %add3A_366 : i32 to index
        %get3A_369 = arith.constant 0 : index
        %get3A_370 = tpu.vector_load %arg8[%get3A_367, %get3A_368, %get3A_369] {strides = array<i32>} : memref<2x128x128xf32, #tpu.memory_space<vmem>>, vector<1x1x16xf32>,
        %get3A_371 = vector.shape_cast %get3A_370 : vector<1x1x16xf32> to vector<16xf32>
        %mul3A_372 = arith.mulf %gather3A_350, %get3A_371 : vector<16xf32>
        %mul3A_373 = arith.mulf %gather3A_354, %get3A_371 : vector<16xf32>
        %mul3A_374 = arith.mulf %gather3A_358, %get3A_371 : vector<16xf32>
        %mul3A_375 = arith.mulf %gather3A_362, %get3A_371 : vector<16xf32>
        %get3A_376 = arith.index_cast %rem3A_188 : i32 to index
        %get3A_377 = arith.index_cast %add3A_366 : i32 to index
        %get3A_378 = arith.constant 16 : index
        %get3A_379 = tpu.vector_load %arg8[%get3A_376, %get3A_377, %get3A_378] {strides = array<i32>} : memref<2x128x128xf32, #tpu.memory_space<vmem>>, vector<1x1x16xf32>,
        %get3A_380 = vector.shape_cast %get3A_379 : vector<1x1x16xf32> to vector<16xf32>
        %mul3A_381 = arith.mulf %gather3A_350, %get3A_380 : vector<16xf32>
        %mul3A_382 = arith.mulf %gather3A_354, %get3A_380 : vector<16xf32>
        %mul3A_383 = arith.mulf %gather3A_358, %get3A_380 : vector<16xf32>
        %mul3A_384 = arith.mulf %gather3A_362, %get3A_380 : vector<16xf32>
        %get3A_385 = arith.index_cast %rem3A_188 : i32 to index
        %get3A_386 = arith.index_cast %add3A_366 : i32 to index
        %get3A_387 = arith.constant 32 : index
        %get3A_388 = tpu.vector_load %arg8[%get3A_385, %get3A_386, %get3A_387] {strides = array<i32>} : memref<2x128x128xf32, #tpu.memory_space<vmem>>, vector<1x1x16xf32>,
        %get3A_389 = vector.shape_cast %get3A_388 : vector<1x1x16xf32> to vector<16xf32>
        %mul3A_390 = arith.mulf %gather3A_350, %get3A_389 : vector<16xf32>
        %mul3A_391 = arith.mulf %gather3A_354, %get3A_389 : vector<16xf32>
        %mul3A_392 = arith.mulf %gather3A_358, %get3A_389 : vector<16xf32>
        %mul3A_393 = arith.mulf %gather3A_362, %get3A_389 : vector<16xf32>
        %get3A_394 = arith.index_cast %rem3A_188 : i32 to index
        %get3A_395 = arith.index_cast %add3A_366 : i32 to index
        %get3A_396 = arith.constant 48 : index
        %get3A_397 = tpu.vector_load %arg8[%get3A_394, %get3A_395, %get3A_396] {strides = array<i32>} : memref<2x128x128xf32, #tpu.memory_space<vmem>>, vector<1x1x16xf32>,
        %get3A_398 = vector.shape_cast %get3A_397 : vector<1x1x16xf32> to vector<16xf32>
        %mul3A_399 = arith.mulf %gather3A_350, %get3A_398 : vector<16xf32>
        %mul3A_400 = arith.mulf %gather3A_354, %get3A_398 : vector<16xf32>
        %mul3A_401 = arith.mulf %gather3A_358, %get3A_398 : vector<16xf32>
        %mul3A_402 = arith.mulf %gather3A_362, %get3A_398 : vector<16xf32>
        %broadcast_in_dim3A_403 = arith.constant 4 : i32
        %broadcast_in_dim3A_404 = vector.broadcast %broadcast_in_dim3A_403 : i32 to vector<16x1xi32>
        %gather3A_405 = vector.shape_cast %broadcast_in_dim3A_404 : vector<16x1xi32> to vector<16xi32>
        %gather3A_406 = tpu.dynamic_gather %get3A_326[%gather3A_405] in [0] : vector<16xf32>, vector<16xi32> -> vector<16xf32>
        %broadcast_in_dim3A_407 = arith.constant 5 : i32
        %broadcast_in_dim3A_408 = vector.broadcast %broadcast_in_dim3A_407 : i32 to vector<16x1xi32>
        %gather3A_409 = vector.shape_cast %broadcast_in_dim3A_408 : vector<16x1xi32> to vector<16xi32>
        %gather3A_410 = tpu.dynamic_gather %get3A_326[%gather3A_409] in [0] : vector<16xf32>, vector<16xi32> -> vector<16xf32>
        %broadcast_in_dim3A_411 = arith.constant 6 : i32
        %broadcast_in_dim3A_412 = vector.broadcast %broadcast_in_dim3A_411 : i32 to vector<16x1xi32>
        %gather3A_413 = vector.shape_cast %broadcast_in_dim3A_412 : vector<16x1xi32> to vector<16xi32>
        %gather3A_414 = tpu.dynamic_gather %get3A_326[%gather3A_413] in [0] : vector<16xf32>, vector<16xi32> -> vector<16xf32>
        %broadcast_in_dim3A_415 = arith.constant 7 : i32
        %broadcast_in_dim3A_416 = vector.broadcast %broadcast_in_dim3A_415 : i32 to vector<16x1xi32>
        %gather3A_417 = vector.shape_cast %broadcast_in_dim3A_416 : vector<16x1xi32> to vector<16xi32>
        %gather3A_418 = tpu.dynamic_gather %get3A_326[%gather3A_417] in [0] : vector<16xf32>, vector<16xi32> -> vector<16xf32>
        %mul3A_419 = arith.constant 8 : i32
        %mul3A_420 = arith.muli %scan3A_321, %mul3A_419 : i32
        %add3A_421 = arith.constant 1 : i32
        %add3A_422 = arith.addi %mul3A_420, %add3A_421 : i32
        %get3A_423 = arith.index_cast %rem3A_188 : i32 to index
        %get3A_424 = arith.index_cast %add3A_422 : i32 to index
        %get3A_425 = arith.constant 0 : index
        %get3A_426 = tpu.vector_load %arg8[%get3A_423, %get3A_424, %get3A_425] {strides = array<i32>} : memref<2x128x128xf32, #tpu.memory_space<vmem>>, vector<1x1x16xf32>,
        %get3A_427 = vector.shape_cast %get3A_426 : vector<1x1x16xf32> to vector<16xf32>
        %add3A_428 = arith.addf %get3A_371, %get3A_427 : vector<16xf32>
        %mul3A_429 = arith.mulf %gather3A_406, %get3A_427 : vector<16xf32>
        %add3A_430 = arith.addf %mul3A_372, %mul3A_429 : vector<16xf32>
        %mul3A_431 = arith.mulf %gather3A_410, %get3A_427 : vector<16xf32>
        %add3A_432 = arith.addf %mul3A_373, %mul3A_431 : vector<16xf32>
        %mul3A_433 = arith.mulf %gather3A_414, %get3A_427 : vector<16xf32>
        %add3A_434 = arith.addf %mul3A_374, %mul3A_433 : vector<16xf32>
        %mul3A_435 = arith.mulf %gather3A_418, %get3A_427 : vector<16xf32>
        %add3A_436 = arith.addf %mul3A_375, %mul3A_435 : vector<16xf32>
        %get3A_437 = arith.index_cast %rem3A_188 : i32 to index
        %get3A_438 = arith.index_cast %add3A_422 : i32 to index
        %get3A_439 = arith.constant 16 : index
        %get3A_440 = tpu.vector_load %arg8[%get3A_437, %get3A_438, %get3A_439] {strides = array<i32>} : memref<2x128x128xf32, #tpu.memory_space<vmem>>, vector<1x1x16xf32>,
        %get3A_441 = vector.shape_cast %get3A_440 : vector<1x1x16xf32> to vector<16xf32>
        %add3A_442 = arith.addf %get3A_380, %get3A_441 : vector<16xf32>
        %mul3A_443 = arith.mulf %gather3A_406, %get3A_441 : vector<16xf32>
        %add3A_444 = arith.addf %mul3A_381, %mul3A_443 : vector<16xf32>
        %mul3A_445 = arith.mulf %gather3A_410, %get3A_441 : vector<16xf32>
        %add3A_446 = arith.addf %mul3A_382, %mul3A_445 : vector<16xf32>
        %mul3A_447 = arith.mulf %gather3A_414, %get3A_441 : vector<16xf32>
        %add3A_448 = arith.addf %mul3A_383, %mul3A_447 : vector<16xf32>
        %mul3A_449 = arith.mulf %gather3A_418, %get3A_441 : vector<16xf32>
        %add3A_450 = arith.addf %mul3A_384, %mul3A_449 : vector<16xf32>
        %get3A_451 = arith.index_cast %rem3A_188 : i32 to index
        %get3A_452 = arith.index_cast %add3A_422 : i32 to index
        %get3A_453 = arith.constant 32 : index
        %get3A_454 = tpu.vector_load %arg8[%get3A_451, %get3A_452, %get3A_453] {strides = array<i32>} : memref<2x128x128xf32, #tpu.memory_space<vmem>>, vector<1x1x16xf32>,
        %get3A_455 = vector.shape_cast %get3A_454 : vector<1x1x16xf32> to vector<16xf32>
        %add3A_456 = arith.addf %get3A_389, %get3A_455 : vector<16xf32>
        %mul3A_457 = arith.mulf %gather3A_406, %get3A_455 : vector<16xf32>
        %add3A_458 = arith.addf %mul3A_390, %mul3A_457 : vector<16xf32>
        %mul3A_459 = arith.mulf %gather3A_410, %get3A_455 : vector<16xf32>
        %add3A_460 = arith.addf %mul3A_391, %mul3A_459 : vector<16xf32>
        %mul3A_461 = arith.mulf %gather3A_414, %get3A_455 : vector<16xf32>
        %add3A_462 = arith.addf %mul3A_392, %mul3A_461 : vector<16xf32>
        %mul3A_463 = arith.mulf %gather3A_418, %get3A_455 : vector<16xf32>
        %add3A_464 = arith.addf %mul3A_393, %mul3A_463 : vector<16xf32>
        %get3A_465 = arith.index_cast %rem3A_188 : i32 to index
        %get3A_466 = arith.index_cast %add3A_422 : i32 to index
        %get3A_467 = arith.constant 48 : index
        %get3A_468 = tpu.vector_load %arg8[%get3A_465, %get3A_466, %get3A_467] {strides = array<i32>} : memref<2x128x128xf32, #tpu.memory_space<vmem>>, vector<1x1x16xf32>,
        %get3A_469 = vector.shape_cast %get3A_468 : vector<1x1x16xf32> to vector<16xf32>
        %add3A_470 = arith.addf %get3A_398, %get3A_469 : vector<16xf32>
        %mul3A_471 = arith.mulf %gather3A_406, %get3A_469 : vector<16xf32>
        %add3A_472 = arith.addf %mul3A_399, %mul3A_471 : vector<16xf32>
        %mul3A_473 = arith.mulf %gather3A_410, %get3A_469 : vector<16xf32>
        %add3A_474 = arith.addf %mul3A_400, %mul3A_473 : vector<16xf32>
        %mul3A_475 = arith.mulf %gather3A_414, %get3A_469 : vector<16xf32>
        %add3A_476 = arith.addf %mul3A_401, %mul3A_475 : vector<16xf32>
        %mul3A_477 = arith.mulf %gather3A_418, %get3A_469 : vector<16xf32>
        %add3A_478 = arith.addf %mul3A_402, %mul3A_477 : vector<16xf32>
        %broadcast_in_dim3A_479 = arith.constant 8 : i32
        %broadcast_in_dim3A_480 = vector.broadcast %broadcast_in_dim3A_479 : i32 to vector<16x1xi32>
        %gather3A_481 = vector.shape_cast %broadcast_in_dim3A_480 : vector<16x1xi32> to vector<16xi32>
        %gather3A_482 = tpu.dynamic_gather %get3A_326[%gather3A_481] in [0] : vector<16xf32>, vector<16xi32> -> vector<16xf32>
        %broadcast_in_dim3A_483 = arith.constant 9 : i32
        %broadcast_in_dim3A_484 = vector.broadcast %broadcast_in_dim3A_483 : i32 to vector<16x1xi32>
        %gather3A_485 = vector.shape_cast %broadcast_in_dim3A_484 : vector<16x1xi32> to vector<16xi32>
        %gather3A_486 = tpu.dynamic_gather %get3A_326[%gather3A_485] in [0] : vector<16xf32>, vector<16xi32> -> vector<16xf32>
        %broadcast_in_dim3A_487 = arith.constant 10 : i32
        %broadcast_in_dim3A_488 = vector.broadcast %broadcast_in_dim3A_487 : i32 to vector<16x1xi32>
        %gather3A_489 = vector.shape_cast %broadcast_in_dim3A_488 : vector<16x1xi32> to vector<16xi32>
        %gather3A_490 = tpu.dynamic_gather %get3A_326[%gather3A_489] in [0] : vector<16xf32>, vector<16xi32> -> vector<16xf32>
        %broadcast_in_dim3A_491 = arith.constant 11 : i32
        %broadcast_in_dim3A_492 = vector.broadcast %broadcast_in_dim3A_491 : i32 to vector<16x1xi32>
        %gather3A_493 = vector.shape_cast %broadcast_in_dim3A_492 : vector<16x1xi32> to vector<16xi32>
        %gather3A_494 = tpu.dynamic_gather %get3A_326[%gather3A_493] in [0] : vector<16xf32>, vector<16xi32> -> vector<16xf32>
        %mul3A_495 = arith.constant 8 : i32
        %mul3A_496 = arith.muli %scan3A_321, %mul3A_495 : i32
        %add3A_497 = arith.constant 2 : i32
        %add3A_498 = arith.addi %mul3A_496, %add3A_497 : i32
        %get3A_499 = arith.index_cast %rem3A_188 : i32 to index
        %get3A_500 = arith.index_cast %add3A_498 : i32 to index
        %get3A_501 = arith.constant 0 : index
        %get3A_502 = tpu.vector_load %arg8[%get3A_499, %get3A_500, %get3A_501] {strides = array<i32>} : memref<2x128x128xf32, #tpu.memory_space<vmem>>, vector<1x1x16xf32>,
        %get3A_503 = vector.shape_cast %get3A_502 : vector<1x1x16xf32> to vector<16xf32>
        %add3A_504 = arith.addf %add3A_428, %get3A_503 : vector<16xf32>
        %mul3A_505 = arith.mulf %gather3A_482, %get3A_503 : vector<16xf32>
        %add3A_506 = arith.addf %add3A_430, %mul3A_505 : vector<16xf32>
        %mul3A_507 = arith.mulf %gather3A_486, %get3A_503 : vector<16xf32>
        %add3A_508 = arith.addf %add3A_432, %mul3A_507 : vector<16xf32>
        %mul3A_509 = arith.mulf %gather3A_490, %get3A_503 : vector<16xf32>
        %add3A_510 = arith.addf %add3A_434, %mul3A_509 : vector<16xf32>
        %mul3A_511 = arith.mulf %gather3A_494, %get3A_503 : vector<16xf32>
        %add3A_512 = arith.addf %add3A_436, %mul3A_511 : vector<16xf32>
        %get3A_513 = arith.index_cast %rem3A_188 : i32 to index
        %get3A_514 = arith.index_cast %add3A_498 : i32 to index
        %get3A_515 = arith.constant 16 : index
        %get3A_516 = tpu.vector_load %arg8[%get3A_513, %get3A_514, %get3A_515] {strides = array<i32>} : memref<2x128x128xf32, #tpu.memory_space<vmem>>, vector<1x1x16xf32>,
        %get3A_517 = vector.shape_cast %get3A_516 : vector<1x1x16xf32> to vector<16xf32>
        %add3A_518 = arith.addf %add3A_442, %get3A_517 : vector<16xf32>
        %mul3A_519 = arith.mulf %gather3A_482, %get3A_517 : vector<16xf32>
        %add3A_520 = arith.addf %add3A_444, %mul3A_519 : vector<16xf32>
        %mul3A_521 = arith.mulf %gather3A_486, %get3A_517 : vector<16xf32>
        %add3A_522 = arith.addf %add3A_446, %mul3A_521 : vector<16xf32>
        %mul3A_523 = arith.mulf %gather3A_490, %get3A_517 : vector<16xf32>
        %add3A_524 = arith.addf %add3A_448, %mul3A_523 : vector<16xf32>
        %mul3A_525 = arith.mulf %gather3A_494, %get3A_517 : vector<16xf32>
        %add3A_526 = arith.addf %add3A_450, %mul3A_525 : vector<16xf32>
        %get3A_527 = arith.index_cast %rem3A_188 : i32 to index
        %get3A_528 = arith.index_cast %add3A_498 : i32 to index
        %get3A_529 = arith.constant 32 : index
        %get3A_530 = tpu.vector_load %arg8[%get3A_527, %get3A_528, %get3A_529] {strides = array<i32>} : memref<2x128x128xf32, #tpu.memory_space<vmem>>, vector<1x1x16xf32>,
        %get3A_531 = vector.shape_cast %get3A_530 : vector<1x1x16xf32> to vector<16xf32>
        %add3A_532 = arith.addf %add3A_456, %get3A_531 : vector<16xf32>
        %mul3A_533 = arith.mulf %gather3A_482, %get3A_531 : vector<16xf32>
        %add3A_534 = arith.addf %add3A_458, %mul3A_533 : vector<16xf32>
        %mul3A_535 = arith.mulf %gather3A_486, %get3A_531 : vector<16xf32>
        %add3A_536 = arith.addf %add3A_460, %mul3A_535 : vector<16xf32>
        %mul3A_537 = arith.mulf %gather3A_490, %get3A_531 : vector<16xf32>
        %add3A_538 = arith.addf %add3A_462, %mul3A_537 : vector<16xf32>
        %mul3A_539 = arith.mulf %gather3A_494, %get3A_531 : vector<16xf32>
        %add3A_540 = arith.addf %add3A_464, %mul3A_539 : vector<16xf32>
        %get3A_541 = arith.index_cast %rem3A_188 : i32 to index
        %get3A_542 = arith.index_cast %add3A_498 : i32 to index
        %get3A_543 = arith.constant 48 : index
        %get3A_544 = tpu.vector_load %arg8[%get3A_541, %get3A_542, %get3A_543] {strides = array<i32>} : memref<2x128x128xf32, #tpu.memory_space<vmem>>, vector<1x1x16xf32>,
        %get3A_545 = vector.shape_cast %get3A_544 : vector<1x1x16xf32> to vector<16xf32>
        %add3A_546 = arith.addf %add3A_470, %get3A_545 : vector<16xf32>
        %mul3A_547 = arith.mulf %gather3A_482, %get3A_545 : vector<16xf32>
        %add3A_548 = arith.addf %add3A_472, %mul3A_547 : vector<16xf32>
        %mul3A_549 = arith.mulf %gather3A_486, %get3A_545 : vector<16xf32>
        %add3A_550 = arith.addf %add3A_474, %mul3A_549 : vector<16xf32>
        %mul3A_551 = arith.mulf %gather3A_490, %get3A_545 : vector<16xf32>
        %add3A_552 = arith.addf %add3A_476, %mul3A_551 : vector<16xf32>
        %mul3A_553 = arith.mulf %gather3A_494, %get3A_545 : vector<16xf32>
        %add3A_554 = arith.addf %add3A_478, %mul3A_553 : vector<16xf32>
        %broadcast_in_dim3A_555 = arith.constant 12 : i32
        %broadcast_in_dim3A_556 = vector.broadcast %broadcast_in_dim3A_555 : i32 to vector<16x1xi32>
        %gather3A_557 = vector.shape_cast %broadcast_in_dim3A_556 : vector<16x1xi32> to vector<16xi32>
        %gather3A_558 = tpu.dynamic_gather %get3A_326[%gather3A_557] in [0] : vector<16xf32>, vector<16xi32> -> vector<16xf32>
        %broadcast_in_dim3A_559 = arith.constant 13 : i32
        %broadcast_in_dim3A_560 = vector.broadcast %broadcast_in_dim3A_559 : i32 to vector<16x1xi32>
        %gather3A_561 = vector.shape_cast %broadcast_in_dim3A_560 : vector<16x1xi32> to vector<16xi32>
        %gather3A_562 = tpu.dynamic_gather %get3A_326[%gather3A_561] in [0] : vector<16xf32>, vector<16xi32> -> vector<16xf32>
        %broadcast_in_dim3A_563 = arith.constant 14 : i32
        %broadcast_in_dim3A_564 = vector.broadcast %broadcast_in_dim3A_563 : i32 to vector<16x1xi32>
        %gather3A_565 = vector.shape_cast %broadcast_in_dim3A_564 : vector<16x1xi32> to vector<16xi32>
        %gather3A_566 = tpu.dynamic_gather %get3A_326[%gather3A_565] in [0] : vector<16xf32>, vector<16xi32> -> vector<16xf32>
        %broadcast_in_dim3A_567 = arith.constant 15 : i32
        %broadcast_in_dim3A_568 = vector.broadcast %broadcast_in_dim3A_567 : i32 to vector<16x1xi32>
        %gather3A_569 = vector.shape_cast %broadcast_in_dim3A_568 : vector<16x1xi32> to vector<16xi32>
        %gather3A_570 = tpu.dynamic_gather %get3A_326[%gather3A_569] in [0] : vector<16xf32>, vector<16xi32> -> vector<16xf32>
        %mul3A_571 = arith.constant 8 : i32
        %mul3A_572 = arith.muli %scan3A_321, %mul3A_571 : i32
        %add3A_573 = arith.constant 3 : i32
        %add3A_574 = arith.addi %mul3A_572, %add3A_573 : i32
        %get3A_575 = arith.index_cast %rem3A_188 : i32 to index
        %get3A_576 = arith.index_cast %add3A_574 : i32 to index
        %get3A_577 = arith.constant 0 : index
        %get3A_578 = tpu.vector_load %arg8[%get3A_575, %get3A_576, %get3A_577] {strides = array<i32>} : memref<2x128x128xf32, #tpu.memory_space<vmem>>, vector<1x1x16xf32>,
        %get3A_579 = vector.shape_cast %get3A_578 : vector<1x1x16xf32> to vector<16xf32>
        %add3A_580 = arith.addf %add3A_504, %get3A_579 : vector<16xf32>
        %mul3A_581 = arith.mulf %gather3A_558, %get3A_579 : vector<16xf32>
        %add3A_582 = arith.addf %add3A_506, %mul3A_581 : vector<16xf32>
        %mul3A_583 = arith.mulf %gather3A_562, %get3A_579 : vector<16xf32>
        %add3A_584 = arith.addf %add3A_508, %mul3A_583 : vector<16xf32>
        %mul3A_585 = arith.mulf %gather3A_566, %get3A_579 : vector<16xf32>
        %add3A_586 = arith.addf %add3A_510, %mul3A_585 : vector<16xf32>
        %mul3A_587 = arith.mulf %gather3A_570, %get3A_579 : vector<16xf32>
        %add3A_588 = arith.addf %add3A_512, %mul3A_587 : vector<16xf32>
        %get3A_589 = arith.index_cast %rem3A_188 : i32 to index
        %get3A_590 = arith.index_cast %add3A_574 : i32 to index
        %get3A_591 = arith.constant 16 : index
        %get3A_592 = tpu.vector_load %arg8[%get3A_589, %get3A_590, %get3A_591] {strides = array<i32>} : memref<2x128x128xf32, #tpu.memory_space<vmem>>, vector<1x1x16xf32>,
        %get3A_593 = vector.shape_cast %get3A_592 : vector<1x1x16xf32> to vector<16xf32>
        %add3A_594 = arith.addf %add3A_518, %get3A_593 : vector<16xf32>
        %mul3A_595 = arith.mulf %gather3A_558, %get3A_593 : vector<16xf32>
        %add3A_596 = arith.addf %add3A_520, %mul3A_595 : vector<16xf32>
        %mul3A_597 = arith.mulf %gather3A_562, %get3A_593 : vector<16xf32>
        %add3A_598 = arith.addf %add3A_522, %mul3A_597 : vector<16xf32>
        %mul3A_599 = arith.mulf %gather3A_566, %get3A_593 : vector<16xf32>
        %add3A_600 = arith.addf %add3A_524, %mul3A_599 : vector<16xf32>
        %mul3A_601 = arith.mulf %gather3A_570, %get3A_593 : vector<16xf32>
        %add3A_602 = arith.addf %add3A_526, %mul3A_601 : vector<16xf32>
        %get3A_603 = arith.index_cast %rem3A_188 : i32 to index
        %get3A_604 = arith.index_cast %add3A_574 : i32 to index
        %get3A_605 = arith.constant 32 : index
        %get3A_606 = tpu.vector_load %arg8[%get3A_603, %get3A_604, %get3A_605] {strides = array<i32>} : memref<2x128x128xf32, #tpu.memory_space<vmem>>, vector<1x1x16xf32>,
        %get3A_607 = vector.shape_cast %get3A_606 : vector<1x1x16xf32> to vector<16xf32>
        %add3A_608 = arith.addf %add3A_532, %get3A_607 : vector<16xf32>
        %mul3A_609 = arith.mulf %gather3A_558, %get3A_607 : vector<16xf32>
        %add3A_610 = arith.addf %add3A_534, %mul3A_609 : vector<16xf32>
        %mul3A_611 = arith.mulf %gather3A_562, %get3A_607 : vector<16xf32>
        %add3A_612 = arith.addf %add3A_536, %mul3A_611 : vector<16xf32>
        %mul3A_613 = arith.mulf %gather3A_566, %get3A_607 : vector<16xf32>
        %add3A_614 = arith.addf %add3A_538, %mul3A_613 : vector<16xf32>
        %mul3A_615 = arith.mulf %gather3A_570, %get3A_607 : vector<16xf32>
        %add3A_616 = arith.addf %add3A_540, %mul3A_615 : vector<16xf32>
        %get3A_617 = arith.index_cast %rem3A_188 : i32 to index
        %get3A_618 = arith.index_cast %add3A_574 : i32 to index
        %get3A_619 = arith.constant 48 : index
        %get3A_620 = tpu.vector_load %arg8[%get3A_617, %get3A_618, %get3A_619] {strides = array<i32>} : memref<2x128x128xf32, #tpu.memory_space<vmem>>, vector<1x1x16xf32>,
        %get3A_621 = vector.shape_cast %get3A_620 : vector<1x1x16xf32> to vector<16xf32>
        %add3A_622 = arith.addf %add3A_546, %get3A_621 : vector<16xf32>
        %mul3A_623 = arith.mulf %gather3A_558, %get3A_621 : vector<16xf32>
        %add3A_624 = arith.addf %add3A_548, %mul3A_623 : vector<16xf32>
        %mul3A_625 = arith.mulf %gather3A_562, %get3A_621 : vector<16xf32>
        %add3A_626 = arith.addf %add3A_550, %mul3A_625 : vector<16xf32>
        %mul3A_627 = arith.mulf %gather3A_566, %get3A_621 : vector<16xf32>
        %add3A_628 = arith.addf %add3A_552, %mul3A_627 : vector<16xf32>
        %mul3A_629 = arith.mulf %gather3A_570, %get3A_621 : vector<16xf32>
        %add3A_630 = arith.addf %add3A_554, %mul3A_629 : vector<16xf32>
        %broadcast_in_dim3A_631 = arith.constant 0 : i32
        %broadcast_in_dim3A_632 = vector.broadcast %broadcast_in_dim3A_631 : i32 to vector<16x1xi32>
        %gather3A_633 = vector.shape_cast %broadcast_in_dim3A_632 : vector<16x1xi32> to vector<16xi32>
        %gather3A_634 = tpu.dynamic_gather %get3A_331[%gather3A_633] in [0] : vector<16xf32>, vector<16xi32> -> vector<16xf32>
        %broadcast_in_dim3A_635 = arith.constant 1 : i32
        %broadcast_in_dim3A_636 = vector.broadcast %broadcast_in_dim3A_635 : i32 to vector<16x1xi32>
        %gather3A_637 = vector.shape_cast %broadcast_in_dim3A_636 : vector<16x1xi32> to vector<16xi32>
        %gather3A_638 = tpu.dynamic_gather %get3A_331[%gather3A_637] in [0] : vector<16xf32>, vector<16xi32> -> vector<16xf32>
        %broadcast_in_dim3A_639 = arith.constant 2 : i32
        %broadcast_in_dim3A_640 = vector.broadcast %broadcast_in_dim3A_639 : i32 to vector<16x1xi32>
        %gather3A_641 = vector.shape_cast %broadcast_in_dim3A_640 : vector<16x1xi32> to vector<16xi32>
        %gather3A_642 = tpu.dynamic_gather %get3A_331[%gather3A_641] in [0] : vector<16xf32>, vector<16xi32> -> vector<16xf32>
        %broadcast_in_dim3A_643 = arith.constant 3 : i32
        %broadcast_in_dim3A_644 = vector.broadcast %broadcast_in_dim3A_643 : i32 to vector<16x1xi32>
        %gather3A_645 = vector.shape_cast %broadcast_in_dim3A_644 : vector<16x1xi32> to vector<16xi32>
        %gather3A_646 = tpu.dynamic_gather %get3A_331[%gather3A_645] in [0] : vector<16xf32>, vector<16xi32> -> vector<16xf32>
        %mul3A_647 = arith.constant 8 : i32
        %mul3A_648 = arith.muli %scan3A_321, %mul3A_647 : i32
        %add3A_649 = arith.constant 4 : i32
        %add3A_650 = arith.addi %mul3A_648, %add3A_649 : i32
        %get3A_651 = arith.index_cast %rem3A_188 : i32 to index
        %get3A_652 = arith.index_cast %add3A_650 : i32 to index
        %get3A_653 = arith.constant 0 : index
        %get3A_654 = tpu.vector_load %arg8[%get3A_651, %get3A_652, %get3A_653] {strides = array<i32>} : memref<2x128x128xf32, #tpu.memory_space<vmem>>, vector<1x1x16xf32>,
        %get3A_655 = vector.shape_cast %get3A_654 : vector<1x1x16xf32> to vector<16xf32>
        %add3A_656 = arith.addf %add3A_580, %get3A_655 : vector<16xf32>
        %mul3A_657 = arith.mulf %gather3A_634, %get3A_655 : vector<16xf32>
        %add3A_658 = arith.addf %add3A_582, %mul3A_657 : vector<16xf32>
        %mul3A_659 = arith.mulf %gather3A_638, %get3A_655 : vector<16xf32>
        %add3A_660 = arith.addf %add3A_584, %mul3A_659 : vector<16xf32>
        %mul3A_661 = arith.mulf %gather3A_642, %get3A_655 : vector<16xf32>
        %add3A_662 = arith.addf %add3A_586, %mul3A_661 : vector<16xf32>
        %mul3A_663 = arith.mulf %gather3A_646, %get3A_655 : vector<16xf32>
        %add3A_664 = arith.addf %add3A_588, %mul3A_663 : vector<16xf32>
        %get3A_665 = arith.index_cast %rem3A_188 : i32 to index
        %get3A_666 = arith.index_cast %add3A_650 : i32 to index
        %get3A_667 = arith.constant 16 : index
        %get3A_668 = tpu.vector_load %arg8[%get3A_665, %get3A_666, %get3A_667] {strides = array<i32>} : memref<2x128x128xf32, #tpu.memory_space<vmem>>, vector<1x1x16xf32>,
        %get3A_669 = vector.shape_cast %get3A_668 : vector<1x1x16xf32> to vector<16xf32>
        %add3A_670 = arith.addf %add3A_594, %get3A_669 : vector<16xf32>
        %mul3A_671 = arith.mulf %gather3A_634, %get3A_669 : vector<16xf32>
        %add3A_672 = arith.addf %add3A_596, %mul3A_671 : vector<16xf32>
        %mul3A_673 = arith.mulf %gather3A_638, %get3A_669 : vector<16xf32>
        %add3A_674 = arith.addf %add3A_598, %mul3A_673 : vector<16xf32>
        %mul3A_675 = arith.mulf %gather3A_642, %get3A_669 : vector<16xf32>
        %add3A_676 = arith.addf %add3A_600, %mul3A_675 : vector<16xf32>
        %mul3A_677 = arith.mulf %gather3A_646, %get3A_669 : vector<16xf32>
        %add3A_678 = arith.addf %add3A_602, %mul3A_677 : vector<16xf32>
        %get3A_679 = arith.index_cast %rem3A_188 : i32 to index
        %get3A_680 = arith.index_cast %add3A_650 : i32 to index
        %get3A_681 = arith.constant 32 : index
        %get3A_682 = tpu.vector_load %arg8[%get3A_679, %get3A_680, %get3A_681] {strides = array<i32>} : memref<2x128x128xf32, #tpu.memory_space<vmem>>, vector<1x1x16xf32>,
        %get3A_683 = vector.shape_cast %get3A_682 : vector<1x1x16xf32> to vector<16xf32>
        %add3A_684 = arith.addf %add3A_608, %get3A_683 : vector<16xf32>
        %mul3A_685 = arith.mulf %gather3A_634, %get3A_683 : vector<16xf32>
        %add3A_686 = arith.addf %add3A_610, %mul3A_685 : vector<16xf32>
        %mul3A_687 = arith.mulf %gather3A_638, %get3A_683 : vector<16xf32>
        %add3A_688 = arith.addf %add3A_612, %mul3A_687 : vector<16xf32>
        %mul3A_689 = arith.mulf %gather3A_642, %get3A_683 : vector<16xf32>
        %add3A_690 = arith.addf %add3A_614, %mul3A_689 : vector<16xf32>
        %mul3A_691 = arith.mulf %gather3A_646, %get3A_683 : vector<16xf32>
        %add3A_692 = arith.addf %add3A_616, %mul3A_691 : vector<16xf32>
        %get3A_693 = arith.index_cast %rem3A_188 : i32 to index
        %get3A_694 = arith.index_cast %add3A_650 : i32 to index
        %get3A_695 = arith.constant 48 : index
        %get3A_696 = tpu.vector_load %arg8[%get3A_693, %get3A_694, %get3A_695] {strides = array<i32>} : memref<2x128x128xf32, #tpu.memory_space<vmem>>, vector<1x1x16xf32>,
        %get3A_697 = vector.shape_cast %get3A_696 : vector<1x1x16xf32> to vector<16xf32>
        %add3A_698 = arith.addf %add3A_622, %get3A_697 : vector<16xf32>
        %mul3A_699 = arith.mulf %gather3A_634, %get3A_697 : vector<16xf32>
        %add3A_700 = arith.addf %add3A_624, %mul3A_699 : vector<16xf32>
        %mul3A_701 = arith.mulf %gather3A_638, %get3A_697 : vector<16xf32>
        %add3A_702 = arith.addf %add3A_626, %mul3A_701 : vector<16xf32>
        %mul3A_703 = arith.mulf %gather3A_642, %get3A_697 : vector<16xf32>
        %add3A_704 = arith.addf %add3A_628, %mul3A_703 : vector<16xf32>
        %mul3A_705 = arith.mulf %gather3A_646, %get3A_697 : vector<16xf32>
        %add3A_706 = arith.addf %add3A_630, %mul3A_705 : vector<16xf32>
        %broadcast_in_dim3A_707 = arith.constant 4 : i32
        %broadcast_in_dim3A_708 = vector.broadcast %broadcast_in_dim3A_707 : i32 to vector<16x1xi32>
        %gather3A_709 = vector.shape_cast %broadcast_in_dim3A_708 : vector<16x1xi32> to vector<16xi32>
        %gather3A_710 = tpu.dynamic_gather %get3A_331[%gather3A_709] in [0] : vector<16xf32>, vector<16xi32> -> vector<16xf32>
        %broadcast_in_dim3A_711 = arith.constant 5 : i32
        %broadcast_in_dim3A_712 = vector.broadcast %broadcast_in_dim3A_711 : i32 to vector<16x1xi32>
        %gather3A_713 = vector.shape_cast %broadcast_in_dim3A_712 : vector<16x1xi32> to vector<16xi32>
        %gather3A_714 = tpu.dynamic_gather %get3A_331[%gather3A_713] in [0] : vector<16xf32>, vector<16xi32> -> vector<16xf32>
        %broadcast_in_dim3A_715 = arith.constant 6 : i32
        %broadcast_in_dim3A_716 = vector.broadcast %broadcast_in_dim3A_715 : i32 to vector<16x1xi32>
        %gather3A_717 = vector.shape_cast %broadcast_in_dim3A_716 : vector<16x1xi32> to vector<16xi32>
        %gather3A_718 = tpu.dynamic_gather %get3A_331[%gather3A_717] in [0] : vector<16xf32>, vector<16xi32> -> vector<16xf32>
        %broadcast_in_dim3A_719 = arith.constant 7 : i32
        %broadcast_in_dim3A_720 = vector.broadcast %broadcast_in_dim3A_719 : i32 to vector<16x1xi32>
        %gather3A_721 = vector.shape_cast %broadcast_in_dim3A_720 : vector<16x1xi32> to vector<16xi32>
        %gather3A_722 = tpu.dynamic_gather %get3A_331[%gather3A_721] in [0] : vector<16xf32>, vector<16xi32> -> vector<16xf32>
        %mul3A_723 = arith.constant 8 : i32
        %mul3A_724 = arith.muli %scan3A_321, %mul3A_723 : i32
        %add3A_725 = arith.constant 5 : i32
        %add3A_726 = arith.addi %mul3A_724, %add3A_725 : i32
        %get3A_727 = arith.index_cast %rem3A_188 : i32 to index
        %get3A_728 = arith.index_cast %add3A_726 : i32 to index
        %get3A_729 = arith.constant 0 : index
        %get3A_730 = tpu.vector_load %arg8[%get3A_727, %get3A_728, %get3A_729] {strides = array<i32>} : memref<2x128x128xf32, #tpu.memory_space<vmem>>, vector<1x1x16xf32>,
        %get3A_731 = vector.shape_cast %get3A_730 : vector<1x1x16xf32> to vector<16xf32>
        %add3A_732 = arith.addf %add3A_656, %get3A_731 : vector<16xf32>
        %mul3A_733 = arith.mulf %gather3A_710, %get3A_731 : vector<16xf32>
        %add3A_734 = arith.addf %add3A_658, %mul3A_733 : vector<16xf32>
        %mul3A_735 = arith.mulf %gather3A_714, %get3A_731 : vector<16xf32>
        %add3A_736 = arith.addf %add3A_660, %mul3A_735 : vector<16xf32>
        %mul3A_737 = arith.mulf %gather3A_718, %get3A_731 : vector<16xf32>
        %add3A_738 = arith.addf %add3A_662, %mul3A_737 : vector<16xf32>
        %mul3A_739 = arith.mulf %gather3A_722, %get3A_731 : vector<16xf32>
        %add3A_740 = arith.addf %add3A_664, %mul3A_739 : vector<16xf32>
        %get3A_741 = arith.index_cast %rem3A_188 : i32 to index
        %get3A_742 = arith.index_cast %add3A_726 : i32 to index
        %get3A_743 = arith.constant 16 : index
        %get3A_744 = tpu.vector_load %arg8[%get3A_741, %get3A_742, %get3A_743] {strides = array<i32>} : memref<2x128x128xf32, #tpu.memory_space<vmem>>, vector<1x1x16xf32>,
        %get3A_745 = vector.shape_cast %get3A_744 : vector<1x1x16xf32> to vector<16xf32>
        %add3A_746 = arith.addf %add3A_670, %get3A_745 : vector<16xf32>
        %mul3A_747 = arith.mulf %gather3A_710, %get3A_745 : vector<16xf32>
        %add3A_748 = arith.addf %add3A_672, %mul3A_747 : vector<16xf32>
        %mul3A_749 = arith.mulf %gather3A_714, %get3A_745 : vector<16xf32>
        %add3A_750 = arith.addf %add3A_674, %mul3A_749 : vector<16xf32>
        %mul3A_751 = arith.mulf %gather3A_718, %get3A_745 : vector<16xf32>
        %add3A_752 = arith.addf %add3A_676, %mul3A_751 : vector<16xf32>
        %mul3A_753 = arith.mulf %gather3A_722, %get3A_745 : vector<16xf32>
        %add3A_754 = arith.addf %add3A_678, %mul3A_753 : vector<16xf32>
        %get3A_755 = arith.index_cast %rem3A_188 : i32 to index
        %get3A_756 = arith.index_cast %add3A_726 : i32 to index
        %get3A_757 = arith.constant 32 : index
        %get3A_758 = tpu.vector_load %arg8[%get3A_755, %get3A_756, %get3A_757] {strides = array<i32>} : memref<2x128x128xf32, #tpu.memory_space<vmem>>, vector<1x1x16xf32>,
        %get3A_759 = vector.shape_cast %get3A_758 : vector<1x1x16xf32> to vector<16xf32>
        %add3A_760 = arith.addf %add3A_684, %get3A_759 : vector<16xf32>
        %mul3A_761 = arith.mulf %gather3A_710, %get3A_759 : vector<16xf32>
        %add3A_762 = arith.addf %add3A_686, %mul3A_761 : vector<16xf32>
        %mul3A_763 = arith.mulf %gather3A_714, %get3A_759 : vector<16xf32>
        %add3A_764 = arith.addf %add3A_688, %mul3A_763 : vector<16xf32>
        %mul3A_765 = arith.mulf %gather3A_718, %get3A_759 : vector<16xf32>
        %add3A_766 = arith.addf %add3A_690, %mul3A_765 : vector<16xf32>
        %mul3A_767 = arith.mulf %gather3A_722, %get3A_759 : vector<16xf32>
        %add3A_768 = arith.addf %add3A_692, %mul3A_767 : vector<16xf32>
        %get3A_769 = arith.index_cast %rem3A_188 : i32 to index
        %get3A_770 = arith.index_cast %add3A_726 : i32 to index
        %get3A_771 = arith.constant 48 : index
        %get3A_772 = tpu.vector_load %arg8[%get3A_769, %get3A_770, %get3A_771] {strides = array<i32>} : memref<2x128x128xf32, #tpu.memory_space<vmem>>, vector<1x1x16xf32>,
        %get3A_773 = vector.shape_cast %get3A_772 : vector<1x1x16xf32> to vector<16xf32>
        %add3A_774 = arith.addf %add3A_698, %get3A_773 : vector<16xf32>
        %mul3A_775 = arith.mulf %gather3A_710, %get3A_773 : vector<16xf32>
        %add3A_776 = arith.addf %add3A_700, %mul3A_775 : vector<16xf32>
        %mul3A_777 = arith.mulf %gather3A_714, %get3A_773 : vector<16xf32>
        %add3A_778 = arith.addf %add3A_702, %mul3A_777 : vector<16xf32>
        %mul3A_779 = arith.mulf %gather3A_718, %get3A_773 : vector<16xf32>
        %add3A_780 = arith.addf %add3A_704, %mul3A_779 : vector<16xf32>
        %mul3A_781 = arith.mulf %gather3A_722, %get3A_773 : vector<16xf32>
        %add3A_782 = arith.addf %add3A_706, %mul3A_781 : vector<16xf32>
        %broadcast_in_dim3A_783 = arith.constant 8 : i32
        %broadcast_in_dim3A_784 = vector.broadcast %broadcast_in_dim3A_783 : i32 to vector<16x1xi32>
        %gather3A_785 = vector.shape_cast %broadcast_in_dim3A_784 : vector<16x1xi32> to vector<16xi32>
        %gather3A_786 = tpu.dynamic_gather %get3A_331[%gather3A_785] in [0] : vector<16xf32>, vector<16xi32> -> vector<16xf32>
        %broadcast_in_dim3A_787 = arith.constant 9 : i32
        %broadcast_in_dim3A_788 = vector.broadcast %broadcast_in_dim3A_787 : i32 to vector<16x1xi32>
        %gather3A_789 = vector.shape_cast %broadcast_in_dim3A_788 : vector<16x1xi32> to vector<16xi32>
        %gather3A_790 = tpu.dynamic_gather %get3A_331[%gather3A_789] in [0] : vector<16xf32>, vector<16xi32> -> vector<16xf32>
        %broadcast_in_dim3A_791 = arith.constant 10 : i32
        %broadcast_in_dim3A_792 = vector.broadcast %broadcast_in_dim3A_791 : i32 to vector<16x1xi32>
        %gather3A_793 = vector.shape_cast %broadcast_in_dim3A_792 : vector<16x1xi32> to vector<16xi32>
        %gather3A_794 = tpu.dynamic_gather %get3A_331[%gather3A_793] in [0] : vector<16xf32>, vector<16xi32> -> vector<16xf32>
        %broadcast_in_dim3A_795 = arith.constant 11 : i32
        %broadcast_in_dim3A_796 = vector.broadcast %broadcast_in_dim3A_795 : i32 to vector<16x1xi32>
        %gather3A_797 = vector.shape_cast %broadcast_in_dim3A_796 : vector<16x1xi32> to vector<16xi32>
        %gather3A_798 = tpu.dynamic_gather %get3A_331[%gather3A_797] in [0] : vector<16xf32>, vector<16xi32> -> vector<16xf32>
        %mul3A_799 = arith.constant 8 : i32
        %mul3A_800 = arith.muli %scan3A_321, %mul3A_799 : i32
        %add3A_801 = arith.constant 6 : i32
        %add3A_802 = arith.addi %mul3A_800, %add3A_801 : i32
        %get3A_803 = arith.index_cast %rem3A_188 : i32 to index
        %get3A_804 = arith.index_cast %add3A_802 : i32 to index
        %get3A_805 = arith.constant 0 : index
        %get3A_806 = tpu.vector_load %arg8[%get3A_803, %get3A_804, %get3A_805] {strides = array<i32>} : memref<2x128x128xf32, #tpu.memory_space<vmem>>, vector<1x1x16xf32>,
        %get3A_807 = vector.shape_cast %get3A_806 : vector<1x1x16xf32> to vector<16xf32>
        %add3A_808 = arith.addf %add3A_732, %get3A_807 : vector<16xf32>
        %mul3A_809 = arith.mulf %gather3A_786, %get3A_807 : vector<16xf32>
        %add3A_810 = arith.addf %add3A_734, %mul3A_809 : vector<16xf32>
        %mul3A_811 = arith.mulf %gather3A_790, %get3A_807 : vector<16xf32>
        %add3A_812 = arith.addf %add3A_736, %mul3A_811 : vector<16xf32>
        %mul3A_813 = arith.mulf %gather3A_794, %get3A_807 : vector<16xf32>
        %add3A_814 = arith.addf %add3A_738, %mul3A_813 : vector<16xf32>
        %mul3A_815 = arith.mulf %gather3A_798, %get3A_807 : vector<16xf32>
        %add3A_816 = arith.addf %add3A_740, %mul3A_815 : vector<16xf32>
        %get3A_817 = arith.index_cast %rem3A_188 : i32 to index
        %get3A_818 = arith.index_cast %add3A_802 : i32 to index
        %get3A_819 = arith.constant 16 : index
        %get3A_820 = tpu.vector_load %arg8[%get3A_817, %get3A_818, %get3A_819] {strides = array<i32>} : memref<2x128x128xf32, #tpu.memory_space<vmem>>, vector<1x1x16xf32>,
        %get3A_821 = vector.shape_cast %get3A_820 : vector<1x1x16xf32> to vector<16xf32>
        %add3A_822 = arith.addf %add3A_746, %get3A_821 : vector<16xf32>
        %mul3A_823 = arith.mulf %gather3A_786, %get3A_821 : vector<16xf32>
        %add3A_824 = arith.addf %add3A_748, %mul3A_823 : vector<16xf32>
        %mul3A_825 = arith.mulf %gather3A_790, %get3A_821 : vector<16xf32>
        %add3A_826 = arith.addf %add3A_750, %mul3A_825 : vector<16xf32>
        %mul3A_827 = arith.mulf %gather3A_794, %get3A_821 : vector<16xf32>
        %add3A_828 = arith.addf %add3A_752, %mul3A_827 : vector<16xf32>
        %mul3A_829 = arith.mulf %gather3A_798, %get3A_821 : vector<16xf32>
        %add3A_830 = arith.addf %add3A_754, %mul3A_829 : vector<16xf32>
        %get3A_831 = arith.index_cast %rem3A_188 : i32 to index
        %get3A_832 = arith.index_cast %add3A_802 : i32 to index
        %get3A_833 = arith.constant 32 : index
        %get3A_834 = tpu.vector_load %arg8[%get3A_831, %get3A_832, %get3A_833] {strides = array<i32>} : memref<2x128x128xf32, #tpu.memory_space<vmem>>, vector<1x1x16xf32>,
        %get3A_835 = vector.shape_cast %get3A_834 : vector<1x1x16xf32> to vector<16xf32>
        %add3A_836 = arith.addf %add3A_760, %get3A_835 : vector<16xf32>
        %mul3A_837 = arith.mulf %gather3A_786, %get3A_835 : vector<16xf32>
        %add3A_838 = arith.addf %add3A_762, %mul3A_837 : vector<16xf32>
        %mul3A_839 = arith.mulf %gather3A_790, %get3A_835 : vector<16xf32>
        %add3A_840 = arith.addf %add3A_764, %mul3A_839 : vector<16xf32>
        %mul3A_841 = arith.mulf %gather3A_794, %get3A_835 : vector<16xf32>
        %add3A_842 = arith.addf %add3A_766, %mul3A_841 : vector<16xf32>
        %mul3A_843 = arith.mulf %gather3A_798, %get3A_835 : vector<16xf32>
        %add3A_844 = arith.addf %add3A_768, %mul3A_843 : vector<16xf32>
        %get3A_845 = arith.index_cast %rem3A_188 : i32 to index
        %get3A_846 = arith.index_cast %add3A_802 : i32 to index
        %get3A_847 = arith.constant 48 : index
        %get3A_848 = tpu.vector_load %arg8[%get3A_845, %get3A_846, %get3A_847] {strides = array<i32>} : memref<2x128x128xf32, #tpu.memory_space<vmem>>, vector<1x1x16xf32>,
        %get3A_849 = vector.shape_cast %get3A_848 : vector<1x1x16xf32> to vector<16xf32>
        %add3A_850 = arith.addf %add3A_774, %get3A_849 : vector<16xf32>
        %mul3A_851 = arith.mulf %gather3A_786, %get3A_849 : vector<16xf32>
        %add3A_852 = arith.addf %add3A_776, %mul3A_851 : vector<16xf32>
        %mul3A_853 = arith.mulf %gather3A_790, %get3A_849 : vector<16xf32>
        %add3A_854 = arith.addf %add3A_778, %mul3A_853 : vector<16xf32>
        %mul3A_855 = arith.mulf %gather3A_794, %get3A_849 : vector<16xf32>
        %add3A_856 = arith.addf %add3A_780, %mul3A_855 : vector<16xf32>
        %mul3A_857 = arith.mulf %gather3A_798, %get3A_849 : vector<16xf32>
        %add3A_858 = arith.addf %add3A_782, %mul3A_857 : vector<16xf32>
        %broadcast_in_dim3A_859 = arith.constant 12 : i32
        %broadcast_in_dim3A_860 = vector.broadcast %broadcast_in_dim3A_859 : i32 to vector<16x1xi32>
        %gather3A_861 = vector.shape_cast %broadcast_in_dim3A_860 : vector<16x1xi32> to vector<16xi32>
        %gather3A_862 = tpu.dynamic_gather %get3A_331[%gather3A_861] in [0] : vector<16xf32>, vector<16xi32> -> vector<16xf32>
        %broadcast_in_dim3A_863 = arith.constant 13 : i32
        %broadcast_in_dim3A_864 = vector.broadcast %broadcast_in_dim3A_863 : i32 to vector<16x1xi32>
        %gather3A_865 = vector.shape_cast %broadcast_in_dim3A_864 : vector<16x1xi32> to vector<16xi32>
        %gather3A_866 = tpu.dynamic_gather %get3A_331[%gather3A_865] in [0] : vector<16xf32>, vector<16xi32> -> vector<16xf32>
        %broadcast_in_dim3A_867 = arith.constant 14 : i32
        %broadcast_in_dim3A_868 = vector.broadcast %broadcast_in_dim3A_867 : i32 to vector<16x1xi32>
        %gather3A_869 = vector.shape_cast %broadcast_in_dim3A_868 : vector<16x1xi32> to vector<16xi32>
        %gather3A_870 = tpu.dynamic_gather %get3A_331[%gather3A_869] in [0] : vector<16xf32>, vector<16xi32> -> vector<16xf32>
        %broadcast_in_dim3A_871 = arith.constant 15 : i32
        %broadcast_in_dim3A_872 = vector.broadcast %broadcast_in_dim3A_871 : i32 to vector<16x1xi32>
        %gather3A_873 = vector.shape_cast %broadcast_in_dim3A_872 : vector<16x1xi32> to vector<16xi32>
        %gather3A_874 = tpu.dynamic_gather %get3A_331[%gather3A_873] in [0] : vector<16xf32>, vector<16xi32> -> vector<16xf32>
        %mul3A_875 = arith.constant 8 : i32
        %mul3A_876 = arith.muli %scan3A_321, %mul3A_875 : i32
        %add3A_877 = arith.constant 7 : i32
        %add3A_878 = arith.addi %mul3A_876, %add3A_877 : i32
        %get3A_879 = arith.index_cast %rem3A_188 : i32 to index
        %get3A_880 = arith.index_cast %add3A_878 : i32 to index
        %get3A_881 = arith.constant 0 : index
        %get3A_882 = tpu.vector_load %arg8[%get3A_879, %get3A_880, %get3A_881] {strides = array<i32>} : memref<2x128x128xf32, #tpu.memory_space<vmem>>, vector<1x1x16xf32>,
        %get3A_883 = vector.shape_cast %get3A_882 : vector<1x1x16xf32> to vector<16xf32>
        %add3A_884 = arith.addf %add3A_808, %get3A_883 : vector<16xf32>
        %mul3A_885 = arith.mulf %gather3A_862, %get3A_883 : vector<16xf32>
        %add3A_886 = arith.addf %add3A_810, %mul3A_885 : vector<16xf32>
        %mul3A_887 = arith.mulf %gather3A_866, %get3A_883 : vector<16xf32>
        %add3A_888 = arith.addf %add3A_812, %mul3A_887 : vector<16xf32>
        %mul3A_889 = arith.mulf %gather3A_870, %get3A_883 : vector<16xf32>
        %add3A_890 = arith.addf %add3A_814, %mul3A_889 : vector<16xf32>
        %mul3A_891 = arith.mulf %gather3A_874, %get3A_883 : vector<16xf32>
        %add3A_892 = arith.addf %add3A_816, %mul3A_891 : vector<16xf32>
        %get3A_893 = arith.index_cast %rem3A_188 : i32 to index
        %get3A_894 = arith.index_cast %add3A_878 : i32 to index
        %get3A_895 = arith.constant 16 : index
        %get3A_896 = tpu.vector_load %arg8[%get3A_893, %get3A_894, %get3A_895] {strides = array<i32>} : memref<2x128x128xf32, #tpu.memory_space<vmem>>, vector<1x1x16xf32>,
        %get3A_897 = vector.shape_cast %get3A_896 : vector<1x1x16xf32> to vector<16xf32>
        %add3A_898 = arith.addf %add3A_822, %get3A_897 : vector<16xf32>
        %mul3A_899 = arith.mulf %gather3A_862, %get3A_897 : vector<16xf32>
        %add3A_900 = arith.addf %add3A_824, %mul3A_899 : vector<16xf32>
        %mul3A_901 = arith.mulf %gather3A_866, %get3A_897 : vector<16xf32>
        %add3A_902 = arith.addf %add3A_826, %mul3A_901 : vector<16xf32>
        %mul3A_903 = arith.mulf %gather3A_870, %get3A_897 : vector<16xf32>
        %add3A_904 = arith.addf %add3A_828, %mul3A_903 : vector<16xf32>
        %mul3A_905 = arith.mulf %gather3A_874, %get3A_897 : vector<16xf32>
        %add3A_906 = arith.addf %add3A_830, %mul3A_905 : vector<16xf32>
        %get3A_907 = arith.index_cast %rem3A_188 : i32 to index
        %get3A_908 = arith.index_cast %add3A_878 : i32 to index
        %get3A_909 = arith.constant 32 : index
        %get3A_910 = tpu.vector_load %arg8[%get3A_907, %get3A_908, %get3A_909] {strides = array<i32>} : memref<2x128x128xf32, #tpu.memory_space<vmem>>, vector<1x1x16xf32>,
        %get3A_911 = vector.shape_cast %get3A_910 : vector<1x1x16xf32> to vector<16xf32>
        %add3A_912 = arith.addf %add3A_836, %get3A_911 : vector<16xf32>
        %mul3A_913 = arith.mulf %gather3A_862, %get3A_911 : vector<16xf32>
        %add3A_914 = arith.addf %add3A_838, %mul3A_913 : vector<16xf32>
        %mul3A_915 = arith.mulf %gather3A_866, %get3A_911 : vector<16xf32>
        %add3A_916 = arith.addf %add3A_840, %mul3A_915 : vector<16xf32>
        %mul3A_917 = arith.mulf %gather3A_870, %get3A_911 : vector<16xf32>
        %add3A_918 = arith.addf %add3A_842, %mul3A_917 : vector<16xf32>
        %mul3A_919 = arith.mulf %gather3A_874, %get3A_911 : vector<16xf32>
        %add3A_920 = arith.addf %add3A_844, %mul3A_919 : vector<16xf32>
        %get3A_921 = arith.index_cast %rem3A_188 : i32 to index
        %get3A_922 = arith.index_cast %add3A_878 : i32 to index
        %get3A_923 = arith.constant 48 : index
        %get3A_924 = tpu.vector_load %arg8[%get3A_921, %get3A_922, %get3A_923] {strides = array<i32>} : memref<2x128x128xf32, #tpu.memory_space<vmem>>, vector<1x1x16xf32>,
        %get3A_925 = vector.shape_cast %get3A_924 : vector<1x1x16xf32> to vector<16xf32>
        %add3A_926 = arith.addf %add3A_850, %get3A_925 : vector<16xf32>
        %mul3A_927 = arith.mulf %gather3A_862, %get3A_925 : vector<16xf32>
        %add3A_928 = arith.addf %add3A_852, %mul3A_927 : vector<16xf32>
        %mul3A_929 = arith.mulf %gather3A_866, %get3A_925 : vector<16xf32>
        %add3A_930 = arith.addf %add3A_854, %mul3A_929 : vector<16xf32>
        %mul3A_931 = arith.mulf %gather3A_870, %get3A_925 : vector<16xf32>
        %add3A_932 = arith.addf %add3A_856, %mul3A_931 : vector<16xf32>
        %mul3A_933 = arith.mulf %gather3A_874, %get3A_925 : vector<16xf32>
        %add3A_934 = arith.addf %add3A_858, %mul3A_933 : vector<16xf32>
        %get3A_935 = arith.constant 7 : i32
        %get3A_936 = arith.index_cast %get3A_935 : i32 to index
        %get3A_937 = arith.constant 0 : index
        %get3A_938 = tpu.vector_load %arg11[%get3A_936, %get3A_937] {strides = array<i32>} : memref<8x128xf32, #tpu.memory_space<vmem>>, vector<1x16xf32>,
        %get3A_939 = vector.shape_cast %get3A_938 : vector<1x16xf32> to vector<16xf32>
        %get3A_940 = arith.constant 4 : i32
        %get3A_941 = arith.index_cast %get3A_940 : i32 to index
        %get3A_942 = arith.constant 0 : index
        %get3A_943 = tpu.vector_load %arg11[%get3A_941, %get3A_942] {strides = array<i32>} : memref<8x128xf32, #tpu.memory_space<vmem>>, vector<1x16xf32>,
        %get3A_944 = vector.shape_cast %get3A_943 : vector<1x16xf32> to vector<16xf32>
        %mul3A_945 = arith.mulf %gather3A_338, %get3A_944 : vector<16xf32>
        %add3A_946 = arith.addf %get3A_939, %mul3A_945 : vector<16xf32>
        %get3A_947 = arith.constant 5 : i32
        %get3A_948 = arith.index_cast %get3A_947 : i32 to index
        %get3A_949 = arith.constant 0 : index
        %get3A_950 = tpu.vector_load %arg11[%get3A_948, %get3A_949] {strides = array<i32>} : memref<8x128xf32, #tpu.memory_space<vmem>>, vector<1x16xf32>,
        %get3A_951 = vector.shape_cast %get3A_950 : vector<1x16xf32> to vector<16xf32>
        %mul3A_952 = arith.mulf %gather3A_342, %get3A_951 : vector<16xf32>
        %add3A_953 = arith.addf %add3A_946, %mul3A_952 : vector<16xf32>
        %get3A_954 = arith.constant 6 : i32
        %get3A_955 = arith.index_cast %get3A_954 : i32 to index
        %get3A_956 = arith.constant 0 : index
        %get3A_957 = tpu.vector_load %arg11[%get3A_955, %get3A_956] {strides = array<i32>} : memref<8x128xf32, #tpu.memory_space<vmem>>, vector<1x16xf32>,
        %get3A_958 = vector.shape_cast %get3A_957 : vector<1x16xf32> to vector<16xf32>
        %mul3A_959 = arith.mulf %gather3A_346, %get3A_958 : vector<16xf32>
        %add3A_960 = arith.addf %add3A_953, %mul3A_959 : vector<16xf32>
        %mul3A_961 = arith.mulf %add3A_960, %add3A_884 : vector<16xf32>
        %get3A_962 = arith.constant 0 : i32
        %get3A_963 = arith.index_cast %get3A_962 : i32 to index
        %get3A_964 = arith.constant 0 : index
        %get3A_965 = tpu.vector_load %arg11[%get3A_963, %get3A_964] {strides = array<i32>} : memref<8x128xf32, #tpu.memory_space<vmem>>, vector<1x16xf32>,
        %get3A_966 = vector.shape_cast %get3A_965 : vector<1x16xf32> to vector<16xf32>
        %mul3A_967 = arith.mulf %add3A_886, %get3A_966 : vector<16xf32>
        %add3A_968 = arith.addf %mul3A_961, %mul3A_967 : vector<16xf32>
        %get3A_969 = arith.constant 1 : i32
        %get3A_970 = arith.index_cast %get3A_969 : i32 to index
        %get3A_971 = arith.constant 0 : index
        %get3A_972 = tpu.vector_load %arg11[%get3A_970, %get3A_971] {strides = array<i32>} : memref<8x128xf32, #tpu.memory_space<vmem>>, vector<1x16xf32>,
        %get3A_973 = vector.shape_cast %get3A_972 : vector<1x16xf32> to vector<16xf32>
        %mul3A_974 = arith.mulf %add3A_888, %get3A_973 : vector<16xf32>
        %add3A_975 = arith.addf %add3A_968, %mul3A_974 : vector<16xf32>
        %get3A_976 = arith.constant 2 : i32
        %get3A_977 = arith.index_cast %get3A_976 : i32 to index
        %get3A_978 = arith.constant 0 : index
        %get3A_979 = tpu.vector_load %arg11[%get3A_977, %get3A_978] {strides = array<i32>} : memref<8x128xf32, #tpu.memory_space<vmem>>, vector<1x16xf32>,
        %get3A_980 = vector.shape_cast %get3A_979 : vector<1x16xf32> to vector<16xf32>
        %mul3A_981 = arith.mulf %add3A_890, %get3A_980 : vector<16xf32>
        %add3A_982 = arith.addf %add3A_975, %mul3A_981 : vector<16xf32>
        %get3A_983 = arith.constant 3 : i32
        %get3A_984 = arith.index_cast %get3A_983 : i32 to index
        %get3A_985 = arith.constant 0 : index
        %get3A_986 = tpu.vector_load %arg11[%get3A_984, %get3A_985] {strides = array<i32>} : memref<8x128xf32, #tpu.memory_space<vmem>>, vector<1x16xf32>,
        %get3A_987 = vector.shape_cast %get3A_986 : vector<1x16xf32> to vector<16xf32>
        %mul3A_988 = arith.mulf %add3A_892, %get3A_987 : vector<16xf32>
        %add3A_989 = arith.addf %add3A_982, %mul3A_988 : vector<16xf32>
        %swap3A = arith.index_cast %rem3A_188 : i32 to index
        %swap3A_990 = arith.index_cast %scan3A_321 : i32 to index
        %swap3A_991 = arith.constant 0 : index
        %swap3A_992 = tpu.vector_load %arg10[%swap3A, %swap3A_990, %swap3A_991] {strides = array<i32>} : memref<2x16x128xf32, #tpu.memory_space<vmem>>, vector<1x1x16xf32>,
        %swap3A_993 = vector.shape_cast %swap3A_992 : vector<1x1x16xf32> to vector<16xf32>
        %swap3A_994 = vector.shape_cast %add3A_989 : vector<16xf32> to vector<1x1x16xf32>
        tpu.vector_store %arg10[%swap3A, %swap3A_990, %swap3A_991], %swap3A_994 {strides = array<i32>} : memref<2x16x128xf32, #tpu.memory_space<vmem>>, vector<1x1x16xf32>,
        %get3A_995 = arith.constant 7 : i32
        %get3A_996 = arith.index_cast %get3A_995 : i32 to index
        %get3A_997 = arith.constant 16 : index
        %get3A_998 = tpu.vector_load %arg11[%get3A_996, %get3A_997] {strides = array<i32>} : memref<8x128xf32, #tpu.memory_space<vmem>>, vector<1x16xf32>,
        %get3A_999 = vector.shape_cast %get3A_998 : vector<1x16xf32> to vector<16xf32>
        %get3A_1000 = arith.constant 4 : i32
        %get3A_1001 = arith.index_cast %get3A_1000 : i32 to index
        %get3A_1002 = arith.constant 16 : index
        %get3A_1003 = tpu.vector_load %arg11[%get3A_1001, %get3A_1002] {strides = array<i32>} : memref<8x128xf32, #tpu.memory_space<vmem>>, vector<1x16xf32>,
        %get3A_1004 = vector.shape_cast %get3A_1003 : vector<1x16xf32> to vector<16xf32>
        %mul3A_1005 = arith.mulf %gather3A_338, %get3A_1004 : vector<16xf32>
        %add3A_1006 = arith.addf %get3A_999, %mul3A_1005 : vector<16xf32>
        %get3A_1007 = arith.constant 5 : i32
        %get3A_1008 = arith.index_cast %get3A_1007 : i32 to index
        %get3A_1009 = arith.constant 16 : index
        %get3A_1010 = tpu.vector_load %arg11[%get3A_1008, %get3A_1009] {strides = array<i32>} : memref<8x128xf32, #tpu.memory_space<vmem>>, vector<1x16xf32>,
        %get3A_1011 = vector.shape_cast %get3A_1010 : vector<1x16xf32> to vector<16xf32>
        %mul3A_1012 = arith.mulf %gather3A_342, %get3A_1011 : vector<16xf32>
        %add3A_1013 = arith.addf %add3A_1006, %mul3A_1012 : vector<16xf32>
        %get3A_1014 = arith.constant 6 : i32
        %get3A_1015 = arith.index_cast %get3A_1014 : i32 to index
        %get3A_1016 = arith.constant 16 : index
        %get3A_1017 = tpu.vector_load %arg11[%get3A_1015, %get3A_1016] {strides = array<i32>} : memref<8x128xf32, #tpu.memory_space<vmem>>, vector<1x16xf32>,
        %get3A_1018 = vector.shape_cast %get3A_1017 : vector<1x16xf32> to vector<16xf32>
        %mul3A_1019 = arith.mulf %gather3A_346, %get3A_1018 : vector<16xf32>
        %add3A_1020 = arith.addf %add3A_1013, %mul3A_1019 : vector<16xf32>
        %mul3A_1021 = arith.mulf %add3A_1020, %add3A_898 : vector<16xf32>
        %get3A_1022 = arith.constant 0 : i32
        %get3A_1023 = arith.index_cast %get3A_1022 : i32 to index
        %get3A_1024 = arith.constant 16 : index
        %get3A_1025 = tpu.vector_load %arg11[%get3A_1023, %get3A_1024] {strides = array<i32>} : memref<8x128xf32, #tpu.memory_space<vmem>>, vector<1x16xf32>,
        %get3A_1026 = vector.shape_cast %get3A_1025 : vector<1x16xf32> to vector<16xf32>
        %mul3A_1027 = arith.mulf %add3A_900, %get3A_1026 : vector<16xf32>
        %add3A_1028 = arith.addf %mul3A_1021, %mul3A_1027 : vector<16xf32>
        %get3A_1029 = arith.constant 1 : i32
        %get3A_1030 = arith.index_cast %get3A_1029 : i32 to index
        %get3A_1031 = arith.constant 16 : index
        %get3A_1032 = tpu.vector_load %arg11[%get3A_1030, %get3A_1031] {strides = array<i32>} : memref<8x128xf32, #tpu.memory_space<vmem>>, vector<1x16xf32>,
        %get3A_1033 = vector.shape_cast %get3A_1032 : vector<1x16xf32> to vector<16xf32>
        %mul3A_1034 = arith.mulf %add3A_902, %get3A_1033 : vector<16xf32>
        %add3A_1035 = arith.addf %add3A_1028, %mul3A_1034 : vector<16xf32>
        %get3A_1036 = arith.constant 2 : i32
        %get3A_1037 = arith.index_cast %get3A_1036 : i32 to index
        %get3A_1038 = arith.constant 16 : index
        %get3A_1039 = tpu.vector_load %arg11[%get3A_1037, %get3A_1038] {strides = array<i32>} : memref<8x128xf32, #tpu.memory_space<vmem>>, vector<1x16xf32>,
        %get3A_1040 = vector.shape_cast %get3A_1039 : vector<1x16xf32> to vector<16xf32>
        %mul3A_1041 = arith.mulf %add3A_904, %get3A_1040 : vector<16xf32>
        %add3A_1042 = arith.addf %add3A_1035, %mul3A_1041 : vector<16xf32>
        %get3A_1043 = arith.constant 3 : i32
        %get3A_1044 = arith.index_cast %get3A_1043 : i32 to index
        %get3A_1045 = arith.constant 16 : index
        %get3A_1046 = tpu.vector_load %arg11[%get3A_1044, %get3A_1045] {strides = array<i32>} : memref<8x128xf32, #tpu.memory_space<vmem>>, vector<1x16xf32>,
        %get3A_1047 = vector.shape_cast %get3A_1046 : vector<1x16xf32> to vector<16xf32>
        %mul3A_1048 = arith.mulf %add3A_906, %get3A_1047 : vector<16xf32>
        %add3A_1049 = arith.addf %add3A_1042, %mul3A_1048 : vector<16xf32>
        %swap3A_1050 = arith.index_cast %rem3A_188 : i32 to index
        %swap3A_1051 = arith.index_cast %scan3A_321 : i32 to index
        %swap3A_1052 = arith.constant 16 : index
        %swap3A_1053 = tpu.vector_load %arg10[%swap3A_1050, %swap3A_1051, %swap3A_1052] {strides = array<i32>} : memref<2x16x128xf32, #tpu.memory_space<vmem>>, vector<1x1x16xf32>,
        %swap3A_1054 = vector.shape_cast %swap3A_1053 : vector<1x1x16xf32> to vector<16xf32>
        %swap3A_1055 = vector.shape_cast %add3A_1049 : vector<16xf32> to vector<1x1x16xf32>
        tpu.vector_store %arg10[%swap3A_1050, %swap3A_1051, %swap3A_1052], %swap3A_1055 {strides = array<i32>} : memref<2x16x128xf32, #tpu.memory_space<vmem>>, vector<1x1x16xf32>,
        %get3A_1056 = arith.constant 7 : i32
        %get3A_1057 = arith.index_cast %get3A_1056 : i32 to index
        %get3A_1058 = arith.constant 32 : index
        %get3A_1059 = tpu.vector_load %arg11[%get3A_1057, %get3A_1058] {strides = array<i32>} : memref<8x128xf32, #tpu.memory_space<vmem>>, vector<1x16xf32>,
        %get3A_1060 = vector.shape_cast %get3A_1059 : vector<1x16xf32> to vector<16xf32>
        %get3A_1061 = arith.constant 4 : i32
        %get3A_1062 = arith.index_cast %get3A_1061 : i32 to index
        %get3A_1063 = arith.constant 32 : index
        %get3A_1064 = tpu.vector_load %arg11[%get3A_1062, %get3A_1063] {strides = array<i32>} : memref<8x128xf32, #tpu.memory_space<vmem>>, vector<1x16xf32>,
        %get3A_1065 = vector.shape_cast %get3A_1064 : vector<1x16xf32> to vector<16xf32>
        %mul3A_1066 = arith.mulf %gather3A_338, %get3A_1065 : vector<16xf32>
        %add3A_1067 = arith.addf %get3A_1060, %mul3A_1066 : vector<16xf32>
        %get3A_1068 = arith.constant 5 : i32
        %get3A_1069 = arith.index_cast %get3A_1068 : i32 to index
        %get3A_1070 = arith.constant 32 : index
        %get3A_1071 = tpu.vector_load %arg11[%get3A_1069, %get3A_1070] {strides = array<i32>} : memref<8x128xf32, #tpu.memory_space<vmem>>, vector<1x16xf32>,
        %get3A_1072 = vector.shape_cast %get3A_1071 : vector<1x16xf32> to vector<16xf32>
        %mul3A_1073 = arith.mulf %gather3A_342, %get3A_1072 : vector<16xf32>
        %add3A_1074 = arith.addf %add3A_1067, %mul3A_1073 : vector<16xf32>
        %get3A_1075 = arith.constant 6 : i32
        %get3A_1076 = arith.index_cast %get3A_1075 : i32 to index
        %get3A_1077 = arith.constant 32 : index
        %get3A_1078 = tpu.vector_load %arg11[%get3A_1076, %get3A_1077] {strides = array<i32>} : memref<8x128xf32, #tpu.memory_space<vmem>>, vector<1x16xf32>,
        %get3A_1079 = vector.shape_cast %get3A_1078 : vector<1x16xf32> to vector<16xf32>
        %mul3A_1080 = arith.mulf %gather3A_346, %get3A_1079 : vector<16xf32>
        %add3A_1081 = arith.addf %add3A_1074, %mul3A_1080 : vector<16xf32>
        %mul3A_1082 = arith.mulf %add3A_1081, %add3A_912 : vector<16xf32>
        %get3A_1083 = arith.constant 0 : i32
        %get3A_1084 = arith.index_cast %get3A_1083 : i32 to index
        %get3A_1085 = arith.constant 32 : index
        %get3A_1086 = tpu.vector_load %arg11[%get3A_1084, %get3A_1085] {strides = array<i32>} : memref<8x128xf32, #tpu.memory_space<vmem>>, vector<1x16xf32>,
        %get3A_1087 = vector.shape_cast %get3A_1086 : vector<1x16xf32> to vector<16xf32>
        %mul3A_1088 = arith.mulf %add3A_914, %get3A_1087 : vector<16xf32>
        %add3A_1089 = arith.addf %mul3A_1082, %mul3A_1088 : vector<16xf32>
        %get3A_1090 = arith.constant 1 : i32
        %get3A_1091 = arith.index_cast %get3A_1090 : i32 to index
        %get3A_1092 = arith.constant 32 : index
        %get3A_1093 = tpu.vector_load %arg11[%get3A_1091, %get3A_1092] {strides = array<i32>} : memref<8x128xf32, #tpu.memory_space<vmem>>, vector<1x16xf32>,
        %get3A_1094 = vector.shape_cast %get3A_1093 : vector<1x16xf32> to vector<16xf32>
        %mul3A_1095 = arith.mulf %add3A_916, %get3A_1094 : vector<16xf32>
        %add3A_1096 = arith.addf %add3A_1089, %mul3A_1095 : vector<16xf32>
        %get3A_1097 = arith.constant 2 : i32
        %get3A_1098 = arith.index_cast %get3A_1097 : i32 to index
        %get3A_1099 = arith.constant 32 : index
        %get3A_1100 = tpu.vector_load %arg11[%get3A_1098, %get3A_1099] {strides = array<i32>} : memref<8x128xf32, #tpu.memory_space<vmem>>, vector<1x16xf32>,
        %get3A_1101 = vector.shape_cast %get3A_1100 : vector<1x16xf32> to vector<16xf32>
        %mul3A_1102 = arith.mulf %add3A_918, %get3A_1101 : vector<16xf32>
        %add3A_1103 = arith.addf %add3A_1096, %mul3A_1102 : vector<16xf32>
        %get3A_1104 = arith.constant 3 : i32
        %get3A_1105 = arith.index_cast %get3A_1104 : i32 to index
        %get3A_1106 = arith.constant 32 : index
        %get3A_1107 = tpu.vector_load %arg11[%get3A_1105, %get3A_1106] {strides = array<i32>} : memref<8x128xf32, #tpu.memory_space<vmem>>, vector<1x16xf32>,
        %get3A_1108 = vector.shape_cast %get3A_1107 : vector<1x16xf32> to vector<16xf32>
        %mul3A_1109 = arith.mulf %add3A_920, %get3A_1108 : vector<16xf32>
        %add3A_1110 = arith.addf %add3A_1103, %mul3A_1109 : vector<16xf32>
        %swap3A_1111 = arith.index_cast %rem3A_188 : i32 to index
        %swap3A_1112 = arith.index_cast %scan3A_321 : i32 to index
        %swap3A_1113 = arith.constant 32 : index
        %swap3A_1114 = tpu.vector_load %arg10[%swap3A_1111, %swap3A_1112, %swap3A_1113] {strides = array<i32>} : memref<2x16x128xf32, #tpu.memory_space<vmem>>, vector<1x1x16xf32>,
        %swap3A_1115 = vector.shape_cast %swap3A_1114 : vector<1x1x16xf32> to vector<16xf32>
        %swap3A_1116 = vector.shape_cast %add3A_1110 : vector<16xf32> to vector<1x1x16xf32>
        tpu.vector_store %arg10[%swap3A_1111, %swap3A_1112, %swap3A_1113], %swap3A_1116 {strides = array<i32>} : memref<2x16x128xf32, #tpu.memory_space<vmem>>, vector<1x1x16xf32>,
        %get3A_1117 = arith.constant 7 : i32
        %get3A_1118 = arith.index_cast %get3A_1117 : i32 to index
        %get3A_1119 = arith.constant 48 : index
        %get3A_1120 = tpu.vector_load %arg11[%get3A_1118, %get3A_1119] {strides = array<i32>} : memref<8x128xf32, #tpu.memory_space<vmem>>, vector<1x16xf32>,
        %get3A_1121 = vector.shape_cast %get3A_1120 : vector<1x16xf32> to vector<16xf32>
        %get3A_1122 = arith.constant 4 : i32
        %get3A_1123 = arith.index_cast %get3A_1122 : i32 to index
        %get3A_1124 = arith.constant 48 : index
        %get3A_1125 = tpu.vector_load %arg11[%get3A_1123, %get3A_1124] {strides = array<i32>} : memref<8x128xf32, #tpu.memory_space<vmem>>, vector<1x16xf32>,
        %get3A_1126 = vector.shape_cast %get3A_1125 : vector<1x16xf32> to vector<16xf32>
        %mul3A_1127 = arith.mulf %gather3A_338, %get3A_1126 : vector<16xf32>
        %add3A_1128 = arith.addf %get3A_1121, %mul3A_1127 : vector<16xf32>
        %get3A_1129 = arith.constant 5 : i32
        %get3A_1130 = arith.index_cast %get3A_1129 : i32 to index
        %get3A_1131 = arith.constant 48 : index
        %get3A_1132 = tpu.vector_load %arg11[%get3A_1130, %get3A_1131] {strides = array<i32>} : memref<8x128xf32, #tpu.memory_space<vmem>>, vector<1x16xf32>,
        %get3A_1133 = vector.shape_cast %get3A_1132 : vector<1x16xf32> to vector<16xf32>
        %mul3A_1134 = arith.mulf %gather3A_342, %get3A_1133 : vector<16xf32>
        %add3A_1135 = arith.addf %add3A_1128, %mul3A_1134 : vector<16xf32>
        %get3A_1136 = arith.constant 6 : i32
        %get3A_1137 = arith.index_cast %get3A_1136 : i32 to index
        %get3A_1138 = arith.constant 48 : index
        %get3A_1139 = tpu.vector_load %arg11[%get3A_1137, %get3A_1138] {strides = array<i32>} : memref<8x128xf32, #tpu.memory_space<vmem>>, vector<1x16xf32>,
        %get3A_1140 = vector.shape_cast %get3A_1139 : vector<1x16xf32> to vector<16xf32>
        %mul3A_1141 = arith.mulf %gather3A_346, %get3A_1140 : vector<16xf32>
        %add3A_1142 = arith.addf %add3A_1135, %mul3A_1141 : vector<16xf32>
        %mul3A_1143 = arith.mulf %add3A_1142, %add3A_926 : vector<16xf32>
        %get3A_1144 = arith.constant 0 : i32
        %get3A_1145 = arith.index_cast %get3A_1144 : i32 to index
        %get3A_1146 = arith.constant 48 : index
        %get3A_1147 = tpu.vector_load %arg11[%get3A_1145, %get3A_1146] {strides = array<i32>} : memref<8x128xf32, #tpu.memory_space<vmem>>, vector<1x16xf32>,
        %get3A_1148 = vector.shape_cast %get3A_1147 : vector<1x16xf32> to vector<16xf32>
        %mul3A_1149 = arith.mulf %add3A_928, %get3A_1148 : vector<16xf32>
        %add3A_1150 = arith.addf %mul3A_1143, %mul3A_1149 : vector<16xf32>
        %get3A_1151 = arith.constant 1 : i32
        %get3A_1152 = arith.index_cast %get3A_1151 : i32 to index
        %get3A_1153 = arith.constant 48 : index
        %get3A_1154 = tpu.vector_load %arg11[%get3A_1152, %get3A_1153] {strides = array<i32>} : memref<8x128xf32, #tpu.memory_space<vmem>>, vector<1x16xf32>,
        %get3A_1155 = vector.shape_cast %get3A_1154 : vector<1x16xf32> to vector<16xf32>
        %mul3A_1156 = arith.mulf %add3A_930, %get3A_1155 : vector<16xf32>
        %add3A_1157 = arith.addf %add3A_1150, %mul3A_1156 : vector<16xf32>
        %get3A_1158 = arith.constant 2 : i32
        %get3A_1159 = arith.index_cast %get3A_1158 : i32 to index
        %get3A_1160 = arith.constant 48 : index
        %get3A_1161 = tpu.vector_load %arg11[%get3A_1159, %get3A_1160] {strides = array<i32>} : memref<8x128xf32, #tpu.memory_space<vmem>>, vector<1x16xf32>,
        %get3A_1162 = vector.shape_cast %get3A_1161 : vector<1x16xf32> to vector<16xf32>
        %mul3A_1163 = arith.mulf %add3A_932, %get3A_1162 : vector<16xf32>
        %add3A_1164 = arith.addf %add3A_1157, %mul3A_1163 : vector<16xf32>
        %get3A_1165 = arith.constant 3 : i32
        %get3A_1166 = arith.index_cast %get3A_1165 : i32 to index
        %get3A_1167 = arith.constant 48 : index
        %get3A_1168 = tpu.vector_load %arg11[%get3A_1166, %get3A_1167] {strides = array<i32>} : memref<8x128xf32, #tpu.memory_space<vmem>>, vector<1x16xf32>,
        %get3A_1169 = vector.shape_cast %get3A_1168 : vector<1x16xf32> to vector<16xf32>
        %mul3A_1170 = arith.mulf %add3A_934, %get3A_1169 : vector<16xf32>
        %add3A_1171 = arith.addf %add3A_1164, %mul3A_1170 : vector<16xf32>
        %swap3A_1172 = arith.index_cast %rem3A_188 : i32 to index
        %swap3A_1173 = arith.index_cast %scan3A_321 : i32 to index
        %swap3A_1174 = arith.constant 48 : index
        %swap3A_1175 = tpu.vector_load %arg10[%swap3A_1172, %swap3A_1173, %swap3A_1174] {strides = array<i32>} : memref<2x16x128xf32, #tpu.memory_space<vmem>>, vector<1x1x16xf32>,
        %swap3A_1176 = vector.shape_cast %swap3A_1175 : vector<1x1x16xf32> to vector<16xf32>
        %swap3A_1177 = vector.shape_cast %add3A_1171 : vector<16xf32> to vector<1x1x16xf32>
        tpu.vector_store %arg10[%swap3A_1172, %swap3A_1173, %swap3A_1174], %swap3A_1177 {strides = array<i32>} : memref<2x16x128xf32, #tpu.memory_space<vmem>>, vector<1x1x16xf32>,
        %broadcast_in_dim3A_1178 = arith.constant 0 : i32
        %broadcast_in_dim3A_1179 = vector.broadcast %broadcast_in_dim3A_1178 : i32 to vector<16x1xi32>
        %gather3A_1180 = vector.shape_cast %broadcast_in_dim3A_1179 : vector<16x1xi32> to vector<16xi32>
        %gather3A_1181 = tpu.dynamic_gather %get3A_326[%gather3A_1180] in [0] : vector<16xf32>, vector<16xi32> -> vector<16xf32>
        %broadcast_in_dim3A_1182 = arith.constant 1 : i32
        %broadcast_in_dim3A_1183 = vector.broadcast %broadcast_in_dim3A_1182 : i32 to vector<16x1xi32>
        %gather3A_1184 = vector.shape_cast %broadcast_in_dim3A_1183 : vector<16x1xi32> to vector<16xi32>
        %gather3A_1185 = tpu.dynamic_gather %get3A_326[%gather3A_1184] in [0] : vector<16xf32>, vector<16xi32> -> vector<16xf32>
        %broadcast_in_dim3A_1186 = arith.constant 2 : i32
        %broadcast_in_dim3A_1187 = vector.broadcast %broadcast_in_dim3A_1186 : i32 to vector<16x1xi32>
        %gather3A_1188 = vector.shape_cast %broadcast_in_dim3A_1187 : vector<16x1xi32> to vector<16xi32>
        %gather3A_1189 = tpu.dynamic_gather %get3A_326[%gather3A_1188] in [0] : vector<16xf32>, vector<16xi32> -> vector<16xf32>
        %broadcast_in_dim3A_1190 = arith.constant 3 : i32
        %broadcast_in_dim3A_1191 = vector.broadcast %broadcast_in_dim3A_1190 : i32 to vector<16x1xi32>
        %gather3A_1192 = vector.shape_cast %broadcast_in_dim3A_1191 : vector<16x1xi32> to vector<16xi32>
        %gather3A_1193 = tpu.dynamic_gather %get3A_326[%gather3A_1192] in [0] : vector<16xf32>, vector<16xi32> -> vector<16xf32>
        %mul3A_1194 = arith.constant 8 : i32
        %mul3A_1195 = arith.muli %scan3A_321, %mul3A_1194 : i32
        %add3A_1196 = arith.constant 0 : i32
        %add3A_1197 = arith.addi %mul3A_1195, %add3A_1196 : i32
        %get3A_1198 = arith.index_cast %rem3A_188 : i32 to index
        %get3A_1199 = arith.index_cast %add3A_1197 : i32 to index
        %get3A_1200 = arith.constant 64 : index
        %get3A_1201 = tpu.vector_load %arg8[%get3A_1198, %get3A_1199, %get3A_1200] {strides = array<i32>} : memref<2x128x128xf32, #tpu.memory_space<vmem>>, vector<1x1x16xf32>,
        %get3A_1202 = vector.shape_cast %get3A_1201 : vector<1x1x16xf32> to vector<16xf32>
        %mul3A_1203 = arith.mulf %gather3A_1181, %get3A_1202 : vector<16xf32>
        %mul3A_1204 = arith.mulf %gather3A_1185, %get3A_1202 : vector<16xf32>
        %mul3A_1205 = arith.mulf %gather3A_1189, %get3A_1202 : vector<16xf32>
        %mul3A_1206 = arith.mulf %gather3A_1193, %get3A_1202 : vector<16xf32>
        %get3A_1207 = arith.index_cast %rem3A_188 : i32 to index
        %get3A_1208 = arith.index_cast %add3A_1197 : i32 to index
        %get3A_1209 = arith.constant 80 : index
        %get3A_1210 = tpu.vector_load %arg8[%get3A_1207, %get3A_1208, %get3A_1209] {strides = array<i32>} : memref<2x128x128xf32, #tpu.memory_space<vmem>>, vector<1x1x16xf32>,
        %get3A_1211 = vector.shape_cast %get3A_1210 : vector<1x1x16xf32> to vector<16xf32>
        %mul3A_1212 = arith.mulf %gather3A_1181, %get3A_1211 : vector<16xf32>
        %mul3A_1213 = arith.mulf %gather3A_1185, %get3A_1211 : vector<16xf32>
        %mul3A_1214 = arith.mulf %gather3A_1189, %get3A_1211 : vector<16xf32>
        %mul3A_1215 = arith.mulf %gather3A_1193, %get3A_1211 : vector<16xf32>
        %get3A_1216 = arith.index_cast %rem3A_188 : i32 to index
        %get3A_1217 = arith.index_cast %add3A_1197 : i32 to index
        %get3A_1218 = arith.constant 96 : index
        %get3A_1219 = tpu.vector_load %arg8[%get3A_1216, %get3A_1217, %get3A_1218] {strides = array<i32>} : memref<2x128x128xf32, #tpu.memory_space<vmem>>, vector<1x1x16xf32>,
        %get3A_1220 = vector.shape_cast %get3A_1219 : vector<1x1x16xf32> to vector<16xf32>
        %mul3A_1221 = arith.mulf %gather3A_1181, %get3A_1220 : vector<16xf32>
        %mul3A_1222 = arith.mulf %gather3A_1185, %get3A_1220 : vector<16xf32>
        %mul3A_1223 = arith.mulf %gather3A_1189, %get3A_1220 : vector<16xf32>
        %mul3A_1224 = arith.mulf %gather3A_1193, %get3A_1220 : vector<16xf32>
        %get3A_1225 = arith.index_cast %rem3A_188 : i32 to index
        %get3A_1226 = arith.index_cast %add3A_1197 : i32 to index
        %get3A_1227 = arith.constant 112 : index
        %get3A_1228 = tpu.vector_load %arg8[%get3A_1225, %get3A_1226, %get3A_1227] {strides = array<i32>} : memref<2x128x128xf32, #tpu.memory_space<vmem>>, vector<1x1x16xf32>,
        %get3A_1229 = vector.shape_cast %get3A_1228 : vector<1x1x16xf32> to vector<16xf32>
        %mul3A_1230 = arith.mulf %gather3A_1181, %get3A_1229 : vector<16xf32>
        %mul3A_1231 = arith.mulf %gather3A_1185, %get3A_1229 : vector<16xf32>
        %mul3A_1232 = arith.mulf %gather3A_1189, %get3A_1229 : vector<16xf32>
        %mul3A_1233 = arith.mulf %gather3A_1193, %get3A_1229 : vector<16xf32>
        %broadcast_in_dim3A_1234 = arith.constant 4 : i32
        %broadcast_in_dim3A_1235 = vector.broadcast %broadcast_in_dim3A_1234 : i32 to vector<16x1xi32>
        %gather3A_1236 = vector.shape_cast %broadcast_in_dim3A_1235 : vector<16x1xi32> to vector<16xi32>
        %gather3A_1237 = tpu.dynamic_gather %get3A_326[%gather3A_1236] in [0] : vector<16xf32>, vector<16xi32> -> vector<16xf32>
        %broadcast_in_dim3A_1238 = arith.constant 5 : i32
        %broadcast_in_dim3A_1239 = vector.broadcast %broadcast_in_dim3A_1238 : i32 to vector<16x1xi32>
        %gather3A_1240 = vector.shape_cast %broadcast_in_dim3A_1239 : vector<16x1xi32> to vector<16xi32>
        %gather3A_1241 = tpu.dynamic_gather %get3A_326[%gather3A_1240] in [0] : vector<16xf32>, vector<16xi32> -> vector<16xf32>
        %broadcast_in_dim3A_1242 = arith.constant 6 : i32
        %broadcast_in_dim3A_1243 = vector.broadcast %broadcast_in_dim3A_1242 : i32 to vector<16x1xi32>
        %gather3A_1244 = vector.shape_cast %broadcast_in_dim3A_1243 : vector<16x1xi32> to vector<16xi32>
        %gather3A_1245 = tpu.dynamic_gather %get3A_326[%gather3A_1244] in [0] : vector<16xf32>, vector<16xi32> -> vector<16xf32>
        %broadcast_in_dim3A_1246 = arith.constant 7 : i32
        %broadcast_in_dim3A_1247 = vector.broadcast %broadcast_in_dim3A_1246 : i32 to vector<16x1xi32>
        %gather3A_1248 = vector.shape_cast %broadcast_in_dim3A_1247 : vector<16x1xi32> to vector<16xi32>
        %gather3A_1249 = tpu.dynamic_gather %get3A_326[%gather3A_1248] in [0] : vector<16xf32>, vector<16xi32> -> vector<16xf32>
        %mul3A_1250 = arith.constant 8 : i32
        %mul3A_1251 = arith.muli %scan3A_321, %mul3A_1250 : i32
        %add3A_1252 = arith.constant 1 : i32
        %add3A_1253 = arith.addi %mul3A_1251, %add3A_1252 : i32
        %get3A_1254 = arith.index_cast %rem3A_188 : i32 to index
        %get3A_1255 = arith.index_cast %add3A_1253 : i32 to index
        %get3A_1256 = arith.constant 64 : index
        %get3A_1257 = tpu.vector_load %arg8[%get3A_1254, %get3A_1255, %get3A_1256] {strides = array<i32>} : memref<2x128x128xf32, #tpu.memory_space<vmem>>, vector<1x1x16xf32>,
        %get3A_1258 = vector.shape_cast %get3A_1257 : vector<1x1x16xf32> to vector<16xf32>
        %add3A_1259 = arith.addf %get3A_1202, %get3A_1258 : vector<16xf32>
        %mul3A_1260 = arith.mulf %gather3A_1237, %get3A_1258 : vector<16xf32>
        %add3A_1261 = arith.addf %mul3A_1203, %mul3A_1260 : vector<16xf32>
        %mul3A_1262 = arith.mulf %gather3A_1241, %get3A_1258 : vector<16xf32>
        %add3A_1263 = arith.addf %mul3A_1204, %mul3A_1262 : vector<16xf32>
        %mul3A_1264 = arith.mulf %gather3A_1245, %get3A_1258 : vector<16xf32>
        %add3A_1265 = arith.addf %mul3A_1205, %mul3A_1264 : vector<16xf32>
        %mul3A_1266 = arith.mulf %gather3A_1249, %get3A_1258 : vector<16xf32>
        %add3A_1267 = arith.addf %mul3A_1206, %mul3A_1266 : vector<16xf32>
        %get3A_1268 = arith.index_cast %rem3A_188 : i32 to index
        %get3A_1269 = arith.index_cast %add3A_1253 : i32 to index
        %get3A_1270 = arith.constant 80 : index
        %get3A_1271 = tpu.vector_load %arg8[%get3A_1268, %get3A_1269, %get3A_1270] {strides = array<i32>} : memref<2x128x128xf32, #tpu.memory_space<vmem>>, vector<1x1x16xf32>,
        %get3A_1272 = vector.shape_cast %get3A_1271 : vector<1x1x16xf32> to vector<16xf32>
        %add3A_1273 = arith.addf %get3A_1211, %get3A_1272 : vector<16xf32>
        %mul3A_1274 = arith.mulf %gather3A_1237, %get3A_1272 : vector<16xf32>
        %add3A_1275 = arith.addf %mul3A_1212, %mul3A_1274 : vector<16xf32>
        %mul3A_1276 = arith.mulf %gather3A_1241, %get3A_1272 : vector<16xf32>
        %add3A_1277 = arith.addf %mul3A_1213, %mul3A_1276 : vector<16xf32>
        %mul3A_1278 = arith.mulf %gather3A_1245, %get3A_1272 : vector<16xf32>
        %add3A_1279 = arith.addf %mul3A_1214, %mul3A_1278 : vector<16xf32>
        %mul3A_1280 = arith.mulf %gather3A_1249, %get3A_1272 : vector<16xf32>
        %add3A_1281 = arith.addf %mul3A_1215, %mul3A_1280 : vector<16xf32>
        %get3A_1282 = arith.index_cast %rem3A_188 : i32 to index
        %get3A_1283 = arith.index_cast %add3A_1253 : i32 to index
        %get3A_1284 = arith.constant 96 : index
        %get3A_1285 = tpu.vector_load %arg8[%get3A_1282, %get3A_1283, %get3A_1284] {strides = array<i32>} : memref<2x128x128xf32, #tpu.memory_space<vmem>>, vector<1x1x16xf32>,
        %get3A_1286 = vector.shape_cast %get3A_1285 : vector<1x1x16xf32> to vector<16xf32>
        %add3A_1287 = arith.addf %get3A_1220, %get3A_1286 : vector<16xf32>
        %mul3A_1288 = arith.mulf %gather3A_1237, %get3A_1286 : vector<16xf32>
        %add3A_1289 = arith.addf %mul3A_1221, %mul3A_1288 : vector<16xf32>
        %mul3A_1290 = arith.mulf %gather3A_1241, %get3A_1286 : vector<16xf32>
        %add3A_1291 = arith.addf %mul3A_1222, %mul3A_1290 : vector<16xf32>
        %mul3A_1292 = arith.mulf %gather3A_1245, %get3A_1286 : vector<16xf32>
        %add3A_1293 = arith.addf %mul3A_1223, %mul3A_1292 : vector<16xf32>
        %mul3A_1294 = arith.mulf %gather3A_1249, %get3A_1286 : vector<16xf32>
        %add3A_1295 = arith.addf %mul3A_1224, %mul3A_1294 : vector<16xf32>
        %get3A_1296 = arith.index_cast %rem3A_188 : i32 to index
        %get3A_1297 = arith.index_cast %add3A_1253 : i32 to index
        %get3A_1298 = arith.constant 112 : index
        %get3A_1299 = tpu.vector_load %arg8[%get3A_1296, %get3A_1297, %get3A_1298] {strides = array<i32>} : memref<2x128x128xf32, #tpu.memory_space<vmem>>, vector<1x1x16xf32>,
        %get3A_1300 = vector.shape_cast %get3A_1299 : vector<1x1x16xf32> to vector<16xf32>
        %add3A_1301 = arith.addf %get3A_1229, %get3A_1300 : vector<16xf32>
        %mul3A_1302 = arith.mulf %gather3A_1237, %get3A_1300 : vector<16xf32>
        %add3A_1303 = arith.addf %mul3A_1230, %mul3A_1302 : vector<16xf32>
        %mul3A_1304 = arith.mulf %gather3A_1241, %get3A_1300 : vector<16xf32>
        %add3A_1305 = arith.addf %mul3A_1231, %mul3A_1304 : vector<16xf32>
        %mul3A_1306 = arith.mulf %gather3A_1245, %get3A_1300 : vector<16xf32>
        %add3A_1307 = arith.addf %mul3A_1232, %mul3A_1306 : vector<16xf32>
        %mul3A_1308 = arith.mulf %gather3A_1249, %get3A_1300 : vector<16xf32>
        %add3A_1309 = arith.addf %mul3A_1233, %mul3A_1308 : vector<16xf32>
        %broadcast_in_dim3A_1310 = arith.constant 8 : i32
        %broadcast_in_dim3A_1311 = vector.broadcast %broadcast_in_dim3A_1310 : i32 to vector<16x1xi32>
        %gather3A_1312 = vector.shape_cast %broadcast_in_dim3A_1311 : vector<16x1xi32> to vector<16xi32>
        %gather3A_1313 = tpu.dynamic_gather %get3A_326[%gather3A_1312] in [0] : vector<16xf32>, vector<16xi32> -> vector<16xf32>
        %broadcast_in_dim3A_1314 = arith.constant 9 : i32
        %broadcast_in_dim3A_1315 = vector.broadcast %broadcast_in_dim3A_1314 : i32 to vector<16x1xi32>
        %gather3A_1316 = vector.shape_cast %broadcast_in_dim3A_1315 : vector<16x1xi32> to vector<16xi32>
        %gather3A_1317 = tpu.dynamic_gather %get3A_326[%gather3A_1316] in [0] : vector<16xf32>, vector<16xi32> -> vector<16xf32>
        %broadcast_in_dim3A_1318 = arith.constant 10 : i32
        %broadcast_in_dim3A_1319 = vector.broadcast %broadcast_in_dim3A_1318 : i32 to vector<16x1xi32>
        %gather3A_1320 = vector.shape_cast %broadcast_in_dim3A_1319 : vector<16x1xi32> to vector<16xi32>
        %gather3A_1321 = tpu.dynamic_gather %get3A_326[%gather3A_1320] in [0] : vector<16xf32>, vector<16xi32> -> vector<16xf32>
        %broadcast_in_dim3A_1322 = arith.constant 11 : i32
        %broadcast_in_dim3A_1323 = vector.broadcast %broadcast_in_dim3A_1322 : i32 to vector<16x1xi32>
        %gather3A_1324 = vector.shape_cast %broadcast_in_dim3A_1323 : vector<16x1xi32> to vector<16xi32>
        %gather3A_1325 = tpu.dynamic_gather %get3A_326[%gather3A_1324] in [0] : vector<16xf32>, vector<16xi32> -> vector<16xf32>
        %mul3A_1326 = arith.constant 8 : i32
        %mul3A_1327 = arith.muli %scan3A_321, %mul3A_1326 : i32
        %add3A_1328 = arith.constant 2 : i32
        %add3A_1329 = arith.addi %mul3A_1327, %add3A_1328 : i32
        %get3A_1330 = arith.index_cast %rem3A_188 : i32 to index
        %get3A_1331 = arith.index_cast %add3A_1329 : i32 to index
        %get3A_1332 = arith.constant 64 : index
        %get3A_1333 = tpu.vector_load %arg8[%get3A_1330, %get3A_1331, %get3A_1332] {strides = array<i32>} : memref<2x128x128xf32, #tpu.memory_space<vmem>>, vector<1x1x16xf32>,
        %get3A_1334 = vector.shape_cast %get3A_1333 : vector<1x1x16xf32> to vector<16xf32>
        %add3A_1335 = arith.addf %add3A_1259, %get3A_1334 : vector<16xf32>
        %mul3A_1336 = arith.mulf %gather3A_1313, %get3A_1334 : vector<16xf32>
        %add3A_1337 = arith.addf %add3A_1261, %mul3A_1336 : vector<16xf32>
        %mul3A_1338 = arith.mulf %gather3A_1317, %get3A_1334 : vector<16xf32>
        %add3A_1339 = arith.addf %add3A_1263, %mul3A_1338 : vector<16xf32>
        %mul3A_1340 = arith.mulf %gather3A_1321, %get3A_1334 : vector<16xf32>
        %add3A_1341 = arith.addf %add3A_1265, %mul3A_1340 : vector<16xf32>
        %mul3A_1342 = arith.mulf %gather3A_1325, %get3A_1334 : vector<16xf32>
        %add3A_1343 = arith.addf %add3A_1267, %mul3A_1342 : vector<16xf32>
        %get3A_1344 = arith.index_cast %rem3A_188 : i32 to index
        %get3A_1345 = arith.index_cast %add3A_1329 : i32 to index
        %get3A_1346 = arith.constant 80 : index
        %get3A_1347 = tpu.vector_load %arg8[%get3A_1344, %get3A_1345, %get3A_1346] {strides = array<i32>} : memref<2x128x128xf32, #tpu.memory_space<vmem>>, vector<1x1x16xf32>,
        %get3A_1348 = vector.shape_cast %get3A_1347 : vector<1x1x16xf32> to vector<16xf32>
        %add3A_1349 = arith.addf %add3A_1273, %get3A_1348 : vector<16xf32>
        %mul3A_1350 = arith.mulf %gather3A_1313, %get3A_1348 : vector<16xf32>
        %add3A_1351 = arith.addf %add3A_1275, %mul3A_1350 : vector<16xf32>
        %mul3A_1352 = arith.mulf %gather3A_1317, %get3A_1348 : vector<16xf32>
        %add3A_1353 = arith.addf %add3A_1277, %mul3A_1352 : vector<16xf32>
        %mul3A_1354 = arith.mulf %gather3A_1321, %get3A_1348 : vector<16xf32>
        %add3A_1355 = arith.addf %add3A_1279, %mul3A_1354 : vector<16xf32>
        %mul3A_1356 = arith.mulf %gather3A_1325, %get3A_1348 : vector<16xf32>
        %add3A_1357 = arith.addf %add3A_1281, %mul3A_1356 : vector<16xf32>
        %get3A_1358 = arith.index_cast %rem3A_188 : i32 to index
        %get3A_1359 = arith.index_cast %add3A_1329 : i32 to index
        %get3A_1360 = arith.constant 96 : index
        %get3A_1361 = tpu.vector_load %arg8[%get3A_1358, %get3A_1359, %get3A_1360] {strides = array<i32>} : memref<2x128x128xf32, #tpu.memory_space<vmem>>, vector<1x1x16xf32>,
        %get3A_1362 = vector.shape_cast %get3A_1361 : vector<1x1x16xf32> to vector<16xf32>
        %add3A_1363 = arith.addf %add3A_1287, %get3A_1362 : vector<16xf32>
        %mul3A_1364 = arith.mulf %gather3A_1313, %get3A_1362 : vector<16xf32>
        %add3A_1365 = arith.addf %add3A_1289, %mul3A_1364 : vector<16xf32>
        %mul3A_1366 = arith.mulf %gather3A_1317, %get3A_1362 : vector<16xf32>
        %add3A_1367 = arith.addf %add3A_1291, %mul3A_1366 : vector<16xf32>
        %mul3A_1368 = arith.mulf %gather3A_1321, %get3A_1362 : vector<16xf32>
        %add3A_1369 = arith.addf %add3A_1293, %mul3A_1368 : vector<16xf32>
        %mul3A_1370 = arith.mulf %gather3A_1325, %get3A_1362 : vector<16xf32>
        %add3A_1371 = arith.addf %add3A_1295, %mul3A_1370 : vector<16xf32>
        %get3A_1372 = arith.index_cast %rem3A_188 : i32 to index
        %get3A_1373 = arith.index_cast %add3A_1329 : i32 to index
        %get3A_1374 = arith.constant 112 : index
        %get3A_1375 = tpu.vector_load %arg8[%get3A_1372, %get3A_1373, %get3A_1374] {strides = array<i32>} : memref<2x128x128xf32, #tpu.memory_space<vmem>>, vector<1x1x16xf32>,
        %get3A_1376 = vector.shape_cast %get3A_1375 : vector<1x1x16xf32> to vector<16xf32>
        %add3A_1377 = arith.addf %add3A_1301, %get3A_1376 : vector<16xf32>
        %mul3A_1378 = arith.mulf %gather3A_1313, %get3A_1376 : vector<16xf32>
        %add3A_1379 = arith.addf %add3A_1303, %mul3A_1378 : vector<16xf32>
        %mul3A_1380 = arith.mulf %gather3A_1317, %get3A_1376 : vector<16xf32>
        %add3A_1381 = arith.addf %add3A_1305, %mul3A_1380 : vector<16xf32>
        %mul3A_1382 = arith.mulf %gather3A_1321, %get3A_1376 : vector<16xf32>
        %add3A_1383 = arith.addf %add3A_1307, %mul3A_1382 : vector<16xf32>
        %mul3A_1384 = arith.mulf %gather3A_1325, %get3A_1376 : vector<16xf32>
        %add3A_1385 = arith.addf %add3A_1309, %mul3A_1384 : vector<16xf32>
        %broadcast_in_dim3A_1386 = arith.constant 12 : i32
        %broadcast_in_dim3A_1387 = vector.broadcast %broadcast_in_dim3A_1386 : i32 to vector<16x1xi32>
        %gather3A_1388 = vector.shape_cast %broadcast_in_dim3A_1387 : vector<16x1xi32> to vector<16xi32>
        %gather3A_1389 = tpu.dynamic_gather %get3A_326[%gather3A_1388] in [0] : vector<16xf32>, vector<16xi32> -> vector<16xf32>
        %broadcast_in_dim3A_1390 = arith.constant 13 : i32
        %broadcast_in_dim3A_1391 = vector.broadcast %broadcast_in_dim3A_1390 : i32 to vector<16x1xi32>
        %gather3A_1392 = vector.shape_cast %broadcast_in_dim3A_1391 : vector<16x1xi32> to vector<16xi32>
        %gather3A_1393 = tpu.dynamic_gather %get3A_326[%gather3A_1392] in [0] : vector<16xf32>, vector<16xi32> -> vector<16xf32>
        %broadcast_in_dim3A_1394 = arith.constant 14 : i32
        %broadcast_in_dim3A_1395 = vector.broadcast %broadcast_in_dim3A_1394 : i32 to vector<16x1xi32>
        %gather3A_1396 = vector.shape_cast %broadcast_in_dim3A_1395 : vector<16x1xi32> to vector<16xi32>
        %gather3A_1397 = tpu.dynamic_gather %get3A_326[%gather3A_1396] in [0] : vector<16xf32>, vector<16xi32> -> vector<16xf32>
        %broadcast_in_dim3A_1398 = arith.constant 15 : i32
        %broadcast_in_dim3A_1399 = vector.broadcast %broadcast_in_dim3A_1398 : i32 to vector<16x1xi32>
        %gather3A_1400 = vector.shape_cast %broadcast_in_dim3A_1399 : vector<16x1xi32> to vector<16xi32>
        %gather3A_1401 = tpu.dynamic_gather %get3A_326[%gather3A_1400] in [0] : vector<16xf32>, vector<16xi32> -> vector<16xf32>
        %mul3A_1402 = arith.constant 8 : i32
        %mul3A_1403 = arith.muli %scan3A_321, %mul3A_1402 : i32
        %add3A_1404 = arith.constant 3 : i32
        %add3A_1405 = arith.addi %mul3A_1403, %add3A_1404 : i32
        %get3A_1406 = arith.index_cast %rem3A_188 : i32 to index
        %get3A_1407 = arith.index_cast %add3A_1405 : i32 to index
        %get3A_1408 = arith.constant 64 : index
        %get3A_1409 = tpu.vector_load %arg8[%get3A_1406, %get3A_1407, %get3A_1408] {strides = array<i32>} : memref<2x128x128xf32, #tpu.memory_space<vmem>>, vector<1x1x16xf32>,
        %get3A_1410 = vector.shape_cast %get3A_1409 : vector<1x1x16xf32> to vector<16xf32>
        %add3A_1411 = arith.addf %add3A_1335, %get3A_1410 : vector<16xf32>
        %mul3A_1412 = arith.mulf %gather3A_1389, %get3A_1410 : vector<16xf32>
        %add3A_1413 = arith.addf %add3A_1337, %mul3A_1412 : vector<16xf32>
        %mul3A_1414 = arith.mulf %gather3A_1393, %get3A_1410 : vector<16xf32>
        %add3A_1415 = arith.addf %add3A_1339, %mul3A_1414 : vector<16xf32>
        %mul3A_1416 = arith.mulf %gather3A_1397, %get3A_1410 : vector<16xf32>
        %add3A_1417 = arith.addf %add3A_1341, %mul3A_1416 : vector<16xf32>
        %mul3A_1418 = arith.mulf %gather3A_1401, %get3A_1410 : vector<16xf32>
        %add3A_1419 = arith.addf %add3A_1343, %mul3A_1418 : vector<16xf32>
        %get3A_1420 = arith.index_cast %rem3A_188 : i32 to index
        %get3A_1421 = arith.index_cast %add3A_1405 : i32 to index
        %get3A_1422 = arith.constant 80 : index
        %get3A_1423 = tpu.vector_load %arg8[%get3A_1420, %get3A_1421, %get3A_1422] {strides = array<i32>} : memref<2x128x128xf32, #tpu.memory_space<vmem>>, vector<1x1x16xf32>,
        %get3A_1424 = vector.shape_cast %get3A_1423 : vector<1x1x16xf32> to vector<16xf32>
        %add3A_1425 = arith.addf %add3A_1349, %get3A_1424 : vector<16xf32>
        %mul3A_1426 = arith.mulf %gather3A_1389, %get3A_1424 : vector<16xf32>
        %add3A_1427 = arith.addf %add3A_1351, %mul3A_1426 : vector<16xf32>
        %mul3A_1428 = arith.mulf %gather3A_1393, %get3A_1424 : vector<16xf32>
        %add3A_1429 = arith.addf %add3A_1353, %mul3A_1428 : vector<16xf32>
        %mul3A_1430 = arith.mulf %gather3A_1397, %get3A_1424 : vector<16xf32>
        %add3A_1431 = arith.addf %add3A_1355, %mul3A_1430 : vector<16xf32>
        %mul3A_1432 = arith.mulf %gather3A_1401, %get3A_1424 : vector<16xf32>
        %add3A_1433 = arith.addf %add3A_1357, %mul3A_1432 : vector<16xf32>
        %get3A_1434 = arith.index_cast %rem3A_188 : i32 to index
        %get3A_1435 = arith.index_cast %add3A_1405 : i32 to index
        %get3A_1436 = arith.constant 96 : index
        %get3A_1437 = tpu.vector_load %arg8[%get3A_1434, %get3A_1435, %get3A_1436] {strides = array<i32>} : memref<2x128x128xf32, #tpu.memory_space<vmem>>, vector<1x1x16xf32>,
        %get3A_1438 = vector.shape_cast %get3A_1437 : vector<1x1x16xf32> to vector<16xf32>
        %add3A_1439 = arith.addf %add3A_1363, %get3A_1438 : vector<16xf32>
        %mul3A_1440 = arith.mulf %gather3A_1389, %get3A_1438 : vector<16xf32>
        %add3A_1441 = arith.addf %add3A_1365, %mul3A_1440 : vector<16xf32>
        %mul3A_1442 = arith.mulf %gather3A_1393, %get3A_1438 : vector<16xf32>
        %add3A_1443 = arith.addf %add3A_1367, %mul3A_1442 : vector<16xf32>
        %mul3A_1444 = arith.mulf %gather3A_1397, %get3A_1438 : vector<16xf32>
        %add3A_1445 = arith.addf %add3A_1369, %mul3A_1444 : vector<16xf32>
        %mul3A_1446 = arith.mulf %gather3A_1401, %get3A_1438 : vector<16xf32>
        %add3A_1447 = arith.addf %add3A_1371, %mul3A_1446 : vector<16xf32>
        %get3A_1448 = arith.index_cast %rem3A_188 : i32 to index
        %get3A_1449 = arith.index_cast %add3A_1405 : i32 to index
        %get3A_1450 = arith.constant 112 : index
        %get3A_1451 = tpu.vector_load %arg8[%get3A_1448, %get3A_1449, %get3A_1450] {strides = array<i32>} : memref<2x128x128xf32, #tpu.memory_space<vmem>>, vector<1x1x16xf32>,
        %get3A_1452 = vector.shape_cast %get3A_1451 : vector<1x1x16xf32> to vector<16xf32>
        %add3A_1453 = arith.addf %add3A_1377, %get3A_1452 : vector<16xf32>
        %mul3A_1454 = arith.mulf %gather3A_1389, %get3A_1452 : vector<16xf32>
        %add3A_1455 = arith.addf %add3A_1379, %mul3A_1454 : vector<16xf32>
        %mul3A_1456 = arith.mulf %gather3A_1393, %get3A_1452 : vector<16xf32>
        %add3A_1457 = arith.addf %add3A_1381, %mul3A_1456 : vector<16xf32>
        %mul3A_1458 = arith.mulf %gather3A_1397, %get3A_1452 : vector<16xf32>
        %add3A_1459 = arith.addf %add3A_1383, %mul3A_1458 : vector<16xf32>
        %mul3A_1460 = arith.mulf %gather3A_1401, %get3A_1452 : vector<16xf32>
        %add3A_1461 = arith.addf %add3A_1385, %mul3A_1460 : vector<16xf32>
        %broadcast_in_dim3A_1462 = arith.constant 0 : i32
        %broadcast_in_dim3A_1463 = vector.broadcast %broadcast_in_dim3A_1462 : i32 to vector<16x1xi32>
        %gather3A_1464 = vector.shape_cast %broadcast_in_dim3A_1463 : vector<16x1xi32> to vector<16xi32>
        %gather3A_1465 = tpu.dynamic_gather %get3A_331[%gather3A_1464] in [0] : vector<16xf32>, vector<16xi32> -> vector<16xf32>
        %broadcast_in_dim3A_1466 = arith.constant 1 : i32
        %broadcast_in_dim3A_1467 = vector.broadcast %broadcast_in_dim3A_1466 : i32 to vector<16x1xi32>
        %gather3A_1468 = vector.shape_cast %broadcast_in_dim3A_1467 : vector<16x1xi32> to vector<16xi32>
        %gather3A_1469 = tpu.dynamic_gather %get3A_331[%gather3A_1468] in [0] : vector<16xf32>, vector<16xi32> -> vector<16xf32>
        %broadcast_in_dim3A_1470 = arith.constant 2 : i32
        %broadcast_in_dim3A_1471 = vector.broadcast %broadcast_in_dim3A_1470 : i32 to vector<16x1xi32>
        %gather3A_1472 = vector.shape_cast %broadcast_in_dim3A_1471 : vector<16x1xi32> to vector<16xi32>
        %gather3A_1473 = tpu.dynamic_gather %get3A_331[%gather3A_1472] in [0] : vector<16xf32>, vector<16xi32> -> vector<16xf32>
        %broadcast_in_dim3A_1474 = arith.constant 3 : i32
        %broadcast_in_dim3A_1475 = vector.broadcast %broadcast_in_dim3A_1474 : i32 to vector<16x1xi32>
        %gather3A_1476 = vector.shape_cast %broadcast_in_dim3A_1475 : vector<16x1xi32> to vector<16xi32>
        %gather3A_1477 = tpu.dynamic_gather %get3A_331[%gather3A_1476] in [0] : vector<16xf32>, vector<16xi32> -> vector<16xf32>
        %mul3A_1478 = arith.constant 8 : i32
        %mul3A_1479 = arith.muli %scan3A_321, %mul3A_1478 : i32
        %add3A_1480 = arith.constant 4 : i32
        %add3A_1481 = arith.addi %mul3A_1479, %add3A_1480 : i32
        %get3A_1482 = arith.index_cast %rem3A_188 : i32 to index
        %get3A_1483 = arith.index_cast %add3A_1481 : i32 to index
        %get3A_1484 = arith.constant 64 : index
        %get3A_1485 = tpu.vector_load %arg8[%get3A_1482, %get3A_1483, %get3A_1484] {strides = array<i32>} : memref<2x128x128xf32, #tpu.memory_space<vmem>>, vector<1x1x16xf32>,
        %get3A_1486 = vector.shape_cast %get3A_1485 : vector<1x1x16xf32> to vector<16xf32>
        %add3A_1487 = arith.addf %add3A_1411, %get3A_1486 : vector<16xf32>
        %mul3A_1488 = arith.mulf %gather3A_1465, %get3A_1486 : vector<16xf32>
        %add3A_1489 = arith.addf %add3A_1413, %mul3A_1488 : vector<16xf32>
        %mul3A_1490 = arith.mulf %gather3A_1469, %get3A_1486 : vector<16xf32>
        %add3A_1491 = arith.addf %add3A_1415, %mul3A_1490 : vector<16xf32>
        %mul3A_1492 = arith.mulf %gather3A_1473, %get3A_1486 : vector<16xf32>
        %add3A_1493 = arith.addf %add3A_1417, %mul3A_1492 : vector<16xf32>
        %mul3A_1494 = arith.mulf %gather3A_1477, %get3A_1486 : vector<16xf32>
        %add3A_1495 = arith.addf %add3A_1419, %mul3A_1494 : vector<16xf32>
        %get3A_1496 = arith.index_cast %rem3A_188 : i32 to index
        %get3A_1497 = arith.index_cast %add3A_1481 : i32 to index
        %get3A_1498 = arith.constant 80 : index
        %get3A_1499 = tpu.vector_load %arg8[%get3A_1496, %get3A_1497, %get3A_1498] {strides = array<i32>} : memref<2x128x128xf32, #tpu.memory_space<vmem>>, vector<1x1x16xf32>,
        %get3A_1500 = vector.shape_cast %get3A_1499 : vector<1x1x16xf32> to vector<16xf32>
        %add3A_1501 = arith.addf %add3A_1425, %get3A_1500 : vector<16xf32>
        %mul3A_1502 = arith.mulf %gather3A_1465, %get3A_1500 : vector<16xf32>
        %add3A_1503 = arith.addf %add3A_1427, %mul3A_1502 : vector<16xf32>
        %mul3A_1504 = arith.mulf %gather3A_1469, %get3A_1500 : vector<16xf32>
        %add3A_1505 = arith.addf %add3A_1429, %mul3A_1504 : vector<16xf32>
        %mul3A_1506 = arith.mulf %gather3A_1473, %get3A_1500 : vector<16xf32>
        %add3A_1507 = arith.addf %add3A_1431, %mul3A_1506 : vector<16xf32>
        %mul3A_1508 = arith.mulf %gather3A_1477, %get3A_1500 : vector<16xf32>
        %add3A_1509 = arith.addf %add3A_1433, %mul3A_1508 : vector<16xf32>
        %get3A_1510 = arith.index_cast %rem3A_188 : i32 to index
        %get3A_1511 = arith.index_cast %add3A_1481 : i32 to index
        %get3A_1512 = arith.constant 96 : index
        %get3A_1513 = tpu.vector_load %arg8[%get3A_1510, %get3A_1511, %get3A_1512] {strides = array<i32>} : memref<2x128x128xf32, #tpu.memory_space<vmem>>, vector<1x1x16xf32>,
        %get3A_1514 = vector.shape_cast %get3A_1513 : vector<1x1x16xf32> to vector<16xf32>
        %add3A_1515 = arith.addf %add3A_1439, %get3A_1514 : vector<16xf32>
        %mul3A_1516 = arith.mulf %gather3A_1465, %get3A_1514 : vector<16xf32>
        %add3A_1517 = arith.addf %add3A_1441, %mul3A_1516 : vector<16xf32>
        %mul3A_1518 = arith.mulf %gather3A_1469, %get3A_1514 : vector<16xf32>
        %add3A_1519 = arith.addf %add3A_1443, %mul3A_1518 : vector<16xf32>
        %mul3A_1520 = arith.mulf %gather3A_1473, %get3A_1514 : vector<16xf32>
        %add3A_1521 = arith.addf %add3A_1445, %mul3A_1520 : vector<16xf32>
        %mul3A_1522 = arith.mulf %gather3A_1477, %get3A_1514 : vector<16xf32>
        %add3A_1523 = arith.addf %add3A_1447, %mul3A_1522 : vector<16xf32>
        %get3A_1524 = arith.index_cast %rem3A_188 : i32 to index
        %get3A_1525 = arith.index_cast %add3A_1481 : i32 to index
        %get3A_1526 = arith.constant 112 : index
        %get3A_1527 = tpu.vector_load %arg8[%get3A_1524, %get3A_1525, %get3A_1526] {strides = array<i32>} : memref<2x128x128xf32, #tpu.memory_space<vmem>>, vector<1x1x16xf32>,
        %get3A_1528 = vector.shape_cast %get3A_1527 : vector<1x1x16xf32> to vector<16xf32>
        %add3A_1529 = arith.addf %add3A_1453, %get3A_1528 : vector<16xf32>
        %mul3A_1530 = arith.mulf %gather3A_1465, %get3A_1528 : vector<16xf32>
        %add3A_1531 = arith.addf %add3A_1455, %mul3A_1530 : vector<16xf32>
        %mul3A_1532 = arith.mulf %gather3A_1469, %get3A_1528 : vector<16xf32>
        %add3A_1533 = arith.addf %add3A_1457, %mul3A_1532 : vector<16xf32>
        %mul3A_1534 = arith.mulf %gather3A_1473, %get3A_1528 : vector<16xf32>
        %add3A_1535 = arith.addf %add3A_1459, %mul3A_1534 : vector<16xf32>
        %mul3A_1536 = arith.mulf %gather3A_1477, %get3A_1528 : vector<16xf32>
        %add3A_1537 = arith.addf %add3A_1461, %mul3A_1536 : vector<16xf32>
        %broadcast_in_dim3A_1538 = arith.constant 4 : i32
        %broadcast_in_dim3A_1539 = vector.broadcast %broadcast_in_dim3A_1538 : i32 to vector<16x1xi32>
        %gather3A_1540 = vector.shape_cast %broadcast_in_dim3A_1539 : vector<16x1xi32> to vector<16xi32>
        %gather3A_1541 = tpu.dynamic_gather %get3A_331[%gather3A_1540] in [0] : vector<16xf32>, vector<16xi32> -> vector<16xf32>
        %broadcast_in_dim3A_1542 = arith.constant 5 : i32
        %broadcast_in_dim3A_1543 = vector.broadcast %broadcast_in_dim3A_1542 : i32 to vector<16x1xi32>
        %gather3A_1544 = vector.shape_cast %broadcast_in_dim3A_1543 : vector<16x1xi32> to vector<16xi32>
        %gather3A_1545 = tpu.dynamic_gather %get3A_331[%gather3A_1544] in [0] : vector<16xf32>, vector<16xi32> -> vector<16xf32>
        %broadcast_in_dim3A_1546 = arith.constant 6 : i32
        %broadcast_in_dim3A_1547 = vector.broadcast %broadcast_in_dim3A_1546 : i32 to vector<16x1xi32>
        %gather3A_1548 = vector.shape_cast %broadcast_in_dim3A_1547 : vector<16x1xi32> to vector<16xi32>
        %gather3A_1549 = tpu.dynamic_gather %get3A_331[%gather3A_1548] in [0] : vector<16xf32>, vector<16xi32> -> vector<16xf32>
        %broadcast_in_dim3A_1550 = arith.constant 7 : i32
        %broadcast_in_dim3A_1551 = vector.broadcast %broadcast_in_dim3A_1550 : i32 to vector<16x1xi32>
        %gather3A_1552 = vector.shape_cast %broadcast_in_dim3A_1551 : vector<16x1xi32> to vector<16xi32>
        %gather3A_1553 = tpu.dynamic_gather %get3A_331[%gather3A_1552] in [0] : vector<16xf32>, vector<16xi32> -> vector<16xf32>
        %mul3A_1554 = arith.constant 8 : i32
        %mul3A_1555 = arith.muli %scan3A_321, %mul3A_1554 : i32
        %add3A_1556 = arith.constant 5 : i32
        %add3A_1557 = arith.addi %mul3A_1555, %add3A_1556 : i32
        %get3A_1558 = arith.index_cast %rem3A_188 : i32 to index
        %get3A_1559 = arith.index_cast %add3A_1557 : i32 to index
        %get3A_1560 = arith.constant 64 : index
        %get3A_1561 = tpu.vector_load %arg8[%get3A_1558, %get3A_1559, %get3A_1560] {strides = array<i32>} : memref<2x128x128xf32, #tpu.memory_space<vmem>>, vector<1x1x16xf32>,
        %get3A_1562 = vector.shape_cast %get3A_1561 : vector<1x1x16xf32> to vector<16xf32>
        %add3A_1563 = arith.addf %add3A_1487, %get3A_1562 : vector<16xf32>
        %mul3A_1564 = arith.mulf %gather3A_1541, %get3A_1562 : vector<16xf32>
        %add3A_1565 = arith.addf %add3A_1489, %mul3A_1564 : vector<16xf32>
        %mul3A_1566 = arith.mulf %gather3A_1545, %get3A_1562 : vector<16xf32>
        %add3A_1567 = arith.addf %add3A_1491, %mul3A_1566 : vector<16xf32>
        %mul3A_1568 = arith.mulf %gather3A_1549, %get3A_1562 : vector<16xf32>
        %add3A_1569 = arith.addf %add3A_1493, %mul3A_1568 : vector<16xf32>
        %mul3A_1570 = arith.mulf %gather3A_1553, %get3A_1562 : vector<16xf32>
        %add3A_1571 = arith.addf %add3A_1495, %mul3A_1570 : vector<16xf32>
        %get3A_1572 = arith.index_cast %rem3A_188 : i32 to index
        %get3A_1573 = arith.index_cast %add3A_1557 : i32 to index
        %get3A_1574 = arith.constant 80 : index
        %get3A_1575 = tpu.vector_load %arg8[%get3A_1572, %get3A_1573, %get3A_1574] {strides = array<i32>} : memref<2x128x128xf32, #tpu.memory_space<vmem>>, vector<1x1x16xf32>,
        %get3A_1576 = vector.shape_cast %get3A_1575 : vector<1x1x16xf32> to vector<16xf32>
        %add3A_1577 = arith.addf %add3A_1501, %get3A_1576 : vector<16xf32>
        %mul3A_1578 = arith.mulf %gather3A_1541, %get3A_1576 : vector<16xf32>
        %add3A_1579 = arith.addf %add3A_1503, %mul3A_1578 : vector<16xf32>
        %mul3A_1580 = arith.mulf %gather3A_1545, %get3A_1576 : vector<16xf32>
        %add3A_1581 = arith.addf %add3A_1505, %mul3A_1580 : vector<16xf32>
        %mul3A_1582 = arith.mulf %gather3A_1549, %get3A_1576 : vector<16xf32>
        %add3A_1583 = arith.addf %add3A_1507, %mul3A_1582 : vector<16xf32>
        %mul3A_1584 = arith.mulf %gather3A_1553, %get3A_1576 : vector<16xf32>
        %add3A_1585 = arith.addf %add3A_1509, %mul3A_1584 : vector<16xf32>
        %get3A_1586 = arith.index_cast %rem3A_188 : i32 to index
        %get3A_1587 = arith.index_cast %add3A_1557 : i32 to index
        %get3A_1588 = arith.constant 96 : index
        %get3A_1589 = tpu.vector_load %arg8[%get3A_1586, %get3A_1587, %get3A_1588] {strides = array<i32>} : memref<2x128x128xf32, #tpu.memory_space<vmem>>, vector<1x1x16xf32>,
        %get3A_1590 = vector.shape_cast %get3A_1589 : vector<1x1x16xf32> to vector<16xf32>
        %add3A_1591 = arith.addf %add3A_1515, %get3A_1590 : vector<16xf32>
        %mul3A_1592 = arith.mulf %gather3A_1541, %get3A_1590 : vector<16xf32>
        %add3A_1593 = arith.addf %add3A_1517, %mul3A_1592 : vector<16xf32>
        %mul3A_1594 = arith.mulf %gather3A_1545, %get3A_1590 : vector<16xf32>
        %add3A_1595 = arith.addf %add3A_1519, %mul3A_1594 : vector<16xf32>
        %mul3A_1596 = arith.mulf %gather3A_1549, %get3A_1590 : vector<16xf32>
        %add3A_1597 = arith.addf %add3A_1521, %mul3A_1596 : vector<16xf32>
        %mul3A_1598 = arith.mulf %gather3A_1553, %get3A_1590 : vector<16xf32>
        %add3A_1599 = arith.addf %add3A_1523, %mul3A_1598 : vector<16xf32>
        %get3A_1600 = arith.index_cast %rem3A_188 : i32 to index
        %get3A_1601 = arith.index_cast %add3A_1557 : i32 to index
        %get3A_1602 = arith.constant 112 : index
        %get3A_1603 = tpu.vector_load %arg8[%get3A_1600, %get3A_1601, %get3A_1602] {strides = array<i32>} : memref<2x128x128xf32, #tpu.memory_space<vmem>>, vector<1x1x16xf32>,
        %get3A_1604 = vector.shape_cast %get3A_1603 : vector<1x1x16xf32> to vector<16xf32>
        %add3A_1605 = arith.addf %add3A_1529, %get3A_1604 : vector<16xf32>
        %mul3A_1606 = arith.mulf %gather3A_1541, %get3A_1604 : vector<16xf32>
        %add3A_1607 = arith.addf %add3A_1531, %mul3A_1606 : vector<16xf32>
        %mul3A_1608 = arith.mulf %gather3A_1545, %get3A_1604 : vector<16xf32>
        %add3A_1609 = arith.addf %add3A_1533, %mul3A_1608 : vector<16xf32>
        %mul3A_1610 = arith.mulf %gather3A_1549, %get3A_1604 : vector<16xf32>
        %add3A_1611 = arith.addf %add3A_1535, %mul3A_1610 : vector<16xf32>
        %mul3A_1612 = arith.mulf %gather3A_1553, %get3A_1604 : vector<16xf32>
        %add3A_1613 = arith.addf %add3A_1537, %mul3A_1612 : vector<16xf32>
        %broadcast_in_dim3A_1614 = arith.constant 8 : i32
        %broadcast_in_dim3A_1615 = vector.broadcast %broadcast_in_dim3A_1614 : i32 to vector<16x1xi32>
        %gather3A_1616 = vector.shape_cast %broadcast_in_dim3A_1615 : vector<16x1xi32> to vector<16xi32>
        %gather3A_1617 = tpu.dynamic_gather %get3A_331[%gather3A_1616] in [0] : vector<16xf32>, vector<16xi32> -> vector<16xf32>
        %broadcast_in_dim3A_1618 = arith.constant 9 : i32
        %broadcast_in_dim3A_1619 = vector.broadcast %broadcast_in_dim3A_1618 : i32 to vector<16x1xi32>
        %gather3A_1620 = vector.shape_cast %broadcast_in_dim3A_1619 : vector<16x1xi32> to vector<16xi32>
        %gather3A_1621 = tpu.dynamic_gather %get3A_331[%gather3A_1620] in [0] : vector<16xf32>, vector<16xi32> -> vector<16xf32>
        %broadcast_in_dim3A_1622 = arith.constant 10 : i32
        %broadcast_in_dim3A_1623 = vector.broadcast %broadcast_in_dim3A_1622 : i32 to vector<16x1xi32>
        %gather3A_1624 = vector.shape_cast %broadcast_in_dim3A_1623 : vector<16x1xi32> to vector<16xi32>
        %gather3A_1625 = tpu.dynamic_gather %get3A_331[%gather3A_1624] in [0] : vector<16xf32>, vector<16xi32> -> vector<16xf32>
        %broadcast_in_dim3A_1626 = arith.constant 11 : i32
        %broadcast_in_dim3A_1627 = vector.broadcast %broadcast_in_dim3A_1626 : i32 to vector<16x1xi32>
        %gather3A_1628 = vector.shape_cast %broadcast_in_dim3A_1627 : vector<16x1xi32> to vector<16xi32>
        %gather3A_1629 = tpu.dynamic_gather %get3A_331[%gather3A_1628] in [0] : vector<16xf32>, vector<16xi32> -> vector<16xf32>
        %mul3A_1630 = arith.constant 8 : i32
        %mul3A_1631 = arith.muli %scan3A_321, %mul3A_1630 : i32
        %add3A_1632 = arith.constant 6 : i32
        %add3A_1633 = arith.addi %mul3A_1631, %add3A_1632 : i32
        %get3A_1634 = arith.index_cast %rem3A_188 : i32 to index
        %get3A_1635 = arith.index_cast %add3A_1633 : i32 to index
        %get3A_1636 = arith.constant 64 : index
        %get3A_1637 = tpu.vector_load %arg8[%get3A_1634, %get3A_1635, %get3A_1636] {strides = array<i32>} : memref<2x128x128xf32, #tpu.memory_space<vmem>>, vector<1x1x16xf32>,
        %get3A_1638 = vector.shape_cast %get3A_1637 : vector<1x1x16xf32> to vector<16xf32>
        %add3A_1639 = arith.addf %add3A_1563, %get3A_1638 : vector<16xf32>
        %mul3A_1640 = arith.mulf %gather3A_1617, %get3A_1638 : vector<16xf32>
        %add3A_1641 = arith.addf %add3A_1565, %mul3A_1640 : vector<16xf32>
        %mul3A_1642 = arith.mulf %gather3A_1621, %get3A_1638 : vector<16xf32>
        %add3A_1643 = arith.addf %add3A_1567, %mul3A_1642 : vector<16xf32>
        %mul3A_1644 = arith.mulf %gather3A_1625, %get3A_1638 : vector<16xf32>
        %add3A_1645 = arith.addf %add3A_1569, %mul3A_1644 : vector<16xf32>
        %mul3A_1646 = arith.mulf %gather3A_1629, %get3A_1638 : vector<16xf32>
        %add3A_1647 = arith.addf %add3A_1571, %mul3A_1646 : vector<16xf32>
        %get3A_1648 = arith.index_cast %rem3A_188 : i32 to index
        %get3A_1649 = arith.index_cast %add3A_1633 : i32 to index
        %get3A_1650 = arith.constant 80 : index
        %get3A_1651 = tpu.vector_load %arg8[%get3A_1648, %get3A_1649, %get3A_1650] {strides = array<i32>} : memref<2x128x128xf32, #tpu.memory_space<vmem>>, vector<1x1x16xf32>,
        %get3A_1652 = vector.shape_cast %get3A_1651 : vector<1x1x16xf32> to vector<16xf32>
        %add3A_1653 = arith.addf %add3A_1577, %get3A_1652 : vector<16xf32>
        %mul3A_1654 = arith.mulf %gather3A_1617, %get3A_1652 : vector<16xf32>
        %add3A_1655 = arith.addf %add3A_1579, %mul3A_1654 : vector<16xf32>
        %mul3A_1656 = arith.mulf %gather3A_1621, %get3A_1652 : vector<16xf32>
        %add3A_1657 = arith.addf %add3A_1581, %mul3A_1656 : vector<16xf32>
        %mul3A_1658 = arith.mulf %gather3A_1625, %get3A_1652 : vector<16xf32>
        %add3A_1659 = arith.addf %add3A_1583, %mul3A_1658 : vector<16xf32>
        %mul3A_1660 = arith.mulf %gather3A_1629, %get3A_1652 : vector<16xf32>
        %add3A_1661 = arith.addf %add3A_1585, %mul3A_1660 : vector<16xf32>
        %get3A_1662 = arith.index_cast %rem3A_188 : i32 to index
        %get3A_1663 = arith.index_cast %add3A_1633 : i32 to index
        %get3A_1664 = arith.constant 96 : index
        %get3A_1665 = tpu.vector_load %arg8[%get3A_1662, %get3A_1663, %get3A_1664] {strides = array<i32>} : memref<2x128x128xf32, #tpu.memory_space<vmem>>, vector<1x1x16xf32>,
        %get3A_1666 = vector.shape_cast %get3A_1665 : vector<1x1x16xf32> to vector<16xf32>
        %add3A_1667 = arith.addf %add3A_1591, %get3A_1666 : vector<16xf32>
        %mul3A_1668 = arith.mulf %gather3A_1617, %get3A_1666 : vector<16xf32>
        %add3A_1669 = arith.addf %add3A_1593, %mul3A_1668 : vector<16xf32>
        %mul3A_1670 = arith.mulf %gather3A_1621, %get3A_1666 : vector<16xf32>
        %add3A_1671 = arith.addf %add3A_1595, %mul3A_1670 : vector<16xf32>
        %mul3A_1672 = arith.mulf %gather3A_1625, %get3A_1666 : vector<16xf32>
        %add3A_1673 = arith.addf %add3A_1597, %mul3A_1672 : vector<16xf32>
        %mul3A_1674 = arith.mulf %gather3A_1629, %get3A_1666 : vector<16xf32>
        %add3A_1675 = arith.addf %add3A_1599, %mul3A_1674 : vector<16xf32>
        %get3A_1676 = arith.index_cast %rem3A_188 : i32 to index
        %get3A_1677 = arith.index_cast %add3A_1633 : i32 to index
        %get3A_1678 = arith.constant 112 : index
        %get3A_1679 = tpu.vector_load %arg8[%get3A_1676, %get3A_1677, %get3A_1678] {strides = array<i32>} : memref<2x128x128xf32, #tpu.memory_space<vmem>>, vector<1x1x16xf32>,
        %get3A_1680 = vector.shape_cast %get3A_1679 : vector<1x1x16xf32> to vector<16xf32>
        %add3A_1681 = arith.addf %add3A_1605, %get3A_1680 : vector<16xf32>
        %mul3A_1682 = arith.mulf %gather3A_1617, %get3A_1680 : vector<16xf32>
        %add3A_1683 = arith.addf %add3A_1607, %mul3A_1682 : vector<16xf32>
        %mul3A_1684 = arith.mulf %gather3A_1621, %get3A_1680 : vector<16xf32>
        %add3A_1685 = arith.addf %add3A_1609, %mul3A_1684 : vector<16xf32>
        %mul3A_1686 = arith.mulf %gather3A_1625, %get3A_1680 : vector<16xf32>
        %add3A_1687 = arith.addf %add3A_1611, %mul3A_1686 : vector<16xf32>
        %mul3A_1688 = arith.mulf %gather3A_1629, %get3A_1680 : vector<16xf32>
        %add3A_1689 = arith.addf %add3A_1613, %mul3A_1688 : vector<16xf32>
        %broadcast_in_dim3A_1690 = arith.constant 12 : i32
        %broadcast_in_dim3A_1691 = vector.broadcast %broadcast_in_dim3A_1690 : i32 to vector<16x1xi32>
        %gather3A_1692 = vector.shape_cast %broadcast_in_dim3A_1691 : vector<16x1xi32> to vector<16xi32>
        %gather3A_1693 = tpu.dynamic_gather %get3A_331[%gather3A_1692] in [0] : vector<16xf32>, vector<16xi32> -> vector<16xf32>
        %broadcast_in_dim3A_1694 = arith.constant 13 : i32
        %broadcast_in_dim3A_1695 = vector.broadcast %broadcast_in_dim3A_1694 : i32 to vector<16x1xi32>
        %gather3A_1696 = vector.shape_cast %broadcast_in_dim3A_1695 : vector<16x1xi32> to vector<16xi32>
        %gather3A_1697 = tpu.dynamic_gather %get3A_331[%gather3A_1696] in [0] : vector<16xf32>, vector<16xi32> -> vector<16xf32>
        %broadcast_in_dim3A_1698 = arith.constant 14 : i32
        %broadcast_in_dim3A_1699 = vector.broadcast %broadcast_in_dim3A_1698 : i32 to vector<16x1xi32>
        %gather3A_1700 = vector.shape_cast %broadcast_in_dim3A_1699 : vector<16x1xi32> to vector<16xi32>
        %gather3A_1701 = tpu.dynamic_gather %get3A_331[%gather3A_1700] in [0] : vector<16xf32>, vector<16xi32> -> vector<16xf32>
        %broadcast_in_dim3A_1702 = arith.constant 15 : i32
        %broadcast_in_dim3A_1703 = vector.broadcast %broadcast_in_dim3A_1702 : i32 to vector<16x1xi32>
        %gather3A_1704 = vector.shape_cast %broadcast_in_dim3A_1703 : vector<16x1xi32> to vector<16xi32>
        %gather3A_1705 = tpu.dynamic_gather %get3A_331[%gather3A_1704] in [0] : vector<16xf32>, vector<16xi32> -> vector<16xf32>
        %mul3A_1706 = arith.constant 8 : i32
        %mul3A_1707 = arith.muli %scan3A_321, %mul3A_1706 : i32
        %add3A_1708 = arith.constant 7 : i32
        %add3A_1709 = arith.addi %mul3A_1707, %add3A_1708 : i32
        %get3A_1710 = arith.index_cast %rem3A_188 : i32 to index
        %get3A_1711 = arith.index_cast %add3A_1709 : i32 to index
        %get3A_1712 = arith.constant 64 : index
        %get3A_1713 = tpu.vector_load %arg8[%get3A_1710, %get3A_1711, %get3A_1712] {strides = array<i32>} : memref<2x128x128xf32, #tpu.memory_space<vmem>>, vector<1x1x16xf32>,
        %get3A_1714 = vector.shape_cast %get3A_1713 : vector<1x1x16xf32> to vector<16xf32>
        %add3A_1715 = arith.addf %add3A_1639, %get3A_1714 : vector<16xf32>
        %mul3A_1716 = arith.mulf %gather3A_1693, %get3A_1714 : vector<16xf32>
        %add3A_1717 = arith.addf %add3A_1641, %mul3A_1716 : vector<16xf32>
        %mul3A_1718 = arith.mulf %gather3A_1697, %get3A_1714 : vector<16xf32>
        %add3A_1719 = arith.addf %add3A_1643, %mul3A_1718 : vector<16xf32>
        %mul3A_1720 = arith.mulf %gather3A_1701, %get3A_1714 : vector<16xf32>
        %add3A_1721 = arith.addf %add3A_1645, %mul3A_1720 : vector<16xf32>
        %mul3A_1722 = arith.mulf %gather3A_1705, %get3A_1714 : vector<16xf32>
        %add3A_1723 = arith.addf %add3A_1647, %mul3A_1722 : vector<16xf32>
        %get3A_1724 = arith.index_cast %rem3A_188 : i32 to index
        %get3A_1725 = arith.index_cast %add3A_1709 : i32 to index
        %get3A_1726 = arith.constant 80 : index
        %get3A_1727 = tpu.vector_load %arg8[%get3A_1724, %get3A_1725, %get3A_1726] {strides = array<i32>} : memref<2x128x128xf32, #tpu.memory_space<vmem>>, vector<1x1x16xf32>,
        %get3A_1728 = vector.shape_cast %get3A_1727 : vector<1x1x16xf32> to vector<16xf32>
        %add3A_1729 = arith.addf %add3A_1653, %get3A_1728 : vector<16xf32>
        %mul3A_1730 = arith.mulf %gather3A_1693, %get3A_1728 : vector<16xf32>
        %add3A_1731 = arith.addf %add3A_1655, %mul3A_1730 : vector<16xf32>
        %mul3A_1732 = arith.mulf %gather3A_1697, %get3A_1728 : vector<16xf32>
        %add3A_1733 = arith.addf %add3A_1657, %mul3A_1732 : vector<16xf32>
        %mul3A_1734 = arith.mulf %gather3A_1701, %get3A_1728 : vector<16xf32>
        %add3A_1735 = arith.addf %add3A_1659, %mul3A_1734 : vector<16xf32>
        %mul3A_1736 = arith.mulf %gather3A_1705, %get3A_1728 : vector<16xf32>
        %add3A_1737 = arith.addf %add3A_1661, %mul3A_1736 : vector<16xf32>
        %get3A_1738 = arith.index_cast %rem3A_188 : i32 to index
        %get3A_1739 = arith.index_cast %add3A_1709 : i32 to index
        %get3A_1740 = arith.constant 96 : index
        %get3A_1741 = tpu.vector_load %arg8[%get3A_1738, %get3A_1739, %get3A_1740] {strides = array<i32>} : memref<2x128x128xf32, #tpu.memory_space<vmem>>, vector<1x1x16xf32>,
        %get3A_1742 = vector.shape_cast %get3A_1741 : vector<1x1x16xf32> to vector<16xf32>
        %add3A_1743 = arith.addf %add3A_1667, %get3A_1742 : vector<16xf32>
        %mul3A_1744 = arith.mulf %gather3A_1693, %get3A_1742 : vector<16xf32>
        %add3A_1745 = arith.addf %add3A_1669, %mul3A_1744 : vector<16xf32>
        %mul3A_1746 = arith.mulf %gather3A_1697, %get3A_1742 : vector<16xf32>
        %add3A_1747 = arith.addf %add3A_1671, %mul3A_1746 : vector<16xf32>
        %mul3A_1748 = arith.mulf %gather3A_1701, %get3A_1742 : vector<16xf32>
        %add3A_1749 = arith.addf %add3A_1673, %mul3A_1748 : vector<16xf32>
        %mul3A_1750 = arith.mulf %gather3A_1705, %get3A_1742 : vector<16xf32>
        %add3A_1751 = arith.addf %add3A_1675, %mul3A_1750 : vector<16xf32>
        %get3A_1752 = arith.index_cast %rem3A_188 : i32 to index
        %get3A_1753 = arith.index_cast %add3A_1709 : i32 to index
        %get3A_1754 = arith.constant 112 : index
        %get3A_1755 = tpu.vector_load %arg8[%get3A_1752, %get3A_1753, %get3A_1754] {strides = array<i32>} : memref<2x128x128xf32, #tpu.memory_space<vmem>>, vector<1x1x16xf32>,
        %get3A_1756 = vector.shape_cast %get3A_1755 : vector<1x1x16xf32> to vector<16xf32>
        %add3A_1757 = arith.addf %add3A_1681, %get3A_1756 : vector<16xf32>
        %mul3A_1758 = arith.mulf %gather3A_1693, %get3A_1756 : vector<16xf32>
        %add3A_1759 = arith.addf %add3A_1683, %mul3A_1758 : vector<16xf32>
        %mul3A_1760 = arith.mulf %gather3A_1697, %get3A_1756 : vector<16xf32>
        %add3A_1761 = arith.addf %add3A_1685, %mul3A_1760 : vector<16xf32>
        %mul3A_1762 = arith.mulf %gather3A_1701, %get3A_1756 : vector<16xf32>
        %add3A_1763 = arith.addf %add3A_1687, %mul3A_1762 : vector<16xf32>
        %mul3A_1764 = arith.mulf %gather3A_1705, %get3A_1756 : vector<16xf32>
        %add3A_1765 = arith.addf %add3A_1689, %mul3A_1764 : vector<16xf32>
        %get3A_1766 = arith.constant 7 : i32
        %get3A_1767 = arith.index_cast %get3A_1766 : i32 to index
        %get3A_1768 = arith.constant 64 : index
        %get3A_1769 = tpu.vector_load %arg11[%get3A_1767, %get3A_1768] {strides = array<i32>} : memref<8x128xf32, #tpu.memory_space<vmem>>, vector<1x16xf32>,
        %get3A_1770 = vector.shape_cast %get3A_1769 : vector<1x16xf32> to vector<16xf32>
        %get3A_1771 = arith.constant 4 : i32
        %get3A_1772 = arith.index_cast %get3A_1771 : i32 to index
        %get3A_1773 = arith.constant 64 : index
        %get3A_1774 = tpu.vector_load %arg11[%get3A_1772, %get3A_1773] {strides = array<i32>} : memref<8x128xf32, #tpu.memory_space<vmem>>, vector<1x16xf32>,
        %get3A_1775 = vector.shape_cast %get3A_1774 : vector<1x16xf32> to vector<16xf32>
        %mul3A_1776 = arith.mulf %gather3A_338, %get3A_1775 : vector<16xf32>
        %add3A_1777 = arith.addf %get3A_1770, %mul3A_1776 : vector<16xf32>
        %get3A_1778 = arith.constant 5 : i32
        %get3A_1779 = arith.index_cast %get3A_1778 : i32 to index
        %get3A_1780 = arith.constant 64 : index
        %get3A_1781 = tpu.vector_load %arg11[%get3A_1779, %get3A_1780] {strides = array<i32>} : memref<8x128xf32, #tpu.memory_space<vmem>>, vector<1x16xf32>,
        %get3A_1782 = vector.shape_cast %get3A_1781 : vector<1x16xf32> to vector<16xf32>
        %mul3A_1783 = arith.mulf %gather3A_342, %get3A_1782 : vector<16xf32>
        %add3A_1784 = arith.addf %add3A_1777, %mul3A_1783 : vector<16xf32>
        %get3A_1785 = arith.constant 6 : i32
        %get3A_1786 = arith.index_cast %get3A_1785 : i32 to index
        %get3A_1787 = arith.constant 64 : index
        %get3A_1788 = tpu.vector_load %arg11[%get3A_1786, %get3A_1787] {strides = array<i32>} : memref<8x128xf32, #tpu.memory_space<vmem>>, vector<1x16xf32>,
        %get3A_1789 = vector.shape_cast %get3A_1788 : vector<1x16xf32> to vector<16xf32>
        %mul3A_1790 = arith.mulf %gather3A_346, %get3A_1789 : vector<16xf32>
        %add3A_1791 = arith.addf %add3A_1784, %mul3A_1790 : vector<16xf32>
        %mul3A_1792 = arith.mulf %add3A_1791, %add3A_1715 : vector<16xf32>
        %get3A_1793 = arith.constant 0 : i32
        %get3A_1794 = arith.index_cast %get3A_1793 : i32 to index
        %get3A_1795 = arith.constant 64 : index
        %get3A_1796 = tpu.vector_load %arg11[%get3A_1794, %get3A_1795] {strides = array<i32>} : memref<8x128xf32, #tpu.memory_space<vmem>>, vector<1x16xf32>,
        %get3A_1797 = vector.shape_cast %get3A_1796 : vector<1x16xf32> to vector<16xf32>
        %mul3A_1798 = arith.mulf %add3A_1717, %get3A_1797 : vector<16xf32>
        %add3A_1799 = arith.addf %mul3A_1792, %mul3A_1798 : vector<16xf32>
        %get3A_1800 = arith.constant 1 : i32
        %get3A_1801 = arith.index_cast %get3A_1800 : i32 to index
        %get3A_1802 = arith.constant 64 : index
        %get3A_1803 = tpu.vector_load %arg11[%get3A_1801, %get3A_1802] {strides = array<i32>} : memref<8x128xf32, #tpu.memory_space<vmem>>, vector<1x16xf32>,
        %get3A_1804 = vector.shape_cast %get3A_1803 : vector<1x16xf32> to vector<16xf32>
        %mul3A_1805 = arith.mulf %add3A_1719, %get3A_1804 : vector<16xf32>
        %add3A_1806 = arith.addf %add3A_1799, %mul3A_1805 : vector<16xf32>
        %get3A_1807 = arith.constant 2 : i32
        %get3A_1808 = arith.index_cast %get3A_1807 : i32 to index
        %get3A_1809 = arith.constant 64 : index
        %get3A_1810 = tpu.vector_load %arg11[%get3A_1808, %get3A_1809] {strides = array<i32>} : memref<8x128xf32, #tpu.memory_space<vmem>>, vector<1x16xf32>,
        %get3A_1811 = vector.shape_cast %get3A_1810 : vector<1x16xf32> to vector<16xf32>
        %mul3A_1812 = arith.mulf %add3A_1721, %get3A_1811 : vector<16xf32>
        %add3A_1813 = arith.addf %add3A_1806, %mul3A_1812 : vector<16xf32>
        %get3A_1814 = arith.constant 3 : i32
        %get3A_1815 = arith.index_cast %get3A_1814 : i32 to index
        %get3A_1816 = arith.constant 64 : index
        %get3A_1817 = tpu.vector_load %arg11[%get3A_1815, %get3A_1816] {strides = array<i32>} : memref<8x128xf32, #tpu.memory_space<vmem>>, vector<1x16xf32>,
        %get3A_1818 = vector.shape_cast %get3A_1817 : vector<1x16xf32> to vector<16xf32>
        %mul3A_1819 = arith.mulf %add3A_1723, %get3A_1818 : vector<16xf32>
        %add3A_1820 = arith.addf %add3A_1813, %mul3A_1819 : vector<16xf32>
        %swap3A_1821 = arith.index_cast %rem3A_188 : i32 to index
        %swap3A_1822 = arith.index_cast %scan3A_321 : i32 to index
        %swap3A_1823 = arith.constant 64 : index
        %swap3A_1824 = tpu.vector_load %arg10[%swap3A_1821, %swap3A_1822, %swap3A_1823] {strides = array<i32>} : memref<2x16x128xf32, #tpu.memory_space<vmem>>, vector<1x1x16xf32>,
        %swap3A_1825 = vector.shape_cast %swap3A_1824 : vector<1x1x16xf32> to vector<16xf32>
        %swap3A_1826 = vector.shape_cast %add3A_1820 : vector<16xf32> to vector<1x1x16xf32>
        tpu.vector_store %arg10[%swap3A_1821, %swap3A_1822, %swap3A_1823], %swap3A_1826 {strides = array<i32>} : memref<2x16x128xf32, #tpu.memory_space<vmem>>, vector<1x1x16xf32>,
        %get3A_1827 = arith.constant 7 : i32
        %get3A_1828 = arith.index_cast %get3A_1827 : i32 to index
        %get3A_1829 = arith.constant 80 : index
        %get3A_1830 = tpu.vector_load %arg11[%get3A_1828, %get3A_1829] {strides = array<i32>} : memref<8x128xf32, #tpu.memory_space<vmem>>, vector<1x16xf32>,
        %get3A_1831 = vector.shape_cast %get3A_1830 : vector<1x16xf32> to vector<16xf32>
        %get3A_1832 = arith.constant 4 : i32
        %get3A_1833 = arith.index_cast %get3A_1832 : i32 to index
        %get3A_1834 = arith.constant 80 : index
        %get3A_1835 = tpu.vector_load %arg11[%get3A_1833, %get3A_1834] {strides = array<i32>} : memref<8x128xf32, #tpu.memory_space<vmem>>, vector<1x16xf32>,
        %get3A_1836 = vector.shape_cast %get3A_1835 : vector<1x16xf32> to vector<16xf32>
        %mul3A_1837 = arith.mulf %gather3A_338, %get3A_1836 : vector<16xf32>
        %add3A_1838 = arith.addf %get3A_1831, %mul3A_1837 : vector<16xf32>
        %get3A_1839 = arith.constant 5 : i32
        %get3A_1840 = arith.index_cast %get3A_1839 : i32 to index
        %get3A_1841 = arith.constant 80 : index
        %get3A_1842 = tpu.vector_load %arg11[%get3A_1840, %get3A_1841] {strides = array<i32>} : memref<8x128xf32, #tpu.memory_space<vmem>>, vector<1x16xf32>,
        %get3A_1843 = vector.shape_cast %get3A_1842 : vector<1x16xf32> to vector<16xf32>
        %mul3A_1844 = arith.mulf %gather3A_342, %get3A_1843 : vector<16xf32>
        %add3A_1845 = arith.addf %add3A_1838, %mul3A_1844 : vector<16xf32>
        %get3A_1846 = arith.constant 6 : i32
        %get3A_1847 = arith.index_cast %get3A_1846 : i32 to index
        %get3A_1848 = arith.constant 80 : index
        %get3A_1849 = tpu.vector_load %arg11[%get3A_1847, %get3A_1848] {strides = array<i32>} : memref<8x128xf32, #tpu.memory_space<vmem>>, vector<1x16xf32>,
        %get3A_1850 = vector.shape_cast %get3A_1849 : vector<1x16xf32> to vector<16xf32>
        %mul3A_1851 = arith.mulf %gather3A_346, %get3A_1850 : vector<16xf32>
        %add3A_1852 = arith.addf %add3A_1845, %mul3A_1851 : vector<16xf32>
        %mul3A_1853 = arith.mulf %add3A_1852, %add3A_1729 : vector<16xf32>
        %get3A_1854 = arith.constant 0 : i32
        %get3A_1855 = arith.index_cast %get3A_1854 : i32 to index
        %get3A_1856 = arith.constant 80 : index
        %get3A_1857 = tpu.vector_load %arg11[%get3A_1855, %get3A_1856] {strides = array<i32>} : memref<8x128xf32, #tpu.memory_space<vmem>>, vector<1x16xf32>,
        %get3A_1858 = vector.shape_cast %get3A_1857 : vector<1x16xf32> to vector<16xf32>
        %mul3A_1859 = arith.mulf %add3A_1731, %get3A_1858 : vector<16xf32>
        %add3A_1860 = arith.addf %mul3A_1853, %mul3A_1859 : vector<16xf32>
        %get3A_1861 = arith.constant 1 : i32
        %get3A_1862 = arith.index_cast %get3A_1861 : i32 to index
        %get3A_1863 = arith.constant 80 : index
        %get3A_1864 = tpu.vector_load %arg11[%get3A_1862, %get3A_1863] {strides = array<i32>} : memref<8x128xf32, #tpu.memory_space<vmem>>, vector<1x16xf32>,
        %get3A_1865 = vector.shape_cast %get3A_1864 : vector<1x16xf32> to vector<16xf32>
        %mul3A_1866 = arith.mulf %add3A_1733, %get3A_1865 : vector<16xf32>
        %add3A_1867 = arith.addf %add3A_1860, %mul3A_1866 : vector<16xf32>
        %get3A_1868 = arith.constant 2 : i32
        %get3A_1869 = arith.index_cast %get3A_1868 : i32 to index
        %get3A_1870 = arith.constant 80 : index
        %get3A_1871 = tpu.vector_load %arg11[%get3A_1869, %get3A_1870] {strides = array<i32>} : memref<8x128xf32, #tpu.memory_space<vmem>>, vector<1x16xf32>,
        %get3A_1872 = vector.shape_cast %get3A_1871 : vector<1x16xf32> to vector<16xf32>
        %mul3A_1873 = arith.mulf %add3A_1735, %get3A_1872 : vector<16xf32>
        %add3A_1874 = arith.addf %add3A_1867, %mul3A_1873 : vector<16xf32>
        %get3A_1875 = arith.constant 3 : i32
        %get3A_1876 = arith.index_cast %get3A_1875 : i32 to index
        %get3A_1877 = arith.constant 80 : index
        %get3A_1878 = tpu.vector_load %arg11[%get3A_1876, %get3A_1877] {strides = array<i32>} : memref<8x128xf32, #tpu.memory_space<vmem>>, vector<1x16xf32>,
        %get3A_1879 = vector.shape_cast %get3A_1878 : vector<1x16xf32> to vector<16xf32>
        %mul3A_1880 = arith.mulf %add3A_1737, %get3A_1879 : vector<16xf32>
        %add3A_1881 = arith.addf %add3A_1874, %mul3A_1880 : vector<16xf32>
        %swap3A_1882 = arith.index_cast %rem3A_188 : i32 to index
        %swap3A_1883 = arith.index_cast %scan3A_321 : i32 to index
        %swap3A_1884 = arith.constant 80 : index
        %swap3A_1885 = tpu.vector_load %arg10[%swap3A_1882, %swap3A_1883, %swap3A_1884] {strides = array<i32>} : memref<2x16x128xf32, #tpu.memory_space<vmem>>, vector<1x1x16xf32>,
        %swap3A_1886 = vector.shape_cast %swap3A_1885 : vector<1x1x16xf32> to vector<16xf32>
        %swap3A_1887 = vector.shape_cast %add3A_1881 : vector<16xf32> to vector<1x1x16xf32>
        tpu.vector_store %arg10[%swap3A_1882, %swap3A_1883, %swap3A_1884], %swap3A_1887 {strides = array<i32>} : memref<2x16x128xf32, #tpu.memory_space<vmem>>, vector<1x1x16xf32>,
        %get3A_1888 = arith.constant 7 : i32
        %get3A_1889 = arith.index_cast %get3A_1888 : i32 to index
        %get3A_1890 = arith.constant 96 : index
        %get3A_1891 = tpu.vector_load %arg11[%get3A_1889, %get3A_1890] {strides = array<i32>} : memref<8x128xf32, #tpu.memory_space<vmem>>, vector<1x16xf32>,
        %get3A_1892 = vector.shape_cast %get3A_1891 : vector<1x16xf32> to vector<16xf32>
        %get3A_1893 = arith.constant 4 : i32
        %get3A_1894 = arith.index_cast %get3A_1893 : i32 to index
        %get3A_1895 = arith.constant 96 : index
        %get3A_1896 = tpu.vector_load %arg11[%get3A_1894, %get3A_1895] {strides = array<i32>} : memref<8x128xf32, #tpu.memory_space<vmem>>, vector<1x16xf32>,
        %get3A_1897 = vector.shape_cast %get3A_1896 : vector<1x16xf32> to vector<16xf32>
        %mul3A_1898 = arith.mulf %gather3A_338, %get3A_1897 : vector<16xf32>
        %add3A_1899 = arith.addf %get3A_1892, %mul3A_1898 : vector<16xf32>
        %get3A_1900 = arith.constant 5 : i32
        %get3A_1901 = arith.index_cast %get3A_1900 : i32 to index
        %get3A_1902 = arith.constant 96 : index
        %get3A_1903 = tpu.vector_load %arg11[%get3A_1901, %get3A_1902] {strides = array<i32>} : memref<8x128xf32, #tpu.memory_space<vmem>>, vector<1x16xf32>,
        %get3A_1904 = vector.shape_cast %get3A_1903 : vector<1x16xf32> to vector<16xf32>
        %mul3A_1905 = arith.mulf %gather3A_342, %get3A_1904 : vector<16xf32>
        %add3A_1906 = arith.addf %add3A_1899, %mul3A_1905 : vector<16xf32>
        %get3A_1907 = arith.constant 6 : i32
        %get3A_1908 = arith.index_cast %get3A_1907 : i32 to index
        %get3A_1909 = arith.constant 96 : index
        %get3A_1910 = tpu.vector_load %arg11[%get3A_1908, %get3A_1909] {strides = array<i32>} : memref<8x128xf32, #tpu.memory_space<vmem>>, vector<1x16xf32>,
        %get3A_1911 = vector.shape_cast %get3A_1910 : vector<1x16xf32> to vector<16xf32>
        %mul3A_1912 = arith.mulf %gather3A_346, %get3A_1911 : vector<16xf32>
        %add3A_1913 = arith.addf %add3A_1906, %mul3A_1912 : vector<16xf32>
        %mul3A_1914 = arith.mulf %add3A_1913, %add3A_1743 : vector<16xf32>
        %get3A_1915 = arith.constant 0 : i32
        %get3A_1916 = arith.index_cast %get3A_1915 : i32 to index
        %get3A_1917 = arith.constant 96 : index
        %get3A_1918 = tpu.vector_load %arg11[%get3A_1916, %get3A_1917] {strides = array<i32>} : memref<8x128xf32, #tpu.memory_space<vmem>>, vector<1x16xf32>,
        %get3A_1919 = vector.shape_cast %get3A_1918 : vector<1x16xf32> to vector<16xf32>
        %mul3A_1920 = arith.mulf %add3A_1745, %get3A_1919 : vector<16xf32>
        %add3A_1921 = arith.addf %mul3A_1914, %mul3A_1920 : vector<16xf32>
        %get3A_1922 = arith.constant 1 : i32
        %get3A_1923 = arith.index_cast %get3A_1922 : i32 to index
        %get3A_1924 = arith.constant 96 : index
        %get3A_1925 = tpu.vector_load %arg11[%get3A_1923, %get3A_1924] {strides = array<i32>} : memref<8x128xf32, #tpu.memory_space<vmem>>, vector<1x16xf32>,
        %get3A_1926 = vector.shape_cast %get3A_1925 : vector<1x16xf32> to vector<16xf32>
        %mul3A_1927 = arith.mulf %add3A_1747, %get3A_1926 : vector<16xf32>
        %add3A_1928 = arith.addf %add3A_1921, %mul3A_1927 : vector<16xf32>
        %get3A_1929 = arith.constant 2 : i32
        %get3A_1930 = arith.index_cast %get3A_1929 : i32 to index
        %get3A_1931 = arith.constant 96 : index
        %get3A_1932 = tpu.vector_load %arg11[%get3A_1930, %get3A_1931] {strides = array<i32>} : memref<8x128xf32, #tpu.memory_space<vmem>>, vector<1x16xf32>,
        %get3A_1933 = vector.shape_cast %get3A_1932 : vector<1x16xf32> to vector<16xf32>
        %mul3A_1934 = arith.mulf %add3A_1749, %get3A_1933 : vector<16xf32>
        %add3A_1935 = arith.addf %add3A_1928, %mul3A_1934 : vector<16xf32>
        %get3A_1936 = arith.constant 3 : i32
        %get3A_1937 = arith.index_cast %get3A_1936 : i32 to index
        %get3A_1938 = arith.constant 96 : index
        %get3A_1939 = tpu.vector_load %arg11[%get3A_1937, %get3A_1938] {strides = array<i32>} : memref<8x128xf32, #tpu.memory_space<vmem>>, vector<1x16xf32>,
        %get3A_1940 = vector.shape_cast %get3A_1939 : vector<1x16xf32> to vector<16xf32>
        %mul3A_1941 = arith.mulf %add3A_1751, %get3A_1940 : vector<16xf32>
        %add3A_1942 = arith.addf %add3A_1935, %mul3A_1941 : vector<16xf32>
        %swap3A_1943 = arith.index_cast %rem3A_188 : i32 to index
        %swap3A_1944 = arith.index_cast %scan3A_321 : i32 to index
        %swap3A_1945 = arith.constant 96 : index
        %swap3A_1946 = tpu.vector_load %arg10[%swap3A_1943, %swap3A_1944, %swap3A_1945] {strides = array<i32>} : memref<2x16x128xf32, #tpu.memory_space<vmem>>, vector<1x1x16xf32>,
        %swap3A_1947 = vector.shape_cast %swap3A_1946 : vector<1x1x16xf32> to vector<16xf32>
        %swap3A_1948 = vector.shape_cast %add3A_1942 : vector<16xf32> to vector<1x1x16xf32>
        tpu.vector_store %arg10[%swap3A_1943, %swap3A_1944, %swap3A_1945], %swap3A_1948 {strides = array<i32>} : memref<2x16x128xf32, #tpu.memory_space<vmem>>, vector<1x1x16xf32>,
        %get3A_1949 = arith.constant 7 : i32
        %get3A_1950 = arith.index_cast %get3A_1949 : i32 to index
        %get3A_1951 = arith.constant 112 : index
        %get3A_1952 = tpu.vector_load %arg11[%get3A_1950, %get3A_1951] {strides = array<i32>} : memref<8x128xf32, #tpu.memory_space<vmem>>, vector<1x16xf32>,
        %get3A_1953 = vector.shape_cast %get3A_1952 : vector<1x16xf32> to vector<16xf32>
        %get3A_1954 = arith.constant 4 : i32
        %get3A_1955 = arith.index_cast %get3A_1954 : i32 to index
        %get3A_1956 = arith.constant 112 : index
        %get3A_1957 = tpu.vector_load %arg11[%get3A_1955, %get3A_1956] {strides = array<i32>} : memref<8x128xf32, #tpu.memory_space<vmem>>, vector<1x16xf32>,
        %get3A_1958 = vector.shape_cast %get3A_1957 : vector<1x16xf32> to vector<16xf32>
        %mul3A_1959 = arith.mulf %gather3A_338, %get3A_1958 : vector<16xf32>
        %add3A_1960 = arith.addf %get3A_1953, %mul3A_1959 : vector<16xf32>
        %get3A_1961 = arith.constant 5 : i32
        %get3A_1962 = arith.index_cast %get3A_1961 : i32 to index
        %get3A_1963 = arith.constant 112 : index
        %get3A_1964 = tpu.vector_load %arg11[%get3A_1962, %get3A_1963] {strides = array<i32>} : memref<8x128xf32, #tpu.memory_space<vmem>>, vector<1x16xf32>,
        %get3A_1965 = vector.shape_cast %get3A_1964 : vector<1x16xf32> to vector<16xf32>
        %mul3A_1966 = arith.mulf %gather3A_342, %get3A_1965 : vector<16xf32>
        %add3A_1967 = arith.addf %add3A_1960, %mul3A_1966 : vector<16xf32>
        %get3A_1968 = arith.constant 6 : i32
        %get3A_1969 = arith.index_cast %get3A_1968 : i32 to index
        %get3A_1970 = arith.constant 112 : index
        %get3A_1971 = tpu.vector_load %arg11[%get3A_1969, %get3A_1970] {strides = array<i32>} : memref<8x128xf32, #tpu.memory_space<vmem>>, vector<1x16xf32>,
        %get3A_1972 = vector.shape_cast %get3A_1971 : vector<1x16xf32> to vector<16xf32>
        %mul3A_1973 = arith.mulf %gather3A_346, %get3A_1972 : vector<16xf32>
        %add3A_1974 = arith.addf %add3A_1967, %mul3A_1973 : vector<16xf32>
        %mul3A_1975 = arith.mulf %add3A_1974, %add3A_1757 : vector<16xf32>
        %get3A_1976 = arith.constant 0 : i32
        %get3A_1977 = arith.index_cast %get3A_1976 : i32 to index
        %get3A_1978 = arith.constant 112 : index
        %get3A_1979 = tpu.vector_load %arg11[%get3A_1977, %get3A_1978] {strides = array<i32>} : memref<8x128xf32, #tpu.memory_space<vmem>>, vector<1x16xf32>,
        %get3A_1980 = vector.shape_cast %get3A_1979 : vector<1x16xf32> to vector<16xf32>
        %mul3A_1981 = arith.mulf %add3A_1759, %get3A_1980 : vector<16xf32>
        %add3A_1982 = arith.addf %mul3A_1975, %mul3A_1981 : vector<16xf32>
        %get3A_1983 = arith.constant 1 : i32
        %get3A_1984 = arith.index_cast %get3A_1983 : i32 to index
        %get3A_1985 = arith.constant 112 : index
        %get3A_1986 = tpu.vector_load %arg11[%get3A_1984, %get3A_1985] {strides = array<i32>} : memref<8x128xf32, #tpu.memory_space<vmem>>, vector<1x16xf32>,
        %get3A_1987 = vector.shape_cast %get3A_1986 : vector<1x16xf32> to vector<16xf32>
        %mul3A_1988 = arith.mulf %add3A_1761, %get3A_1987 : vector<16xf32>
        %add3A_1989 = arith.addf %add3A_1982, %mul3A_1988 : vector<16xf32>
        %get3A_1990 = arith.constant 2 : i32
        %get3A_1991 = arith.index_cast %get3A_1990 : i32 to index
        %get3A_1992 = arith.constant 112 : index
        %get3A_1993 = tpu.vector_load %arg11[%get3A_1991, %get3A_1992] {strides = array<i32>} : memref<8x128xf32, #tpu.memory_space<vmem>>, vector<1x16xf32>,
        %get3A_1994 = vector.shape_cast %get3A_1993 : vector<1x16xf32> to vector<16xf32>
        %mul3A_1995 = arith.mulf %add3A_1763, %get3A_1994 : vector<16xf32>
        %add3A_1996 = arith.addf %add3A_1989, %mul3A_1995 : vector<16xf32>
        %get3A_1997 = arith.constant 3 : i32
        %get3A_1998 = arith.index_cast %get3A_1997 : i32 to index
        %get3A_1999 = arith.constant 112 : index
        %get3A_2000 = tpu.vector_load %arg11[%get3A_1998, %get3A_1999] {strides = array<i32>} : memref<8x128xf32, #tpu.memory_space<vmem>>, vector<1x16xf32>,
        %get3A_2001 = vector.shape_cast %get3A_2000 : vector<1x16xf32> to vector<16xf32>
        %mul3A_2002 = arith.mulf %add3A_1765, %get3A_2001 : vector<16xf32>
        %add3A_2003 = arith.addf %add3A_1996, %mul3A_2002 : vector<16xf32>
        %swap3A_2004 = arith.index_cast %rem3A_188 : i32 to index
        %swap3A_2005 = arith.index_cast %scan3A_321 : i32 to index
        %swap3A_2006 = arith.constant 112 : index
        %swap3A_2007 = tpu.vector_load %arg10[%swap3A_2004, %swap3A_2005, %swap3A_2006] {strides = array<i32>} : memref<2x16x128xf32, #tpu.memory_space<vmem>>, vector<1x1x16xf32>,
        %swap3A_2008 = vector.shape_cast %swap3A_2007 : vector<1x1x16xf32> to vector<16xf32>
        %swap3A_2009 = vector.shape_cast %add3A_2003 : vector<16xf32> to vector<1x1x16xf32>
        tpu.vector_store %arg10[%swap3A_2004, %swap3A_2005, %swap3A_2006], %swap3A_2009 {strides = array<i32>} : memref<2x16x128xf32, #tpu.memory_space<vmem>>, vector<1x1x16xf32>,
        %scan3A_2010 = arith.constant 0 : i32
        scf.yield %scan3A_2010 : i32
      }
      %scan3A_297 = arith.constant 16 : i32
      %gt3A = arith.constant 0 : i32
      %gt3A_298 = arith.cmpi sgt, %while3A_185, %gt3A : i32
      %convert_element_type3A = arith.extui %gt3A_298 : i1 to i32
      %cond3A = arith.constant 0 : i32
      %cond3A_299 = arith.cmpi ne, %convert_element_type3A, %cond3A : i32
      scf.if %cond3A_299 {
        %dma_wait3A_321 = arith.constant 0 : i32
        %dma_wait3A_322 = arith.constant 0 : i32
        %dma_wait3A_323 = arith.constant 0 : i32
        %dma_wait3A_324 = tpu.memref_slice %arg10[%dma_wait3A_321, %dma_wait3A_322, %dma_wait3A_323] : memref<2x16x128xf32, #tpu.memory_space<vmem>> -> memref<1x16x128xf32, #tpu.memory_space<vmem>>
        %dma_wait3A_325 = tpu.memref_squeeze %dma_wait3A_324 : memref<1x16x128xf32, #tpu.memory_space<vmem>> -> memref<16x128xf32, #tpu.memory_space<vmem>>
        %dma_wait3A_326 = arith.constant 0 : i32
        %dma_wait3A_327 = arith.constant 0 : i32
        %dma_wait3A_328 = tpu.memref_slice %arg6[%dma_wait3A_326, %dma_wait3A_327] : memref<100000x128xf32, #tpu.memory_space<hbm>> -> memref<16x128xf32, #tpu.memory_space<hbm>>
        %dma_wait3A_329 = arith.constant 0 : i32
        %dma_wait3A_330 = arith.constant 0 : i32
        %dma_wait3A_331 = tpu.memref_slice %arg6[%dma_wait3A_329, %dma_wait3A_330] : memref<100000x128xf32, #tpu.memory_space<hbm>> -> memref<16x128xf32, #tpu.memory_space<hbm>>
        %dma_wait3A_332 = arith.constant 0 : i32
        %dma_wait3A_333 = arith.constant 0 : i32
        %dma_wait3A_334 = tpu.memref_slice %arg10[%dma_wait3A_321, %dma_wait3A_332, %dma_wait3A_333] : memref<2x16x128xf32, #tpu.memory_space<vmem>> -> memref<1x16x128xf32, #tpu.memory_space<vmem>>
        %dma_wait3A_335 = tpu.memref_squeeze %dma_wait3A_334 : memref<1x16x128xf32, #tpu.memory_space<vmem>> -> memref<16x128xf32, #tpu.memory_space<vmem>>
        tpu.wait_dma2 semaphore(%arg15 : memref<!tpu.dma_semaphore, #tpu.memory_space<semaphore_mem>>) src(%dma_wait3A_335 : memref<16x128xf32, #tpu.memory_space<vmem>>) dst(%dma_wait3A_331 : memref<16x128xf32, #tpu.memory_space<hbm>>)
      } else {
      }
      %sub3A_300 = arith.constant 1 : i32
      %sub3A_301 = arith.subi %select_n3A, %sub3A_300 : i32
      %min3A_302 = arith.minsi %while3A_185, %sub3A_301 : i32
      %mul3A_303 = arith.constant 32 : i32
      %mul3A_304 = arith.muli %min3A_302, %mul3A_303 : i32
      %add3A_305 = arith.addi %add3A, %mul3A_304 : i32
      %mul3A_306 = arith.constant 16 : i32
      %mul3A_307 = arith.muli %add3A_305, %mul3A_306 : i32
      %dma_start3A_308 = arith.constant 0 : i32
      %dma_start3A_309 = arith.constant 0 : i32
      %dma_start3A_310 = tpu.memref_slice %arg10[%rem3A_188, %dma_start3A_308, %dma_start3A_309] : memref<2x16x128xf32, #tpu.memory_space<vmem>> -> memref<1x16x128xf32, #tpu.memory_space<vmem>>
      %dma_start3A_311 = tpu.memref_squeeze %dma_start3A_310 : memref<1x16x128xf32, #tpu.memory_space<vmem>> -> memref<16x128xf32, #tpu.memory_space<vmem>>
      %dma_start3A_312 = arith.constant 0 : i32
      %dma_start3A_313 = tpu.memref_slice %arg6[%mul3A_307, %dma_start3A_312] : memref<100000x128xf32, #tpu.memory_space<hbm>> -> memref<16x128xf32, #tpu.memory_space<hbm>>
      %dma_start3A_314 = arith.constant 0 : i32
      %dma_start3A_315 = tpu.memref_slice %arg6[%mul3A_307, %dma_start3A_314] : memref<100000x128xf32, #tpu.memory_space<hbm>> -> memref<16x128xf32, #tpu.memory_space<hbm>>
      %dma_start3A_316 = arith.constant 0 : i32
      %dma_start3A_317 = arith.constant 0 : i32
      %dma_start3A_318 = tpu.memref_slice %arg10[%rem3A_188, %dma_start3A_316, %dma_start3A_317] : memref<2x16x128xf32, #tpu.memory_space<vmem>> -> memref<1x16x128xf32, #tpu.memory_space<vmem>>
      %dma_start3A_319 = tpu.memref_squeeze %dma_start3A_318 : memref<1x16x128xf32, #tpu.memory_space<vmem>> -> memref<16x128xf32, #tpu.memory_space<vmem>>
      tpu.enqueue_dma source(%dma_start3A_319 : memref<16x128xf32, #tpu.memory_space<vmem>>) target(%dma_start3A_315 : memref<16x128xf32, #tpu.memory_space<hbm>>) target_semaphore(%arg15 : memref<!tpu.dma_semaphore, #tpu.memory_space<semaphore_mem>>)
      %while3A_320 = arith.constant 0 : i32
      scf.yield %while3A_320 : i32
    }
    %while3A_127 = arith.constant 1 : i32
    %while3A_128 = scf.for %while3A_185 = %while3A_124 to %while3A_120 step %while3A_127 iter_args(%while3A_186 = %while3A_126) -> (i32)  : i32 {
      %rem3A_187 = arith.constant 2 : i32
      %rem3A_188 = arith.remsi %while3A_185, %rem3A_187 : i32
      %dma_wait3A_189 = arith.constant 0 : i32
      %dma_wait3A_190 = arith.constant 0 : i32
      %dma_wait3A_191 = arith.constant 0 : i32
      %dma_wait3A_192 = tpu.memref_slice %arg7[%dma_wait3A_190, %dma_wait3A_191] : memref<3x128xi32, #tpu.memory_space<vmem>> -> memref<1x128xi32, #tpu.memory_space<vmem>>
      %dma_wait3A_193 = tpu.memref_squeeze %dma_wait3A_192 : memref<1x128xi32, #tpu.memory_space<vmem>> -> memref<128xi32, #tpu.memory_space<vmem>>
      %dma_wait3A_194 = arith.constant 0 : i32
      %dma_wait3A_195 = tpu.memref_slice %arg3[%dma_wait3A_189, %dma_wait3A_194] : memref<6250x128xi32, #tpu.memory_space<hbm>> -> memref<1x128xi32, #tpu.memory_space<hbm>>
      %dma_wait3A_196 = tpu.memref_squeeze %dma_wait3A_195 : memref<1x128xi32, #tpu.memory_space<hbm>> -> memref<128xi32, #tpu.memory_space<hbm>>
      %dma_wait3A_197 = arith.constant 0 : i32
      %dma_wait3A_198 = tpu.memref_slice %arg7[%dma_wait3A_190, %dma_wait3A_197] : memref<3x128xi32, #tpu.memory_space<vmem>> -> memref<1x128xi32, #tpu.memory_space<vmem>>
      %dma_wait3A_199 = tpu.memref_squeeze %dma_wait3A_198 : memref<1x128xi32, #tpu.memory_space<vmem>> -> memref<128xi32, #tpu.memory_space<vmem>>
      %dma_wait3A_200 = arith.constant 0 : i32
      %dma_wait3A_201 = tpu.memref_slice %arg3[%dma_wait3A_189, %dma_wait3A_200] : memref<6250x128xi32, #tpu.memory_space<hbm>> -> memref<1x128xi32, #tpu.memory_space<hbm>>
      %dma_wait3A_202 = tpu.memref_squeeze %dma_wait3A_201 : memref<1x128xi32, #tpu.memory_space<hbm>> -> memref<128xi32, #tpu.memory_space<hbm>>
      tpu.wait_dma2 semaphore(%arg13 : memref<!tpu.dma_semaphore, #tpu.memory_space<semaphore_mem>>) src(%dma_wait3A_202 : memref<128xi32, #tpu.memory_space<hbm>>) dst(%dma_wait3A_199 : memref<128xi32, #tpu.memory_space<vmem>>)
      %add3A_203 = arith.constant 1 : i32
      %add3A_204 = arith.addi %while3A_185, %add3A_203 : i32
      %rem3A_205 = arith.constant 2 : i32
      %rem3A_206 = arith.remsi %add3A_204, %rem3A_205 : i32
      %rem3A_207 = arith.constant 3 : i32
      %rem3A_208 = arith.remsi %add3A_204, %rem3A_207 : i32
      %dma_start3A_209 = arith.constant 0 : i32
      %dma_start3A_210 = arith.constant 0 : i32
      %dma_start3A_211 = tpu.memref_slice %arg8[%rem3A_206, %dma_start3A_209, %dma_start3A_210] : memref<2x128x128xf32, #tpu.memory_space<vmem>> -> memref<1x128x128xf32, #tpu.memory_space<vmem>>
      %dma_start3A_212 = tpu.memref_squeeze %dma_start3A_211 : memref<1x128x128xf32, #tpu.memory_space<vmem>> -> memref<128x128xf32, #tpu.memory_space<vmem>>
      %dma_start3A_213 = arith.constant 0 : i32
      %dma_start3A_214 = tpu.memref_slice %arg7[%rem3A_208, %dma_start3A_213] : memref<3x128xi32, #tpu.memory_space<vmem>> -> memref<1x128xi32, #tpu.memory_space<vmem>>
      %dma_start3A_215 = tpu.memref_squeeze %dma_start3A_214 : memref<1x128xi32, #tpu.memory_space<vmem>> -> memref<128xi32, #tpu.memory_space<vmem>>
      %dma_start3A_216 = arith.constant 0 : i32
      %dma_start3A_217 = arith.constant 0 : i32
      %dma_start3A_218 = tpu.memref_slice %arg4[%dma_start3A_216, %dma_start3A_217] : memref<200000x128xf32, #tpu.memory_space<hbm>> -> memref<200000x128xf32, #tpu.memory_space<hbm>>
      tpu.enqueue_indirect_dma source(%dma_start3A_218 : memref<200000x128xf32, #tpu.memory_space<hbm>>) target(%dma_start3A_212 : memref<128x128xf32, #tpu.memory_space<vmem>>) offsets(%dma_start3A_215 : memref<128xi32, #tpu.memory_space<vmem>>) semaphore(%arg12 : memref<!tpu.dma_semaphore, #tpu.memory_space<semaphore_mem>>)
      %add3A_219 = arith.constant 2 : i32
      %add3A_220 = arith.addi %while3A_185, %add3A_219 : i32
      %sub3A_221 = arith.constant 1 : i32
      %sub3A_222 = arith.subi %select_n3A, %sub3A_221 : i32
      %min3A_223 = arith.minsi %add3A_220, %sub3A_222 : i32
      %mul3A_224 = arith.constant 32 : i32
      %mul3A_225 = arith.muli %min3A_223, %mul3A_224 : i32
      %add3A_226 = arith.addi %add3A, %mul3A_225 : i32
      %rem3A_227 = arith.constant 3 : i32
      %rem3A_228 = arith.remsi %add3A_220, %rem3A_227 : i32
      %dma_start3A_229 = arith.constant 0 : i32
      %dma_start3A_230 = tpu.memref_slice %arg7[%rem3A_228, %dma_start3A_229] : memref<3x128xi32, #tpu.memory_space<vmem>> -> memref<1x128xi32, #tpu.memory_space<vmem>>
      %dma_start3A_231 = tpu.memref_squeeze %dma_start3A_230 : memref<1x128xi32, #tpu.memory_space<vmem>> -> memref<128xi32, #tpu.memory_space<vmem>>
      %dma_start3A_232 = arith.constant 0 : i32
      %dma_start3A_233 = tpu.memref_slice %arg3[%add3A_226, %dma_start3A_232] : memref<6250x128xi32, #tpu.memory_space<hbm>> -> memref<1x128xi32, #tpu.memory_space<hbm>>
      %dma_start3A_234 = tpu.memref_squeeze %dma_start3A_233 : memref<1x128xi32, #tpu.memory_space<hbm>> -> memref<128xi32, #tpu.memory_space<hbm>>
      %dma_start3A_235 = arith.constant 0 : i32
      %dma_start3A_236 = tpu.memref_slice %arg7[%rem3A_228, %dma_start3A_235] : memref<3x128xi32, #tpu.memory_space<vmem>> -> memref<1x128xi32, #tpu.memory_space<vmem>>
      %dma_start3A_237 = tpu.memref_squeeze %dma_start3A_236 : memref<1x128xi32, #tpu.memory_space<vmem>> -> memref<128xi32, #tpu.memory_space<vmem>>
      %dma_start3A_238 = arith.constant 0 : i32
      %dma_start3A_239 = tpu.memref_slice %arg3[%add3A_226, %dma_start3A_238] : memref<6250x128xi32, #tpu.memory_space<hbm>> -> memref<1x128xi32, #tpu.memory_space<hbm>>
      %dma_start3A_240 = tpu.memref_squeeze %dma_start3A_239 : memref<1x128xi32, #tpu.memory_space<hbm>> -> memref<128xi32, #tpu.memory_space<hbm>>
      tpu.enqueue_dma source(%dma_start3A_240 : memref<128xi32, #tpu.memory_space<hbm>>) target(%dma_start3A_237 : memref<128xi32, #tpu.memory_space<vmem>>) target_semaphore(%arg13 : memref<!tpu.dma_semaphore, #tpu.memory_space<semaphore_mem>>)
      %dma_wait3A_241 = arith.constant 0 : i32
      %dma_wait3A_242 = arith.constant 0 : i32
      %dma_wait3A_243 = arith.constant 0 : i32
      %dma_wait3A_244 = tpu.memref_slice %arg9[%dma_wait3A_241, %dma_wait3A_242, %dma_wait3A_243] : memref<2x16x48xf32, #tpu.memory_space<vmem>> -> memref<1x16x48xf32, #tpu.memory_space<vmem>>
      %dma_wait3A_245 = tpu.memref_squeeze %dma_wait3A_244 : memref<1x16x48xf32, #tpu.memory_space<vmem>> -> memref<16x48xf32, #tpu.memory_space<vmem>>
      %dma_wait3A_246 = arith.constant 0 : i32
      %dma_wait3A_247 = arith.constant 0 : i32
      %dma_wait3A_248 = tpu.memref_slice %arg2[%dma_wait3A_246, %dma_wait3A_247] : memref<100000x48xf32, #tpu.memory_space<hbm>> -> memref<16x48xf32, #tpu.memory_space<hbm>>
      %dma_wait3A_249 = arith.constant 0 : i32
      %dma_wait3A_250 = arith.constant 0 : i32
      %dma_wait3A_251 = tpu.memref_slice %arg9[%dma_wait3A_241, %dma_wait3A_249, %dma_wait3A_250] : memref<2x16x48xf32, #tpu.memory_space<vmem>> -> memref<1x16x48xf32, #tpu.memory_space<vmem>>
      %dma_wait3A_252 = tpu.memref_squeeze %dma_wait3A_251 : memref<1x16x48xf32, #tpu.memory_space<vmem>> -> memref<16x48xf32, #tpu.memory_space<vmem>>
      %dma_wait3A_253 = arith.constant 0 : i32
      %dma_wait3A_254 = arith.constant 0 : i32
      %dma_wait3A_255 = tpu.memref_slice %arg2[%dma_wait3A_253, %dma_wait3A_254] : memref<100000x48xf32, #tpu.memory_space<hbm>> -> memref<16x48xf32, #tpu.memory_space<hbm>>
      tpu.wait_dma2 semaphore(%arg14 : memref<!tpu.dma_semaphore, #tpu.memory_space<semaphore_mem>>) src(%dma_wait3A_255 : memref<16x48xf32, #tpu.memory_space<hbm>>) dst(%dma_wait3A_252 : memref<16x48xf32, #tpu.memory_space<vmem>>)
      %add3A_256 = arith.constant 1 : i32
      %add3A_257 = arith.addi %while3A_185, %add3A_256 : i32
      %sub3A_258 = arith.constant 1 : i32
      %sub3A_259 = arith.subi %select_n3A, %sub3A_258 : i32
      %min3A_260 = arith.minsi %add3A_257, %sub3A_259 : i32
      %mul3A_261 = arith.constant 32 : i32
      %mul3A_262 = arith.muli %min3A_260, %mul3A_261 : i32
      %add3A_263 = arith.addi %add3A, %mul3A_262 : i32
      %mul3A_264 = arith.constant 16 : i32
      %mul3A_265 = arith.muli %add3A_263, %mul3A_264 : i32
      %rem3A_266 = arith.constant 2 : i32
      %rem3A_267 = arith.remsi %add3A_257, %rem3A_266 : i32
      %dma_start3A_268 = arith.constant 0 : i32
      %dma_start3A_269 = arith.constant 0 : i32
      %dma_start3A_270 = tpu.memref_slice %arg9[%rem3A_267, %dma_start3A_268, %dma_start3A_269] : memref<2x16x48xf32, #tpu.memory_space<vmem>> -> memref<1x16x48xf32, #tpu.memory_space<vmem>>
      %dma_start3A_271 = tpu.memref_squeeze %dma_start3A_270 : memref<1x16x48xf32, #tpu.memory_space<vmem>> -> memref<16x48xf32, #tpu.memory_space<vmem>>
      %dma_start3A_272 = arith.constant 0 : i32
      %dma_start3A_273 = tpu.memref_slice %arg2[%mul3A_265, %dma_start3A_272] : memref<100000x48xf32, #tpu.memory_space<hbm>> -> memref<16x48xf32, #tpu.memory_space<hbm>>
      %dma_start3A_274 = arith.constant 0 : i32
      %dma_start3A_275 = arith.constant 0 : i32
      %dma_start3A_276 = tpu.memref_slice %arg9[%rem3A_267, %dma_start3A_274, %dma_start3A_275] : memref<2x16x48xf32, #tpu.memory_space<vmem>> -> memref<1x16x48xf32, #tpu.memory_space<vmem>>
      %dma_start3A_277 = tpu.memref_squeeze %dma_start3A_276 : memref<1x16x48xf32, #tpu.memory_space<vmem>> -> memref<16x48xf32, #tpu.memory_space<vmem>>
      %dma_start3A_278 = arith.constant 0 : i32
      %dma_start3A_279 = tpu.memref_slice %arg2[%mul3A_265, %dma_start3A_278] : memref<100000x48xf32, #tpu.memory_space<hbm>> -> memref<16x48xf32, #tpu.memory_space<hbm>>
      tpu.enqueue_dma source(%dma_start3A_279 : memref<16x48xf32, #tpu.memory_space<hbm>>) target(%dma_start3A_277 : memref<16x48xf32, #tpu.memory_space<vmem>>) target_semaphore(%arg14 : memref<!tpu.dma_semaphore, #tpu.memory_space<semaphore_mem>>)
      %dma_wait3A_280 = arith.constant 0 : i32
      %dma_wait3A_281 = arith.constant 0 : i32
      %dma_wait3A_282 = arith.constant 0 : i32
      %dma_wait3A_283 = arith.constant 0 : i32
      %dma_wait3A_284 = tpu.memref_slice %arg8[%dma_wait3A_281, %dma_wait3A_282, %dma_wait3A_283] : memref<2x128x128xf32, #tpu.memory_space<vmem>> -> memref<1x128x128xf32, #tpu.memory_space<vmem>>
      %dma_wait3A_285 = tpu.memref_squeeze %dma_wait3A_284 : memref<1x128x128xf32, #tpu.memory_space<vmem>> -> memref<128x128xf32, #tpu.memory_space<vmem>>
      %dma_wait3A_286 = arith.constant 0 : i32
      %dma_wait3A_287 = tpu.memref_slice %arg7[%dma_wait3A_280, %dma_wait3A_286] : memref<3x128xi32, #tpu.memory_space<vmem>> -> memref<1x128xi32, #tpu.memory_space<vmem>>
      %dma_wait3A_288 = tpu.memref_squeeze %dma_wait3A_287 : memref<1x128xi32, #tpu.memory_space<vmem>> -> memref<128xi32, #tpu.memory_space<vmem>>
      %dma_wait3A_289 = arith.constant 0 : i32
      %dma_wait3A_290 = arith.constant 0 : i32
      %dma_wait3A_291 = tpu.memref_slice %arg4[%dma_wait3A_289, %dma_wait3A_290] : memref<200000x128xf32, #tpu.memory_space<hbm>> -> memref<200000x128xf32, #tpu.memory_space<hbm>>
      tpu.wait_indirect_dma semaphore(%arg12 : memref<!tpu.dma_semaphore, #tpu.memory_space<semaphore_mem>>) src(%dma_wait3A_291 : memref<200000x128xf32, #tpu.memory_space<hbm>>) dst(%dma_wait3A_285 : memref<128x128xf32, #tpu.memory_space<vmem>>)
      %scan3A = arith.constant 0 : i32
      %scan3A_292 = arith.constant 0 : i32
      %scan3A_293 = arith.constant 16 : i32
      %scan3A_294 = arith.addi %scan3A_292, %scan3A_293 : i32
      %scan3A_295 = arith.constant 1 : i32
      %scan3A_296 = scf.for %scan3A_321 = %scan3A_292 to %scan3A_294 step %scan3A_295 iter_args(%scan3A_322 = %scan3A) -> (i32)  : i32 {
        %get3A = arith.index_cast %rem3A_188 : i32 to index
        %get3A_323 = arith.index_cast %scan3A_321 : i32 to index
        %get3A_324 = arith.constant 0 : index
        %get3A_325 = tpu.vector_load %arg9[%get3A, %get3A_323, %get3A_324] {strides = array<i32>} : memref<2x16x48xf32, #tpu.memory_space<vmem>>, vector<1x1x16xf32>,
        %get3A_326 = vector.shape_cast %get3A_325 : vector<1x1x16xf32> to vector<16xf32>
        %get3A_327 = arith.index_cast %rem3A_188 : i32 to index
        %get3A_328 = arith.index_cast %scan3A_321 : i32 to index
        %get3A_329 = arith.constant 16 : index
        %get3A_330 = tpu.vector_load %arg9[%get3A_327, %get3A_328, %get3A_329] {strides = array<i32>} : memref<2x16x48xf32, #tpu.memory_space<vmem>>, vector<1x1x16xf32>,
        %get3A_331 = vector.shape_cast %get3A_330 : vector<1x1x16xf32> to vector<16xf32>
        %get3A_332 = arith.index_cast %rem3A_188 : i32 to index
        %get3A_333 = arith.index_cast %scan3A_321 : i32 to index
        %get3A_334 = arith.constant 32 : index
        %get3A_335 = tpu.vector_load %arg9[%get3A_332, %get3A_333, %get3A_334] {strides = array<i32>} : memref<2x16x48xf32, #tpu.memory_space<vmem>>, vector<1x1x16xf32>,
        %get3A_336 = vector.shape_cast %get3A_335 : vector<1x1x16xf32> to vector<16xf32>
        %broadcast_in_dim3A = arith.constant 0 : i32
        %broadcast_in_dim3A_337 = vector.broadcast %broadcast_in_dim3A : i32 to vector<16x1xi32>
        %gather3A = vector.shape_cast %broadcast_in_dim3A_337 : vector<16x1xi32> to vector<16xi32>
        %gather3A_338 = tpu.dynamic_gather %get3A_336[%gather3A] in [0] : vector<16xf32>, vector<16xi32> -> vector<16xf32>
        %broadcast_in_dim3A_339 = arith.constant 1 : i32
        %broadcast_in_dim3A_340 = vector.broadcast %broadcast_in_dim3A_339 : i32 to vector<16x1xi32>
        %gather3A_341 = vector.shape_cast %broadcast_in_dim3A_340 : vector<16x1xi32> to vector<16xi32>
        %gather3A_342 = tpu.dynamic_gather %get3A_336[%gather3A_341] in [0] : vector<16xf32>, vector<16xi32> -> vector<16xf32>
        %broadcast_in_dim3A_343 = arith.constant 2 : i32
        %broadcast_in_dim3A_344 = vector.broadcast %broadcast_in_dim3A_343 : i32 to vector<16x1xi32>
        %gather3A_345 = vector.shape_cast %broadcast_in_dim3A_344 : vector<16x1xi32> to vector<16xi32>
        %gather3A_346 = tpu.dynamic_gather %get3A_336[%gather3A_345] in [0] : vector<16xf32>, vector<16xi32> -> vector<16xf32>
        %broadcast_in_dim3A_347 = arith.constant 0 : i32
        %broadcast_in_dim3A_348 = vector.broadcast %broadcast_in_dim3A_347 : i32 to vector<16x1xi32>
        %gather3A_349 = vector.shape_cast %broadcast_in_dim3A_348 : vector<16x1xi32> to vector<16xi32>
        %gather3A_350 = tpu.dynamic_gather %get3A_326[%gather3A_349] in [0] : vector<16xf32>, vector<16xi32> -> vector<16xf32>
        %broadcast_in_dim3A_351 = arith.constant 1 : i32
        %broadcast_in_dim3A_352 = vector.broadcast %broadcast_in_dim3A_351 : i32 to vector<16x1xi32>
        %gather3A_353 = vector.shape_cast %broadcast_in_dim3A_352 : vector<16x1xi32> to vector<16xi32>
        %gather3A_354 = tpu.dynamic_gather %get3A_326[%gather3A_353] in [0] : vector<16xf32>, vector<16xi32> -> vector<16xf32>
        %broadcast_in_dim3A_355 = arith.constant 2 : i32
        %broadcast_in_dim3A_356 = vector.broadcast %broadcast_in_dim3A_355 : i32 to vector<16x1xi32>
        %gather3A_357 = vector.shape_cast %broadcast_in_dim3A_356 : vector<16x1xi32> to vector<16xi32>
        %gather3A_358 = tpu.dynamic_gather %get3A_326[%gather3A_357] in [0] : vector<16xf32>, vector<16xi32> -> vector<16xf32>
        %broadcast_in_dim3A_359 = arith.constant 3 : i32
        %broadcast_in_dim3A_360 = vector.broadcast %broadcast_in_dim3A_359 : i32 to vector<16x1xi32>
        %gather3A_361 = vector.shape_cast %broadcast_in_dim3A_360 : vector<16x1xi32> to vector<16xi32>
        %gather3A_362 = tpu.dynamic_gather %get3A_326[%gather3A_361] in [0] : vector<16xf32>, vector<16xi32> -> vector<16xf32>
        %mul3A_363 = arith.constant 8 : i32
        %mul3A_364 = arith.muli %scan3A_321, %mul3A_363 : i32
        %add3A_365 = arith.constant 0 : i32
        %add3A_366 = arith.addi %mul3A_364, %add3A_365 : i32
        %get3A_367 = arith.index_cast %rem3A_188 : i32 to index
        %get3A_368 = arith.index_cast %add3A_366 : i32 to index
        %get3A_369 = arith.constant 0 : index
        %get3A_370 = tpu.vector_load %arg8[%get3A_367, %get3A_368, %get3A_369] {strides = array<i32>} : memref<2x128x128xf32, #tpu.memory_space<vmem>>, vector<1x1x16xf32>,
        %get3A_371 = vector.shape_cast %get3A_370 : vector<1x1x16xf32> to vector<16xf32>
        %mul3A_372 = arith.mulf %gather3A_350, %get3A_371 : vector<16xf32>
        %mul3A_373 = arith.mulf %gather3A_354, %get3A_371 : vector<16xf32>
        %mul3A_374 = arith.mulf %gather3A_358, %get3A_371 : vector<16xf32>
        %mul3A_375 = arith.mulf %gather3A_362, %get3A_371 : vector<16xf32>
        %get3A_376 = arith.index_cast %rem3A_188 : i32 to index
        %get3A_377 = arith.index_cast %add3A_366 : i32 to index
        %get3A_378 = arith.constant 16 : index
        %get3A_379 = tpu.vector_load %arg8[%get3A_376, %get3A_377, %get3A_378] {strides = array<i32>} : memref<2x128x128xf32, #tpu.memory_space<vmem>>, vector<1x1x16xf32>,
        %get3A_380 = vector.shape_cast %get3A_379 : vector<1x1x16xf32> to vector<16xf32>
        %mul3A_381 = arith.mulf %gather3A_350, %get3A_380 : vector<16xf32>
        %mul3A_382 = arith.mulf %gather3A_354, %get3A_380 : vector<16xf32>
        %mul3A_383 = arith.mulf %gather3A_358, %get3A_380 : vector<16xf32>
        %mul3A_384 = arith.mulf %gather3A_362, %get3A_380 : vector<16xf32>
        %get3A_385 = arith.index_cast %rem3A_188 : i32 to index
        %get3A_386 = arith.index_cast %add3A_366 : i32 to index
        %get3A_387 = arith.constant 32 : index
        %get3A_388 = tpu.vector_load %arg8[%get3A_385, %get3A_386, %get3A_387] {strides = array<i32>} : memref<2x128x128xf32, #tpu.memory_space<vmem>>, vector<1x1x16xf32>,
        %get3A_389 = vector.shape_cast %get3A_388 : vector<1x1x16xf32> to vector<16xf32>
        %mul3A_390 = arith.mulf %gather3A_350, %get3A_389 : vector<16xf32>
        %mul3A_391 = arith.mulf %gather3A_354, %get3A_389 : vector<16xf32>
        %mul3A_392 = arith.mulf %gather3A_358, %get3A_389 : vector<16xf32>
        %mul3A_393 = arith.mulf %gather3A_362, %get3A_389 : vector<16xf32>
        %get3A_394 = arith.index_cast %rem3A_188 : i32 to index
        %get3A_395 = arith.index_cast %add3A_366 : i32 to index
        %get3A_396 = arith.constant 48 : index
        %get3A_397 = tpu.vector_load %arg8[%get3A_394, %get3A_395, %get3A_396] {strides = array<i32>} : memref<2x128x128xf32, #tpu.memory_space<vmem>>, vector<1x1x16xf32>,
        %get3A_398 = vector.shape_cast %get3A_397 : vector<1x1x16xf32> to vector<16xf32>
        %mul3A_399 = arith.mulf %gather3A_350, %get3A_398 : vector<16xf32>
        %mul3A_400 = arith.mulf %gather3A_354, %get3A_398 : vector<16xf32>
        %mul3A_401 = arith.mulf %gather3A_358, %get3A_398 : vector<16xf32>
        %mul3A_402 = arith.mulf %gather3A_362, %get3A_398 : vector<16xf32>
        %broadcast_in_dim3A_403 = arith.constant 4 : i32
        %broadcast_in_dim3A_404 = vector.broadcast %broadcast_in_dim3A_403 : i32 to vector<16x1xi32>
        %gather3A_405 = vector.shape_cast %broadcast_in_dim3A_404 : vector<16x1xi32> to vector<16xi32>
        %gather3A_406 = tpu.dynamic_gather %get3A_326[%gather3A_405] in [0] : vector<16xf32>, vector<16xi32> -> vector<16xf32>
        %broadcast_in_dim3A_407 = arith.constant 5 : i32
        %broadcast_in_dim3A_408 = vector.broadcast %broadcast_in_dim3A_407 : i32 to vector<16x1xi32>
        %gather3A_409 = vector.shape_cast %broadcast_in_dim3A_408 : vector<16x1xi32> to vector<16xi32>
        %gather3A_410 = tpu.dynamic_gather %get3A_326[%gather3A_409] in [0] : vector<16xf32>, vector<16xi32> -> vector<16xf32>
        %broadcast_in_dim3A_411 = arith.constant 6 : i32
        %broadcast_in_dim3A_412 = vector.broadcast %broadcast_in_dim3A_411 : i32 to vector<16x1xi32>
        %gather3A_413 = vector.shape_cast %broadcast_in_dim3A_412 : vector<16x1xi32> to vector<16xi32>
        %gather3A_414 = tpu.dynamic_gather %get3A_326[%gather3A_413] in [0] : vector<16xf32>, vector<16xi32> -> vector<16xf32>
        %broadcast_in_dim3A_415 = arith.constant 7 : i32
        %broadcast_in_dim3A_416 = vector.broadcast %broadcast_in_dim3A_415 : i32 to vector<16x1xi32>
        %gather3A_417 = vector.shape_cast %broadcast_in_dim3A_416 : vector<16x1xi32> to vector<16xi32>
        %gather3A_418 = tpu.dynamic_gather %get3A_326[%gather3A_417] in [0] : vector<16xf32>, vector<16xi32> -> vector<16xf32>
        %mul3A_419 = arith.constant 8 : i32
        %mul3A_420 = arith.muli %scan3A_321, %mul3A_419 : i32
        %add3A_421 = arith.constant 1 : i32
        %add3A_422 = arith.addi %mul3A_420, %add3A_421 : i32
        %get3A_423 = arith.index_cast %rem3A_188 : i32 to index
        %get3A_424 = arith.index_cast %add3A_422 : i32 to index
        %get3A_425 = arith.constant 0 : index
        %get3A_426 = tpu.vector_load %arg8[%get3A_423, %get3A_424, %get3A_425] {strides = array<i32>} : memref<2x128x128xf32, #tpu.memory_space<vmem>>, vector<1x1x16xf32>,
        %get3A_427 = vector.shape_cast %get3A_426 : vector<1x1x16xf32> to vector<16xf32>
        %add3A_428 = arith.addf %get3A_371, %get3A_427 : vector<16xf32>
        %mul3A_429 = arith.mulf %gather3A_406, %get3A_427 : vector<16xf32>
        %add3A_430 = arith.addf %mul3A_372, %mul3A_429 : vector<16xf32>
        %mul3A_431 = arith.mulf %gather3A_410, %get3A_427 : vector<16xf32>
        %add3A_432 = arith.addf %mul3A_373, %mul3A_431 : vector<16xf32>
        %mul3A_433 = arith.mulf %gather3A_414, %get3A_427 : vector<16xf32>
        %add3A_434 = arith.addf %mul3A_374, %mul3A_433 : vector<16xf32>
        %mul3A_435 = arith.mulf %gather3A_418, %get3A_427 : vector<16xf32>
        %add3A_436 = arith.addf %mul3A_375, %mul3A_435 : vector<16xf32>
        %get3A_437 = arith.index_cast %rem3A_188 : i32 to index
        %get3A_438 = arith.index_cast %add3A_422 : i32 to index
        %get3A_439 = arith.constant 16 : index
        %get3A_440 = tpu.vector_load %arg8[%get3A_437, %get3A_438, %get3A_439] {strides = array<i32>} : memref<2x128x128xf32, #tpu.memory_space<vmem>>, vector<1x1x16xf32>,
        %get3A_441 = vector.shape_cast %get3A_440 : vector<1x1x16xf32> to vector<16xf32>
        %add3A_442 = arith.addf %get3A_380, %get3A_441 : vector<16xf32>
        %mul3A_443 = arith.mulf %gather3A_406, %get3A_441 : vector<16xf32>
        %add3A_444 = arith.addf %mul3A_381, %mul3A_443 : vector<16xf32>
        %mul3A_445 = arith.mulf %gather3A_410, %get3A_441 : vector<16xf32>
        %add3A_446 = arith.addf %mul3A_382, %mul3A_445 : vector<16xf32>
        %mul3A_447 = arith.mulf %gather3A_414, %get3A_441 : vector<16xf32>
        %add3A_448 = arith.addf %mul3A_383, %mul3A_447 : vector<16xf32>
        %mul3A_449 = arith.mulf %gather3A_418, %get3A_441 : vector<16xf32>
        %add3A_450 = arith.addf %mul3A_384, %mul3A_449 : vector<16xf32>
        %get3A_451 = arith.index_cast %rem3A_188 : i32 to index
        %get3A_452 = arith.index_cast %add3A_422 : i32 to index
        %get3A_453 = arith.constant 32 : index
        %get3A_454 = tpu.vector_load %arg8[%get3A_451, %get3A_452, %get3A_453] {strides = array<i32>} : memref<2x128x128xf32, #tpu.memory_space<vmem>>, vector<1x1x16xf32>,
        %get3A_455 = vector.shape_cast %get3A_454 : vector<1x1x16xf32> to vector<16xf32>
        %add3A_456 = arith.addf %get3A_389, %get3A_455 : vector<16xf32>
        %mul3A_457 = arith.mulf %gather3A_406, %get3A_455 : vector<16xf32>
        %add3A_458 = arith.addf %mul3A_390, %mul3A_457 : vector<16xf32>
        %mul3A_459 = arith.mulf %gather3A_410, %get3A_455 : vector<16xf32>
        %add3A_460 = arith.addf %mul3A_391, %mul3A_459 : vector<16xf32>
        %mul3A_461 = arith.mulf %gather3A_414, %get3A_455 : vector<16xf32>
        %add3A_462 = arith.addf %mul3A_392, %mul3A_461 : vector<16xf32>
        %mul3A_463 = arith.mulf %gather3A_418, %get3A_455 : vector<16xf32>
        %add3A_464 = arith.addf %mul3A_393, %mul3A_463 : vector<16xf32>
        %get3A_465 = arith.index_cast %rem3A_188 : i32 to index
        %get3A_466 = arith.index_cast %add3A_422 : i32 to index
        %get3A_467 = arith.constant 48 : index
        %get3A_468 = tpu.vector_load %arg8[%get3A_465, %get3A_466, %get3A_467] {strides = array<i32>} : memref<2x128x128xf32, #tpu.memory_space<vmem>>, vector<1x1x16xf32>,
        %get3A_469 = vector.shape_cast %get3A_468 : vector<1x1x16xf32> to vector<16xf32>
        %add3A_470 = arith.addf %get3A_398, %get3A_469 : vector<16xf32>
        %mul3A_471 = arith.mulf %gather3A_406, %get3A_469 : vector<16xf32>
        %add3A_472 = arith.addf %mul3A_399, %mul3A_471 : vector<16xf32>
        %mul3A_473 = arith.mulf %gather3A_410, %get3A_469 : vector<16xf32>
        %add3A_474 = arith.addf %mul3A_400, %mul3A_473 : vector<16xf32>
        %mul3A_475 = arith.mulf %gather3A_414, %get3A_469 : vector<16xf32>
        %add3A_476 = arith.addf %mul3A_401, %mul3A_475 : vector<16xf32>
        %mul3A_477 = arith.mulf %gather3A_418, %get3A_469 : vector<16xf32>
        %add3A_478 = arith.addf %mul3A_402, %mul3A_477 : vector<16xf32>
        %broadcast_in_dim3A_479 = arith.constant 8 : i32
        %broadcast_in_dim3A_480 = vector.broadcast %broadcast_in_dim3A_479 : i32 to vector<16x1xi32>
        %gather3A_481 = vector.shape_cast %broadcast_in_dim3A_480 : vector<16x1xi32> to vector<16xi32>
        %gather3A_482 = tpu.dynamic_gather %get3A_326[%gather3A_481] in [0] : vector<16xf32>, vector<16xi32> -> vector<16xf32>
        %broadcast_in_dim3A_483 = arith.constant 9 : i32
        %broadcast_in_dim3A_484 = vector.broadcast %broadcast_in_dim3A_483 : i32 to vector<16x1xi32>
        %gather3A_485 = vector.shape_cast %broadcast_in_dim3A_484 : vector<16x1xi32> to vector<16xi32>
        %gather3A_486 = tpu.dynamic_gather %get3A_326[%gather3A_485] in [0] : vector<16xf32>, vector<16xi32> -> vector<16xf32>
        %broadcast_in_dim3A_487 = arith.constant 10 : i32
        %broadcast_in_dim3A_488 = vector.broadcast %broadcast_in_dim3A_487 : i32 to vector<16x1xi32>
        %gather3A_489 = vector.shape_cast %broadcast_in_dim3A_488 : vector<16x1xi32> to vector<16xi32>
        %gather3A_490 = tpu.dynamic_gather %get3A_326[%gather3A_489] in [0] : vector<16xf32>, vector<16xi32> -> vector<16xf32>
        %broadcast_in_dim3A_491 = arith.constant 11 : i32
        %broadcast_in_dim3A_492 = vector.broadcast %broadcast_in_dim3A_491 : i32 to vector<16x1xi32>
        %gather3A_493 = vector.shape_cast %broadcast_in_dim3A_492 : vector<16x1xi32> to vector<16xi32>
        %gather3A_494 = tpu.dynamic_gather %get3A_326[%gather3A_493] in [0] : vector<16xf32>, vector<16xi32> -> vector<16xf32>
        %mul3A_495 = arith.constant 8 : i32
        %mul3A_496 = arith.muli %scan3A_321, %mul3A_495 : i32
        %add3A_497 = arith.constant 2 : i32
        %add3A_498 = arith.addi %mul3A_496, %add3A_497 : i32
        %get3A_499 = arith.index_cast %rem3A_188 : i32 to index
        %get3A_500 = arith.index_cast %add3A_498 : i32 to index
        %get3A_501 = arith.constant 0 : index
        %get3A_502 = tpu.vector_load %arg8[%get3A_499, %get3A_500, %get3A_501] {strides = array<i32>} : memref<2x128x128xf32, #tpu.memory_space<vmem>>, vector<1x1x16xf32>,
        %get3A_503 = vector.shape_cast %get3A_502 : vector<1x1x16xf32> to vector<16xf32>
        %add3A_504 = arith.addf %add3A_428, %get3A_503 : vector<16xf32>
        %mul3A_505 = arith.mulf %gather3A_482, %get3A_503 : vector<16xf32>
        %add3A_506 = arith.addf %add3A_430, %mul3A_505 : vector<16xf32>
        %mul3A_507 = arith.mulf %gather3A_486, %get3A_503 : vector<16xf32>
        %add3A_508 = arith.addf %add3A_432, %mul3A_507 : vector<16xf32>
        %mul3A_509 = arith.mulf %gather3A_490, %get3A_503 : vector<16xf32>
        %add3A_510 = arith.addf %add3A_434, %mul3A_509 : vector<16xf32>
        %mul3A_511 = arith.mulf %gather3A_494, %get3A_503 : vector<16xf32>
        %add3A_512 = arith.addf %add3A_436, %mul3A_511 : vector<16xf32>
        %get3A_513 = arith.index_cast %rem3A_188 : i32 to index
        %get3A_514 = arith.index_cast %add3A_498 : i32 to index
        %get3A_515 = arith.constant 16 : index
        %get3A_516 = tpu.vector_load %arg8[%get3A_513, %get3A_514, %get3A_515] {strides = array<i32>} : memref<2x128x128xf32, #tpu.memory_space<vmem>>, vector<1x1x16xf32>,
        %get3A_517 = vector.shape_cast %get3A_516 : vector<1x1x16xf32> to vector<16xf32>
        %add3A_518 = arith.addf %add3A_442, %get3A_517 : vector<16xf32>
        %mul3A_519 = arith.mulf %gather3A_482, %get3A_517 : vector<16xf32>
        %add3A_520 = arith.addf %add3A_444, %mul3A_519 : vector<16xf32>
        %mul3A_521 = arith.mulf %gather3A_486, %get3A_517 : vector<16xf32>
        %add3A_522 = arith.addf %add3A_446, %mul3A_521 : vector<16xf32>
        %mul3A_523 = arith.mulf %gather3A_490, %get3A_517 : vector<16xf32>
        %add3A_524 = arith.addf %add3A_448, %mul3A_523 : vector<16xf32>
        %mul3A_525 = arith.mulf %gather3A_494, %get3A_517 : vector<16xf32>
        %add3A_526 = arith.addf %add3A_450, %mul3A_525 : vector<16xf32>
        %get3A_527 = arith.index_cast %rem3A_188 : i32 to index
        %get3A_528 = arith.index_cast %add3A_498 : i32 to index
        %get3A_529 = arith.constant 32 : index
        %get3A_530 = tpu.vector_load %arg8[%get3A_527, %get3A_528, %get3A_529] {strides = array<i32>} : memref<2x128x128xf32, #tpu.memory_space<vmem>>, vector<1x1x16xf32>,
        %get3A_531 = vector.shape_cast %get3A_530 : vector<1x1x16xf32> to vector<16xf32>
        %add3A_532 = arith.addf %add3A_456, %get3A_531 : vector<16xf32>
        %mul3A_533 = arith.mulf %gather3A_482, %get3A_531 : vector<16xf32>
        %add3A_534 = arith.addf %add3A_458, %mul3A_533 : vector<16xf32>
        %mul3A_535 = arith.mulf %gather3A_486, %get3A_531 : vector<16xf32>
        %add3A_536 = arith.addf %add3A_460, %mul3A_535 : vector<16xf32>
        %mul3A_537 = arith.mulf %gather3A_490, %get3A_531 : vector<16xf32>
        %add3A_538 = arith.addf %add3A_462, %mul3A_537 : vector<16xf32>
        %mul3A_539 = arith.mulf %gather3A_494, %get3A_531 : vector<16xf32>
        %add3A_540 = arith.addf %add3A_464, %mul3A_539 : vector<16xf32>
        %get3A_541 = arith.index_cast %rem3A_188 : i32 to index
        %get3A_542 = arith.index_cast %add3A_498 : i32 to index
        %get3A_543 = arith.constant 48 : index
        %get3A_544 = tpu.vector_load %arg8[%get3A_541, %get3A_542, %get3A_543] {strides = array<i32>} : memref<2x128x128xf32, #tpu.memory_space<vmem>>, vector<1x1x16xf32>,
        %get3A_545 = vector.shape_cast %get3A_544 : vector<1x1x16xf32> to vector<16xf32>
        %add3A_546 = arith.addf %add3A_470, %get3A_545 : vector<16xf32>
        %mul3A_547 = arith.mulf %gather3A_482, %get3A_545 : vector<16xf32>
        %add3A_548 = arith.addf %add3A_472, %mul3A_547 : vector<16xf32>
        %mul3A_549 = arith.mulf %gather3A_486, %get3A_545 : vector<16xf32>
        %add3A_550 = arith.addf %add3A_474, %mul3A_549 : vector<16xf32>
        %mul3A_551 = arith.mulf %gather3A_490, %get3A_545 : vector<16xf32>
        %add3A_552 = arith.addf %add3A_476, %mul3A_551 : vector<16xf32>
        %mul3A_553 = arith.mulf %gather3A_494, %get3A_545 : vector<16xf32>
        %add3A_554 = arith.addf %add3A_478, %mul3A_553 : vector<16xf32>
        %broadcast_in_dim3A_555 = arith.constant 12 : i32
        %broadcast_in_dim3A_556 = vector.broadcast %broadcast_in_dim3A_555 : i32 to vector<16x1xi32>
        %gather3A_557 = vector.shape_cast %broadcast_in_dim3A_556 : vector<16x1xi32> to vector<16xi32>
        %gather3A_558 = tpu.dynamic_gather %get3A_326[%gather3A_557] in [0] : vector<16xf32>, vector<16xi32> -> vector<16xf32>
        %broadcast_in_dim3A_559 = arith.constant 13 : i32
        %broadcast_in_dim3A_560 = vector.broadcast %broadcast_in_dim3A_559 : i32 to vector<16x1xi32>
        %gather3A_561 = vector.shape_cast %broadcast_in_dim3A_560 : vector<16x1xi32> to vector<16xi32>
        %gather3A_562 = tpu.dynamic_gather %get3A_326[%gather3A_561] in [0] : vector<16xf32>, vector<16xi32> -> vector<16xf32>
        %broadcast_in_dim3A_563 = arith.constant 14 : i32
        %broadcast_in_dim3A_564 = vector.broadcast %broadcast_in_dim3A_563 : i32 to vector<16x1xi32>
        %gather3A_565 = vector.shape_cast %broadcast_in_dim3A_564 : vector<16x1xi32> to vector<16xi32>
        %gather3A_566 = tpu.dynamic_gather %get3A_326[%gather3A_565] in [0] : vector<16xf32>, vector<16xi32> -> vector<16xf32>
        %broadcast_in_dim3A_567 = arith.constant 15 : i32
        %broadcast_in_dim3A_568 = vector.broadcast %broadcast_in_dim3A_567 : i32 to vector<16x1xi32>
        %gather3A_569 = vector.shape_cast %broadcast_in_dim3A_568 : vector<16x1xi32> to vector<16xi32>
        %gather3A_570 = tpu.dynamic_gather %get3A_326[%gather3A_569] in [0] : vector<16xf32>, vector<16xi32> -> vector<16xf32>
        %mul3A_571 = arith.constant 8 : i32
        %mul3A_572 = arith.muli %scan3A_321, %mul3A_571 : i32
        %add3A_573 = arith.constant 3 : i32
        %add3A_574 = arith.addi %mul3A_572, %add3A_573 : i32
        %get3A_575 = arith.index_cast %rem3A_188 : i32 to index
        %get3A_576 = arith.index_cast %add3A_574 : i32 to index
        %get3A_577 = arith.constant 0 : index
        %get3A_578 = tpu.vector_load %arg8[%get3A_575, %get3A_576, %get3A_577] {strides = array<i32>} : memref<2x128x128xf32, #tpu.memory_space<vmem>>, vector<1x1x16xf32>,
        %get3A_579 = vector.shape_cast %get3A_578 : vector<1x1x16xf32> to vector<16xf32>
        %add3A_580 = arith.addf %add3A_504, %get3A_579 : vector<16xf32>
        %mul3A_581 = arith.mulf %gather3A_558, %get3A_579 : vector<16xf32>
        %add3A_582 = arith.addf %add3A_506, %mul3A_581 : vector<16xf32>
        %mul3A_583 = arith.mulf %gather3A_562, %get3A_579 : vector<16xf32>
        %add3A_584 = arith.addf %add3A_508, %mul3A_583 : vector<16xf32>
        %mul3A_585 = arith.mulf %gather3A_566, %get3A_579 : vector<16xf32>
        %add3A_586 = arith.addf %add3A_510, %mul3A_585 : vector<16xf32>
        %mul3A_587 = arith.mulf %gather3A_570, %get3A_579 : vector<16xf32>
        %add3A_588 = arith.addf %add3A_512, %mul3A_587 : vector<16xf32>
        %get3A_589 = arith.index_cast %rem3A_188 : i32 to index
        %get3A_590 = arith.index_cast %add3A_574 : i32 to index
        %get3A_591 = arith.constant 16 : index
        %get3A_592 = tpu.vector_load %arg8[%get3A_589, %get3A_590, %get3A_591] {strides = array<i32>} : memref<2x128x128xf32, #tpu.memory_space<vmem>>, vector<1x1x16xf32>,
        %get3A_593 = vector.shape_cast %get3A_592 : vector<1x1x16xf32> to vector<16xf32>
        %add3A_594 = arith.addf %add3A_518, %get3A_593 : vector<16xf32>
        %mul3A_595 = arith.mulf %gather3A_558, %get3A_593 : vector<16xf32>
        %add3A_596 = arith.addf %add3A_520, %mul3A_595 : vector<16xf32>
        %mul3A_597 = arith.mulf %gather3A_562, %get3A_593 : vector<16xf32>
        %add3A_598 = arith.addf %add3A_522, %mul3A_597 : vector<16xf32>
        %mul3A_599 = arith.mulf %gather3A_566, %get3A_593 : vector<16xf32>
        %add3A_600 = arith.addf %add3A_524, %mul3A_599 : vector<16xf32>
        %mul3A_601 = arith.mulf %gather3A_570, %get3A_593 : vector<16xf32>
        %add3A_602 = arith.addf %add3A_526, %mul3A_601 : vector<16xf32>
        %get3A_603 = arith.index_cast %rem3A_188 : i32 to index
        %get3A_604 = arith.index_cast %add3A_574 : i32 to index
        %get3A_605 = arith.constant 32 : index
        %get3A_606 = tpu.vector_load %arg8[%get3A_603, %get3A_604, %get3A_605] {strides = array<i32>} : memref<2x128x128xf32, #tpu.memory_space<vmem>>, vector<1x1x16xf32>,
        %get3A_607 = vector.shape_cast %get3A_606 : vector<1x1x16xf32> to vector<16xf32>
        %add3A_608 = arith.addf %add3A_532, %get3A_607 : vector<16xf32>
        %mul3A_609 = arith.mulf %gather3A_558, %get3A_607 : vector<16xf32>
        %add3A_610 = arith.addf %add3A_534, %mul3A_609 : vector<16xf32>
        %mul3A_611 = arith.mulf %gather3A_562, %get3A_607 : vector<16xf32>
        %add3A_612 = arith.addf %add3A_536, %mul3A_611 : vector<16xf32>
        %mul3A_613 = arith.mulf %gather3A_566, %get3A_607 : vector<16xf32>
        %add3A_614 = arith.addf %add3A_538, %mul3A_613 : vector<16xf32>
        %mul3A_615 = arith.mulf %gather3A_570, %get3A_607 : vector<16xf32>
        %add3A_616 = arith.addf %add3A_540, %mul3A_615 : vector<16xf32>
        %get3A_617 = arith.index_cast %rem3A_188 : i32 to index
        %get3A_618 = arith.index_cast %add3A_574 : i32 to index
        %get3A_619 = arith.constant 48 : index
        %get3A_620 = tpu.vector_load %arg8[%get3A_617, %get3A_618, %get3A_619] {strides = array<i32>} : memref<2x128x128xf32, #tpu.memory_space<vmem>>, vector<1x1x16xf32>,
        %get3A_621 = vector.shape_cast %get3A_620 : vector<1x1x16xf32> to vector<16xf32>
        %add3A_622 = arith.addf %add3A_546, %get3A_621 : vector<16xf32>
        %mul3A_623 = arith.mulf %gather3A_558, %get3A_621 : vector<16xf32>
        %add3A_624 = arith.addf %add3A_548, %mul3A_623 : vector<16xf32>
        %mul3A_625 = arith.mulf %gather3A_562, %get3A_621 : vector<16xf32>
        %add3A_626 = arith.addf %add3A_550, %mul3A_625 : vector<16xf32>
        %mul3A_627 = arith.mulf %gather3A_566, %get3A_621 : vector<16xf32>
        %add3A_628 = arith.addf %add3A_552, %mul3A_627 : vector<16xf32>
        %mul3A_629 = arith.mulf %gather3A_570, %get3A_621 : vector<16xf32>
        %add3A_630 = arith.addf %add3A_554, %mul3A_629 : vector<16xf32>
        %broadcast_in_dim3A_631 = arith.constant 0 : i32
        %broadcast_in_dim3A_632 = vector.broadcast %broadcast_in_dim3A_631 : i32 to vector<16x1xi32>
        %gather3A_633 = vector.shape_cast %broadcast_in_dim3A_632 : vector<16x1xi32> to vector<16xi32>
        %gather3A_634 = tpu.dynamic_gather %get3A_331[%gather3A_633] in [0] : vector<16xf32>, vector<16xi32> -> vector<16xf32>
        %broadcast_in_dim3A_635 = arith.constant 1 : i32
        %broadcast_in_dim3A_636 = vector.broadcast %broadcast_in_dim3A_635 : i32 to vector<16x1xi32>
        %gather3A_637 = vector.shape_cast %broadcast_in_dim3A_636 : vector<16x1xi32> to vector<16xi32>
        %gather3A_638 = tpu.dynamic_gather %get3A_331[%gather3A_637] in [0] : vector<16xf32>, vector<16xi32> -> vector<16xf32>
        %broadcast_in_dim3A_639 = arith.constant 2 : i32
        %broadcast_in_dim3A_640 = vector.broadcast %broadcast_in_dim3A_639 : i32 to vector<16x1xi32>
        %gather3A_641 = vector.shape_cast %broadcast_in_dim3A_640 : vector<16x1xi32> to vector<16xi32>
        %gather3A_642 = tpu.dynamic_gather %get3A_331[%gather3A_641] in [0] : vector<16xf32>, vector<16xi32> -> vector<16xf32>
        %broadcast_in_dim3A_643 = arith.constant 3 : i32
        %broadcast_in_dim3A_644 = vector.broadcast %broadcast_in_dim3A_643 : i32 to vector<16x1xi32>
        %gather3A_645 = vector.shape_cast %broadcast_in_dim3A_644 : vector<16x1xi32> to vector<16xi32>
        %gather3A_646 = tpu.dynamic_gather %get3A_331[%gather3A_645] in [0] : vector<16xf32>, vector<16xi32> -> vector<16xf32>
        %mul3A_647 = arith.constant 8 : i32
        %mul3A_648 = arith.muli %scan3A_321, %mul3A_647 : i32
        %add3A_649 = arith.constant 4 : i32
        %add3A_650 = arith.addi %mul3A_648, %add3A_649 : i32
        %get3A_651 = arith.index_cast %rem3A_188 : i32 to index
        %get3A_652 = arith.index_cast %add3A_650 : i32 to index
        %get3A_653 = arith.constant 0 : index
        %get3A_654 = tpu.vector_load %arg8[%get3A_651, %get3A_652, %get3A_653] {strides = array<i32>} : memref<2x128x128xf32, #tpu.memory_space<vmem>>, vector<1x1x16xf32>,
        %get3A_655 = vector.shape_cast %get3A_654 : vector<1x1x16xf32> to vector<16xf32>
        %add3A_656 = arith.addf %add3A_580, %get3A_655 : vector<16xf32>
        %mul3A_657 = arith.mulf %gather3A_634, %get3A_655 : vector<16xf32>
        %add3A_658 = arith.addf %add3A_582, %mul3A_657 : vector<16xf32>
        %mul3A_659 = arith.mulf %gather3A_638, %get3A_655 : vector<16xf32>
        %add3A_660 = arith.addf %add3A_584, %mul3A_659 : vector<16xf32>
        %mul3A_661 = arith.mulf %gather3A_642, %get3A_655 : vector<16xf32>
        %add3A_662 = arith.addf %add3A_586, %mul3A_661 : vector<16xf32>
        %mul3A_663 = arith.mulf %gather3A_646, %get3A_655 : vector<16xf32>
        %add3A_664 = arith.addf %add3A_588, %mul3A_663 : vector<16xf32>
        %get3A_665 = arith.index_cast %rem3A_188 : i32 to index
        %get3A_666 = arith.index_cast %add3A_650 : i32 to index
        %get3A_667 = arith.constant 16 : index
        %get3A_668 = tpu.vector_load %arg8[%get3A_665, %get3A_666, %get3A_667] {strides = array<i32>} : memref<2x128x128xf32, #tpu.memory_space<vmem>>, vector<1x1x16xf32>,
        %get3A_669 = vector.shape_cast %get3A_668 : vector<1x1x16xf32> to vector<16xf32>
        %add3A_670 = arith.addf %add3A_594, %get3A_669 : vector<16xf32>
        %mul3A_671 = arith.mulf %gather3A_634, %get3A_669 : vector<16xf32>
        %add3A_672 = arith.addf %add3A_596, %mul3A_671 : vector<16xf32>
        %mul3A_673 = arith.mulf %gather3A_638, %get3A_669 : vector<16xf32>
        %add3A_674 = arith.addf %add3A_598, %mul3A_673 : vector<16xf32>
        %mul3A_675 = arith.mulf %gather3A_642, %get3A_669 : vector<16xf32>
        %add3A_676 = arith.addf %add3A_600, %mul3A_675 : vector<16xf32>
        %mul3A_677 = arith.mulf %gather3A_646, %get3A_669 : vector<16xf32>
        %add3A_678 = arith.addf %add3A_602, %mul3A_677 : vector<16xf32>
        %get3A_679 = arith.index_cast %rem3A_188 : i32 to index
        %get3A_680 = arith.index_cast %add3A_650 : i32 to index
        %get3A_681 = arith.constant 32 : index
        %get3A_682 = tpu.vector_load %arg8[%get3A_679, %get3A_680, %get3A_681] {strides = array<i32>} : memref<2x128x128xf32, #tpu.memory_space<vmem>>, vector<1x1x16xf32>,
        %get3A_683 = vector.shape_cast %get3A_682 : vector<1x1x16xf32> to vector<16xf32>
        %add3A_684 = arith.addf %add3A_608, %get3A_683 : vector<16xf32>
        %mul3A_685 = arith.mulf %gather3A_634, %get3A_683 : vector<16xf32>
        %add3A_686 = arith.addf %add3A_610, %mul3A_685 : vector<16xf32>
        %mul3A_687 = arith.mulf %gather3A_638, %get3A_683 : vector<16xf32>
        %add3A_688 = arith.addf %add3A_612, %mul3A_687 : vector<16xf32>
        %mul3A_689 = arith.mulf %gather3A_642, %get3A_683 : vector<16xf32>
        %add3A_690 = arith.addf %add3A_614, %mul3A_689 : vector<16xf32>
        %mul3A_691 = arith.mulf %gather3A_646, %get3A_683 : vector<16xf32>
        %add3A_692 = arith.addf %add3A_616, %mul3A_691 : vector<16xf32>
        %get3A_693 = arith.index_cast %rem3A_188 : i32 to index
        %get3A_694 = arith.index_cast %add3A_650 : i32 to index
        %get3A_695 = arith.constant 48 : index
        %get3A_696 = tpu.vector_load %arg8[%get3A_693, %get3A_694, %get3A_695] {strides = array<i32>} : memref<2x128x128xf32, #tpu.memory_space<vmem>>, vector<1x1x16xf32>,
        %get3A_697 = vector.shape_cast %get3A_696 : vector<1x1x16xf32> to vector<16xf32>
        %add3A_698 = arith.addf %add3A_622, %get3A_697 : vector<16xf32>
        %mul3A_699 = arith.mulf %gather3A_634, %get3A_697 : vector<16xf32>
        %add3A_700 = arith.addf %add3A_624, %mul3A_699 : vector<16xf32>
        %mul3A_701 = arith.mulf %gather3A_638, %get3A_697 : vector<16xf32>
        %add3A_702 = arith.addf %add3A_626, %mul3A_701 : vector<16xf32>
        %mul3A_703 = arith.mulf %gather3A_642, %get3A_697 : vector<16xf32>
        %add3A_704 = arith.addf %add3A_628, %mul3A_703 : vector<16xf32>
        %mul3A_705 = arith.mulf %gather3A_646, %get3A_697 : vector<16xf32>
        %add3A_706 = arith.addf %add3A_630, %mul3A_705 : vector<16xf32>
        %broadcast_in_dim3A_707 = arith.constant 4 : i32
        %broadcast_in_dim3A_708 = vector.broadcast %broadcast_in_dim3A_707 : i32 to vector<16x1xi32>
        %gather3A_709 = vector.shape_cast %broadcast_in_dim3A_708 : vector<16x1xi32> to vector<16xi32>
        %gather3A_710 = tpu.dynamic_gather %get3A_331[%gather3A_709] in [0] : vector<16xf32>, vector<16xi32> -> vector<16xf32>
        %broadcast_in_dim3A_711 = arith.constant 5 : i32
        %broadcast_in_dim3A_712 = vector.broadcast %broadcast_in_dim3A_711 : i32 to vector<16x1xi32>
        %gather3A_713 = vector.shape_cast %broadcast_in_dim3A_712 : vector<16x1xi32> to vector<16xi32>
        %gather3A_714 = tpu.dynamic_gather %get3A_331[%gather3A_713] in [0] : vector<16xf32>, vector<16xi32> -> vector<16xf32>
        %broadcast_in_dim3A_715 = arith.constant 6 : i32
        %broadcast_in_dim3A_716 = vector.broadcast %broadcast_in_dim3A_715 : i32 to vector<16x1xi32>
        %gather3A_717 = vector.shape_cast %broadcast_in_dim3A_716 : vector<16x1xi32> to vector<16xi32>
        %gather3A_718 = tpu.dynamic_gather %get3A_331[%gather3A_717] in [0] : vector<16xf32>, vector<16xi32> -> vector<16xf32>
        %broadcast_in_dim3A_719 = arith.constant 7 : i32
        %broadcast_in_dim3A_720 = vector.broadcast %broadcast_in_dim3A_719 : i32 to vector<16x1xi32>
        %gather3A_721 = vector.shape_cast %broadcast_in_dim3A_720 : vector<16x1xi32> to vector<16xi32>
        %gather3A_722 = tpu.dynamic_gather %get3A_331[%gather3A_721] in [0] : vector<16xf32>, vector<16xi32> -> vector<16xf32>
        %mul3A_723 = arith.constant 8 : i32
        %mul3A_724 = arith.muli %scan3A_321, %mul3A_723 : i32
        %add3A_725 = arith.constant 5 : i32
        %add3A_726 = arith.addi %mul3A_724, %add3A_725 : i32
        %get3A_727 = arith.index_cast %rem3A_188 : i32 to index
        %get3A_728 = arith.index_cast %add3A_726 : i32 to index
        %get3A_729 = arith.constant 0 : index
        %get3A_730 = tpu.vector_load %arg8[%get3A_727, %get3A_728, %get3A_729] {strides = array<i32>} : memref<2x128x128xf32, #tpu.memory_space<vmem>>, vector<1x1x16xf32>,
        %get3A_731 = vector.shape_cast %get3A_730 : vector<1x1x16xf32> to vector<16xf32>
        %add3A_732 = arith.addf %add3A_656, %get3A_731 : vector<16xf32>
        %mul3A_733 = arith.mulf %gather3A_710, %get3A_731 : vector<16xf32>
        %add3A_734 = arith.addf %add3A_658, %mul3A_733 : vector<16xf32>
        %mul3A_735 = arith.mulf %gather3A_714, %get3A_731 : vector<16xf32>
        %add3A_736 = arith.addf %add3A_660, %mul3A_735 : vector<16xf32>
        %mul3A_737 = arith.mulf %gather3A_718, %get3A_731 : vector<16xf32>
        %add3A_738 = arith.addf %add3A_662, %mul3A_737 : vector<16xf32>
        %mul3A_739 = arith.mulf %gather3A_722, %get3A_731 : vector<16xf32>
        %add3A_740 = arith.addf %add3A_664, %mul3A_739 : vector<16xf32>
        %get3A_741 = arith.index_cast %rem3A_188 : i32 to index
        %get3A_742 = arith.index_cast %add3A_726 : i32 to index
        %get3A_743 = arith.constant 16 : index
        %get3A_744 = tpu.vector_load %arg8[%get3A_741, %get3A_742, %get3A_743] {strides = array<i32>} : memref<2x128x128xf32, #tpu.memory_space<vmem>>, vector<1x1x16xf32>,
        %get3A_745 = vector.shape_cast %get3A_744 : vector<1x1x16xf32> to vector<16xf32>
        %add3A_746 = arith.addf %add3A_670, %get3A_745 : vector<16xf32>
        %mul3A_747 = arith.mulf %gather3A_710, %get3A_745 : vector<16xf32>
        %add3A_748 = arith.addf %add3A_672, %mul3A_747 : vector<16xf32>
        %mul3A_749 = arith.mulf %gather3A_714, %get3A_745 : vector<16xf32>
        %add3A_750 = arith.addf %add3A_674, %mul3A_749 : vector<16xf32>
        %mul3A_751 = arith.mulf %gather3A_718, %get3A_745 : vector<16xf32>
        %add3A_752 = arith.addf %add3A_676, %mul3A_751 : vector<16xf32>
        %mul3A_753 = arith.mulf %gather3A_722, %get3A_745 : vector<16xf32>
        %add3A_754 = arith.addf %add3A_678, %mul3A_753 : vector<16xf32>
        %get3A_755 = arith.index_cast %rem3A_188 : i32 to index
        %get3A_756 = arith.index_cast %add3A_726 : i32 to index
        %get3A_757 = arith.constant 32 : index
        %get3A_758 = tpu.vector_load %arg8[%get3A_755, %get3A_756, %get3A_757] {strides = array<i32>} : memref<2x128x128xf32, #tpu.memory_space<vmem>>, vector<1x1x16xf32>,
        %get3A_759 = vector.shape_cast %get3A_758 : vector<1x1x16xf32> to vector<16xf32>
        %add3A_760 = arith.addf %add3A_684, %get3A_759 : vector<16xf32>
        %mul3A_761 = arith.mulf %gather3A_710, %get3A_759 : vector<16xf32>
        %add3A_762 = arith.addf %add3A_686, %mul3A_761 : vector<16xf32>
        %mul3A_763 = arith.mulf %gather3A_714, %get3A_759 : vector<16xf32>
        %add3A_764 = arith.addf %add3A_688, %mul3A_763 : vector<16xf32>
        %mul3A_765 = arith.mulf %gather3A_718, %get3A_759 : vector<16xf32>
        %add3A_766 = arith.addf %add3A_690, %mul3A_765 : vector<16xf32>
        %mul3A_767 = arith.mulf %gather3A_722, %get3A_759 : vector<16xf32>
        %add3A_768 = arith.addf %add3A_692, %mul3A_767 : vector<16xf32>
        %get3A_769 = arith.index_cast %rem3A_188 : i32 to index
        %get3A_770 = arith.index_cast %add3A_726 : i32 to index
        %get3A_771 = arith.constant 48 : index
        %get3A_772 = tpu.vector_load %arg8[%get3A_769, %get3A_770, %get3A_771] {strides = array<i32>} : memref<2x128x128xf32, #tpu.memory_space<vmem>>, vector<1x1x16xf32>,
        %get3A_773 = vector.shape_cast %get3A_772 : vector<1x1x16xf32> to vector<16xf32>
        %add3A_774 = arith.addf %add3A_698, %get3A_773 : vector<16xf32>
        %mul3A_775 = arith.mulf %gather3A_710, %get3A_773 : vector<16xf32>
        %add3A_776 = arith.addf %add3A_700, %mul3A_775 : vector<16xf32>
        %mul3A_777 = arith.mulf %gather3A_714, %get3A_773 : vector<16xf32>
        %add3A_778 = arith.addf %add3A_702, %mul3A_777 : vector<16xf32>
        %mul3A_779 = arith.mulf %gather3A_718, %get3A_773 : vector<16xf32>
        %add3A_780 = arith.addf %add3A_704, %mul3A_779 : vector<16xf32>
        %mul3A_781 = arith.mulf %gather3A_722, %get3A_773 : vector<16xf32>
        %add3A_782 = arith.addf %add3A_706, %mul3A_781 : vector<16xf32>
        %broadcast_in_dim3A_783 = arith.constant 8 : i32
        %broadcast_in_dim3A_784 = vector.broadcast %broadcast_in_dim3A_783 : i32 to vector<16x1xi32>
        %gather3A_785 = vector.shape_cast %broadcast_in_dim3A_784 : vector<16x1xi32> to vector<16xi32>
        %gather3A_786 = tpu.dynamic_gather %get3A_331[%gather3A_785] in [0] : vector<16xf32>, vector<16xi32> -> vector<16xf32>
        %broadcast_in_dim3A_787 = arith.constant 9 : i32
        %broadcast_in_dim3A_788 = vector.broadcast %broadcast_in_dim3A_787 : i32 to vector<16x1xi32>
        %gather3A_789 = vector.shape_cast %broadcast_in_dim3A_788 : vector<16x1xi32> to vector<16xi32>
        %gather3A_790 = tpu.dynamic_gather %get3A_331[%gather3A_789] in [0] : vector<16xf32>, vector<16xi32> -> vector<16xf32>
        %broadcast_in_dim3A_791 = arith.constant 10 : i32
        %broadcast_in_dim3A_792 = vector.broadcast %broadcast_in_dim3A_791 : i32 to vector<16x1xi32>
        %gather3A_793 = vector.shape_cast %broadcast_in_dim3A_792 : vector<16x1xi32> to vector<16xi32>
        %gather3A_794 = tpu.dynamic_gather %get3A_331[%gather3A_793] in [0] : vector<16xf32>, vector<16xi32> -> vector<16xf32>
        %broadcast_in_dim3A_795 = arith.constant 11 : i32
        %broadcast_in_dim3A_796 = vector.broadcast %broadcast_in_dim3A_795 : i32 to vector<16x1xi32>
        %gather3A_797 = vector.shape_cast %broadcast_in_dim3A_796 : vector<16x1xi32> to vector<16xi32>
        %gather3A_798 = tpu.dynamic_gather %get3A_331[%gather3A_797] in [0] : vector<16xf32>, vector<16xi32> -> vector<16xf32>
        %mul3A_799 = arith.constant 8 : i32
        %mul3A_800 = arith.muli %scan3A_321, %mul3A_799 : i32
        %add3A_801 = arith.constant 6 : i32
        %add3A_802 = arith.addi %mul3A_800, %add3A_801 : i32
        %get3A_803 = arith.index_cast %rem3A_188 : i32 to index
        %get3A_804 = arith.index_cast %add3A_802 : i32 to index
        %get3A_805 = arith.constant 0 : index
        %get3A_806 = tpu.vector_load %arg8[%get3A_803, %get3A_804, %get3A_805] {strides = array<i32>} : memref<2x128x128xf32, #tpu.memory_space<vmem>>, vector<1x1x16xf32>,
        %get3A_807 = vector.shape_cast %get3A_806 : vector<1x1x16xf32> to vector<16xf32>
        %add3A_808 = arith.addf %add3A_732, %get3A_807 : vector<16xf32>
        %mul3A_809 = arith.mulf %gather3A_786, %get3A_807 : vector<16xf32>
        %add3A_810 = arith.addf %add3A_734, %mul3A_809 : vector<16xf32>
        %mul3A_811 = arith.mulf %gather3A_790, %get3A_807 : vector<16xf32>
        %add3A_812 = arith.addf %add3A_736, %mul3A_811 : vector<16xf32>
        %mul3A_813 = arith.mulf %gather3A_794, %get3A_807 : vector<16xf32>
        %add3A_814 = arith.addf %add3A_738, %mul3A_813 : vector<16xf32>
        %mul3A_815 = arith.mulf %gather3A_798, %get3A_807 : vector<16xf32>
        %add3A_816 = arith.addf %add3A_740, %mul3A_815 : vector<16xf32>
        %get3A_817 = arith.index_cast %rem3A_188 : i32 to index
        %get3A_818 = arith.index_cast %add3A_802 : i32 to index
        %get3A_819 = arith.constant 16 : index
        %get3A_820 = tpu.vector_load %arg8[%get3A_817, %get3A_818, %get3A_819] {strides = array<i32>} : memref<2x128x128xf32, #tpu.memory_space<vmem>>, vector<1x1x16xf32>,
        %get3A_821 = vector.shape_cast %get3A_820 : vector<1x1x16xf32> to vector<16xf32>
        %add3A_822 = arith.addf %add3A_746, %get3A_821 : vector<16xf32>
        %mul3A_823 = arith.mulf %gather3A_786, %get3A_821 : vector<16xf32>
        %add3A_824 = arith.addf %add3A_748, %mul3A_823 : vector<16xf32>
        %mul3A_825 = arith.mulf %gather3A_790, %get3A_821 : vector<16xf32>
        %add3A_826 = arith.addf %add3A_750, %mul3A_825 : vector<16xf32>
        %mul3A_827 = arith.mulf %gather3A_794, %get3A_821 : vector<16xf32>
        %add3A_828 = arith.addf %add3A_752, %mul3A_827 : vector<16xf32>
        %mul3A_829 = arith.mulf %gather3A_798, %get3A_821 : vector<16xf32>
        %add3A_830 = arith.addf %add3A_754, %mul3A_829 : vector<16xf32>
        %get3A_831 = arith.index_cast %rem3A_188 : i32 to index
        %get3A_832 = arith.index_cast %add3A_802 : i32 to index
        %get3A_833 = arith.constant 32 : index
        %get3A_834 = tpu.vector_load %arg8[%get3A_831, %get3A_832, %get3A_833] {strides = array<i32>} : memref<2x128x128xf32, #tpu.memory_space<vmem>>, vector<1x1x16xf32>,
        %get3A_835 = vector.shape_cast %get3A_834 : vector<1x1x16xf32> to vector<16xf32>
        %add3A_836 = arith.addf %add3A_760, %get3A_835 : vector<16xf32>
        %mul3A_837 = arith.mulf %gather3A_786, %get3A_835 : vector<16xf32>
        %add3A_838 = arith.addf %add3A_762, %mul3A_837 : vector<16xf32>
        %mul3A_839 = arith.mulf %gather3A_790, %get3A_835 : vector<16xf32>
        %add3A_840 = arith.addf %add3A_764, %mul3A_839 : vector<16xf32>
        %mul3A_841 = arith.mulf %gather3A_794, %get3A_835 : vector<16xf32>
        %add3A_842 = arith.addf %add3A_766, %mul3A_841 : vector<16xf32>
        %mul3A_843 = arith.mulf %gather3A_798, %get3A_835 : vector<16xf32>
        %add3A_844 = arith.addf %add3A_768, %mul3A_843 : vector<16xf32>
        %get3A_845 = arith.index_cast %rem3A_188 : i32 to index
        %get3A_846 = arith.index_cast %add3A_802 : i32 to index
        %get3A_847 = arith.constant 48 : index
        %get3A_848 = tpu.vector_load %arg8[%get3A_845, %get3A_846, %get3A_847] {strides = array<i32>} : memref<2x128x128xf32, #tpu.memory_space<vmem>>, vector<1x1x16xf32>,
        %get3A_849 = vector.shape_cast %get3A_848 : vector<1x1x16xf32> to vector<16xf32>
        %add3A_850 = arith.addf %add3A_774, %get3A_849 : vector<16xf32>
        %mul3A_851 = arith.mulf %gather3A_786, %get3A_849 : vector<16xf32>
        %add3A_852 = arith.addf %add3A_776, %mul3A_851 : vector<16xf32>
        %mul3A_853 = arith.mulf %gather3A_790, %get3A_849 : vector<16xf32>
        %add3A_854 = arith.addf %add3A_778, %mul3A_853 : vector<16xf32>
        %mul3A_855 = arith.mulf %gather3A_794, %get3A_849 : vector<16xf32>
        %add3A_856 = arith.addf %add3A_780, %mul3A_855 : vector<16xf32>
        %mul3A_857 = arith.mulf %gather3A_798, %get3A_849 : vector<16xf32>
        %add3A_858 = arith.addf %add3A_782, %mul3A_857 : vector<16xf32>
        %broadcast_in_dim3A_859 = arith.constant 12 : i32
        %broadcast_in_dim3A_860 = vector.broadcast %broadcast_in_dim3A_859 : i32 to vector<16x1xi32>
        %gather3A_861 = vector.shape_cast %broadcast_in_dim3A_860 : vector<16x1xi32> to vector<16xi32>
        %gather3A_862 = tpu.dynamic_gather %get3A_331[%gather3A_861] in [0] : vector<16xf32>, vector<16xi32> -> vector<16xf32>
        %broadcast_in_dim3A_863 = arith.constant 13 : i32
        %broadcast_in_dim3A_864 = vector.broadcast %broadcast_in_dim3A_863 : i32 to vector<16x1xi32>
        %gather3A_865 = vector.shape_cast %broadcast_in_dim3A_864 : vector<16x1xi32> to vector<16xi32>
        %gather3A_866 = tpu.dynamic_gather %get3A_331[%gather3A_865] in [0] : vector<16xf32>, vector<16xi32> -> vector<16xf32>
        %broadcast_in_dim3A_867 = arith.constant 14 : i32
        %broadcast_in_dim3A_868 = vector.broadcast %broadcast_in_dim3A_867 : i32 to vector<16x1xi32>
        %gather3A_869 = vector.shape_cast %broadcast_in_dim3A_868 : vector<16x1xi32> to vector<16xi32>
        %gather3A_870 = tpu.dynamic_gather %get3A_331[%gather3A_869] in [0] : vector<16xf32>, vector<16xi32> -> vector<16xf32>
        %broadcast_in_dim3A_871 = arith.constant 15 : i32
        %broadcast_in_dim3A_872 = vector.broadcast %broadcast_in_dim3A_871 : i32 to vector<16x1xi32>
        %gather3A_873 = vector.shape_cast %broadcast_in_dim3A_872 : vector<16x1xi32> to vector<16xi32>
        %gather3A_874 = tpu.dynamic_gather %get3A_331[%gather3A_873] in [0] : vector<16xf32>, vector<16xi32> -> vector<16xf32>
        %mul3A_875 = arith.constant 8 : i32
        %mul3A_876 = arith.muli %scan3A_321, %mul3A_875 : i32
        %add3A_877 = arith.constant 7 : i32
        %add3A_878 = arith.addi %mul3A_876, %add3A_877 : i32
        %get3A_879 = arith.index_cast %rem3A_188 : i32 to index
        %get3A_880 = arith.index_cast %add3A_878 : i32 to index
        %get3A_881 = arith.constant 0 : index
        %get3A_882 = tpu.vector_load %arg8[%get3A_879, %get3A_880, %get3A_881] {strides = array<i32>} : memref<2x128x128xf32, #tpu.memory_space<vmem>>, vector<1x1x16xf32>,
        %get3A_883 = vector.shape_cast %get3A_882 : vector<1x1x16xf32> to vector<16xf32>
        %add3A_884 = arith.addf %add3A_808, %get3A_883 : vector<16xf32>
        %mul3A_885 = arith.mulf %gather3A_862, %get3A_883 : vector<16xf32>
        %add3A_886 = arith.addf %add3A_810, %mul3A_885 : vector<16xf32>
        %mul3A_887 = arith.mulf %gather3A_866, %get3A_883 : vector<16xf32>
        %add3A_888 = arith.addf %add3A_812, %mul3A_887 : vector<16xf32>
        %mul3A_889 = arith.mulf %gather3A_870, %get3A_883 : vector<16xf32>
        %add3A_890 = arith.addf %add3A_814, %mul3A_889 : vector<16xf32>
        %mul3A_891 = arith.mulf %gather3A_874, %get3A_883 : vector<16xf32>
        %add3A_892 = arith.addf %add3A_816, %mul3A_891 : vector<16xf32>
        %get3A_893 = arith.index_cast %rem3A_188 : i32 to index
        %get3A_894 = arith.index_cast %add3A_878 : i32 to index
        %get3A_895 = arith.constant 16 : index
        %get3A_896 = tpu.vector_load %arg8[%get3A_893, %get3A_894, %get3A_895] {strides = array<i32>} : memref<2x128x128xf32, #tpu.memory_space<vmem>>, vector<1x1x16xf32>,
        %get3A_897 = vector.shape_cast %get3A_896 : vector<1x1x16xf32> to vector<16xf32>
        %add3A_898 = arith.addf %add3A_822, %get3A_897 : vector<16xf32>
        %mul3A_899 = arith.mulf %gather3A_862, %get3A_897 : vector<16xf32>
        %add3A_900 = arith.addf %add3A_824, %mul3A_899 : vector<16xf32>
        %mul3A_901 = arith.mulf %gather3A_866, %get3A_897 : vector<16xf32>
        %add3A_902 = arith.addf %add3A_826, %mul3A_901 : vector<16xf32>
        %mul3A_903 = arith.mulf %gather3A_870, %get3A_897 : vector<16xf32>
        %add3A_904 = arith.addf %add3A_828, %mul3A_903 : vector<16xf32>
        %mul3A_905 = arith.mulf %gather3A_874, %get3A_897 : vector<16xf32>
        %add3A_906 = arith.addf %add3A_830, %mul3A_905 : vector<16xf32>
        %get3A_907 = arith.index_cast %rem3A_188 : i32 to index
        %get3A_908 = arith.index_cast %add3A_878 : i32 to index
        %get3A_909 = arith.constant 32 : index
        %get3A_910 = tpu.vector_load %arg8[%get3A_907, %get3A_908, %get3A_909] {strides = array<i32>} : memref<2x128x128xf32, #tpu.memory_space<vmem>>, vector<1x1x16xf32>,
        %get3A_911 = vector.shape_cast %get3A_910 : vector<1x1x16xf32> to vector<16xf32>
        %add3A_912 = arith.addf %add3A_836, %get3A_911 : vector<16xf32>
        %mul3A_913 = arith.mulf %gather3A_862, %get3A_911 : vector<16xf32>
        %add3A_914 = arith.addf %add3A_838, %mul3A_913 : vector<16xf32>
        %mul3A_915 = arith.mulf %gather3A_866, %get3A_911 : vector<16xf32>
        %add3A_916 = arith.addf %add3A_840, %mul3A_915 : vector<16xf32>
        %mul3A_917 = arith.mulf %gather3A_870, %get3A_911 : vector<16xf32>
        %add3A_918 = arith.addf %add3A_842, %mul3A_917 : vector<16xf32>
        %mul3A_919 = arith.mulf %gather3A_874, %get3A_911 : vector<16xf32>
        %add3A_920 = arith.addf %add3A_844, %mul3A_919 : vector<16xf32>
        %get3A_921 = arith.index_cast %rem3A_188 : i32 to index
        %get3A_922 = arith.index_cast %add3A_878 : i32 to index
        %get3A_923 = arith.constant 48 : index
        %get3A_924 = tpu.vector_load %arg8[%get3A_921, %get3A_922, %get3A_923] {strides = array<i32>} : memref<2x128x128xf32, #tpu.memory_space<vmem>>, vector<1x1x16xf32>,
        %get3A_925 = vector.shape_cast %get3A_924 : vector<1x1x16xf32> to vector<16xf32>
        %add3A_926 = arith.addf %add3A_850, %get3A_925 : vector<16xf32>
        %mul3A_927 = arith.mulf %gather3A_862, %get3A_925 : vector<16xf32>
        %add3A_928 = arith.addf %add3A_852, %mul3A_927 : vector<16xf32>
        %mul3A_929 = arith.mulf %gather3A_866, %get3A_925 : vector<16xf32>
        %add3A_930 = arith.addf %add3A_854, %mul3A_929 : vector<16xf32>
        %mul3A_931 = arith.mulf %gather3A_870, %get3A_925 : vector<16xf32>
        %add3A_932 = arith.addf %add3A_856, %mul3A_931 : vector<16xf32>
        %mul3A_933 = arith.mulf %gather3A_874, %get3A_925 : vector<16xf32>
        %add3A_934 = arith.addf %add3A_858, %mul3A_933 : vector<16xf32>
        %get3A_935 = arith.constant 7 : i32
        %get3A_936 = arith.index_cast %get3A_935 : i32 to index
        %get3A_937 = arith.constant 0 : index
        %get3A_938 = tpu.vector_load %arg11[%get3A_936, %get3A_937] {strides = array<i32>} : memref<8x128xf32, #tpu.memory_space<vmem>>, vector<1x16xf32>,
        %get3A_939 = vector.shape_cast %get3A_938 : vector<1x16xf32> to vector<16xf32>
        %get3A_940 = arith.constant 4 : i32
        %get3A_941 = arith.index_cast %get3A_940 : i32 to index
        %get3A_942 = arith.constant 0 : index
        %get3A_943 = tpu.vector_load %arg11[%get3A_941, %get3A_942] {strides = array<i32>} : memref<8x128xf32, #tpu.memory_space<vmem>>, vector<1x16xf32>,
        %get3A_944 = vector.shape_cast %get3A_943 : vector<1x16xf32> to vector<16xf32>
        %mul3A_945 = arith.mulf %gather3A_338, %get3A_944 : vector<16xf32>
        %add3A_946 = arith.addf %get3A_939, %mul3A_945 : vector<16xf32>
        %get3A_947 = arith.constant 5 : i32
        %get3A_948 = arith.index_cast %get3A_947 : i32 to index
        %get3A_949 = arith.constant 0 : index
        %get3A_950 = tpu.vector_load %arg11[%get3A_948, %get3A_949] {strides = array<i32>} : memref<8x128xf32, #tpu.memory_space<vmem>>, vector<1x16xf32>,
        %get3A_951 = vector.shape_cast %get3A_950 : vector<1x16xf32> to vector<16xf32>
        %mul3A_952 = arith.mulf %gather3A_342, %get3A_951 : vector<16xf32>
        %add3A_953 = arith.addf %add3A_946, %mul3A_952 : vector<16xf32>
        %get3A_954 = arith.constant 6 : i32
        %get3A_955 = arith.index_cast %get3A_954 : i32 to index
        %get3A_956 = arith.constant 0 : index
        %get3A_957 = tpu.vector_load %arg11[%get3A_955, %get3A_956] {strides = array<i32>} : memref<8x128xf32, #tpu.memory_space<vmem>>, vector<1x16xf32>,
        %get3A_958 = vector.shape_cast %get3A_957 : vector<1x16xf32> to vector<16xf32>
        %mul3A_959 = arith.mulf %gather3A_346, %get3A_958 : vector<16xf32>
        %add3A_960 = arith.addf %add3A_953, %mul3A_959 : vector<16xf32>
        %mul3A_961 = arith.mulf %add3A_960, %add3A_884 : vector<16xf32>
        %get3A_962 = arith.constant 0 : i32
        %get3A_963 = arith.index_cast %get3A_962 : i32 to index
        %get3A_964 = arith.constant 0 : index
        %get3A_965 = tpu.vector_load %arg11[%get3A_963, %get3A_964] {strides = array<i32>} : memref<8x128xf32, #tpu.memory_space<vmem>>, vector<1x16xf32>,
        %get3A_966 = vector.shape_cast %get3A_965 : vector<1x16xf32> to vector<16xf32>
        %mul3A_967 = arith.mulf %add3A_886, %get3A_966 : vector<16xf32>
        %add3A_968 = arith.addf %mul3A_961, %mul3A_967 : vector<16xf32>
        %get3A_969 = arith.constant 1 : i32
        %get3A_970 = arith.index_cast %get3A_969 : i32 to index
        %get3A_971 = arith.constant 0 : index
        %get3A_972 = tpu.vector_load %arg11[%get3A_970, %get3A_971] {strides = array<i32>} : memref<8x128xf32, #tpu.memory_space<vmem>>, vector<1x16xf32>,
        %get3A_973 = vector.shape_cast %get3A_972 : vector<1x16xf32> to vector<16xf32>
        %mul3A_974 = arith.mulf %add3A_888, %get3A_973 : vector<16xf32>
        %add3A_975 = arith.addf %add3A_968, %mul3A_974 : vector<16xf32>
        %get3A_976 = arith.constant 2 : i32
        %get3A_977 = arith.index_cast %get3A_976 : i32 to index
        %get3A_978 = arith.constant 0 : index
        %get3A_979 = tpu.vector_load %arg11[%get3A_977, %get3A_978] {strides = array<i32>} : memref<8x128xf32, #tpu.memory_space<vmem>>, vector<1x16xf32>,
        %get3A_980 = vector.shape_cast %get3A_979 : vector<1x16xf32> to vector<16xf32>
        %mul3A_981 = arith.mulf %add3A_890, %get3A_980 : vector<16xf32>
        %add3A_982 = arith.addf %add3A_975, %mul3A_981 : vector<16xf32>
        %get3A_983 = arith.constant 3 : i32
        %get3A_984 = arith.index_cast %get3A_983 : i32 to index
        %get3A_985 = arith.constant 0 : index
        %get3A_986 = tpu.vector_load %arg11[%get3A_984, %get3A_985] {strides = array<i32>} : memref<8x128xf32, #tpu.memory_space<vmem>>, vector<1x16xf32>,
        %get3A_987 = vector.shape_cast %get3A_986 : vector<1x16xf32> to vector<16xf32>
        %mul3A_988 = arith.mulf %add3A_892, %get3A_987 : vector<16xf32>
        %add3A_989 = arith.addf %add3A_982, %mul3A_988 : vector<16xf32>
        %swap3A = arith.index_cast %rem3A_188 : i32 to index
        %swap3A_990 = arith.index_cast %scan3A_321 : i32 to index
        %swap3A_991 = arith.constant 0 : index
        %swap3A_992 = tpu.vector_load %arg10[%swap3A, %swap3A_990, %swap3A_991] {strides = array<i32>} : memref<2x16x128xf32, #tpu.memory_space<vmem>>, vector<1x1x16xf32>,
        %swap3A_993 = vector.shape_cast %swap3A_992 : vector<1x1x16xf32> to vector<16xf32>
        %swap3A_994 = vector.shape_cast %add3A_989 : vector<16xf32> to vector<1x1x16xf32>
        tpu.vector_store %arg10[%swap3A, %swap3A_990, %swap3A_991], %swap3A_994 {strides = array<i32>} : memref<2x16x128xf32, #tpu.memory_space<vmem>>, vector<1x1x16xf32>,
        %get3A_995 = arith.constant 7 : i32
        %get3A_996 = arith.index_cast %get3A_995 : i32 to index
        %get3A_997 = arith.constant 16 : index
        %get3A_998 = tpu.vector_load %arg11[%get3A_996, %get3A_997] {strides = array<i32>} : memref<8x128xf32, #tpu.memory_space<vmem>>, vector<1x16xf32>,
        %get3A_999 = vector.shape_cast %get3A_998 : vector<1x16xf32> to vector<16xf32>
        %get3A_1000 = arith.constant 4 : i32
        %get3A_1001 = arith.index_cast %get3A_1000 : i32 to index
        %get3A_1002 = arith.constant 16 : index
        %get3A_1003 = tpu.vector_load %arg11[%get3A_1001, %get3A_1002] {strides = array<i32>} : memref<8x128xf32, #tpu.memory_space<vmem>>, vector<1x16xf32>,
        %get3A_1004 = vector.shape_cast %get3A_1003 : vector<1x16xf32> to vector<16xf32>
        %mul3A_1005 = arith.mulf %gather3A_338, %get3A_1004 : vector<16xf32>
        %add3A_1006 = arith.addf %get3A_999, %mul3A_1005 : vector<16xf32>
        %get3A_1007 = arith.constant 5 : i32
        %get3A_1008 = arith.index_cast %get3A_1007 : i32 to index
        %get3A_1009 = arith.constant 16 : index
        %get3A_1010 = tpu.vector_load %arg11[%get3A_1008, %get3A_1009] {strides = array<i32>} : memref<8x128xf32, #tpu.memory_space<vmem>>, vector<1x16xf32>,
        %get3A_1011 = vector.shape_cast %get3A_1010 : vector<1x16xf32> to vector<16xf32>
        %mul3A_1012 = arith.mulf %gather3A_342, %get3A_1011 : vector<16xf32>
        %add3A_1013 = arith.addf %add3A_1006, %mul3A_1012 : vector<16xf32>
        %get3A_1014 = arith.constant 6 : i32
        %get3A_1015 = arith.index_cast %get3A_1014 : i32 to index
        %get3A_1016 = arith.constant 16 : index
        %get3A_1017 = tpu.vector_load %arg11[%get3A_1015, %get3A_1016] {strides = array<i32>} : memref<8x128xf32, #tpu.memory_space<vmem>>, vector<1x16xf32>,
        %get3A_1018 = vector.shape_cast %get3A_1017 : vector<1x16xf32> to vector<16xf32>
        %mul3A_1019 = arith.mulf %gather3A_346, %get3A_1018 : vector<16xf32>
        %add3A_1020 = arith.addf %add3A_1013, %mul3A_1019 : vector<16xf32>
        %mul3A_1021 = arith.mulf %add3A_1020, %add3A_898 : vector<16xf32>
        %get3A_1022 = arith.constant 0 : i32
        %get3A_1023 = arith.index_cast %get3A_1022 : i32 to index
        %get3A_1024 = arith.constant 16 : index
        %get3A_1025 = tpu.vector_load %arg11[%get3A_1023, %get3A_1024] {strides = array<i32>} : memref<8x128xf32, #tpu.memory_space<vmem>>, vector<1x16xf32>,
        %get3A_1026 = vector.shape_cast %get3A_1025 : vector<1x16xf32> to vector<16xf32>
        %mul3A_1027 = arith.mulf %add3A_900, %get3A_1026 : vector<16xf32>
        %add3A_1028 = arith.addf %mul3A_1021, %mul3A_1027 : vector<16xf32>
        %get3A_1029 = arith.constant 1 : i32
        %get3A_1030 = arith.index_cast %get3A_1029 : i32 to index
        %get3A_1031 = arith.constant 16 : index
        %get3A_1032 = tpu.vector_load %arg11[%get3A_1030, %get3A_1031] {strides = array<i32>} : memref<8x128xf32, #tpu.memory_space<vmem>>, vector<1x16xf32>,
        %get3A_1033 = vector.shape_cast %get3A_1032 : vector<1x16xf32> to vector<16xf32>
        %mul3A_1034 = arith.mulf %add3A_902, %get3A_1033 : vector<16xf32>
        %add3A_1035 = arith.addf %add3A_1028, %mul3A_1034 : vector<16xf32>
        %get3A_1036 = arith.constant 2 : i32
        %get3A_1037 = arith.index_cast %get3A_1036 : i32 to index
        %get3A_1038 = arith.constant 16 : index
        %get3A_1039 = tpu.vector_load %arg11[%get3A_1037, %get3A_1038] {strides = array<i32>} : memref<8x128xf32, #tpu.memory_space<vmem>>, vector<1x16xf32>,
        %get3A_1040 = vector.shape_cast %get3A_1039 : vector<1x16xf32> to vector<16xf32>
        %mul3A_1041 = arith.mulf %add3A_904, %get3A_1040 : vector<16xf32>
        %add3A_1042 = arith.addf %add3A_1035, %mul3A_1041 : vector<16xf32>
        %get3A_1043 = arith.constant 3 : i32
        %get3A_1044 = arith.index_cast %get3A_1043 : i32 to index
        %get3A_1045 = arith.constant 16 : index
        %get3A_1046 = tpu.vector_load %arg11[%get3A_1044, %get3A_1045] {strides = array<i32>} : memref<8x128xf32, #tpu.memory_space<vmem>>, vector<1x16xf32>,
        %get3A_1047 = vector.shape_cast %get3A_1046 : vector<1x16xf32> to vector<16xf32>
        %mul3A_1048 = arith.mulf %add3A_906, %get3A_1047 : vector<16xf32>
        %add3A_1049 = arith.addf %add3A_1042, %mul3A_1048 : vector<16xf32>
        %swap3A_1050 = arith.index_cast %rem3A_188 : i32 to index
        %swap3A_1051 = arith.index_cast %scan3A_321 : i32 to index
        %swap3A_1052 = arith.constant 16 : index
        %swap3A_1053 = tpu.vector_load %arg10[%swap3A_1050, %swap3A_1051, %swap3A_1052] {strides = array<i32>} : memref<2x16x128xf32, #tpu.memory_space<vmem>>, vector<1x1x16xf32>,
        %swap3A_1054 = vector.shape_cast %swap3A_1053 : vector<1x1x16xf32> to vector<16xf32>
        %swap3A_1055 = vector.shape_cast %add3A_1049 : vector<16xf32> to vector<1x1x16xf32>
        tpu.vector_store %arg10[%swap3A_1050, %swap3A_1051, %swap3A_1052], %swap3A_1055 {strides = array<i32>} : memref<2x16x128xf32, #tpu.memory_space<vmem>>, vector<1x1x16xf32>,
        %get3A_1056 = arith.constant 7 : i32
        %get3A_1057 = arith.index_cast %get3A_1056 : i32 to index
        %get3A_1058 = arith.constant 32 : index
        %get3A_1059 = tpu.vector_load %arg11[%get3A_1057, %get3A_1058] {strides = array<i32>} : memref<8x128xf32, #tpu.memory_space<vmem>>, vector<1x16xf32>,
        %get3A_1060 = vector.shape_cast %get3A_1059 : vector<1x16xf32> to vector<16xf32>
        %get3A_1061 = arith.constant 4 : i32
        %get3A_1062 = arith.index_cast %get3A_1061 : i32 to index
        %get3A_1063 = arith.constant 32 : index
        %get3A_1064 = tpu.vector_load %arg11[%get3A_1062, %get3A_1063] {strides = array<i32>} : memref<8x128xf32, #tpu.memory_space<vmem>>, vector<1x16xf32>,
        %get3A_1065 = vector.shape_cast %get3A_1064 : vector<1x16xf32> to vector<16xf32>
        %mul3A_1066 = arith.mulf %gather3A_338, %get3A_1065 : vector<16xf32>
        %add3A_1067 = arith.addf %get3A_1060, %mul3A_1066 : vector<16xf32>
        %get3A_1068 = arith.constant 5 : i32
        %get3A_1069 = arith.index_cast %get3A_1068 : i32 to index
        %get3A_1070 = arith.constant 32 : index
        %get3A_1071 = tpu.vector_load %arg11[%get3A_1069, %get3A_1070] {strides = array<i32>} : memref<8x128xf32, #tpu.memory_space<vmem>>, vector<1x16xf32>,
        %get3A_1072 = vector.shape_cast %get3A_1071 : vector<1x16xf32> to vector<16xf32>
        %mul3A_1073 = arith.mulf %gather3A_342, %get3A_1072 : vector<16xf32>
        %add3A_1074 = arith.addf %add3A_1067, %mul3A_1073 : vector<16xf32>
        %get3A_1075 = arith.constant 6 : i32
        %get3A_1076 = arith.index_cast %get3A_1075 : i32 to index
        %get3A_1077 = arith.constant 32 : index
        %get3A_1078 = tpu.vector_load %arg11[%get3A_1076, %get3A_1077] {strides = array<i32>} : memref<8x128xf32, #tpu.memory_space<vmem>>, vector<1x16xf32>,
        %get3A_1079 = vector.shape_cast %get3A_1078 : vector<1x16xf32> to vector<16xf32>
        %mul3A_1080 = arith.mulf %gather3A_346, %get3A_1079 : vector<16xf32>
        %add3A_1081 = arith.addf %add3A_1074, %mul3A_1080 : vector<16xf32>
        %mul3A_1082 = arith.mulf %add3A_1081, %add3A_912 : vector<16xf32>
        %get3A_1083 = arith.constant 0 : i32
        %get3A_1084 = arith.index_cast %get3A_1083 : i32 to index
        %get3A_1085 = arith.constant 32 : index
        %get3A_1086 = tpu.vector_load %arg11[%get3A_1084, %get3A_1085] {strides = array<i32>} : memref<8x128xf32, #tpu.memory_space<vmem>>, vector<1x16xf32>,
        %get3A_1087 = vector.shape_cast %get3A_1086 : vector<1x16xf32> to vector<16xf32>
        %mul3A_1088 = arith.mulf %add3A_914, %get3A_1087 : vector<16xf32>
        %add3A_1089 = arith.addf %mul3A_1082, %mul3A_1088 : vector<16xf32>
        %get3A_1090 = arith.constant 1 : i32
        %get3A_1091 = arith.index_cast %get3A_1090 : i32 to index
        %get3A_1092 = arith.constant 32 : index
        %get3A_1093 = tpu.vector_load %arg11[%get3A_1091, %get3A_1092] {strides = array<i32>} : memref<8x128xf32, #tpu.memory_space<vmem>>, vector<1x16xf32>,
        %get3A_1094 = vector.shape_cast %get3A_1093 : vector<1x16xf32> to vector<16xf32>
        %mul3A_1095 = arith.mulf %add3A_916, %get3A_1094 : vector<16xf32>
        %add3A_1096 = arith.addf %add3A_1089, %mul3A_1095 : vector<16xf32>
        %get3A_1097 = arith.constant 2 : i32
        %get3A_1098 = arith.index_cast %get3A_1097 : i32 to index
        %get3A_1099 = arith.constant 32 : index
        %get3A_1100 = tpu.vector_load %arg11[%get3A_1098, %get3A_1099] {strides = array<i32>} : memref<8x128xf32, #tpu.memory_space<vmem>>, vector<1x16xf32>,
        %get3A_1101 = vector.shape_cast %get3A_1100 : vector<1x16xf32> to vector<16xf32>
        %mul3A_1102 = arith.mulf %add3A_918, %get3A_1101 : vector<16xf32>
        %add3A_1103 = arith.addf %add3A_1096, %mul3A_1102 : vector<16xf32>
        %get3A_1104 = arith.constant 3 : i32
        %get3A_1105 = arith.index_cast %get3A_1104 : i32 to index
        %get3A_1106 = arith.constant 32 : index
        %get3A_1107 = tpu.vector_load %arg11[%get3A_1105, %get3A_1106] {strides = array<i32>} : memref<8x128xf32, #tpu.memory_space<vmem>>, vector<1x16xf32>,
        %get3A_1108 = vector.shape_cast %get3A_1107 : vector<1x16xf32> to vector<16xf32>
        %mul3A_1109 = arith.mulf %add3A_920, %get3A_1108 : vector<16xf32>
        %add3A_1110 = arith.addf %add3A_1103, %mul3A_1109 : vector<16xf32>
        %swap3A_1111 = arith.index_cast %rem3A_188 : i32 to index
        %swap3A_1112 = arith.index_cast %scan3A_321 : i32 to index
        %swap3A_1113 = arith.constant 32 : index
        %swap3A_1114 = tpu.vector_load %arg10[%swap3A_1111, %swap3A_1112, %swap3A_1113] {strides = array<i32>} : memref<2x16x128xf32, #tpu.memory_space<vmem>>, vector<1x1x16xf32>,
        %swap3A_1115 = vector.shape_cast %swap3A_1114 : vector<1x1x16xf32> to vector<16xf32>
        %swap3A_1116 = vector.shape_cast %add3A_1110 : vector<16xf32> to vector<1x1x16xf32>
        tpu.vector_store %arg10[%swap3A_1111, %swap3A_1112, %swap3A_1113], %swap3A_1116 {strides = array<i32>} : memref<2x16x128xf32, #tpu.memory_space<vmem>>, vector<1x1x16xf32>,
        %get3A_1117 = arith.constant 7 : i32
        %get3A_1118 = arith.index_cast %get3A_1117 : i32 to index
        %get3A_1119 = arith.constant 48 : index
        %get3A_1120 = tpu.vector_load %arg11[%get3A_1118, %get3A_1119] {strides = array<i32>} : memref<8x128xf32, #tpu.memory_space<vmem>>, vector<1x16xf32>,
        %get3A_1121 = vector.shape_cast %get3A_1120 : vector<1x16xf32> to vector<16xf32>
        %get3A_1122 = arith.constant 4 : i32
        %get3A_1123 = arith.index_cast %get3A_1122 : i32 to index
        %get3A_1124 = arith.constant 48 : index
        %get3A_1125 = tpu.vector_load %arg11[%get3A_1123, %get3A_1124] {strides = array<i32>} : memref<8x128xf32, #tpu.memory_space<vmem>>, vector<1x16xf32>,
        %get3A_1126 = vector.shape_cast %get3A_1125 : vector<1x16xf32> to vector<16xf32>
        %mul3A_1127 = arith.mulf %gather3A_338, %get3A_1126 : vector<16xf32>
        %add3A_1128 = arith.addf %get3A_1121, %mul3A_1127 : vector<16xf32>
        %get3A_1129 = arith.constant 5 : i32
        %get3A_1130 = arith.index_cast %get3A_1129 : i32 to index
        %get3A_1131 = arith.constant 48 : index
        %get3A_1132 = tpu.vector_load %arg11[%get3A_1130, %get3A_1131] {strides = array<i32>} : memref<8x128xf32, #tpu.memory_space<vmem>>, vector<1x16xf32>,
        %get3A_1133 = vector.shape_cast %get3A_1132 : vector<1x16xf32> to vector<16xf32>
        %mul3A_1134 = arith.mulf %gather3A_342, %get3A_1133 : vector<16xf32>
        %add3A_1135 = arith.addf %add3A_1128, %mul3A_1134 : vector<16xf32>
        %get3A_1136 = arith.constant 6 : i32
        %get3A_1137 = arith.index_cast %get3A_1136 : i32 to index
        %get3A_1138 = arith.constant 48 : index
        %get3A_1139 = tpu.vector_load %arg11[%get3A_1137, %get3A_1138] {strides = array<i32>} : memref<8x128xf32, #tpu.memory_space<vmem>>, vector<1x16xf32>,
        %get3A_1140 = vector.shape_cast %get3A_1139 : vector<1x16xf32> to vector<16xf32>
        %mul3A_1141 = arith.mulf %gather3A_346, %get3A_1140 : vector<16xf32>
        %add3A_1142 = arith.addf %add3A_1135, %mul3A_1141 : vector<16xf32>
        %mul3A_1143 = arith.mulf %add3A_1142, %add3A_926 : vector<16xf32>
        %get3A_1144 = arith.constant 0 : i32
        %get3A_1145 = arith.index_cast %get3A_1144 : i32 to index
        %get3A_1146 = arith.constant 48 : index
        %get3A_1147 = tpu.vector_load %arg11[%get3A_1145, %get3A_1146] {strides = array<i32>} : memref<8x128xf32, #tpu.memory_space<vmem>>, vector<1x16xf32>,
        %get3A_1148 = vector.shape_cast %get3A_1147 : vector<1x16xf32> to vector<16xf32>
        %mul3A_1149 = arith.mulf %add3A_928, %get3A_1148 : vector<16xf32>
        %add3A_1150 = arith.addf %mul3A_1143, %mul3A_1149 : vector<16xf32>
        %get3A_1151 = arith.constant 1 : i32
        %get3A_1152 = arith.index_cast %get3A_1151 : i32 to index
        %get3A_1153 = arith.constant 48 : index
        %get3A_1154 = tpu.vector_load %arg11[%get3A_1152, %get3A_1153] {strides = array<i32>} : memref<8x128xf32, #tpu.memory_space<vmem>>, vector<1x16xf32>,
        %get3A_1155 = vector.shape_cast %get3A_1154 : vector<1x16xf32> to vector<16xf32>
        %mul3A_1156 = arith.mulf %add3A_930, %get3A_1155 : vector<16xf32>
        %add3A_1157 = arith.addf %add3A_1150, %mul3A_1156 : vector<16xf32>
        %get3A_1158 = arith.constant 2 : i32
        %get3A_1159 = arith.index_cast %get3A_1158 : i32 to index
        %get3A_1160 = arith.constant 48 : index
        %get3A_1161 = tpu.vector_load %arg11[%get3A_1159, %get3A_1160] {strides = array<i32>} : memref<8x128xf32, #tpu.memory_space<vmem>>, vector<1x16xf32>,
        %get3A_1162 = vector.shape_cast %get3A_1161 : vector<1x16xf32> to vector<16xf32>
        %mul3A_1163 = arith.mulf %add3A_932, %get3A_1162 : vector<16xf32>
        %add3A_1164 = arith.addf %add3A_1157, %mul3A_1163 : vector<16xf32>
        %get3A_1165 = arith.constant 3 : i32
        %get3A_1166 = arith.index_cast %get3A_1165 : i32 to index
        %get3A_1167 = arith.constant 48 : index
        %get3A_1168 = tpu.vector_load %arg11[%get3A_1166, %get3A_1167] {strides = array<i32>} : memref<8x128xf32, #tpu.memory_space<vmem>>, vector<1x16xf32>,
        %get3A_1169 = vector.shape_cast %get3A_1168 : vector<1x16xf32> to vector<16xf32>
        %mul3A_1170 = arith.mulf %add3A_934, %get3A_1169 : vector<16xf32>
        %add3A_1171 = arith.addf %add3A_1164, %mul3A_1170 : vector<16xf32>
        %swap3A_1172 = arith.index_cast %rem3A_188 : i32 to index
        %swap3A_1173 = arith.index_cast %scan3A_321 : i32 to index
        %swap3A_1174 = arith.constant 48 : index
        %swap3A_1175 = tpu.vector_load %arg10[%swap3A_1172, %swap3A_1173, %swap3A_1174] {strides = array<i32>} : memref<2x16x128xf32, #tpu.memory_space<vmem>>, vector<1x1x16xf32>,
        %swap3A_1176 = vector.shape_cast %swap3A_1175 : vector<1x1x16xf32> to vector<16xf32>
        %swap3A_1177 = vector.shape_cast %add3A_1171 : vector<16xf32> to vector<1x1x16xf32>
        tpu.vector_store %arg10[%swap3A_1172, %swap3A_1173, %swap3A_1174], %swap3A_1177 {strides = array<i32>} : memref<2x16x128xf32, #tpu.memory_space<vmem>>, vector<1x1x16xf32>,
        %broadcast_in_dim3A_1178 = arith.constant 0 : i32
        %broadcast_in_dim3A_1179 = vector.broadcast %broadcast_in_dim3A_1178 : i32 to vector<16x1xi32>
        %gather3A_1180 = vector.shape_cast %broadcast_in_dim3A_1179 : vector<16x1xi32> to vector<16xi32>
        %gather3A_1181 = tpu.dynamic_gather %get3A_326[%gather3A_1180] in [0] : vector<16xf32>, vector<16xi32> -> vector<16xf32>
        %broadcast_in_dim3A_1182 = arith.constant 1 : i32
        %broadcast_in_dim3A_1183 = vector.broadcast %broadcast_in_dim3A_1182 : i32 to vector<16x1xi32>
        %gather3A_1184 = vector.shape_cast %broadcast_in_dim3A_1183 : vector<16x1xi32> to vector<16xi32>
        %gather3A_1185 = tpu.dynamic_gather %get3A_326[%gather3A_1184] in [0] : vector<16xf32>, vector<16xi32> -> vector<16xf32>
        %broadcast_in_dim3A_1186 = arith.constant 2 : i32
        %broadcast_in_dim3A_1187 = vector.broadcast %broadcast_in_dim3A_1186 : i32 to vector<16x1xi32>
        %gather3A_1188 = vector.shape_cast %broadcast_in_dim3A_1187 : vector<16x1xi32> to vector<16xi32>
        %gather3A_1189 = tpu.dynamic_gather %get3A_326[%gather3A_1188] in [0] : vector<16xf32>, vector<16xi32> -> vector<16xf32>
        %broadcast_in_dim3A_1190 = arith.constant 3 : i32
        %broadcast_in_dim3A_1191 = vector.broadcast %broadcast_in_dim3A_1190 : i32 to vector<16x1xi32>
        %gather3A_1192 = vector.shape_cast %broadcast_in_dim3A_1191 : vector<16x1xi32> to vector<16xi32>
        %gather3A_1193 = tpu.dynamic_gather %get3A_326[%gather3A_1192] in [0] : vector<16xf32>, vector<16xi32> -> vector<16xf32>
        %mul3A_1194 = arith.constant 8 : i32
        %mul3A_1195 = arith.muli %scan3A_321, %mul3A_1194 : i32
        %add3A_1196 = arith.constant 0 : i32
        %add3A_1197 = arith.addi %mul3A_1195, %add3A_1196 : i32
        %get3A_1198 = arith.index_cast %rem3A_188 : i32 to index
        %get3A_1199 = arith.index_cast %add3A_1197 : i32 to index
        %get3A_1200 = arith.constant 64 : index
        %get3A_1201 = tpu.vector_load %arg8[%get3A_1198, %get3A_1199, %get3A_1200] {strides = array<i32>} : memref<2x128x128xf32, #tpu.memory_space<vmem>>, vector<1x1x16xf32>,
        %get3A_1202 = vector.shape_cast %get3A_1201 : vector<1x1x16xf32> to vector<16xf32>
        %mul3A_1203 = arith.mulf %gather3A_1181, %get3A_1202 : vector<16xf32>
        %mul3A_1204 = arith.mulf %gather3A_1185, %get3A_1202 : vector<16xf32>
        %mul3A_1205 = arith.mulf %gather3A_1189, %get3A_1202 : vector<16xf32>
        %mul3A_1206 = arith.mulf %gather3A_1193, %get3A_1202 : vector<16xf32>
        %get3A_1207 = arith.index_cast %rem3A_188 : i32 to index
        %get3A_1208 = arith.index_cast %add3A_1197 : i32 to index
        %get3A_1209 = arith.constant 80 : index
        %get3A_1210 = tpu.vector_load %arg8[%get3A_1207, %get3A_1208, %get3A_1209] {strides = array<i32>} : memref<2x128x128xf32, #tpu.memory_space<vmem>>, vector<1x1x16xf32>,
        %get3A_1211 = vector.shape_cast %get3A_1210 : vector<1x1x16xf32> to vector<16xf32>
        %mul3A_1212 = arith.mulf %gather3A_1181, %get3A_1211 : vector<16xf32>
        %mul3A_1213 = arith.mulf %gather3A_1185, %get3A_1211 : vector<16xf32>
        %mul3A_1214 = arith.mulf %gather3A_1189, %get3A_1211 : vector<16xf32>
        %mul3A_1215 = arith.mulf %gather3A_1193, %get3A_1211 : vector<16xf32>
        %get3A_1216 = arith.index_cast %rem3A_188 : i32 to index
        %get3A_1217 = arith.index_cast %add3A_1197 : i32 to index
        %get3A_1218 = arith.constant 96 : index
        %get3A_1219 = tpu.vector_load %arg8[%get3A_1216, %get3A_1217, %get3A_1218] {strides = array<i32>} : memref<2x128x128xf32, #tpu.memory_space<vmem>>, vector<1x1x16xf32>,
        %get3A_1220 = vector.shape_cast %get3A_1219 : vector<1x1x16xf32> to vector<16xf32>
        %mul3A_1221 = arith.mulf %gather3A_1181, %get3A_1220 : vector<16xf32>
        %mul3A_1222 = arith.mulf %gather3A_1185, %get3A_1220 : vector<16xf32>
        %mul3A_1223 = arith.mulf %gather3A_1189, %get3A_1220 : vector<16xf32>
        %mul3A_1224 = arith.mulf %gather3A_1193, %get3A_1220 : vector<16xf32>
        %get3A_1225 = arith.index_cast %rem3A_188 : i32 to index
        %get3A_1226 = arith.index_cast %add3A_1197 : i32 to index
        %get3A_1227 = arith.constant 112 : index
        %get3A_1228 = tpu.vector_load %arg8[%get3A_1225, %get3A_1226, %get3A_1227] {strides = array<i32>} : memref<2x128x128xf32, #tpu.memory_space<vmem>>, vector<1x1x16xf32>,
        %get3A_1229 = vector.shape_cast %get3A_1228 : vector<1x1x16xf32> to vector<16xf32>
        %mul3A_1230 = arith.mulf %gather3A_1181, %get3A_1229 : vector<16xf32>
        %mul3A_1231 = arith.mulf %gather3A_1185, %get3A_1229 : vector<16xf32>
        %mul3A_1232 = arith.mulf %gather3A_1189, %get3A_1229 : vector<16xf32>
        %mul3A_1233 = arith.mulf %gather3A_1193, %get3A_1229 : vector<16xf32>
        %broadcast_in_dim3A_1234 = arith.constant 4 : i32
        %broadcast_in_dim3A_1235 = vector.broadcast %broadcast_in_dim3A_1234 : i32 to vector<16x1xi32>
        %gather3A_1236 = vector.shape_cast %broadcast_in_dim3A_1235 : vector<16x1xi32> to vector<16xi32>
        %gather3A_1237 = tpu.dynamic_gather %get3A_326[%gather3A_1236] in [0] : vector<16xf32>, vector<16xi32> -> vector<16xf32>
        %broadcast_in_dim3A_1238 = arith.constant 5 : i32
        %broadcast_in_dim3A_1239 = vector.broadcast %broadcast_in_dim3A_1238 : i32 to vector<16x1xi32>
        %gather3A_1240 = vector.shape_cast %broadcast_in_dim3A_1239 : vector<16x1xi32> to vector<16xi32>
        %gather3A_1241 = tpu.dynamic_gather %get3A_326[%gather3A_1240] in [0] : vector<16xf32>, vector<16xi32> -> vector<16xf32>
        %broadcast_in_dim3A_1242 = arith.constant 6 : i32
        %broadcast_in_dim3A_1243 = vector.broadcast %broadcast_in_dim3A_1242 : i32 to vector<16x1xi32>
        %gather3A_1244 = vector.shape_cast %broadcast_in_dim3A_1243 : vector<16x1xi32> to vector<16xi32>
        %gather3A_1245 = tpu.dynamic_gather %get3A_326[%gather3A_1244] in [0] : vector<16xf32>, vector<16xi32> -> vector<16xf32>
        %broadcast_in_dim3A_1246 = arith.constant 7 : i32
        %broadcast_in_dim3A_1247 = vector.broadcast %broadcast_in_dim3A_1246 : i32 to vector<16x1xi32>
        %gather3A_1248 = vector.shape_cast %broadcast_in_dim3A_1247 : vector<16x1xi32> to vector<16xi32>
        %gather3A_1249 = tpu.dynamic_gather %get3A_326[%gather3A_1248] in [0] : vector<16xf32>, vector<16xi32> -> vector<16xf32>
        %mul3A_1250 = arith.constant 8 : i32
        %mul3A_1251 = arith.muli %scan3A_321, %mul3A_1250 : i32
        %add3A_1252 = arith.constant 1 : i32
        %add3A_1253 = arith.addi %mul3A_1251, %add3A_1252 : i32
        %get3A_1254 = arith.index_cast %rem3A_188 : i32 to index
        %get3A_1255 = arith.index_cast %add3A_1253 : i32 to index
        %get3A_1256 = arith.constant 64 : index
        %get3A_1257 = tpu.vector_load %arg8[%get3A_1254, %get3A_1255, %get3A_1256] {strides = array<i32>} : memref<2x128x128xf32, #tpu.memory_space<vmem>>, vector<1x1x16xf32>,
        %get3A_1258 = vector.shape_cast %get3A_1257 : vector<1x1x16xf32> to vector<16xf32>
        %add3A_1259 = arith.addf %get3A_1202, %get3A_1258 : vector<16xf32>
        %mul3A_1260 = arith.mulf %gather3A_1237, %get3A_1258 : vector<16xf32>
        %add3A_1261 = arith.addf %mul3A_1203, %mul3A_1260 : vector<16xf32>
        %mul3A_1262 = arith.mulf %gather3A_1241, %get3A_1258 : vector<16xf32>
        %add3A_1263 = arith.addf %mul3A_1204, %mul3A_1262 : vector<16xf32>
        %mul3A_1264 = arith.mulf %gather3A_1245, %get3A_1258 : vector<16xf32>
        %add3A_1265 = arith.addf %mul3A_1205, %mul3A_1264 : vector<16xf32>
        %mul3A_1266 = arith.mulf %gather3A_1249, %get3A_1258 : vector<16xf32>
        %add3A_1267 = arith.addf %mul3A_1206, %mul3A_1266 : vector<16xf32>
        %get3A_1268 = arith.index_cast %rem3A_188 : i32 to index
        %get3A_1269 = arith.index_cast %add3A_1253 : i32 to index
        %get3A_1270 = arith.constant 80 : index
        %get3A_1271 = tpu.vector_load %arg8[%get3A_1268, %get3A_1269, %get3A_1270] {strides = array<i32>} : memref<2x128x128xf32, #tpu.memory_space<vmem>>, vector<1x1x16xf32>,
        %get3A_1272 = vector.shape_cast %get3A_1271 : vector<1x1x16xf32> to vector<16xf32>
        %add3A_1273 = arith.addf %get3A_1211, %get3A_1272 : vector<16xf32>
        %mul3A_1274 = arith.mulf %gather3A_1237, %get3A_1272 : vector<16xf32>
        %add3A_1275 = arith.addf %mul3A_1212, %mul3A_1274 : vector<16xf32>
        %mul3A_1276 = arith.mulf %gather3A_1241, %get3A_1272 : vector<16xf32>
        %add3A_1277 = arith.addf %mul3A_1213, %mul3A_1276 : vector<16xf32>
        %mul3A_1278 = arith.mulf %gather3A_1245, %get3A_1272 : vector<16xf32>
        %add3A_1279 = arith.addf %mul3A_1214, %mul3A_1278 : vector<16xf32>
        %mul3A_1280 = arith.mulf %gather3A_1249, %get3A_1272 : vector<16xf32>
        %add3A_1281 = arith.addf %mul3A_1215, %mul3A_1280 : vector<16xf32>
        %get3A_1282 = arith.index_cast %rem3A_188 : i32 to index
        %get3A_1283 = arith.index_cast %add3A_1253 : i32 to index
        %get3A_1284 = arith.constant 96 : index
        %get3A_1285 = tpu.vector_load %arg8[%get3A_1282, %get3A_1283, %get3A_1284] {strides = array<i32>} : memref<2x128x128xf32, #tpu.memory_space<vmem>>, vector<1x1x16xf32>,
        %get3A_1286 = vector.shape_cast %get3A_1285 : vector<1x1x16xf32> to vector<16xf32>
        %add3A_1287 = arith.addf %get3A_1220, %get3A_1286 : vector<16xf32>
        %mul3A_1288 = arith.mulf %gather3A_1237, %get3A_1286 : vector<16xf32>
        %add3A_1289 = arith.addf %mul3A_1221, %mul3A_1288 : vector<16xf32>
        %mul3A_1290 = arith.mulf %gather3A_1241, %get3A_1286 : vector<16xf32>
        %add3A_1291 = arith.addf %mul3A_1222, %mul3A_1290 : vector<16xf32>
        %mul3A_1292 = arith.mulf %gather3A_1245, %get3A_1286 : vector<16xf32>
        %add3A_1293 = arith.addf %mul3A_1223, %mul3A_1292 : vector<16xf32>
        %mul3A_1294 = arith.mulf %gather3A_1249, %get3A_1286 : vector<16xf32>
        %add3A_1295 = arith.addf %mul3A_1224, %mul3A_1294 : vector<16xf32>
        %get3A_1296 = arith.index_cast %rem3A_188 : i32 to index
        %get3A_1297 = arith.index_cast %add3A_1253 : i32 to index
        %get3A_1298 = arith.constant 112 : index
        %get3A_1299 = tpu.vector_load %arg8[%get3A_1296, %get3A_1297, %get3A_1298] {strides = array<i32>} : memref<2x128x128xf32, #tpu.memory_space<vmem>>, vector<1x1x16xf32>,
        %get3A_1300 = vector.shape_cast %get3A_1299 : vector<1x1x16xf32> to vector<16xf32>
        %add3A_1301 = arith.addf %get3A_1229, %get3A_1300 : vector<16xf32>
        %mul3A_1302 = arith.mulf %gather3A_1237, %get3A_1300 : vector<16xf32>
        %add3A_1303 = arith.addf %mul3A_1230, %mul3A_1302 : vector<16xf32>
        %mul3A_1304 = arith.mulf %gather3A_1241, %get3A_1300 : vector<16xf32>
        %add3A_1305 = arith.addf %mul3A_1231, %mul3A_1304 : vector<16xf32>
        %mul3A_1306 = arith.mulf %gather3A_1245, %get3A_1300 : vector<16xf32>
        %add3A_1307 = arith.addf %mul3A_1232, %mul3A_1306 : vector<16xf32>
        %mul3A_1308 = arith.mulf %gather3A_1249, %get3A_1300 : vector<16xf32>
        %add3A_1309 = arith.addf %mul3A_1233, %mul3A_1308 : vector<16xf32>
        %broadcast_in_dim3A_1310 = arith.constant 8 : i32
        %broadcast_in_dim3A_1311 = vector.broadcast %broadcast_in_dim3A_1310 : i32 to vector<16x1xi32>
        %gather3A_1312 = vector.shape_cast %broadcast_in_dim3A_1311 : vector<16x1xi32> to vector<16xi32>
        %gather3A_1313 = tpu.dynamic_gather %get3A_326[%gather3A_1312] in [0] : vector<16xf32>, vector<16xi32> -> vector<16xf32>
        %broadcast_in_dim3A_1314 = arith.constant 9 : i32
        %broadcast_in_dim3A_1315 = vector.broadcast %broadcast_in_dim3A_1314 : i32 to vector<16x1xi32>
        %gather3A_1316 = vector.shape_cast %broadcast_in_dim3A_1315 : vector<16x1xi32> to vector<16xi32>
        %gather3A_1317 = tpu.dynamic_gather %get3A_326[%gather3A_1316] in [0] : vector<16xf32>, vector<16xi32> -> vector<16xf32>
        %broadcast_in_dim3A_1318 = arith.constant 10 : i32
        %broadcast_in_dim3A_1319 = vector.broadcast %broadcast_in_dim3A_1318 : i32 to vector<16x1xi32>
        %gather3A_1320 = vector.shape_cast %broadcast_in_dim3A_1319 : vector<16x1xi32> to vector<16xi32>
        %gather3A_1321 = tpu.dynamic_gather %get3A_326[%gather3A_1320] in [0] : vector<16xf32>, vector<16xi32> -> vector<16xf32>
        %broadcast_in_dim3A_1322 = arith.constant 11 : i32
        %broadcast_in_dim3A_1323 = vector.broadcast %broadcast_in_dim3A_1322 : i32 to vector<16x1xi32>
        %gather3A_1324 = vector.shape_cast %broadcast_in_dim3A_1323 : vector<16x1xi32> to vector<16xi32>
        %gather3A_1325 = tpu.dynamic_gather %get3A_326[%gather3A_1324] in [0] : vector<16xf32>, vector<16xi32> -> vector<16xf32>
        %mul3A_1326 = arith.constant 8 : i32
        %mul3A_1327 = arith.muli %scan3A_321, %mul3A_1326 : i32
        %add3A_1328 = arith.constant 2 : i32
        %add3A_1329 = arith.addi %mul3A_1327, %add3A_1328 : i32
        %get3A_1330 = arith.index_cast %rem3A_188 : i32 to index
        %get3A_1331 = arith.index_cast %add3A_1329 : i32 to index
        %get3A_1332 = arith.constant 64 : index
        %get3A_1333 = tpu.vector_load %arg8[%get3A_1330, %get3A_1331, %get3A_1332] {strides = array<i32>} : memref<2x128x128xf32, #tpu.memory_space<vmem>>, vector<1x1x16xf32>,
        %get3A_1334 = vector.shape_cast %get3A_1333 : vector<1x1x16xf32> to vector<16xf32>
        %add3A_1335 = arith.addf %add3A_1259, %get3A_1334 : vector<16xf32>
        %mul3A_1336 = arith.mulf %gather3A_1313, %get3A_1334 : vector<16xf32>
        %add3A_1337 = arith.addf %add3A_1261, %mul3A_1336 : vector<16xf32>
        %mul3A_1338 = arith.mulf %gather3A_1317, %get3A_1334 : vector<16xf32>
        %add3A_1339 = arith.addf %add3A_1263, %mul3A_1338 : vector<16xf32>
        %mul3A_1340 = arith.mulf %gather3A_1321, %get3A_1334 : vector<16xf32>
        %add3A_1341 = arith.addf %add3A_1265, %mul3A_1340 : vector<16xf32>
        %mul3A_1342 = arith.mulf %gather3A_1325, %get3A_1334 : vector<16xf32>
        %add3A_1343 = arith.addf %add3A_1267, %mul3A_1342 : vector<16xf32>
        %get3A_1344 = arith.index_cast %rem3A_188 : i32 to index
        %get3A_1345 = arith.index_cast %add3A_1329 : i32 to index
        %get3A_1346 = arith.constant 80 : index
        %get3A_1347 = tpu.vector_load %arg8[%get3A_1344, %get3A_1345, %get3A_1346] {strides = array<i32>} : memref<2x128x128xf32, #tpu.memory_space<vmem>>, vector<1x1x16xf32>,
        %get3A_1348 = vector.shape_cast %get3A_1347 : vector<1x1x16xf32> to vector<16xf32>
        %add3A_1349 = arith.addf %add3A_1273, %get3A_1348 : vector<16xf32>
        %mul3A_1350 = arith.mulf %gather3A_1313, %get3A_1348 : vector<16xf32>
        %add3A_1351 = arith.addf %add3A_1275, %mul3A_1350 : vector<16xf32>
        %mul3A_1352 = arith.mulf %gather3A_1317, %get3A_1348 : vector<16xf32>
        %add3A_1353 = arith.addf %add3A_1277, %mul3A_1352 : vector<16xf32>
        %mul3A_1354 = arith.mulf %gather3A_1321, %get3A_1348 : vector<16xf32>
        %add3A_1355 = arith.addf %add3A_1279, %mul3A_1354 : vector<16xf32>
        %mul3A_1356 = arith.mulf %gather3A_1325, %get3A_1348 : vector<16xf32>
        %add3A_1357 = arith.addf %add3A_1281, %mul3A_1356 : vector<16xf32>
        %get3A_1358 = arith.index_cast %rem3A_188 : i32 to index
        %get3A_1359 = arith.index_cast %add3A_1329 : i32 to index
        %get3A_1360 = arith.constant 96 : index
        %get3A_1361 = tpu.vector_load %arg8[%get3A_1358, %get3A_1359, %get3A_1360] {strides = array<i32>} : memref<2x128x128xf32, #tpu.memory_space<vmem>>, vector<1x1x16xf32>,
        %get3A_1362 = vector.shape_cast %get3A_1361 : vector<1x1x16xf32> to vector<16xf32>
        %add3A_1363 = arith.addf %add3A_1287, %get3A_1362 : vector<16xf32>
        %mul3A_1364 = arith.mulf %gather3A_1313, %get3A_1362 : vector<16xf32>
        %add3A_1365 = arith.addf %add3A_1289, %mul3A_1364 : vector<16xf32>
        %mul3A_1366 = arith.mulf %gather3A_1317, %get3A_1362 : vector<16xf32>
        %add3A_1367 = arith.addf %add3A_1291, %mul3A_1366 : vector<16xf32>
        %mul3A_1368 = arith.mulf %gather3A_1321, %get3A_1362 : vector<16xf32>
        %add3A_1369 = arith.addf %add3A_1293, %mul3A_1368 : vector<16xf32>
        %mul3A_1370 = arith.mulf %gather3A_1325, %get3A_1362 : vector<16xf32>
        %add3A_1371 = arith.addf %add3A_1295, %mul3A_1370 : vector<16xf32>
        %get3A_1372 = arith.index_cast %rem3A_188 : i32 to index
        %get3A_1373 = arith.index_cast %add3A_1329 : i32 to index
        %get3A_1374 = arith.constant 112 : index
        %get3A_1375 = tpu.vector_load %arg8[%get3A_1372, %get3A_1373, %get3A_1374] {strides = array<i32>} : memref<2x128x128xf32, #tpu.memory_space<vmem>>, vector<1x1x16xf32>,
        %get3A_1376 = vector.shape_cast %get3A_1375 : vector<1x1x16xf32> to vector<16xf32>
        %add3A_1377 = arith.addf %add3A_1301, %get3A_1376 : vector<16xf32>
        %mul3A_1378 = arith.mulf %gather3A_1313, %get3A_1376 : vector<16xf32>
        %add3A_1379 = arith.addf %add3A_1303, %mul3A_1378 : vector<16xf32>
        %mul3A_1380 = arith.mulf %gather3A_1317, %get3A_1376 : vector<16xf32>
        %add3A_1381 = arith.addf %add3A_1305, %mul3A_1380 : vector<16xf32>
        %mul3A_1382 = arith.mulf %gather3A_1321, %get3A_1376 : vector<16xf32>
        %add3A_1383 = arith.addf %add3A_1307, %mul3A_1382 : vector<16xf32>
        %mul3A_1384 = arith.mulf %gather3A_1325, %get3A_1376 : vector<16xf32>
        %add3A_1385 = arith.addf %add3A_1309, %mul3A_1384 : vector<16xf32>
        %broadcast_in_dim3A_1386 = arith.constant 12 : i32
        %broadcast_in_dim3A_1387 = vector.broadcast %broadcast_in_dim3A_1386 : i32 to vector<16x1xi32>
        %gather3A_1388 = vector.shape_cast %broadcast_in_dim3A_1387 : vector<16x1xi32> to vector<16xi32>
        %gather3A_1389 = tpu.dynamic_gather %get3A_326[%gather3A_1388] in [0] : vector<16xf32>, vector<16xi32> -> vector<16xf32>
        %broadcast_in_dim3A_1390 = arith.constant 13 : i32
        %broadcast_in_dim3A_1391 = vector.broadcast %broadcast_in_dim3A_1390 : i32 to vector<16x1xi32>
        %gather3A_1392 = vector.shape_cast %broadcast_in_dim3A_1391 : vector<16x1xi32> to vector<16xi32>
        %gather3A_1393 = tpu.dynamic_gather %get3A_326[%gather3A_1392] in [0] : vector<16xf32>, vector<16xi32> -> vector<16xf32>
        %broadcast_in_dim3A_1394 = arith.constant 14 : i32
        %broadcast_in_dim3A_1395 = vector.broadcast %broadcast_in_dim3A_1394 : i32 to vector<16x1xi32>
        %gather3A_1396 = vector.shape_cast %broadcast_in_dim3A_1395 : vector<16x1xi32> to vector<16xi32>
        %gather3A_1397 = tpu.dynamic_gather %get3A_326[%gather3A_1396] in [0] : vector<16xf32>, vector<16xi32> -> vector<16xf32>
        %broadcast_in_dim3A_1398 = arith.constant 15 : i32
        %broadcast_in_dim3A_1399 = vector.broadcast %broadcast_in_dim3A_1398 : i32 to vector<16x1xi32>
        %gather3A_1400 = vector.shape_cast %broadcast_in_dim3A_1399 : vector<16x1xi32> to vector<16xi32>
        %gather3A_1401 = tpu.dynamic_gather %get3A_326[%gather3A_1400] in [0] : vector<16xf32>, vector<16xi32> -> vector<16xf32>
        %mul3A_1402 = arith.constant 8 : i32
        %mul3A_1403 = arith.muli %scan3A_321, %mul3A_1402 : i32
        %add3A_1404 = arith.constant 3 : i32
        %add3A_1405 = arith.addi %mul3A_1403, %add3A_1404 : i32
        %get3A_1406 = arith.index_cast %rem3A_188 : i32 to index
        %get3A_1407 = arith.index_cast %add3A_1405 : i32 to index
        %get3A_1408 = arith.constant 64 : index
        %get3A_1409 = tpu.vector_load %arg8[%get3A_1406, %get3A_1407, %get3A_1408] {strides = array<i32>} : memref<2x128x128xf32, #tpu.memory_space<vmem>>, vector<1x1x16xf32>,
        %get3A_1410 = vector.shape_cast %get3A_1409 : vector<1x1x16xf32> to vector<16xf32>
        %add3A_1411 = arith.addf %add3A_1335, %get3A_1410 : vector<16xf32>
        %mul3A_1412 = arith.mulf %gather3A_1389, %get3A_1410 : vector<16xf32>
        %add3A_1413 = arith.addf %add3A_1337, %mul3A_1412 : vector<16xf32>
        %mul3A_1414 = arith.mulf %gather3A_1393, %get3A_1410 : vector<16xf32>
        %add3A_1415 = arith.addf %add3A_1339, %mul3A_1414 : vector<16xf32>
        %mul3A_1416 = arith.mulf %gather3A_1397, %get3A_1410 : vector<16xf32>
        %add3A_1417 = arith.addf %add3A_1341, %mul3A_1416 : vector<16xf32>
        %mul3A_1418 = arith.mulf %gather3A_1401, %get3A_1410 : vector<16xf32>
        %add3A_1419 = arith.addf %add3A_1343, %mul3A_1418 : vector<16xf32>
        %get3A_1420 = arith.index_cast %rem3A_188 : i32 to index
        %get3A_1421 = arith.index_cast %add3A_1405 : i32 to index
        %get3A_1422 = arith.constant 80 : index
        %get3A_1423 = tpu.vector_load %arg8[%get3A_1420, %get3A_1421, %get3A_1422] {strides = array<i32>} : memref<2x128x128xf32, #tpu.memory_space<vmem>>, vector<1x1x16xf32>,
        %get3A_1424 = vector.shape_cast %get3A_1423 : vector<1x1x16xf32> to vector<16xf32>
        %add3A_1425 = arith.addf %add3A_1349, %get3A_1424 : vector<16xf32>
        %mul3A_1426 = arith.mulf %gather3A_1389, %get3A_1424 : vector<16xf32>
        %add3A_1427 = arith.addf %add3A_1351, %mul3A_1426 : vector<16xf32>
        %mul3A_1428 = arith.mulf %gather3A_1393, %get3A_1424 : vector<16xf32>
        %add3A_1429 = arith.addf %add3A_1353, %mul3A_1428 : vector<16xf32>
        %mul3A_1430 = arith.mulf %gather3A_1397, %get3A_1424 : vector<16xf32>
        %add3A_1431 = arith.addf %add3A_1355, %mul3A_1430 : vector<16xf32>
        %mul3A_1432 = arith.mulf %gather3A_1401, %get3A_1424 : vector<16xf32>
        %add3A_1433 = arith.addf %add3A_1357, %mul3A_1432 : vector<16xf32>
        %get3A_1434 = arith.index_cast %rem3A_188 : i32 to index
        %get3A_1435 = arith.index_cast %add3A_1405 : i32 to index
        %get3A_1436 = arith.constant 96 : index
        %get3A_1437 = tpu.vector_load %arg8[%get3A_1434, %get3A_1435, %get3A_1436] {strides = array<i32>} : memref<2x128x128xf32, #tpu.memory_space<vmem>>, vector<1x1x16xf32>,
        %get3A_1438 = vector.shape_cast %get3A_1437 : vector<1x1x16xf32> to vector<16xf32>
        %add3A_1439 = arith.addf %add3A_1363, %get3A_1438 : vector<16xf32>
        %mul3A_1440 = arith.mulf %gather3A_1389, %get3A_1438 : vector<16xf32>
        %add3A_1441 = arith.addf %add3A_1365, %mul3A_1440 : vector<16xf32>
        %mul3A_1442 = arith.mulf %gather3A_1393, %get3A_1438 : vector<16xf32>
        %add3A_1443 = arith.addf %add3A_1367, %mul3A_1442 : vector<16xf32>
        %mul3A_1444 = arith.mulf %gather3A_1397, %get3A_1438 : vector<16xf32>
        %add3A_1445 = arith.addf %add3A_1369, %mul3A_1444 : vector<16xf32>
        %mul3A_1446 = arith.mulf %gather3A_1401, %get3A_1438 : vector<16xf32>
        %add3A_1447 = arith.addf %add3A_1371, %mul3A_1446 : vector<16xf32>
        %get3A_1448 = arith.index_cast %rem3A_188 : i32 to index
        %get3A_1449 = arith.index_cast %add3A_1405 : i32 to index
        %get3A_1450 = arith.constant 112 : index
        %get3A_1451 = tpu.vector_load %arg8[%get3A_1448, %get3A_1449, %get3A_1450] {strides = array<i32>} : memref<2x128x128xf32, #tpu.memory_space<vmem>>, vector<1x1x16xf32>,
        %get3A_1452 = vector.shape_cast %get3A_1451 : vector<1x1x16xf32> to vector<16xf32>
        %add3A_1453 = arith.addf %add3A_1377, %get3A_1452 : vector<16xf32>
        %mul3A_1454 = arith.mulf %gather3A_1389, %get3A_1452 : vector<16xf32>
        %add3A_1455 = arith.addf %add3A_1379, %mul3A_1454 : vector<16xf32>
        %mul3A_1456 = arith.mulf %gather3A_1393, %get3A_1452 : vector<16xf32>
        %add3A_1457 = arith.addf %add3A_1381, %mul3A_1456 : vector<16xf32>
        %mul3A_1458 = arith.mulf %gather3A_1397, %get3A_1452 : vector<16xf32>
        %add3A_1459 = arith.addf %add3A_1383, %mul3A_1458 : vector<16xf32>
        %mul3A_1460 = arith.mulf %gather3A_1401, %get3A_1452 : vector<16xf32>
        %add3A_1461 = arith.addf %add3A_1385, %mul3A_1460 : vector<16xf32>
        %broadcast_in_dim3A_1462 = arith.constant 0 : i32
        %broadcast_in_dim3A_1463 = vector.broadcast %broadcast_in_dim3A_1462 : i32 to vector<16x1xi32>
        %gather3A_1464 = vector.shape_cast %broadcast_in_dim3A_1463 : vector<16x1xi32> to vector<16xi32>
        %gather3A_1465 = tpu.dynamic_gather %get3A_331[%gather3A_1464] in [0] : vector<16xf32>, vector<16xi32> -> vector<16xf32>
        %broadcast_in_dim3A_1466 = arith.constant 1 : i32
        %broadcast_in_dim3A_1467 = vector.broadcast %broadcast_in_dim3A_1466 : i32 to vector<16x1xi32>
        %gather3A_1468 = vector.shape_cast %broadcast_in_dim3A_1467 : vector<16x1xi32> to vector<16xi32>
        %gather3A_1469 = tpu.dynamic_gather %get3A_331[%gather3A_1468] in [0] : vector<16xf32>, vector<16xi32> -> vector<16xf32>
        %broadcast_in_dim3A_1470 = arith.constant 2 : i32
        %broadcast_in_dim3A_1471 = vector.broadcast %broadcast_in_dim3A_1470 : i32 to vector<16x1xi32>
        %gather3A_1472 = vector.shape_cast %broadcast_in_dim3A_1471 : vector<16x1xi32> to vector<16xi32>
        %gather3A_1473 = tpu.dynamic_gather %get3A_331[%gather3A_1472] in [0] : vector<16xf32>, vector<16xi32> -> vector<16xf32>
        %broadcast_in_dim3A_1474 = arith.constant 3 : i32
        %broadcast_in_dim3A_1475 = vector.broadcast %broadcast_in_dim3A_1474 : i32 to vector<16x1xi32>
        %gather3A_1476 = vector.shape_cast %broadcast_in_dim3A_1475 : vector<16x1xi32> to vector<16xi32>
        %gather3A_1477 = tpu.dynamic_gather %get3A_331[%gather3A_1476] in [0] : vector<16xf32>, vector<16xi32> -> vector<16xf32>
        %mul3A_1478 = arith.constant 8 : i32
        %mul3A_1479 = arith.muli %scan3A_321, %mul3A_1478 : i32
        %add3A_1480 = arith.constant 4 : i32
        %add3A_1481 = arith.addi %mul3A_1479, %add3A_1480 : i32
        %get3A_1482 = arith.index_cast %rem3A_188 : i32 to index
        %get3A_1483 = arith.index_cast %add3A_1481 : i32 to index
        %get3A_1484 = arith.constant 64 : index
        %get3A_1485 = tpu.vector_load %arg8[%get3A_1482, %get3A_1483, %get3A_1484] {strides = array<i32>} : memref<2x128x128xf32, #tpu.memory_space<vmem>>, vector<1x1x16xf32>,
        %get3A_1486 = vector.shape_cast %get3A_1485 : vector<1x1x16xf32> to vector<16xf32>
        %add3A_1487 = arith.addf %add3A_1411, %get3A_1486 : vector<16xf32>
        %mul3A_1488 = arith.mulf %gather3A_1465, %get3A_1486 : vector<16xf32>
        %add3A_1489 = arith.addf %add3A_1413, %mul3A_1488 : vector<16xf32>
        %mul3A_1490 = arith.mulf %gather3A_1469, %get3A_1486 : vector<16xf32>
        %add3A_1491 = arith.addf %add3A_1415, %mul3A_1490 : vector<16xf32>
        %mul3A_1492 = arith.mulf %gather3A_1473, %get3A_1486 : vector<16xf32>
        %add3A_1493 = arith.addf %add3A_1417, %mul3A_1492 : vector<16xf32>
        %mul3A_1494 = arith.mulf %gather3A_1477, %get3A_1486 : vector<16xf32>
        %add3A_1495 = arith.addf %add3A_1419, %mul3A_1494 : vector<16xf32>
        %get3A_1496 = arith.index_cast %rem3A_188 : i32 to index
        %get3A_1497 = arith.index_cast %add3A_1481 : i32 to index
        %get3A_1498 = arith.constant 80 : index
        %get3A_1499 = tpu.vector_load %arg8[%get3A_1496, %get3A_1497, %get3A_1498] {strides = array<i32>} : memref<2x128x128xf32, #tpu.memory_space<vmem>>, vector<1x1x16xf32>,
        %get3A_1500 = vector.shape_cast %get3A_1499 : vector<1x1x16xf32> to vector<16xf32>
        %add3A_1501 = arith.addf %add3A_1425, %get3A_1500 : vector<16xf32>
        %mul3A_1502 = arith.mulf %gather3A_1465, %get3A_1500 : vector<16xf32>
        %add3A_1503 = arith.addf %add3A_1427, %mul3A_1502 : vector<16xf32>
        %mul3A_1504 = arith.mulf %gather3A_1469, %get3A_1500 : vector<16xf32>
        %add3A_1505 = arith.addf %add3A_1429, %mul3A_1504 : vector<16xf32>
        %mul3A_1506 = arith.mulf %gather3A_1473, %get3A_1500 : vector<16xf32>
        %add3A_1507 = arith.addf %add3A_1431, %mul3A_1506 : vector<16xf32>
        %mul3A_1508 = arith.mulf %gather3A_1477, %get3A_1500 : vector<16xf32>
        %add3A_1509 = arith.addf %add3A_1433, %mul3A_1508 : vector<16xf32>
        %get3A_1510 = arith.index_cast %rem3A_188 : i32 to index
        %get3A_1511 = arith.index_cast %add3A_1481 : i32 to index
        %get3A_1512 = arith.constant 96 : index
        %get3A_1513 = tpu.vector_load %arg8[%get3A_1510, %get3A_1511, %get3A_1512] {strides = array<i32>} : memref<2x128x128xf32, #tpu.memory_space<vmem>>, vector<1x1x16xf32>,
        %get3A_1514 = vector.shape_cast %get3A_1513 : vector<1x1x16xf32> to vector<16xf32>
        %add3A_1515 = arith.addf %add3A_1439, %get3A_1514 : vector<16xf32>
        %mul3A_1516 = arith.mulf %gather3A_1465, %get3A_1514 : vector<16xf32>
        %add3A_1517 = arith.addf %add3A_1441, %mul3A_1516 : vector<16xf32>
        %mul3A_1518 = arith.mulf %gather3A_1469, %get3A_1514 : vector<16xf32>
        %add3A_1519 = arith.addf %add3A_1443, %mul3A_1518 : vector<16xf32>
        %mul3A_1520 = arith.mulf %gather3A_1473, %get3A_1514 : vector<16xf32>
        %add3A_1521 = arith.addf %add3A_1445, %mul3A_1520 : vector<16xf32>
        %mul3A_1522 = arith.mulf %gather3A_1477, %get3A_1514 : vector<16xf32>
        %add3A_1523 = arith.addf %add3A_1447, %mul3A_1522 : vector<16xf32>
        %get3A_1524 = arith.index_cast %rem3A_188 : i32 to index
        %get3A_1525 = arith.index_cast %add3A_1481 : i32 to index
        %get3A_1526 = arith.constant 112 : index
        %get3A_1527 = tpu.vector_load %arg8[%get3A_1524, %get3A_1525, %get3A_1526] {strides = array<i32>} : memref<2x128x128xf32, #tpu.memory_space<vmem>>, vector<1x1x16xf32>,
        %get3A_1528 = vector.shape_cast %get3A_1527 : vector<1x1x16xf32> to vector<16xf32>
        %add3A_1529 = arith.addf %add3A_1453, %get3A_1528 : vector<16xf32>
        %mul3A_1530 = arith.mulf %gather3A_1465, %get3A_1528 : vector<16xf32>
        %add3A_1531 = arith.addf %add3A_1455, %mul3A_1530 : vector<16xf32>
        %mul3A_1532 = arith.mulf %gather3A_1469, %get3A_1528 : vector<16xf32>
        %add3A_1533 = arith.addf %add3A_1457, %mul3A_1532 : vector<16xf32>
        %mul3A_1534 = arith.mulf %gather3A_1473, %get3A_1528 : vector<16xf32>
        %add3A_1535 = arith.addf %add3A_1459, %mul3A_1534 : vector<16xf32>
        %mul3A_1536 = arith.mulf %gather3A_1477, %get3A_1528 : vector<16xf32>
        %add3A_1537 = arith.addf %add3A_1461, %mul3A_1536 : vector<16xf32>
        %broadcast_in_dim3A_1538 = arith.constant 4 : i32
        %broadcast_in_dim3A_1539 = vector.broadcast %broadcast_in_dim3A_1538 : i32 to vector<16x1xi32>
        %gather3A_1540 = vector.shape_cast %broadcast_in_dim3A_1539 : vector<16x1xi32> to vector<16xi32>
        %gather3A_1541 = tpu.dynamic_gather %get3A_331[%gather3A_1540] in [0] : vector<16xf32>, vector<16xi32> -> vector<16xf32>
        %broadcast_in_dim3A_1542 = arith.constant 5 : i32
        %broadcast_in_dim3A_1543 = vector.broadcast %broadcast_in_dim3A_1542 : i32 to vector<16x1xi32>
        %gather3A_1544 = vector.shape_cast %broadcast_in_dim3A_1543 : vector<16x1xi32> to vector<16xi32>
        %gather3A_1545 = tpu.dynamic_gather %get3A_331[%gather3A_1544] in [0] : vector<16xf32>, vector<16xi32> -> vector<16xf32>
        %broadcast_in_dim3A_1546 = arith.constant 6 : i32
        %broadcast_in_dim3A_1547 = vector.broadcast %broadcast_in_dim3A_1546 : i32 to vector<16x1xi32>
        %gather3A_1548 = vector.shape_cast %broadcast_in_dim3A_1547 : vector<16x1xi32> to vector<16xi32>
        %gather3A_1549 = tpu.dynamic_gather %get3A_331[%gather3A_1548] in [0] : vector<16xf32>, vector<16xi32> -> vector<16xf32>
        %broadcast_in_dim3A_1550 = arith.constant 7 : i32
        %broadcast_in_dim3A_1551 = vector.broadcast %broadcast_in_dim3A_1550 : i32 to vector<16x1xi32>
        %gather3A_1552 = vector.shape_cast %broadcast_in_dim3A_1551 : vector<16x1xi32> to vector<16xi32>
        %gather3A_1553 = tpu.dynamic_gather %get3A_331[%gather3A_1552] in [0] : vector<16xf32>, vector<16xi32> -> vector<16xf32>
        %mul3A_1554 = arith.constant 8 : i32
        %mul3A_1555 = arith.muli %scan3A_321, %mul3A_1554 : i32
        %add3A_1556 = arith.constant 5 : i32
        %add3A_1557 = arith.addi %mul3A_1555, %add3A_1556 : i32
        %get3A_1558 = arith.index_cast %rem3A_188 : i32 to index
        %get3A_1559 = arith.index_cast %add3A_1557 : i32 to index
        %get3A_1560 = arith.constant 64 : index
        %get3A_1561 = tpu.vector_load %arg8[%get3A_1558, %get3A_1559, %get3A_1560] {strides = array<i32>} : memref<2x128x128xf32, #tpu.memory_space<vmem>>, vector<1x1x16xf32>,
        %get3A_1562 = vector.shape_cast %get3A_1561 : vector<1x1x16xf32> to vector<16xf32>
        %add3A_1563 = arith.addf %add3A_1487, %get3A_1562 : vector<16xf32>
        %mul3A_1564 = arith.mulf %gather3A_1541, %get3A_1562 : vector<16xf32>
        %add3A_1565 = arith.addf %add3A_1489, %mul3A_1564 : vector<16xf32>
        %mul3A_1566 = arith.mulf %gather3A_1545, %get3A_1562 : vector<16xf32>
        %add3A_1567 = arith.addf %add3A_1491, %mul3A_1566 : vector<16xf32>
        %mul3A_1568 = arith.mulf %gather3A_1549, %get3A_1562 : vector<16xf32>
        %add3A_1569 = arith.addf %add3A_1493, %mul3A_1568 : vector<16xf32>
        %mul3A_1570 = arith.mulf %gather3A_1553, %get3A_1562 : vector<16xf32>
        %add3A_1571 = arith.addf %add3A_1495, %mul3A_1570 : vector<16xf32>
        %get3A_1572 = arith.index_cast %rem3A_188 : i32 to index
        %get3A_1573 = arith.index_cast %add3A_1557 : i32 to index
        %get3A_1574 = arith.constant 80 : index
        %get3A_1575 = tpu.vector_load %arg8[%get3A_1572, %get3A_1573, %get3A_1574] {strides = array<i32>} : memref<2x128x128xf32, #tpu.memory_space<vmem>>, vector<1x1x16xf32>,
        %get3A_1576 = vector.shape_cast %get3A_1575 : vector<1x1x16xf32> to vector<16xf32>
        %add3A_1577 = arith.addf %add3A_1501, %get3A_1576 : vector<16xf32>
        %mul3A_1578 = arith.mulf %gather3A_1541, %get3A_1576 : vector<16xf32>
        %add3A_1579 = arith.addf %add3A_1503, %mul3A_1578 : vector<16xf32>
        %mul3A_1580 = arith.mulf %gather3A_1545, %get3A_1576 : vector<16xf32>
        %add3A_1581 = arith.addf %add3A_1505, %mul3A_1580 : vector<16xf32>
        %mul3A_1582 = arith.mulf %gather3A_1549, %get3A_1576 : vector<16xf32>
        %add3A_1583 = arith.addf %add3A_1507, %mul3A_1582 : vector<16xf32>
        %mul3A_1584 = arith.mulf %gather3A_1553, %get3A_1576 : vector<16xf32>
        %add3A_1585 = arith.addf %add3A_1509, %mul3A_1584 : vector<16xf32>
        %get3A_1586 = arith.index_cast %rem3A_188 : i32 to index
        %get3A_1587 = arith.index_cast %add3A_1557 : i32 to index
        %get3A_1588 = arith.constant 96 : index
        %get3A_1589 = tpu.vector_load %arg8[%get3A_1586, %get3A_1587, %get3A_1588] {strides = array<i32>} : memref<2x128x128xf32, #tpu.memory_space<vmem>>, vector<1x1x16xf32>,
        %get3A_1590 = vector.shape_cast %get3A_1589 : vector<1x1x16xf32> to vector<16xf32>
        %add3A_1591 = arith.addf %add3A_1515, %get3A_1590 : vector<16xf32>
        %mul3A_1592 = arith.mulf %gather3A_1541, %get3A_1590 : vector<16xf32>
        %add3A_1593 = arith.addf %add3A_1517, %mul3A_1592 : vector<16xf32>
        %mul3A_1594 = arith.mulf %gather3A_1545, %get3A_1590 : vector<16xf32>
        %add3A_1595 = arith.addf %add3A_1519, %mul3A_1594 : vector<16xf32>
        %mul3A_1596 = arith.mulf %gather3A_1549, %get3A_1590 : vector<16xf32>
        %add3A_1597 = arith.addf %add3A_1521, %mul3A_1596 : vector<16xf32>
        %mul3A_1598 = arith.mulf %gather3A_1553, %get3A_1590 : vector<16xf32>
        %add3A_1599 = arith.addf %add3A_1523, %mul3A_1598 : vector<16xf32>
        %get3A_1600 = arith.index_cast %rem3A_188 : i32 to index
        %get3A_1601 = arith.index_cast %add3A_1557 : i32 to index
        %get3A_1602 = arith.constant 112 : index
        %get3A_1603 = tpu.vector_load %arg8[%get3A_1600, %get3A_1601, %get3A_1602] {strides = array<i32>} : memref<2x128x128xf32, #tpu.memory_space<vmem>>, vector<1x1x16xf32>,
        %get3A_1604 = vector.shape_cast %get3A_1603 : vector<1x1x16xf32> to vector<16xf32>
        %add3A_1605 = arith.addf %add3A_1529, %get3A_1604 : vector<16xf32>
        %mul3A_1606 = arith.mulf %gather3A_1541, %get3A_1604 : vector<16xf32>
        %add3A_1607 = arith.addf %add3A_1531, %mul3A_1606 : vector<16xf32>
        %mul3A_1608 = arith.mulf %gather3A_1545, %get3A_1604 : vector<16xf32>
        %add3A_1609 = arith.addf %add3A_1533, %mul3A_1608 : vector<16xf32>
        %mul3A_1610 = arith.mulf %gather3A_1549, %get3A_1604 : vector<16xf32>
        %add3A_1611 = arith.addf %add3A_1535, %mul3A_1610 : vector<16xf32>
        %mul3A_1612 = arith.mulf %gather3A_1553, %get3A_1604 : vector<16xf32>
        %add3A_1613 = arith.addf %add3A_1537, %mul3A_1612 : vector<16xf32>
        %broadcast_in_dim3A_1614 = arith.constant 8 : i32
        %broadcast_in_dim3A_1615 = vector.broadcast %broadcast_in_dim3A_1614 : i32 to vector<16x1xi32>
        %gather3A_1616 = vector.shape_cast %broadcast_in_dim3A_1615 : vector<16x1xi32> to vector<16xi32>
        %gather3A_1617 = tpu.dynamic_gather %get3A_331[%gather3A_1616] in [0] : vector<16xf32>, vector<16xi32> -> vector<16xf32>
        %broadcast_in_dim3A_1618 = arith.constant 9 : i32
        %broadcast_in_dim3A_1619 = vector.broadcast %broadcast_in_dim3A_1618 : i32 to vector<16x1xi32>
        %gather3A_1620 = vector.shape_cast %broadcast_in_dim3A_1619 : vector<16x1xi32> to vector<16xi32>
        %gather3A_1621 = tpu.dynamic_gather %get3A_331[%gather3A_1620] in [0] : vector<16xf32>, vector<16xi32> -> vector<16xf32>
        %broadcast_in_dim3A_1622 = arith.constant 10 : i32
        %broadcast_in_dim3A_1623 = vector.broadcast %broadcast_in_dim3A_1622 : i32 to vector<16x1xi32>
        %gather3A_1624 = vector.shape_cast %broadcast_in_dim3A_1623 : vector<16x1xi32> to vector<16xi32>
        %gather3A_1625 = tpu.dynamic_gather %get3A_331[%gather3A_1624] in [0] : vector<16xf32>, vector<16xi32> -> vector<16xf32>
        %broadcast_in_dim3A_1626 = arith.constant 11 : i32
        %broadcast_in_dim3A_1627 = vector.broadcast %broadcast_in_dim3A_1626 : i32 to vector<16x1xi32>
        %gather3A_1628 = vector.shape_cast %broadcast_in_dim3A_1627 : vector<16x1xi32> to vector<16xi32>
        %gather3A_1629 = tpu.dynamic_gather %get3A_331[%gather3A_1628] in [0] : vector<16xf32>, vector<16xi32> -> vector<16xf32>
        %mul3A_1630 = arith.constant 8 : i32
        %mul3A_1631 = arith.muli %scan3A_321, %mul3A_1630 : i32
        %add3A_1632 = arith.constant 6 : i32
        %add3A_1633 = arith.addi %mul3A_1631, %add3A_1632 : i32
        %get3A_1634 = arith.index_cast %rem3A_188 : i32 to index
        %get3A_1635 = arith.index_cast %add3A_1633 : i32 to index
        %get3A_1636 = arith.constant 64 : index
        %get3A_1637 = tpu.vector_load %arg8[%get3A_1634, %get3A_1635, %get3A_1636] {strides = array<i32>} : memref<2x128x128xf32, #tpu.memory_space<vmem>>, vector<1x1x16xf32>,
        %get3A_1638 = vector.shape_cast %get3A_1637 : vector<1x1x16xf32> to vector<16xf32>
        %add3A_1639 = arith.addf %add3A_1563, %get3A_1638 : vector<16xf32>
        %mul3A_1640 = arith.mulf %gather3A_1617, %get3A_1638 : vector<16xf32>
        %add3A_1641 = arith.addf %add3A_1565, %mul3A_1640 : vector<16xf32>
        %mul3A_1642 = arith.mulf %gather3A_1621, %get3A_1638 : vector<16xf32>
        %add3A_1643 = arith.addf %add3A_1567, %mul3A_1642 : vector<16xf32>
        %mul3A_1644 = arith.mulf %gather3A_1625, %get3A_1638 : vector<16xf32>
        %add3A_1645 = arith.addf %add3A_1569, %mul3A_1644 : vector<16xf32>
        %mul3A_1646 = arith.mulf %gather3A_1629, %get3A_1638 : vector<16xf32>
        %add3A_1647 = arith.addf %add3A_1571, %mul3A_1646 : vector<16xf32>
        %get3A_1648 = arith.index_cast %rem3A_188 : i32 to index
        %get3A_1649 = arith.index_cast %add3A_1633 : i32 to index
        %get3A_1650 = arith.constant 80 : index
        %get3A_1651 = tpu.vector_load %arg8[%get3A_1648, %get3A_1649, %get3A_1650] {strides = array<i32>} : memref<2x128x128xf32, #tpu.memory_space<vmem>>, vector<1x1x16xf32>,
        %get3A_1652 = vector.shape_cast %get3A_1651 : vector<1x1x16xf32> to vector<16xf32>
        %add3A_1653 = arith.addf %add3A_1577, %get3A_1652 : vector<16xf32>
        %mul3A_1654 = arith.mulf %gather3A_1617, %get3A_1652 : vector<16xf32>
        %add3A_1655 = arith.addf %add3A_1579, %mul3A_1654 : vector<16xf32>
        %mul3A_1656 = arith.mulf %gather3A_1621, %get3A_1652 : vector<16xf32>
        %add3A_1657 = arith.addf %add3A_1581, %mul3A_1656 : vector<16xf32>
        %mul3A_1658 = arith.mulf %gather3A_1625, %get3A_1652 : vector<16xf32>
        %add3A_1659 = arith.addf %add3A_1583, %mul3A_1658 : vector<16xf32>
        %mul3A_1660 = arith.mulf %gather3A_1629, %get3A_1652 : vector<16xf32>
        %add3A_1661 = arith.addf %add3A_1585, %mul3A_1660 : vector<16xf32>
        %get3A_1662 = arith.index_cast %rem3A_188 : i32 to index
        %get3A_1663 = arith.index_cast %add3A_1633 : i32 to index
        %get3A_1664 = arith.constant 96 : index
        %get3A_1665 = tpu.vector_load %arg8[%get3A_1662, %get3A_1663, %get3A_1664] {strides = array<i32>} : memref<2x128x128xf32, #tpu.memory_space<vmem>>, vector<1x1x16xf32>,
        %get3A_1666 = vector.shape_cast %get3A_1665 : vector<1x1x16xf32> to vector<16xf32>
        %add3A_1667 = arith.addf %add3A_1591, %get3A_1666 : vector<16xf32>
        %mul3A_1668 = arith.mulf %gather3A_1617, %get3A_1666 : vector<16xf32>
        %add3A_1669 = arith.addf %add3A_1593, %mul3A_1668 : vector<16xf32>
        %mul3A_1670 = arith.mulf %gather3A_1621, %get3A_1666 : vector<16xf32>
        %add3A_1671 = arith.addf %add3A_1595, %mul3A_1670 : vector<16xf32>
        %mul3A_1672 = arith.mulf %gather3A_1625, %get3A_1666 : vector<16xf32>
        %add3A_1673 = arith.addf %add3A_1597, %mul3A_1672 : vector<16xf32>
        %mul3A_1674 = arith.mulf %gather3A_1629, %get3A_1666 : vector<16xf32>
        %add3A_1675 = arith.addf %add3A_1599, %mul3A_1674 : vector<16xf32>
        %get3A_1676 = arith.index_cast %rem3A_188 : i32 to index
        %get3A_1677 = arith.index_cast %add3A_1633 : i32 to index
        %get3A_1678 = arith.constant 112 : index
        %get3A_1679 = tpu.vector_load %arg8[%get3A_1676, %get3A_1677, %get3A_1678] {strides = array<i32>} : memref<2x128x128xf32, #tpu.memory_space<vmem>>, vector<1x1x16xf32>,
        %get3A_1680 = vector.shape_cast %get3A_1679 : vector<1x1x16xf32> to vector<16xf32>
        %add3A_1681 = arith.addf %add3A_1605, %get3A_1680 : vector<16xf32>
        %mul3A_1682 = arith.mulf %gather3A_1617, %get3A_1680 : vector<16xf32>
        %add3A_1683 = arith.addf %add3A_1607, %mul3A_1682 : vector<16xf32>
        %mul3A_1684 = arith.mulf %gather3A_1621, %get3A_1680 : vector<16xf32>
        %add3A_1685 = arith.addf %add3A_1609, %mul3A_1684 : vector<16xf32>
        %mul3A_1686 = arith.mulf %gather3A_1625, %get3A_1680 : vector<16xf32>
        %add3A_1687 = arith.addf %add3A_1611, %mul3A_1686 : vector<16xf32>
        %mul3A_1688 = arith.mulf %gather3A_1629, %get3A_1680 : vector<16xf32>
        %add3A_1689 = arith.addf %add3A_1613, %mul3A_1688 : vector<16xf32>
        %broadcast_in_dim3A_1690 = arith.constant 12 : i32
        %broadcast_in_dim3A_1691 = vector.broadcast %broadcast_in_dim3A_1690 : i32 to vector<16x1xi32>
        %gather3A_1692 = vector.shape_cast %broadcast_in_dim3A_1691 : vector<16x1xi32> to vector<16xi32>
        %gather3A_1693 = tpu.dynamic_gather %get3A_331[%gather3A_1692] in [0] : vector<16xf32>, vector<16xi32> -> vector<16xf32>
        %broadcast_in_dim3A_1694 = arith.constant 13 : i32
        %broadcast_in_dim3A_1695 = vector.broadcast %broadcast_in_dim3A_1694 : i32 to vector<16x1xi32>
        %gather3A_1696 = vector.shape_cast %broadcast_in_dim3A_1695 : vector<16x1xi32> to vector<16xi32>
        %gather3A_1697 = tpu.dynamic_gather %get3A_331[%gather3A_1696] in [0] : vector<16xf32>, vector<16xi32> -> vector<16xf32>
        %broadcast_in_dim3A_1698 = arith.constant 14 : i32
        %broadcast_in_dim3A_1699 = vector.broadcast %broadcast_in_dim3A_1698 : i32 to vector<16x1xi32>
        %gather3A_1700 = vector.shape_cast %broadcast_in_dim3A_1699 : vector<16x1xi32> to vector<16xi32>
        %gather3A_1701 = tpu.dynamic_gather %get3A_331[%gather3A_1700] in [0] : vector<16xf32>, vector<16xi32> -> vector<16xf32>
        %broadcast_in_dim3A_1702 = arith.constant 15 : i32
        %broadcast_in_dim3A_1703 = vector.broadcast %broadcast_in_dim3A_1702 : i32 to vector<16x1xi32>
        %gather3A_1704 = vector.shape_cast %broadcast_in_dim3A_1703 : vector<16x1xi32> to vector<16xi32>
        %gather3A_1705 = tpu.dynamic_gather %get3A_331[%gather3A_1704] in [0] : vector<16xf32>, vector<16xi32> -> vector<16xf32>
        %mul3A_1706 = arith.constant 8 : i32
        %mul3A_1707 = arith.muli %scan3A_321, %mul3A_1706 : i32
        %add3A_1708 = arith.constant 7 : i32
        %add3A_1709 = arith.addi %mul3A_1707, %add3A_1708 : i32
        %get3A_1710 = arith.index_cast %rem3A_188 : i32 to index
        %get3A_1711 = arith.index_cast %add3A_1709 : i32 to index
        %get3A_1712 = arith.constant 64 : index
        %get3A_1713 = tpu.vector_load %arg8[%get3A_1710, %get3A_1711, %get3A_1712] {strides = array<i32>} : memref<2x128x128xf32, #tpu.memory_space<vmem>>, vector<1x1x16xf32>,
        %get3A_1714 = vector.shape_cast %get3A_1713 : vector<1x1x16xf32> to vector<16xf32>
        %add3A_1715 = arith.addf %add3A_1639, %get3A_1714 : vector<16xf32>
        %mul3A_1716 = arith.mulf %gather3A_1693, %get3A_1714 : vector<16xf32>
        %add3A_1717 = arith.addf %add3A_1641, %mul3A_1716 : vector<16xf32>
        %mul3A_1718 = arith.mulf %gather3A_1697, %get3A_1714 : vector<16xf32>
        %add3A_1719 = arith.addf %add3A_1643, %mul3A_1718 : vector<16xf32>
        %mul3A_1720 = arith.mulf %gather3A_1701, %get3A_1714 : vector<16xf32>
        %add3A_1721 = arith.addf %add3A_1645, %mul3A_1720 : vector<16xf32>
        %mul3A_1722 = arith.mulf %gather3A_1705, %get3A_1714 : vector<16xf32>
        %add3A_1723 = arith.addf %add3A_1647, %mul3A_1722 : vector<16xf32>
        %get3A_1724 = arith.index_cast %rem3A_188 : i32 to index
        %get3A_1725 = arith.index_cast %add3A_1709 : i32 to index
        %get3A_1726 = arith.constant 80 : index
        %get3A_1727 = tpu.vector_load %arg8[%get3A_1724, %get3A_1725, %get3A_1726] {strides = array<i32>} : memref<2x128x128xf32, #tpu.memory_space<vmem>>, vector<1x1x16xf32>,
        %get3A_1728 = vector.shape_cast %get3A_1727 : vector<1x1x16xf32> to vector<16xf32>
        %add3A_1729 = arith.addf %add3A_1653, %get3A_1728 : vector<16xf32>
        %mul3A_1730 = arith.mulf %gather3A_1693, %get3A_1728 : vector<16xf32>
        %add3A_1731 = arith.addf %add3A_1655, %mul3A_1730 : vector<16xf32>
        %mul3A_1732 = arith.mulf %gather3A_1697, %get3A_1728 : vector<16xf32>
        %add3A_1733 = arith.addf %add3A_1657, %mul3A_1732 : vector<16xf32>
        %mul3A_1734 = arith.mulf %gather3A_1701, %get3A_1728 : vector<16xf32>
        %add3A_1735 = arith.addf %add3A_1659, %mul3A_1734 : vector<16xf32>
        %mul3A_1736 = arith.mulf %gather3A_1705, %get3A_1728 : vector<16xf32>
        %add3A_1737 = arith.addf %add3A_1661, %mul3A_1736 : vector<16xf32>
        %get3A_1738 = arith.index_cast %rem3A_188 : i32 to index
        %get3A_1739 = arith.index_cast %add3A_1709 : i32 to index
        %get3A_1740 = arith.constant 96 : index
        %get3A_1741 = tpu.vector_load %arg8[%get3A_1738, %get3A_1739, %get3A_1740] {strides = array<i32>} : memref<2x128x128xf32, #tpu.memory_space<vmem>>, vector<1x1x16xf32>,
        %get3A_1742 = vector.shape_cast %get3A_1741 : vector<1x1x16xf32> to vector<16xf32>
        %add3A_1743 = arith.addf %add3A_1667, %get3A_1742 : vector<16xf32>
        %mul3A_1744 = arith.mulf %gather3A_1693, %get3A_1742 : vector<16xf32>
        %add3A_1745 = arith.addf %add3A_1669, %mul3A_1744 : vector<16xf32>
        %mul3A_1746 = arith.mulf %gather3A_1697, %get3A_1742 : vector<16xf32>
        %add3A_1747 = arith.addf %add3A_1671, %mul3A_1746 : vector<16xf32>
        %mul3A_1748 = arith.mulf %gather3A_1701, %get3A_1742 : vector<16xf32>
        %add3A_1749 = arith.addf %add3A_1673, %mul3A_1748 : vector<16xf32>
        %mul3A_1750 = arith.mulf %gather3A_1705, %get3A_1742 : vector<16xf32>
        %add3A_1751 = arith.addf %add3A_1675, %mul3A_1750 : vector<16xf32>
        %get3A_1752 = arith.index_cast %rem3A_188 : i32 to index
        %get3A_1753 = arith.index_cast %add3A_1709 : i32 to index
        %get3A_1754 = arith.constant 112 : index
        %get3A_1755 = tpu.vector_load %arg8[%get3A_1752, %get3A_1753, %get3A_1754] {strides = array<i32>} : memref<2x128x128xf32, #tpu.memory_space<vmem>>, vector<1x1x16xf32>,
        %get3A_1756 = vector.shape_cast %get3A_1755 : vector<1x1x16xf32> to vector<16xf32>
        %add3A_1757 = arith.addf %add3A_1681, %get3A_1756 : vector<16xf32>
        %mul3A_1758 = arith.mulf %gather3A_1693, %get3A_1756 : vector<16xf32>
        %add3A_1759 = arith.addf %add3A_1683, %mul3A_1758 : vector<16xf32>
        %mul3A_1760 = arith.mulf %gather3A_1697, %get3A_1756 : vector<16xf32>
        %add3A_1761 = arith.addf %add3A_1685, %mul3A_1760 : vector<16xf32>
        %mul3A_1762 = arith.mulf %gather3A_1701, %get3A_1756 : vector<16xf32>
        %add3A_1763 = arith.addf %add3A_1687, %mul3A_1762 : vector<16xf32>
        %mul3A_1764 = arith.mulf %gather3A_1705, %get3A_1756 : vector<16xf32>
        %add3A_1765 = arith.addf %add3A_1689, %mul3A_1764 : vector<16xf32>
        %get3A_1766 = arith.constant 7 : i32
        %get3A_1767 = arith.index_cast %get3A_1766 : i32 to index
        %get3A_1768 = arith.constant 64 : index
        %get3A_1769 = tpu.vector_load %arg11[%get3A_1767, %get3A_1768] {strides = array<i32>} : memref<8x128xf32, #tpu.memory_space<vmem>>, vector<1x16xf32>,
        %get3A_1770 = vector.shape_cast %get3A_1769 : vector<1x16xf32> to vector<16xf32>
        %get3A_1771 = arith.constant 4 : i32
        %get3A_1772 = arith.index_cast %get3A_1771 : i32 to index
        %get3A_1773 = arith.constant 64 : index
        %get3A_1774 = tpu.vector_load %arg11[%get3A_1772, %get3A_1773] {strides = array<i32>} : memref<8x128xf32, #tpu.memory_space<vmem>>, vector<1x16xf32>,
        %get3A_1775 = vector.shape_cast %get3A_1774 : vector<1x16xf32> to vector<16xf32>
        %mul3A_1776 = arith.mulf %gather3A_338, %get3A_1775 : vector<16xf32>
        %add3A_1777 = arith.addf %get3A_1770, %mul3A_1776 : vector<16xf32>
        %get3A_1778 = arith.constant 5 : i32
        %get3A_1779 = arith.index_cast %get3A_1778 : i32 to index
        %get3A_1780 = arith.constant 64 : index
        %get3A_1781 = tpu.vector_load %arg11[%get3A_1779, %get3A_1780] {strides = array<i32>} : memref<8x128xf32, #tpu.memory_space<vmem>>, vector<1x16xf32>,
        %get3A_1782 = vector.shape_cast %get3A_1781 : vector<1x16xf32> to vector<16xf32>
        %mul3A_1783 = arith.mulf %gather3A_342, %get3A_1782 : vector<16xf32>
        %add3A_1784 = arith.addf %add3A_1777, %mul3A_1783 : vector<16xf32>
        %get3A_1785 = arith.constant 6 : i32
        %get3A_1786 = arith.index_cast %get3A_1785 : i32 to index
        %get3A_1787 = arith.constant 64 : index
        %get3A_1788 = tpu.vector_load %arg11[%get3A_1786, %get3A_1787] {strides = array<i32>} : memref<8x128xf32, #tpu.memory_space<vmem>>, vector<1x16xf32>,
        %get3A_1789 = vector.shape_cast %get3A_1788 : vector<1x16xf32> to vector<16xf32>
        %mul3A_1790 = arith.mulf %gather3A_346, %get3A_1789 : vector<16xf32>
        %add3A_1791 = arith.addf %add3A_1784, %mul3A_1790 : vector<16xf32>
        %mul3A_1792 = arith.mulf %add3A_1791, %add3A_1715 : vector<16xf32>
        %get3A_1793 = arith.constant 0 : i32
        %get3A_1794 = arith.index_cast %get3A_1793 : i32 to index
        %get3A_1795 = arith.constant 64 : index
        %get3A_1796 = tpu.vector_load %arg11[%get3A_1794, %get3A_1795] {strides = array<i32>} : memref<8x128xf32, #tpu.memory_space<vmem>>, vector<1x16xf32>,
        %get3A_1797 = vector.shape_cast %get3A_1796 : vector<1x16xf32> to vector<16xf32>
        %mul3A_1798 = arith.mulf %add3A_1717, %get3A_1797 : vector<16xf32>
        %add3A_1799 = arith.addf %mul3A_1792, %mul3A_1798 : vector<16xf32>
        %get3A_1800 = arith.constant 1 : i32
        %get3A_1801 = arith.index_cast %get3A_1800 : i32 to index
        %get3A_1802 = arith.constant 64 : index
        %get3A_1803 = tpu.vector_load %arg11[%get3A_1801, %get3A_1802] {strides = array<i32>} : memref<8x128xf32, #tpu.memory_space<vmem>>, vector<1x16xf32>,
        %get3A_1804 = vector.shape_cast %get3A_1803 : vector<1x16xf32> to vector<16xf32>
        %mul3A_1805 = arith.mulf %add3A_1719, %get3A_1804 : vector<16xf32>
        %add3A_1806 = arith.addf %add3A_1799, %mul3A_1805 : vector<16xf32>
        %get3A_1807 = arith.constant 2 : i32
        %get3A_1808 = arith.index_cast %get3A_1807 : i32 to index
        %get3A_1809 = arith.constant 64 : index
        %get3A_1810 = tpu.vector_load %arg11[%get3A_1808, %get3A_1809] {strides = array<i32>} : memref<8x128xf32, #tpu.memory_space<vmem>>, vector<1x16xf32>,
        %get3A_1811 = vector.shape_cast %get3A_1810 : vector<1x16xf32> to vector<16xf32>
        %mul3A_1812 = arith.mulf %add3A_1721, %get3A_1811 : vector<16xf32>
        %add3A_1813 = arith.addf %add3A_1806, %mul3A_1812 : vector<16xf32>
        %get3A_1814 = arith.constant 3 : i32
        %get3A_1815 = arith.index_cast %get3A_1814 : i32 to index
        %get3A_1816 = arith.constant 64 : index
        %get3A_1817 = tpu.vector_load %arg11[%get3A_1815, %get3A_1816] {strides = array<i32>} : memref<8x128xf32, #tpu.memory_space<vmem>>, vector<1x16xf32>,
        %get3A_1818 = vector.shape_cast %get3A_1817 : vector<1x16xf32> to vector<16xf32>
        %mul3A_1819 = arith.mulf %add3A_1723, %get3A_1818 : vector<16xf32>
        %add3A_1820 = arith.addf %add3A_1813, %mul3A_1819 : vector<16xf32>
        %swap3A_1821 = arith.index_cast %rem3A_188 : i32 to index
        %swap3A_1822 = arith.index_cast %scan3A_321 : i32 to index
        %swap3A_1823 = arith.constant 64 : index
        %swap3A_1824 = tpu.vector_load %arg10[%swap3A_1821, %swap3A_1822, %swap3A_1823] {strides = array<i32>} : memref<2x16x128xf32, #tpu.memory_space<vmem>>, vector<1x1x16xf32>,
        %swap3A_1825 = vector.shape_cast %swap3A_1824 : vector<1x1x16xf32> to vector<16xf32>
        %swap3A_1826 = vector.shape_cast %add3A_1820 : vector<16xf32> to vector<1x1x16xf32>
        tpu.vector_store %arg10[%swap3A_1821, %swap3A_1822, %swap3A_1823], %swap3A_1826 {strides = array<i32>} : memref<2x16x128xf32, #tpu.memory_space<vmem>>, vector<1x1x16xf32>,
        %get3A_1827 = arith.constant 7 : i32
        %get3A_1828 = arith.index_cast %get3A_1827 : i32 to index
        %get3A_1829 = arith.constant 80 : index
        %get3A_1830 = tpu.vector_load %arg11[%get3A_1828, %get3A_1829] {strides = array<i32>} : memref<8x128xf32, #tpu.memory_space<vmem>>, vector<1x16xf32>,
        %get3A_1831 = vector.shape_cast %get3A_1830 : vector<1x16xf32> to vector<16xf32>
        %get3A_1832 = arith.constant 4 : i32
        %get3A_1833 = arith.index_cast %get3A_1832 : i32 to index
        %get3A_1834 = arith.constant 80 : index
        %get3A_1835 = tpu.vector_load %arg11[%get3A_1833, %get3A_1834] {strides = array<i32>} : memref<8x128xf32, #tpu.memory_space<vmem>>, vector<1x16xf32>,
        %get3A_1836 = vector.shape_cast %get3A_1835 : vector<1x16xf32> to vector<16xf32>
        %mul3A_1837 = arith.mulf %gather3A_338, %get3A_1836 : vector<16xf32>
        %add3A_1838 = arith.addf %get3A_1831, %mul3A_1837 : vector<16xf32>
        %get3A_1839 = arith.constant 5 : i32
        %get3A_1840 = arith.index_cast %get3A_1839 : i32 to index
        %get3A_1841 = arith.constant 80 : index
        %get3A_1842 = tpu.vector_load %arg11[%get3A_1840, %get3A_1841] {strides = array<i32>} : memref<8x128xf32, #tpu.memory_space<vmem>>, vector<1x16xf32>,
        %get3A_1843 = vector.shape_cast %get3A_1842 : vector<1x16xf32> to vector<16xf32>
        %mul3A_1844 = arith.mulf %gather3A_342, %get3A_1843 : vector<16xf32>
        %add3A_1845 = arith.addf %add3A_1838, %mul3A_1844 : vector<16xf32>
        %get3A_1846 = arith.constant 6 : i32
        %get3A_1847 = arith.index_cast %get3A_1846 : i32 to index
        %get3A_1848 = arith.constant 80 : index
        %get3A_1849 = tpu.vector_load %arg11[%get3A_1847, %get3A_1848] {strides = array<i32>} : memref<8x128xf32, #tpu.memory_space<vmem>>, vector<1x16xf32>,
        %get3A_1850 = vector.shape_cast %get3A_1849 : vector<1x16xf32> to vector<16xf32>
        %mul3A_1851 = arith.mulf %gather3A_346, %get3A_1850 : vector<16xf32>
        %add3A_1852 = arith.addf %add3A_1845, %mul3A_1851 : vector<16xf32>
        %mul3A_1853 = arith.mulf %add3A_1852, %add3A_1729 : vector<16xf32>
        %get3A_1854 = arith.constant 0 : i32
        %get3A_1855 = arith.index_cast %get3A_1854 : i32 to index
        %get3A_1856 = arith.constant 80 : index
        %get3A_1857 = tpu.vector_load %arg11[%get3A_1855, %get3A_1856] {strides = array<i32>} : memref<8x128xf32, #tpu.memory_space<vmem>>, vector<1x16xf32>,
        %get3A_1858 = vector.shape_cast %get3A_1857 : vector<1x16xf32> to vector<16xf32>
        %mul3A_1859 = arith.mulf %add3A_1731, %get3A_1858 : vector<16xf32>
        %add3A_1860 = arith.addf %mul3A_1853, %mul3A_1859 : vector<16xf32>
        %get3A_1861 = arith.constant 1 : i32
        %get3A_1862 = arith.index_cast %get3A_1861 : i32 to index
        %get3A_1863 = arith.constant 80 : index
        %get3A_1864 = tpu.vector_load %arg11[%get3A_1862, %get3A_1863] {strides = array<i32>} : memref<8x128xf32, #tpu.memory_space<vmem>>, vector<1x16xf32>,
        %get3A_1865 = vector.shape_cast %get3A_1864 : vector<1x16xf32> to vector<16xf32>
        %mul3A_1866 = arith.mulf %add3A_1733, %get3A_1865 : vector<16xf32>
        %add3A_1867 = arith.addf %add3A_1860, %mul3A_1866 : vector<16xf32>
        %get3A_1868 = arith.constant 2 : i32
        %get3A_1869 = arith.index_cast %get3A_1868 : i32 to index
        %get3A_1870 = arith.constant 80 : index
        %get3A_1871 = tpu.vector_load %arg11[%get3A_1869, %get3A_1870] {strides = array<i32>} : memref<8x128xf32, #tpu.memory_space<vmem>>, vector<1x16xf32>,
        %get3A_1872 = vector.shape_cast %get3A_1871 : vector<1x16xf32> to vector<16xf32>
        %mul3A_1873 = arith.mulf %add3A_1735, %get3A_1872 : vector<16xf32>
        %add3A_1874 = arith.addf %add3A_1867, %mul3A_1873 : vector<16xf32>
        %get3A_1875 = arith.constant 3 : i32
        %get3A_1876 = arith.index_cast %get3A_1875 : i32 to index
        %get3A_1877 = arith.constant 80 : index
        %get3A_1878 = tpu.vector_load %arg11[%get3A_1876, %get3A_1877] {strides = array<i32>} : memref<8x128xf32, #tpu.memory_space<vmem>>, vector<1x16xf32>,
        %get3A_1879 = vector.shape_cast %get3A_1878 : vector<1x16xf32> to vector<16xf32>
        %mul3A_1880 = arith.mulf %add3A_1737, %get3A_1879 : vector<16xf32>
        %add3A_1881 = arith.addf %add3A_1874, %mul3A_1880 : vector<16xf32>
        %swap3A_1882 = arith.index_cast %rem3A_188 : i32 to index
        %swap3A_1883 = arith.index_cast %scan3A_321 : i32 to index
        %swap3A_1884 = arith.constant 80 : index
        %swap3A_1885 = tpu.vector_load %arg10[%swap3A_1882, %swap3A_1883, %swap3A_1884] {strides = array<i32>} : memref<2x16x128xf32, #tpu.memory_space<vmem>>, vector<1x1x16xf32>,
        %swap3A_1886 = vector.shape_cast %swap3A_1885 : vector<1x1x16xf32> to vector<16xf32>
        %swap3A_1887 = vector.shape_cast %add3A_1881 : vector<16xf32> to vector<1x1x16xf32>
        tpu.vector_store %arg10[%swap3A_1882, %swap3A_1883, %swap3A_1884], %swap3A_1887 {strides = array<i32>} : memref<2x16x128xf32, #tpu.memory_space<vmem>>, vector<1x1x16xf32>,
        %get3A_1888 = arith.constant 7 : i32
        %get3A_1889 = arith.index_cast %get3A_1888 : i32 to index
        %get3A_1890 = arith.constant 96 : index
        %get3A_1891 = tpu.vector_load %arg11[%get3A_1889, %get3A_1890] {strides = array<i32>} : memref<8x128xf32, #tpu.memory_space<vmem>>, vector<1x16xf32>,
        %get3A_1892 = vector.shape_cast %get3A_1891 : vector<1x16xf32> to vector<16xf32>
        %get3A_1893 = arith.constant 4 : i32
        %get3A_1894 = arith.index_cast %get3A_1893 : i32 to index
        %get3A_1895 = arith.constant 96 : index
        %get3A_1896 = tpu.vector_load %arg11[%get3A_1894, %get3A_1895] {strides = array<i32>} : memref<8x128xf32, #tpu.memory_space<vmem>>, vector<1x16xf32>,
        %get3A_1897 = vector.shape_cast %get3A_1896 : vector<1x16xf32> to vector<16xf32>
        %mul3A_1898 = arith.mulf %gather3A_338, %get3A_1897 : vector<16xf32>
        %add3A_1899 = arith.addf %get3A_1892, %mul3A_1898 : vector<16xf32>
        %get3A_1900 = arith.constant 5 : i32
        %get3A_1901 = arith.index_cast %get3A_1900 : i32 to index
        %get3A_1902 = arith.constant 96 : index
        %get3A_1903 = tpu.vector_load %arg11[%get3A_1901, %get3A_1902] {strides = array<i32>} : memref<8x128xf32, #tpu.memory_space<vmem>>, vector<1x16xf32>,
        %get3A_1904 = vector.shape_cast %get3A_1903 : vector<1x16xf32> to vector<16xf32>
        %mul3A_1905 = arith.mulf %gather3A_342, %get3A_1904 : vector<16xf32>
        %add3A_1906 = arith.addf %add3A_1899, %mul3A_1905 : vector<16xf32>
        %get3A_1907 = arith.constant 6 : i32
        %get3A_1908 = arith.index_cast %get3A_1907 : i32 to index
        %get3A_1909 = arith.constant 96 : index
        %get3A_1910 = tpu.vector_load %arg11[%get3A_1908, %get3A_1909] {strides = array<i32>} : memref<8x128xf32, #tpu.memory_space<vmem>>, vector<1x16xf32>,
        %get3A_1911 = vector.shape_cast %get3A_1910 : vector<1x16xf32> to vector<16xf32>
        %mul3A_1912 = arith.mulf %gather3A_346, %get3A_1911 : vector<16xf32>
        %add3A_1913 = arith.addf %add3A_1906, %mul3A_1912 : vector<16xf32>
        %mul3A_1914 = arith.mulf %add3A_1913, %add3A_1743 : vector<16xf32>
        %get3A_1915 = arith.constant 0 : i32
        %get3A_1916 = arith.index_cast %get3A_1915 : i32 to index
        %get3A_1917 = arith.constant 96 : index
        %get3A_1918 = tpu.vector_load %arg11[%get3A_1916, %get3A_1917] {strides = array<i32>} : memref<8x128xf32, #tpu.memory_space<vmem>>, vector<1x16xf32>,
        %get3A_1919 = vector.shape_cast %get3A_1918 : vector<1x16xf32> to vector<16xf32>
        %mul3A_1920 = arith.mulf %add3A_1745, %get3A_1919 : vector<16xf32>
        %add3A_1921 = arith.addf %mul3A_1914, %mul3A_1920 : vector<16xf32>
        %get3A_1922 = arith.constant 1 : i32
        %get3A_1923 = arith.index_cast %get3A_1922 : i32 to index
        %get3A_1924 = arith.constant 96 : index
        %get3A_1925 = tpu.vector_load %arg11[%get3A_1923, %get3A_1924] {strides = array<i32>} : memref<8x128xf32, #tpu.memory_space<vmem>>, vector<1x16xf32>,
        %get3A_1926 = vector.shape_cast %get3A_1925 : vector<1x16xf32> to vector<16xf32>
        %mul3A_1927 = arith.mulf %add3A_1747, %get3A_1926 : vector<16xf32>
        %add3A_1928 = arith.addf %add3A_1921, %mul3A_1927 : vector<16xf32>
        %get3A_1929 = arith.constant 2 : i32
        %get3A_1930 = arith.index_cast %get3A_1929 : i32 to index
        %get3A_1931 = arith.constant 96 : index
        %get3A_1932 = tpu.vector_load %arg11[%get3A_1930, %get3A_1931] {strides = array<i32>} : memref<8x128xf32, #tpu.memory_space<vmem>>, vector<1x16xf32>,
        %get3A_1933 = vector.shape_cast %get3A_1932 : vector<1x16xf32> to vector<16xf32>
        %mul3A_1934 = arith.mulf %add3A_1749, %get3A_1933 : vector<16xf32>
        %add3A_1935 = arith.addf %add3A_1928, %mul3A_1934 : vector<16xf32>
        %get3A_1936 = arith.constant 3 : i32
        %get3A_1937 = arith.index_cast %get3A_1936 : i32 to index
        %get3A_1938 = arith.constant 96 : index
        %get3A_1939 = tpu.vector_load %arg11[%get3A_1937, %get3A_1938] {strides = array<i32>} : memref<8x128xf32, #tpu.memory_space<vmem>>, vector<1x16xf32>,
        %get3A_1940 = vector.shape_cast %get3A_1939 : vector<1x16xf32> to vector<16xf32>
        %mul3A_1941 = arith.mulf %add3A_1751, %get3A_1940 : vector<16xf32>
        %add3A_1942 = arith.addf %add3A_1935, %mul3A_1941 : vector<16xf32>
        %swap3A_1943 = arith.index_cast %rem3A_188 : i32 to index
        %swap3A_1944 = arith.index_cast %scan3A_321 : i32 to index
        %swap3A_1945 = arith.constant 96 : index
        %swap3A_1946 = tpu.vector_load %arg10[%swap3A_1943, %swap3A_1944, %swap3A_1945] {strides = array<i32>} : memref<2x16x128xf32, #tpu.memory_space<vmem>>, vector<1x1x16xf32>,
        %swap3A_1947 = vector.shape_cast %swap3A_1946 : vector<1x1x16xf32> to vector<16xf32>
        %swap3A_1948 = vector.shape_cast %add3A_1942 : vector<16xf32> to vector<1x1x16xf32>
        tpu.vector_store %arg10[%swap3A_1943, %swap3A_1944, %swap3A_1945], %swap3A_1948 {strides = array<i32>} : memref<2x16x128xf32, #tpu.memory_space<vmem>>, vector<1x1x16xf32>,
        %get3A_1949 = arith.constant 7 : i32
        %get3A_1950 = arith.index_cast %get3A_1949 : i32 to index
        %get3A_1951 = arith.constant 112 : index
        %get3A_1952 = tpu.vector_load %arg11[%get3A_1950, %get3A_1951] {strides = array<i32>} : memref<8x128xf32, #tpu.memory_space<vmem>>, vector<1x16xf32>,
        %get3A_1953 = vector.shape_cast %get3A_1952 : vector<1x16xf32> to vector<16xf32>
        %get3A_1954 = arith.constant 4 : i32
        %get3A_1955 = arith.index_cast %get3A_1954 : i32 to index
        %get3A_1956 = arith.constant 112 : index
        %get3A_1957 = tpu.vector_load %arg11[%get3A_1955, %get3A_1956] {strides = array<i32>} : memref<8x128xf32, #tpu.memory_space<vmem>>, vector<1x16xf32>,
        %get3A_1958 = vector.shape_cast %get3A_1957 : vector<1x16xf32> to vector<16xf32>
        %mul3A_1959 = arith.mulf %gather3A_338, %get3A_1958 : vector<16xf32>
        %add3A_1960 = arith.addf %get3A_1953, %mul3A_1959 : vector<16xf32>
        %get3A_1961 = arith.constant 5 : i32
        %get3A_1962 = arith.index_cast %get3A_1961 : i32 to index
        %get3A_1963 = arith.constant 112 : index
        %get3A_1964 = tpu.vector_load %arg11[%get3A_1962, %get3A_1963] {strides = array<i32>} : memref<8x128xf32, #tpu.memory_space<vmem>>, vector<1x16xf32>,
        %get3A_1965 = vector.shape_cast %get3A_1964 : vector<1x16xf32> to vector<16xf32>
        %mul3A_1966 = arith.mulf %gather3A_342, %get3A_1965 : vector<16xf32>
        %add3A_1967 = arith.addf %add3A_1960, %mul3A_1966 : vector<16xf32>
        %get3A_1968 = arith.constant 6 : i32
        %get3A_1969 = arith.index_cast %get3A_1968 : i32 to index
        %get3A_1970 = arith.constant 112 : index
        %get3A_1971 = tpu.vector_load %arg11[%get3A_1969, %get3A_1970] {strides = array<i32>} : memref<8x128xf32, #tpu.memory_space<vmem>>, vector<1x16xf32>,
        %get3A_1972 = vector.shape_cast %get3A_1971 : vector<1x16xf32> to vector<16xf32>
        %mul3A_1973 = arith.mulf %gather3A_346, %get3A_1972 : vector<16xf32>
        %add3A_1974 = arith.addf %add3A_1967, %mul3A_1973 : vector<16xf32>
        %mul3A_1975 = arith.mulf %add3A_1974, %add3A_1757 : vector<16xf32>
        %get3A_1976 = arith.constant 0 : i32
        %get3A_1977 = arith.index_cast %get3A_1976 : i32 to index
        %get3A_1978 = arith.constant 112 : index
        %get3A_1979 = tpu.vector_load %arg11[%get3A_1977, %get3A_1978] {strides = array<i32>} : memref<8x128xf32, #tpu.memory_space<vmem>>, vector<1x16xf32>,
        %get3A_1980 = vector.shape_cast %get3A_1979 : vector<1x16xf32> to vector<16xf32>
        %mul3A_1981 = arith.mulf %add3A_1759, %get3A_1980 : vector<16xf32>
        %add3A_1982 = arith.addf %mul3A_1975, %mul3A_1981 : vector<16xf32>
        %get3A_1983 = arith.constant 1 : i32
        %get3A_1984 = arith.index_cast %get3A_1983 : i32 to index
        %get3A_1985 = arith.constant 112 : index
        %get3A_1986 = tpu.vector_load %arg11[%get3A_1984, %get3A_1985] {strides = array<i32>} : memref<8x128xf32, #tpu.memory_space<vmem>>, vector<1x16xf32>,
        %get3A_1987 = vector.shape_cast %get3A_1986 : vector<1x16xf32> to vector<16xf32>
        %mul3A_1988 = arith.mulf %add3A_1761, %get3A_1987 : vector<16xf32>
        %add3A_1989 = arith.addf %add3A_1982, %mul3A_1988 : vector<16xf32>
        %get3A_1990 = arith.constant 2 : i32
        %get3A_1991 = arith.index_cast %get3A_1990 : i32 to index
        %get3A_1992 = arith.constant 112 : index
        %get3A_1993 = tpu.vector_load %arg11[%get3A_1991, %get3A_1992] {strides = array<i32>} : memref<8x128xf32, #tpu.memory_space<vmem>>, vector<1x16xf32>,
        %get3A_1994 = vector.shape_cast %get3A_1993 : vector<1x16xf32> to vector<16xf32>
        %mul3A_1995 = arith.mulf %add3A_1763, %get3A_1994 : vector<16xf32>
        %add3A_1996 = arith.addf %add3A_1989, %mul3A_1995 : vector<16xf32>
        %get3A_1997 = arith.constant 3 : i32
        %get3A_1998 = arith.index_cast %get3A_1997 : i32 to index
        %get3A_1999 = arith.constant 112 : index
        %get3A_2000 = tpu.vector_load %arg11[%get3A_1998, %get3A_1999] {strides = array<i32>} : memref<8x128xf32, #tpu.memory_space<vmem>>, vector<1x16xf32>,
        %get3A_2001 = vector.shape_cast %get3A_2000 : vector<1x16xf32> to vector<16xf32>
        %mul3A_2002 = arith.mulf %add3A_1765, %get3A_2001 : vector<16xf32>
        %add3A_2003 = arith.addf %add3A_1996, %mul3A_2002 : vector<16xf32>
        %swap3A_2004 = arith.index_cast %rem3A_188 : i32 to index
        %swap3A_2005 = arith.index_cast %scan3A_321 : i32 to index
        %swap3A_2006 = arith.constant 112 : index
        %swap3A_2007 = tpu.vector_load %arg10[%swap3A_2004, %swap3A_2005, %swap3A_2006] {strides = array<i32>} : memref<2x16x128xf32, #tpu.memory_space<vmem>>, vector<1x1x16xf32>,
        %swap3A_2008 = vector.shape_cast %swap3A_2007 : vector<1x1x16xf32> to vector<16xf32>
        %swap3A_2009 = vector.shape_cast %add3A_2003 : vector<16xf32> to vector<1x1x16xf32>
        tpu.vector_store %arg10[%swap3A_2004, %swap3A_2005, %swap3A_2006], %swap3A_2009 {strides = array<i32>} : memref<2x16x128xf32, #tpu.memory_space<vmem>>, vector<1x1x16xf32>,
        %scan3A_2010 = arith.constant 0 : i32
        scf.yield %scan3A_2010 : i32
      }
      %scan3A_297 = arith.constant 16 : i32
      %gt3A = arith.constant 0 : i32
      %gt3A_298 = arith.cmpi sgt, %while3A_185, %gt3A : i32
      %convert_element_type3A = arith.extui %gt3A_298 : i1 to i32
      %cond3A = arith.constant 0 : i32
      %cond3A_299 = arith.cmpi ne, %convert_element_type3A, %cond3A : i32
      scf.if %cond3A_299 {
        %dma_wait3A_321 = arith.constant 0 : i32
        %dma_wait3A_322 = arith.constant 0 : i32
        %dma_wait3A_323 = arith.constant 0 : i32
        %dma_wait3A_324 = tpu.memref_slice %arg10[%dma_wait3A_321, %dma_wait3A_322, %dma_wait3A_323] : memref<2x16x128xf32, #tpu.memory_space<vmem>> -> memref<1x16x128xf32, #tpu.memory_space<vmem>>
        %dma_wait3A_325 = tpu.memref_squeeze %dma_wait3A_324 : memref<1x16x128xf32, #tpu.memory_space<vmem>> -> memref<16x128xf32, #tpu.memory_space<vmem>>
        %dma_wait3A_326 = arith.constant 0 : i32
        %dma_wait3A_327 = arith.constant 0 : i32
        %dma_wait3A_328 = tpu.memref_slice %arg6[%dma_wait3A_326, %dma_wait3A_327] : memref<100000x128xf32, #tpu.memory_space<hbm>> -> memref<16x128xf32, #tpu.memory_space<hbm>>
        %dma_wait3A_329 = arith.constant 0 : i32
        %dma_wait3A_330 = arith.constant 0 : i32
        %dma_wait3A_331 = tpu.memref_slice %arg6[%dma_wait3A_329, %dma_wait3A_330] : memref<100000x128xf32, #tpu.memory_space<hbm>> -> memref<16x128xf32, #tpu.memory_space<hbm>>
        %dma_wait3A_332 = arith.constant 0 : i32
        %dma_wait3A_333 = arith.constant 0 : i32
        %dma_wait3A_334 = tpu.memref_slice %arg10[%dma_wait3A_321, %dma_wait3A_332, %dma_wait3A_333] : memref<2x16x128xf32, #tpu.memory_space<vmem>> -> memref<1x16x128xf32, #tpu.memory_space<vmem>>
        %dma_wait3A_335 = tpu.memref_squeeze %dma_wait3A_334 : memref<1x16x128xf32, #tpu.memory_space<vmem>> -> memref<16x128xf32, #tpu.memory_space<vmem>>
        tpu.wait_dma2 semaphore(%arg15 : memref<!tpu.dma_semaphore, #tpu.memory_space<semaphore_mem>>) src(%dma_wait3A_335 : memref<16x128xf32, #tpu.memory_space<vmem>>) dst(%dma_wait3A_331 : memref<16x128xf32, #tpu.memory_space<hbm>>)
      } else {
      }
      %sub3A_300 = arith.constant 1 : i32
      %sub3A_301 = arith.subi %select_n3A, %sub3A_300 : i32
      %min3A_302 = arith.minsi %while3A_185, %sub3A_301 : i32
      %mul3A_303 = arith.constant 32 : i32
      %mul3A_304 = arith.muli %min3A_302, %mul3A_303 : i32
      %add3A_305 = arith.addi %add3A, %mul3A_304 : i32
      %mul3A_306 = arith.constant 16 : i32
      %mul3A_307 = arith.muli %add3A_305, %mul3A_306 : i32
      %dma_start3A_308 = arith.constant 0 : i32
      %dma_start3A_309 = arith.constant 0 : i32
      %dma_start3A_310 = tpu.memref_slice %arg10[%rem3A_188, %dma_start3A_308, %dma_start3A_309] : memref<2x16x128xf32, #tpu.memory_space<vmem>> -> memref<1x16x128xf32, #tpu.memory_space<vmem>>
      %dma_start3A_311 = tpu.memref_squeeze %dma_start3A_310 : memref<1x16x128xf32, #tpu.memory_space<vmem>> -> memref<16x128xf32, #tpu.memory_space<vmem>>
      %dma_start3A_312 = arith.constant 0 : i32
      %dma_start3A_313 = tpu.memref_slice %arg6[%mul3A_307, %dma_start3A_312] : memref<100000x128xf32, #tpu.memory_space<hbm>> -> memref<16x128xf32, #tpu.memory_space<hbm>>
      %dma_start3A_314 = arith.constant 0 : i32
      %dma_start3A_315 = tpu.memref_slice %arg6[%mul3A_307, %dma_start3A_314] : memref<100000x128xf32, #tpu.memory_space<hbm>> -> memref<16x128xf32, #tpu.memory_space<hbm>>
      %dma_start3A_316 = arith.constant 0 : i32
      %dma_start3A_317 = arith.constant 0 : i32
      %dma_start3A_318 = tpu.memref_slice %arg10[%rem3A_188, %dma_start3A_316, %dma_start3A_317] : memref<2x16x128xf32, #tpu.memory_space<vmem>> -> memref<1x16x128xf32, #tpu.memory_space<vmem>>
      %dma_start3A_319 = tpu.memref_squeeze %dma_start3A_318 : memref<1x16x128xf32, #tpu.memory_space<vmem>> -> memref<16x128xf32, #tpu.memory_space<vmem>>
      tpu.enqueue_dma source(%dma_start3A_319 : memref<16x128xf32, #tpu.memory_space<vmem>>) target(%dma_start3A_315 : memref<16x128xf32, #tpu.memory_space<hbm>>) target_semaphore(%arg15 : memref<!tpu.dma_semaphore, #tpu.memory_space<semaphore_mem>>)
      %while3A_320 = arith.constant 0 : i32
      scf.yield %while3A_320 : i32
    }
    %dma_wait3A_129 = arith.constant 0 : i32
    %dma_wait3A_130 = arith.constant 0 : i32
    %dma_wait3A_131 = arith.constant 0 : i32
    %dma_wait3A_132 = arith.constant 0 : i32
    %dma_wait3A_133 = tpu.memref_slice %arg8[%dma_wait3A_130, %dma_wait3A_131, %dma_wait3A_132] : memref<2x128x128xf32, #tpu.memory_space<vmem>> -> memref<1x128x128xf32, #tpu.memory_space<vmem>>
    %dma_wait3A_134 = tpu.memref_squeeze %dma_wait3A_133 : memref<1x128x128xf32, #tpu.memory_space<vmem>> -> memref<128x128xf32, #tpu.memory_space<vmem>>
    %dma_wait3A_135 = arith.constant 0 : i32
    %dma_wait3A_136 = tpu.memref_slice %arg7[%dma_wait3A_129, %dma_wait3A_135] : memref<3x128xi32, #tpu.memory_space<vmem>> -> memref<1x128xi32, #tpu.memory_space<vmem>>
    %dma_wait3A_137 = tpu.memref_squeeze %dma_wait3A_136 : memref<1x128xi32, #tpu.memory_space<vmem>> -> memref<128xi32, #tpu.memory_space<vmem>>
    %dma_wait3A_138 = arith.constant 0 : i32
    %dma_wait3A_139 = arith.constant 0 : i32
    %dma_wait3A_140 = tpu.memref_slice %arg4[%dma_wait3A_138, %dma_wait3A_139] : memref<200000x128xf32, #tpu.memory_space<hbm>> -> memref<200000x128xf32, #tpu.memory_space<hbm>>
    tpu.wait_indirect_dma semaphore(%arg12 : memref<!tpu.dma_semaphore, #tpu.memory_space<semaphore_mem>>) src(%dma_wait3A_140 : memref<200000x128xf32, #tpu.memory_space<hbm>>) dst(%dma_wait3A_134 : memref<128x128xf32, #tpu.memory_space<vmem>>)
    %dma_wait3A_141 = arith.constant 0 : i32
    %dma_wait3A_142 = arith.constant 0 : i32
    %dma_wait3A_143 = arith.constant 0 : i32
    %dma_wait3A_144 = tpu.memref_slice %arg9[%dma_wait3A_141, %dma_wait3A_142, %dma_wait3A_143] : memref<2x16x48xf32, #tpu.memory_space<vmem>> -> memref<1x16x48xf32, #tpu.memory_space<vmem>>
    %dma_wait3A_145 = tpu.memref_squeeze %dma_wait3A_144 : memref<1x16x48xf32, #tpu.memory_space<vmem>> -> memref<16x48xf32, #tpu.memory_space<vmem>>
    %dma_wait3A_146 = arith.constant 0 : i32
    %dma_wait3A_147 = arith.constant 0 : i32
    %dma_wait3A_148 = tpu.memref_slice %arg2[%dma_wait3A_146, %dma_wait3A_147] : memref<100000x48xf32, #tpu.memory_space<hbm>> -> memref<16x48xf32, #tpu.memory_space<hbm>>
    %dma_wait3A_149 = arith.constant 0 : i32
    %dma_wait3A_150 = arith.constant 0 : i32
    %dma_wait3A_151 = tpu.memref_slice %arg9[%dma_wait3A_141, %dma_wait3A_149, %dma_wait3A_150] : memref<2x16x48xf32, #tpu.memory_space<vmem>> -> memref<1x16x48xf32, #tpu.memory_space<vmem>>
    %dma_wait3A_152 = tpu.memref_squeeze %dma_wait3A_151 : memref<1x16x48xf32, #tpu.memory_space<vmem>> -> memref<16x48xf32, #tpu.memory_space<vmem>>
    %dma_wait3A_153 = arith.constant 0 : i32
    %dma_wait3A_154 = arith.constant 0 : i32
    %dma_wait3A_155 = tpu.memref_slice %arg2[%dma_wait3A_153, %dma_wait3A_154] : memref<100000x48xf32, #tpu.memory_space<hbm>> -> memref<16x48xf32, #tpu.memory_space<hbm>>
    tpu.wait_dma2 semaphore(%arg14 : memref<!tpu.dma_semaphore, #tpu.memory_space<semaphore_mem>>) src(%dma_wait3A_155 : memref<16x48xf32, #tpu.memory_space<hbm>>) dst(%dma_wait3A_152 : memref<16x48xf32, #tpu.memory_space<vmem>>)
    %dma_wait3A_156 = arith.constant 0 : i32
    %dma_wait3A_157 = arith.constant 0 : i32
    %dma_wait3A_158 = arith.constant 0 : i32
    %dma_wait3A_159 = tpu.memref_slice %arg7[%dma_wait3A_157, %dma_wait3A_158] : memref<3x128xi32, #tpu.memory_space<vmem>> -> memref<1x128xi32, #tpu.memory_space<vmem>>
    %dma_wait3A_160 = tpu.memref_squeeze %dma_wait3A_159 : memref<1x128xi32, #tpu.memory_space<vmem>> -> memref<128xi32, #tpu.memory_space<vmem>>
    %dma_wait3A_161 = arith.constant 0 : i32
    %dma_wait3A_162 = tpu.memref_slice %arg3[%dma_wait3A_156, %dma_wait3A_161] : memref<6250x128xi32, #tpu.memory_space<hbm>> -> memref<1x128xi32, #tpu.memory_space<hbm>>
    %dma_wait3A_163 = tpu.memref_squeeze %dma_wait3A_162 : memref<1x128xi32, #tpu.memory_space<hbm>> -> memref<128xi32, #tpu.memory_space<hbm>>
    %dma_wait3A_164 = arith.constant 0 : i32
    %dma_wait3A_165 = tpu.memref_slice %arg7[%dma_wait3A_157, %dma_wait3A_164] : memref<3x128xi32, #tpu.memory_space<vmem>> -> memref<1x128xi32, #tpu.memory_space<vmem>>
    %dma_wait3A_166 = tpu.memref_squeeze %dma_wait3A_165 : memref<1x128xi32, #tpu.memory_space<vmem>> -> memref<128xi32, #tpu.memory_space<vmem>>
    %dma_wait3A_167 = arith.constant 0 : i32
    %dma_wait3A_168 = tpu.memref_slice %arg3[%dma_wait3A_156, %dma_wait3A_167] : memref<6250x128xi32, #tpu.memory_space<hbm>> -> memref<1x128xi32, #tpu.memory_space<hbm>>
    %dma_wait3A_169 = tpu.memref_squeeze %dma_wait3A_168 : memref<1x128xi32, #tpu.memory_space<hbm>> -> memref<128xi32, #tpu.memory_space<hbm>>
    tpu.wait_dma2 semaphore(%arg13 : memref<!tpu.dma_semaphore, #tpu.memory_space<semaphore_mem>>) src(%dma_wait3A_169 : memref<128xi32, #tpu.memory_space<hbm>>) dst(%dma_wait3A_166 : memref<128xi32, #tpu.memory_space<vmem>>)
    %dma_wait3A_170 = arith.constant 0 : i32
    %dma_wait3A_171 = arith.constant 0 : i32
    %dma_wait3A_172 = arith.constant 0 : i32
    %dma_wait3A_173 = tpu.memref_slice %arg10[%dma_wait3A_170, %dma_wait3A_171, %dma_wait3A_172] : memref<2x16x128xf32, #tpu.memory_space<vmem>> -> memref<1x16x128xf32, #tpu.memory_space<vmem>>
    %dma_wait3A_174 = tpu.memref_squeeze %dma_wait3A_173 : memref<1x16x128xf32, #tpu.memory_space<vmem>> -> memref<16x128xf32, #tpu.memory_space<vmem>>
    %dma_wait3A_175 = arith.constant 0 : i32
    %dma_wait3A_176 = arith.constant 0 : i32
    %dma_wait3A_177 = tpu.memref_slice %arg6[%dma_wait3A_175, %dma_wait3A_176] : memref<100000x128xf32, #tpu.memory_space<hbm>> -> memref<16x128xf32, #tpu.memory_space<hbm>>
    %dma_wait3A_178 = arith.constant 0 : i32
    %dma_wait3A_179 = arith.constant 0 : i32
    %dma_wait3A_180 = tpu.memref_slice %arg6[%dma_wait3A_178, %dma_wait3A_179] : memref<100000x128xf32, #tpu.memory_space<hbm>> -> memref<16x128xf32, #tpu.memory_space<hbm>>
    %dma_wait3A_181 = arith.constant 0 : i32
    %dma_wait3A_182 = arith.constant 0 : i32
    %dma_wait3A_183 = tpu.memref_slice %arg10[%dma_wait3A_170, %dma_wait3A_181, %dma_wait3A_182] : memref<2x16x128xf32, #tpu.memory_space<vmem>> -> memref<1x16x128xf32, #tpu.memory_space<vmem>>
    %dma_wait3A_184 = tpu.memref_squeeze %dma_wait3A_183 : memref<1x16x128xf32, #tpu.memory_space<vmem>> -> memref<16x128xf32, #tpu.memory_space<vmem>>
    tpu.wait_dma2 semaphore(%arg15 : memref<!tpu.dma_semaphore, #tpu.memory_space<semaphore_mem>>) src(%dma_wait3A_184 : memref<16x128xf32, #tpu.memory_space<vmem>>) dst(%dma_wait3A_180 : memref<16x128xf32, #tpu.memory_space<hbm>>)
    return
  }
}

module attributes {stable_mosaic.version = 14 : i64} {
  func.func @_prep_body(%arg0: i32, %arg1: memref<8x2048xi32, #tpu.memory_space<vmem>>, %arg2: memref<24x2048xf32, #tpu.memory_space<vmem>>, %arg3: memref<3x2048xf32, #tpu.memory_space<vmem>>, %arg4: memref<48x2048xf32, #tpu.memory_space<vmem>>, %arg5: memref<8x2048xi32, #tpu.memory_space<vmem>>) attributes {dimension_semantics = [#tpu.dimension_semantics<arbitrary>], iteration_bounds = array<i64: 49>, scalar_prefetch = 0 : i64, scratch_operands = 0 : i64, tpu.core_type = #tpu.core_type<tc>, window_params = [{transform_indices = @transform_0, window_bounds = array<i64: 8, 2048>}, {transform_indices = @transform_1, window_bounds = array<i64: 24, 2048>}, {transform_indices = @transform_2, window_bounds = array<i64: 3, 2048>}, {transform_indices = @transform_3, window_bounds = array<i64: 48, 2048>}, {transform_indices = @transform_4, window_bounds = array<i64: 8, 2048>}]} {
    %get3A = arith.constant 0 : index
    %get3A_0 = arith.constant 0 : index
    %get3A_1 = vector.load %arg1[%get3A, %get3A_0] : memref<8x2048xi32, #tpu.memory_space<vmem>>, vector<8x2048xi32>
    %eq3A = arith.constant 0 : i32
    %eq3A_2 = vector.broadcast %eq3A : i32 to vector<8x2048xi32>
    %eq3A_3 = arith.cmpi eq, %get3A_1, %eq3A_2 : vector<8x2048xi32>
    %slice3A = vector.extract_strided_slice %get3A_1 {offsets = [0, 0], sizes = [1, 2048], strides = [1, 1]} : vector<8x2048xi32> to vector<1x2048xi32>
    %broadcast_in_dim3A = vector.shape_cast %slice3A : vector<1x2048xi32> to vector<1x2048xi32>
    %broadcast_in_dim3A_4 = vector.broadcast %broadcast_in_dim3A : vector<1x2048xi32> to vector<8x2048xi32>
    %select_n3A = arith.select %eq3A_3, %broadcast_in_dim3A_4, %get3A_1 : vector<8x2048xi1>, vector<8x2048xi32>
    %swap3A = arith.constant 0 : index
    %swap3A_5 = arith.constant 0 : index
    %swap3A_6 = vector.load %arg5[%swap3A, %swap3A_5] : memref<8x2048xi32, #tpu.memory_space<vmem>>, vector<8x2048xi32>
    tpu.vector_store %arg5[%swap3A, %swap3A_5], %select_n3A {strides = array<i32>} : memref<8x2048xi32, #tpu.memory_space<vmem>>, vector<8x2048xi32>,
    %get3A_7 = arith.constant 0 : index
    %get3A_8 = arith.constant 0 : index
    %get3A_9 = vector.load %arg2[%get3A_7, %get3A_8] : memref<24x2048xf32, #tpu.memory_space<vmem>>, vector<24x2048xf32>
    %get3A_10 = arith.constant 0 : index
    %get3A_11 = arith.constant 0 : index
    %get3A_12 = vector.load %arg3[%get3A_10, %get3A_11] : memref<3x2048xf32, #tpu.memory_space<vmem>>, vector<3x2048xf32>
    %slice3A_13 = vector.extract_strided_slice %get3A_9 {offsets = [0, 0], sizes = [3, 2048], strides = [1, 1]} : vector<24x2048xf32> to vector<3x2048xf32>
    %slice3A_14 = vector.extract_strided_slice %get3A_9 {offsets = [0, 0], sizes = [3, 2048], strides = [1, 1]} : vector<24x2048xf32> to vector<3x2048xf32>
    %slice3A_15 = vector.extract_strided_slice %eq3A_3 {offsets = [0, 0], sizes = [1, 2048], strides = [1, 1]} : vector<8x2048xi1> to vector<1x2048xi1>
    %broadcast_in_dim3A_16 = vector.shape_cast %slice3A_15 : vector<1x2048xi1> to vector<1x2048xi1>
    %broadcast_in_dim3A_17 = vector.broadcast %broadcast_in_dim3A_16 : vector<1x2048xi1> to vector<3x2048xi1>
    %select_n3A_18 = arith.select %broadcast_in_dim3A_17, %slice3A_13, %slice3A_14 : vector<3x2048xi1>, vector<3x2048xf32>
    %sub3A = arith.subf %select_n3A_18, %get3A_12 : vector<3x2048xf32>
    %mul3A = arith.mulf %sub3A, %sub3A : vector<3x2048xf32>
    %reduce_sum3A = arith.constant dense<0.000000e+00> : vector<2048xf32>
    %reduce_sum3A_19 = vector.multi_reduction <add>, %mul3A, %reduce_sum3A [0] : vector<3x2048xf32> to vector<2048xf32>
    %broadcast_in_dim3A_20 = vector.shape_cast %reduce_sum3A_19 : vector<2048xf32> to vector<1x2048xf32>
    %sqrt3A = math.sqrt %broadcast_in_dim3A_20 : vector<1x2048xf32>
    %slice3A_21 = vector.extract_strided_slice %get3A_9 {offsets = [3, 0], sizes = [3, 2048], strides = [1, 1]} : vector<24x2048xf32> to vector<3x2048xf32>
    %slice3A_22 = vector.extract_strided_slice %eq3A_3 {offsets = [1, 0], sizes = [1, 2048], strides = [1, 1]} : vector<8x2048xi1> to vector<1x2048xi1>
    %broadcast_in_dim3A_23 = vector.shape_cast %slice3A_22 : vector<1x2048xi1> to vector<1x2048xi1>
    %broadcast_in_dim3A_24 = vector.broadcast %broadcast_in_dim3A_23 : vector<1x2048xi1> to vector<3x2048xi1>
    %select_n3A_25 = arith.select %broadcast_in_dim3A_24, %slice3A_13, %slice3A_21 : vector<3x2048xi1>, vector<3x2048xf32>
    %sub3A_26 = arith.subf %select_n3A_25, %get3A_12 : vector<3x2048xf32>
    %mul3A_27 = arith.mulf %sub3A_26, %sub3A_26 : vector<3x2048xf32>
    %reduce_sum3A_28 = arith.constant dense<0.000000e+00> : vector<2048xf32>
    %reduce_sum3A_29 = vector.multi_reduction <add>, %mul3A_27, %reduce_sum3A_28 [0] : vector<3x2048xf32> to vector<2048xf32>
    %broadcast_in_dim3A_30 = vector.shape_cast %reduce_sum3A_29 : vector<2048xf32> to vector<1x2048xf32>
    %sqrt3A_31 = math.sqrt %broadcast_in_dim3A_30 : vector<1x2048xf32>
    %slice3A_32 = vector.extract_strided_slice %get3A_9 {offsets = [6, 0], sizes = [3, 2048], strides = [1, 1]} : vector<24x2048xf32> to vector<3x2048xf32>
    %slice3A_33 = vector.extract_strided_slice %eq3A_3 {offsets = [2, 0], sizes = [1, 2048], strides = [1, 1]} : vector<8x2048xi1> to vector<1x2048xi1>
    %broadcast_in_dim3A_34 = vector.shape_cast %slice3A_33 : vector<1x2048xi1> to vector<1x2048xi1>
    %broadcast_in_dim3A_35 = vector.broadcast %broadcast_in_dim3A_34 : vector<1x2048xi1> to vector<3x2048xi1>
    %select_n3A_36 = arith.select %broadcast_in_dim3A_35, %slice3A_13, %slice3A_32 : vector<3x2048xi1>, vector<3x2048xf32>
    %sub3A_37 = arith.subf %select_n3A_36, %get3A_12 : vector<3x2048xf32>
    %mul3A_38 = arith.mulf %sub3A_37, %sub3A_37 : vector<3x2048xf32>
    %reduce_sum3A_39 = arith.constant dense<0.000000e+00> : vector<2048xf32>
    %reduce_sum3A_40 = vector.multi_reduction <add>, %mul3A_38, %reduce_sum3A_39 [0] : vector<3x2048xf32> to vector<2048xf32>
    %broadcast_in_dim3A_41 = vector.shape_cast %reduce_sum3A_40 : vector<2048xf32> to vector<1x2048xf32>
    %sqrt3A_42 = math.sqrt %broadcast_in_dim3A_41 : vector<1x2048xf32>
    %slice3A_43 = vector.extract_strided_slice %get3A_9 {offsets = [9, 0], sizes = [3, 2048], strides = [1, 1]} : vector<24x2048xf32> to vector<3x2048xf32>
    %slice3A_44 = vector.extract_strided_slice %eq3A_3 {offsets = [3, 0], sizes = [1, 2048], strides = [1, 1]} : vector<8x2048xi1> to vector<1x2048xi1>
    %broadcast_in_dim3A_45 = vector.shape_cast %slice3A_44 : vector<1x2048xi1> to vector<1x2048xi1>
    %broadcast_in_dim3A_46 = vector.broadcast %broadcast_in_dim3A_45 : vector<1x2048xi1> to vector<3x2048xi1>
    %select_n3A_47 = arith.select %broadcast_in_dim3A_46, %slice3A_13, %slice3A_43 : vector<3x2048xi1>, vector<3x2048xf32>
    %sub3A_48 = arith.subf %select_n3A_47, %get3A_12 : vector<3x2048xf32>
    %mul3A_49 = arith.mulf %sub3A_48, %sub3A_48 : vector<3x2048xf32>
    %reduce_sum3A_50 = arith.constant dense<0.000000e+00> : vector<2048xf32>
    %reduce_sum3A_51 = vector.multi_reduction <add>, %mul3A_49, %reduce_sum3A_50 [0] : vector<3x2048xf32> to vector<2048xf32>
    %broadcast_in_dim3A_52 = vector.shape_cast %reduce_sum3A_51 : vector<2048xf32> to vector<1x2048xf32>
    %sqrt3A_53 = math.sqrt %broadcast_in_dim3A_52 : vector<1x2048xf32>
    %slice3A_54 = vector.extract_strided_slice %get3A_9 {offsets = [12, 0], sizes = [3, 2048], strides = [1, 1]} : vector<24x2048xf32> to vector<3x2048xf32>
    %slice3A_55 = vector.extract_strided_slice %eq3A_3 {offsets = [4, 0], sizes = [1, 2048], strides = [1, 1]} : vector<8x2048xi1> to vector<1x2048xi1>
    %broadcast_in_dim3A_56 = vector.shape_cast %slice3A_55 : vector<1x2048xi1> to vector<1x2048xi1>
    %broadcast_in_dim3A_57 = vector.broadcast %broadcast_in_dim3A_56 : vector<1x2048xi1> to vector<3x2048xi1>
    %select_n3A_58 = arith.select %broadcast_in_dim3A_57, %slice3A_13, %slice3A_54 : vector<3x2048xi1>, vector<3x2048xf32>
    %sub3A_59 = arith.subf %select_n3A_58, %get3A_12 : vector<3x2048xf32>
    %mul3A_60 = arith.mulf %sub3A_59, %sub3A_59 : vector<3x2048xf32>
    %reduce_sum3A_61 = arith.constant dense<0.000000e+00> : vector<2048xf32>
    %reduce_sum3A_62 = vector.multi_reduction <add>, %mul3A_60, %reduce_sum3A_61 [0] : vector<3x2048xf32> to vector<2048xf32>
    %broadcast_in_dim3A_63 = vector.shape_cast %reduce_sum3A_62 : vector<2048xf32> to vector<1x2048xf32>
    %sqrt3A_64 = math.sqrt %broadcast_in_dim3A_63 : vector<1x2048xf32>
    %slice3A_65 = vector.extract_strided_slice %get3A_9 {offsets = [15, 0], sizes = [3, 2048], strides = [1, 1]} : vector<24x2048xf32> to vector<3x2048xf32>
    %slice3A_66 = vector.extract_strided_slice %eq3A_3 {offsets = [5, 0], sizes = [1, 2048], strides = [1, 1]} : vector<8x2048xi1> to vector<1x2048xi1>
    %broadcast_in_dim3A_67 = vector.shape_cast %slice3A_66 : vector<1x2048xi1> to vector<1x2048xi1>
    %broadcast_in_dim3A_68 = vector.broadcast %broadcast_in_dim3A_67 : vector<1x2048xi1> to vector<3x2048xi1>
    %select_n3A_69 = arith.select %broadcast_in_dim3A_68, %slice3A_13, %slice3A_65 : vector<3x2048xi1>, vector<3x2048xf32>
    %sub3A_70 = arith.subf %select_n3A_69, %get3A_12 : vector<3x2048xf32>
    %mul3A_71 = arith.mulf %sub3A_70, %sub3A_70 : vector<3x2048xf32>
    %reduce_sum3A_72 = arith.constant dense<0.000000e+00> : vector<2048xf32>
    %reduce_sum3A_73 = vector.multi_reduction <add>, %mul3A_71, %reduce_sum3A_72 [0] : vector<3x2048xf32> to vector<2048xf32>
    %broadcast_in_dim3A_74 = vector.shape_cast %reduce_sum3A_73 : vector<2048xf32> to vector<1x2048xf32>
    %sqrt3A_75 = math.sqrt %broadcast_in_dim3A_74 : vector<1x2048xf32>
    %slice3A_76 = vector.extract_strided_slice %get3A_9 {offsets = [18, 0], sizes = [3, 2048], strides = [1, 1]} : vector<24x2048xf32> to vector<3x2048xf32>
    %slice3A_77 = vector.extract_strided_slice %eq3A_3 {offsets = [6, 0], sizes = [1, 2048], strides = [1, 1]} : vector<8x2048xi1> to vector<1x2048xi1>
    %broadcast_in_dim3A_78 = vector.shape_cast %slice3A_77 : vector<1x2048xi1> to vector<1x2048xi1>
    %broadcast_in_dim3A_79 = vector.broadcast %broadcast_in_dim3A_78 : vector<1x2048xi1> to vector<3x2048xi1>
    %select_n3A_80 = arith.select %broadcast_in_dim3A_79, %slice3A_13, %slice3A_76 : vector<3x2048xi1>, vector<3x2048xf32>
    %sub3A_81 = arith.subf %select_n3A_80, %get3A_12 : vector<3x2048xf32>
    %mul3A_82 = arith.mulf %sub3A_81, %sub3A_81 : vector<3x2048xf32>
    %reduce_sum3A_83 = arith.constant dense<0.000000e+00> : vector<2048xf32>
    %reduce_sum3A_84 = vector.multi_reduction <add>, %mul3A_82, %reduce_sum3A_83 [0] : vector<3x2048xf32> to vector<2048xf32>
    %broadcast_in_dim3A_85 = vector.shape_cast %reduce_sum3A_84 : vector<2048xf32> to vector<1x2048xf32>
    %sqrt3A_86 = math.sqrt %broadcast_in_dim3A_85 : vector<1x2048xf32>
    %slice3A_87 = vector.extract_strided_slice %get3A_9 {offsets = [21, 0], sizes = [3, 2048], strides = [1, 1]} : vector<24x2048xf32> to vector<3x2048xf32>
    %slice3A_88 = vector.extract_strided_slice %eq3A_3 {offsets = [7, 0], sizes = [1, 2048], strides = [1, 1]} : vector<8x2048xi1> to vector<1x2048xi1>
    %broadcast_in_dim3A_89 = vector.shape_cast %slice3A_88 : vector<1x2048xi1> to vector<1x2048xi1>
    %broadcast_in_dim3A_90 = vector.broadcast %broadcast_in_dim3A_89 : vector<1x2048xi1> to vector<3x2048xi1>
    %select_n3A_91 = arith.select %broadcast_in_dim3A_90, %slice3A_13, %slice3A_87 : vector<3x2048xi1>, vector<3x2048xf32>
    %sub3A_92 = arith.subf %select_n3A_91, %get3A_12 : vector<3x2048xf32>
    %mul3A_93 = arith.mulf %sub3A_92, %sub3A_92 : vector<3x2048xf32>
    %reduce_sum3A_94 = arith.constant dense<0.000000e+00> : vector<2048xf32>
    %reduce_sum3A_95 = vector.multi_reduction <add>, %mul3A_93, %reduce_sum3A_94 [0] : vector<3x2048xf32> to vector<2048xf32>
    %broadcast_in_dim3A_96 = vector.shape_cast %reduce_sum3A_95 : vector<2048xf32> to vector<1x2048xf32>
    %sqrt3A_97 = math.sqrt %broadcast_in_dim3A_96 : vector<1x2048xf32>
    %broadcast_in_dim3A_98 = arith.constant 0.000000e+00 : f32
    %broadcast_in_dim3A_99 = vector.broadcast %broadcast_in_dim3A_98 : f32 to vector<13x2048xf32>
    %concatenate3A = tpu.concatenate %select_n3A_18, %sqrt3A, %select_n3A_25, %sqrt3A_31, %select_n3A_36, %sqrt3A_42, %select_n3A_47, %sqrt3A_53, %select_n3A_58, %sqrt3A_64, %select_n3A_69, %sqrt3A_75, %select_n3A_80, %sqrt3A_86, %select_n3A_91, %sqrt3A_97, %get3A_12, %broadcast_in_dim3A_99 in 0 : vector<3x2048xf32>, vector<1x2048xf32>, vector<3x2048xf32>, vector<1x2048xf32>, vector<3x2048xf32>, vector<1x2048xf32>, vector<3x2048xf32>, vector<1x2048xf32>, vector<3x2048xf32>, vector<1x2048xf32>, vector<3x2048xf32>, vector<1x2048xf32>, vector<3x2048xf32>, vector<1x2048xf32>, vector<3x2048xf32>, vector<1x2048xf32>, vector<3x2048xf32>, vector<13x2048xf32> -> vector<48x2048xf32>
    %swap3A_100 = arith.constant 0 : index
    %swap3A_101 = arith.constant 0 : index
    %swap3A_102 = vector.load %arg4[%swap3A_100, %swap3A_101] : memref<48x2048xf32, #tpu.memory_space<vmem>>, vector<48x2048xf32>
    tpu.vector_store %arg4[%swap3A_100, %swap3A_101], %concatenate3A {strides = array<i32>} : memref<48x2048xf32, #tpu.memory_space<vmem>>, vector<48x2048xf32>,
    return
  }
  func.func @transform_0(%arg0: i32) -> (i32, i32) {
    %c0_i32 = arith.constant 0 : i32
    %c0_i32_0 = arith.constant 0 : i32
    return %c0_i32, %arg0 : i32, i32
  }
  func.func @transform_1(%arg0: i32) -> (i32, i32) {
    %c0_i32 = arith.constant 0 : i32
    %c0_i32_0 = arith.constant 0 : i32
    return %c0_i32, %arg0 : i32, i32
  }
  func.func @transform_2(%arg0: i32) -> (i32, i32) {
    %c0_i32 = arith.constant 0 : i32
    %c0_i32_0 = arith.constant 0 : i32
    return %c0_i32, %arg0 : i32, i32
  }
  func.func @transform_3(%arg0: i32) -> (i32, i32) {
    %c0_i32 = arith.constant 0 : i32
    %c0_i32_0 = arith.constant 0 : i32
    return %c0_i32, %arg0 : i32, i32
  }
  func.func @transform_4(%arg0: i32) -> (i32, i32) {
    %c0_i32 = arith.constant 0 : i32
    %c0_i32_0 = arith.constant 0 : i32
    return %c0_i32, %arg0 : i32, i32
  }
}

</mosaic_0001>

<sc_bundles>
// kernel: kernel.4.cloned.1.call-start
scs
__scs_entry_jumppad:
0x0: {  	(pc) =	sbr.rel $0x88, $3  }
0x1: {  	(tag) =	ssettag $0x0;
	lr =	simm.s32 $0x1  }
0x2: {  	[smem:$0x3F9B] =	sst lr;
	_ =	strace $0xD0000000  }
0x3: {  	_ = 	snop  }
0x4: {  	_ = 	snop  }
0x5: {  	_ = 	snop  }
0x6: {  	_ = 	snop  }
0x7: {  	_ = 	snop  }
__scs_overlays_trampoline_lowered:
0x8: {  	[smem:$0x3FAA] =	sst s0  }
0x9: {  	[smem:$0x3FAB] =	sst s1  }
0xa: {  	[smem:$0x3FAC] =	sst s2  }
0xb: {  	[smem:$0x3FAD] =	sst s3  }
0xc: {  	[smem:$0x3FAE] =	sst s4  }
0xd: {  	[smem:$0x3FAF] =	sst s5  }
0xe: {  	[smem:$0x3FB0] =	sst s6  }
0xf: {  	[smem:$0x3FB1] =	sst s7  }
0x10: {  	[smem:$0x3FB2] =	sst s8  }
0x11: {  	[smem:$0x3FB3] =	sst s9;
	s0 =	simm.s32 @!p0 $0x0  }
0x12: {  	s1 =	sld [smem:$0x3F99];
	s0 =	simm.s32 @p0 $0x1  }
0x13: {  	[smem:$0x3FB4] =	sst s0;
	s0 =	simm.s32 @!p1 $0x0  }
0x14: {  	s2 =	sld [smem:$0x3F98];
	s0 =	simm.s32 @p1 $0x1  }
0x15: {  	[smem:$0x3FB5] =	sst s0;
	s0 =	simm.s32 @!p2 $0x0  }
0x16: {  	s3 =	sld [smem:$0x3FDB];
	s0 =	simm.s32 @p2 $0x1  }
0x17: {  	s4 =	simm.s32 $0x1BF5;
	[smem:$0x3FB7] =	sst s0  }
0x18: {  	s0 =	sld [smem:$0x3F9A];
	_ =	swait.ge [sflag:s4], $0x0  }
0x19: {  	s7 =	sld [smem:$0x3F9B]  }
0x1a: {  	s8 =	sadd.s32 $0xFFFFE003, lr  }
0x1b: {  	s9 =	sadd.s32 $0xFFFFFEF7, lr;
	s5 =	simm.s32 $0xFFFFFFFF;
	p2 =	slt.u32 s8, $0xFFFFF086  }
0x1c: {  	p1 =	slt.u32 s9, $0xF7A;
	s5 =	simm.s32 @!p2 $0x0  }
0x1d: {  	s5 =	simm.s32 @p1 $0x1;
	p0 =	seq.s32 s7, s2  }
0x1e: {  	s7 =	smul.u32 @!p0 $0xF7A, s2;
	p2 =	seq.s32 @!p0 s5, $0x0  }
0x1f: {  	s9 =	smul.u32 $0xF7A, s1;
	s8 =	simm.s32 @!p0 $0x1BF5;
	p2 =	por !p2, p0  }
0x20: {  	[sflag:s8] =	ssyncset.s32 @!p0 $0xFFFFF086;
	s6 =	sadd.s32 @!p0 s3, s7;
	s7 =	simm.s32 @!p0 $0x108  }
0x21: {  	s3 =	sadd.s32 s3, s9;
	s6 =	sadd.s32 @!p0 $0x88, s6;
	s7 =	simm.s32 @p2 $0x1082  }
0x22: {  	[simem:s7], [sflag:s8] =	dma.local @!p0 [hbm:s6], $0xF7A  }
0x23: {  	s9 =	sor.u32 $0xD0000000, s2;
	s6 =	simm.s32 $0x108;
	_ =	swait.ge @!p0 [sflag:s8], $0x0  }
0x24: {  	s3 =	sadd.s32 $0x88, s3;
	s6 =	simm.s32 @!p1 $0x1082;
	[sflag:s4] =	ssyncset.s32 $0xFFFFF086  }
0x25: {  	[simem:s6], [sflag:s4] =	dma.local [hbm:s3], $0xF7A  }
0x26: {  	[smem:$0x3F9B] =	sst s1;
	(tag) =	ssettag s2;
	_ =	strace s9  }
0x27: {  	s1 =	sld [smem:$0x3FAB]  }
0x28: {  	s2 =	sld [smem:$0x3FAC]  }
0x29: {  	s4 =	sld [smem:$0x3FAE]  }
0x2a: {  	p0 =	seq.s32 s5, $0x0;
	s5 =	sld [smem:$0x3FAF]  }
0x2b: {  	s6 =	sld [smem:$0x3FB0]  }
0x2c: {  	s7 =	sld [smem:$0x3FB1]  }
0x2d: {  	s3 =	simm.s32 $0x108;
	s8 =	sld [smem:$0x3FB2]  }
0x2e: {  	s3 =	simm.s32 @!p0 $0x1082;
	s9 =	sld [smem:$0x3FB3]  }
0x2f: {  	lr =	sadd.s32 s0, s3;
	s0 =	sld [smem:$0x3FAA]  }
0x30: {  	s3 =	sld [smem:$0x3FAD]  }
0x31: {  	[smem:$0x3FB6] =	sst s10  }
0x32: {  	s10 =	sld [smem:$0x3FB4];
	_ =	sdelay $0x3  }
0x33: {  	p0 =	seq.s32 s10, $0x1;
	s10 =	sld [smem:$0x3FB6];
	_ =	sdelay $0x3  }
0x34: {  	[smem:$0x3FB6] =	sst s10  }
0x35: {  	s10 =	sld [smem:$0x3FB5];
	_ =	sdelay $0x3  }
0x36: {  	p1 =	seq.s32 s10, $0x1;
	s10 =	sld [smem:$0x3FB6];
	_ =	sdelay $0x3  }
0x37: {  	[smem:$0x3FB6] =	sst s10  }
0x38: {  	s10 =	sld [smem:$0x3FB7]  }
0x39: {  	_ = 	snop;
	(pc) =	sbr.ind lr, $3  }
0x3a: {  	_ = 	snop  }
0x3b: {  	_ = 	snop  }
0x3c: {  	p2 =	seq.s32 s10, $0x1;
	s10 =	sld [smem:$0x3FB6]  }
0x3d: {  	_ =	shalt  }
0x3e: {  	_ =	shalt  }
0x3f: {  	_ =	shalt  }
0x40: {  	_ =	shalt  }
0x41: {  	_ =	shalt  }
0x42: {  	_ =	shalt  }
0x43: {  	_ =	shalt  }
0x44: {  	_ =	shalt  }
0x45: {  	_ =	shalt  }
0x46: {  	_ =	shalt  }
0x47: {  	_ =	shalt  }
0x48: {  	_ =	shalt  }
0x49: {  	_ =	shalt  }
0x4a: {  	_ =	shalt  }
0x4b: {  	_ =	shalt  }
0x4c: {  	_ =	shalt  }
0x4d: {  	_ =	shalt  }
0x4e: {  	_ =	shalt  }
0x4f: {  	_ =	shalt  }
0x50: {  	_ =	shalt  }
0x51: {  	_ =	shalt  }
0x52: {  	_ =	shalt  }
0x53: {  	_ =	shalt  }
0x54: {  	_ =	shalt  }
0x55: {  	_ =	shalt  }
0x56: {  	_ =	shalt  }
0x57: {  	_ =	shalt  }
0x58: {  	_ =	shalt  }
0x59: {  	_ =	shalt  }
0x5a: {  	_ =	shalt  }
0x5b: {  	_ =	shalt  }
0x5c: {  	_ =	shalt  }
0x5d: {  	_ =	shalt  }
0x5e: {  	_ =	shalt  }
0x5f: {  	_ =	shalt  }
0x60: {  	_ =	shalt  }
0x61: {  	_ =	shalt  }
0x62: {  	_ =	shalt  }
0x63: {  	_ =	shalt  }
0x64: {  	_ =	shalt  }
0x65: {  	_ =	shalt  }
0x66: {  	_ =	shalt  }
0x67: {  	_ =	shalt  }
0x68: {  	_ =	shalt  }
0x69: {  	_ =	shalt  }
0x6a: {  	_ =	shalt  }
0x6b: {  	_ =	shalt  }
0x6c: {  	_ =	shalt  }
0x6d: {  	_ =	shalt  }
0x6e: {  	_ =	shalt  }
0x6f: {  	_ =	shalt  }
0x70: {  	_ =	shalt  }
0x71: {  	_ =	shalt  }
0x72: {  	_ =	shalt  }
0x73: {  	_ =	shalt  }
0x74: {  	_ =	shalt  }
0x75: {  	_ =	shalt  }
0x76: {  	_ =	shalt  }
0x77: {  	_ =	shalt  }
0x78: {  	_ =	shalt  }
0x79: {  	_ =	shalt  }
0x7a: {  	_ =	shalt  }
0x7b: {  	_ =	shalt  }
0x7c: {  	_ =	shalt  }
0x7d: {  	_ =	shalt  }
0x7e: {  	_ =	shalt  }
0x7f: {  	_ =	shalt  }
0x80: {  	_ =	shalt  }
0x81: {  	_ =	shalt  }
0x82: {  	_ =	shalt  }
0x83: {  	_ =	shalt  }
0x84: {  	_ =	shalt  }
0x85: {  	_ =	shalt  }
0x86: {  	_ =	shalt  }
0x87: {  	_ =	shalt  }
.Lfunc_end0:
.L_simem_size_0:
called_computation_lowered:
.L_overlay_start_0:
0x88: {  	s2 =	sld [smem:$0x3FD9]  }
0x89: {  	s3 =	sld [smem:$0x3FFE];
	_ =	sdelay $0x1  }
0x8a: {  	s1 =	srdreg.scid  }
0x8b: {  	s0 =	sand.u32 $0x1, s1  }
0x8c: {  	s17 =	sshll.u32 s0, $0xA;
	s2 =	sadd.s32 s3, s2  }
0x8d: {  	s2 =	sadd.s32 s2, s17  }
0x8e: {  	[smem:$0x3FC2] =	sst s2  }
0x8f: {  	_ = 	snop  }
0x90: {  	s2 =	sld [smem:$0x3FC7]  }
0x91: {  	s18 =	sld [smem:$0x3FD0];
	(tm) =	ssettm $0x1  }
0x92: {  	s4 =	sld [smem:$0x3FFB];
	_ =	sdelay $0x3  }
0x93: {  	_ =	strace s4  }
0x94: {  	s4 =	sld [smem:$0x3FFC];
	_ =	sdelay $0x3  }
0x95: {  	_ =	strace s4  }
0x96: {  	s4 =	sld [smem:$0x3FFD];
	_ =	sdelay $0x3  }
0x97: {  	_ =	strace s4  }
0x98: {  	_ =	strace $0x8FFFFFFF  }
0x99: {  	s19 =	sld [smem:$0x3FDB];
	_ =	sdelay $0x1  }
0x9a: {  	s5 =	simm.s32 $_scs_section_size  }
0x9b: {  	s6 =	simm.s32 $_size__tile_overlayer_lowered;
	s7 =	simm.s32 $_tile_overlayer_lowered  }
0x9c: {  	s22 =	simm.s32 $0x1BFF;
	s21 =	sshll.u32 s7, $0x1;
	s4 =	sadd.s32 s5, s19  }
0x9d: {  	s8 =	simm.s32 $0x0;
	s20 =	sshll.u32 s6, $0x1;
	s6 =	sadd.s32 s21, s4  }
0x9e: {  	[timem:s8], [sflag:s22] =	dma.local [hbm:s6], s20  }
0x9f: {  	_ =	swait.ge [sflag:s22], s20  }
0xa0: {  	s5 =	ssub.s32 $0x0, s20;
	[sflag:s22] =	ssyncset.done $0x0  }
0xa1: {  	[sflag:s22] =	ssyncadd.s32 s5;
	_ =	sdelay $0x1  }
0xa2: {  	s23 =	simm.s32 $0x1B8B  }
0xa3: {  	_ =	swait.ge [sflag:s23], $0x1  }
0xa4: {  	[sflag:s23] =	ssyncset.done $0x0  }
0xa5: {  	s25 =	simm.s32 $0x1B8E;
	s24 =	sld [smem:$0x3FFE];
	[sflag:s23] =	ssyncadd.s32 $0xFFFFFFFF  }
0xa6: {  	s26 =	simm.s32 $execute0_lowered;
	[smem:$0x3FD2] =	sst s25  }
0xa7: {  	s6 =	sshll.u32 s26, $0x1;
	_ =	strace $0x80000046;
	[dreg:$0x1] =	wrdreg $0xFFFFFFFF  }
0xa8: {  	s28 =	simm.s32 $_size_execute0_lowered;
	s4 =	sadd.s32 s4, s6;
	[dreg:$0x0] =	wrdreg $0x0  }
0xa9: {  	s6 =	sshll.u32 s28, $0x1;
	[dreg:$0x2] =	wrdreg s4  }
0xaa: {  	[dreg:$0x3] =	wrdreg s6  }
0xab: {  	[dreg:$0x4] =	wrdreg $0xC0  }
0xac: {  	_ =	task [dreg:s8], $0x5FFFF  }
0xad: {  	[dreg:$0x1] =	wrdreg $0xFFFFFFFF  }
0xae: {  	[dreg:$0x0] =	wrdreg $0x60  }
0xaf: {  	[dreg:$0x2] =	wrdreg s24  }
0xb0: {  	[dreg:$0x3] =	wrdreg s2  }
0xb1: {  	[dreg:$0x4] =	wrdreg s18  }
0xb2: {  	[dreg:$0x5] =	wrdreg $0x9  }
0xb3: {  	_ =	task.clear_ibuf [dreg:s8], $0x6FFFF;
	_ =	strace $0x90000046  }
0xb4: {  	s29 =	simm.s32 $0x9;
	_ =	strace $0x80000048  }
0xb5: {  	_ =	swait.ge [sflag:s29], $0x1  }
0xb6: {  	[sflag:s29] =	ssyncadd.s32 $0xFFFFFFFF  }
0xb7: {  	_ =	strace $0x90000048  }
0xb8: {  	_ =	sfence  }
0xb9: {  	s30 =	sld [smem:$0x0];
	_ =	sdelay $0x2  }
0xba: {  	s31 =	sshll.u32 s1, $0xD;
	s1 =	sshrl.u32 s1, $0x2  }
0xbb: {  	s3 =	sand.u32 $0x4000, s31;
	s1 =	sadd.s32 s1, s30  }
0xbc: {  	s0 =	sor.u32 s3, s0;
	s1 =	sshll.u32 s1, $0x11  }
0xbd: {  	s0 =	sor.u32 s1, s0  }
0xbe: {  	s0 =	sadd.s32 $0x8F2B, s0  }
0xbf: {  	[sflag:s0] =	ssyncadd.remote.s32 $0x1  }
0xc0: {  	_ =	sfence.sel $0xFFFF  }
0xc1: {  	[dreg:$0x0] =	wrdreg $0xFFFFFFFF;
	(pc) =	sbr.abs _section_cstart, $3  }
0xc2: {  	[dreg:$0x1] =	wrdreg $0xFFFFFFFF  }
0xc3: {  	_ =	task.clear_ibuf [dreg:s8], $0x2FFFF;
	_ =	strace $0x9FFFFFFF  }
0xc4: {  	(tm) =	ssettm $0x7FFFFFFF  }
0xc5: {  	_ =	shalt  }
tec
execute0_lowered:
.L_overlay_start_1:
0x0: {  	(tag) =	ssettag $0x1  }
0x1: {  	s0 =	rddreg [dreg:$0x0]  }
0x2: {  	s1 =	rddreg [dreg:$0x1]  }
0x3: {  	s3 =	rddreg [dreg:$0x2]  }
0x4: {  	s4 =	simm.s32 $0x0;
	s5 =	srdreg.scid;
	s2 =	stileid.u32  }
0x5: {  	s16 =	simm.s32 $0xA200;
	s17 =	simm.s32 $0x5;
	s18 =	simm.s32 $0x2  }
0x6: {  	s19 =	simm.s32 $0x80;
	s20 =	simm.s32 $0x200;
	s21 =	simm.s32 $0x8200  }
0x7: {  	s22 =	simm.s32 $0x1;
	s23 =	simm.s32 $0x3;
	s24 =	simm.s32 $0x4  }
0x8: {  	s25 =	simm.s32 $0x0;
	[smem:$0x7FF] =	sst s4;
	s7 =	sand.u32 $0x1, s5  }
0x9: {  	s6 =	sshll.u32 s2, $0x1;
	s5 =	sadd.s32 $0xE00, s0;
	s11 =	sshll.u32 s2, $0x8  }
0xa: {  	_ =	strace $0x80000047;
	s14 =	sor.u32 s7, s6;
	s6 =	sadd.s32 $0x187800, s0  }
0xb: {  	s9 =	ssub.s32 $0x2, s7;
	s7 =	sadd.s32 $0xC00, s0;
	s15 =	sand.u32 $0xC00, s11  }
0xc: {  	v0 =	vimm.s32 $0x0;
	s8 =	ssub.s32 $0x1889, s14;
	s30 =	sshrl.u32 s9, $0x1;
	s10 =	sshll.u32 s14, $0x7  }
0xd: {  	v1 =	vimm.s32 $0x1;
	v2 =	vimm.s32 $0x2;
	v5 =	vimm.s32 $0x3;
	s31 =	sshll.u32 s14, $0x4;
	s12 =	sshll.u32 s14, $0x8;
	s14 =	sshll.u32 s14, $0xB  }
0xe: {  	v16 =	vimm.s32 $0x4;
	v17 =	vimm.s32 $0x5;
	v40 =	vimm.s32 $0x6;
	s8 =	sshrl.u32 s8, $0x5;
	s0 =	ssub.s32 s9, s30;
	s13 =	sand.u32 $0x380, s10  }
0xf: {  	v41 =	vimm.s32 $0x7;
	v53 =	vimm.s32 $0x8;
	v54 =	vimm.s32 $0x9;
	s10 =	sadd.s32 s6, s31;
	s12 =	sadd.s32 s5, s12;
	s9 =	sadd.s32 $0xFFFFFFFF, s8  }
0x10: {  	v15 =	vimm.s32 $0xB;
	v32 =	vimm.s32 $0xE;
	v34 =	vimm.s32 $0xF;
	s11 =	sadd.s32 $0x200, s10;
	s13 =	sor.u32 s13, s15;
	s15 =	smax.u32 s0, $0x1  }
.LBB2_1:
0x11: {  	[tilespmem:s16], [sflag:$0x5] =	stream.linear.gather [hbm4b:s7+s4], $0x400, $0x38;
	[tilespmem:$0xA600] =	vst v63  }
0x12: {  	_ =	swait.ge [sflag:s17], $0x400  }
0x13: {  	[sflag:s17] =	ssyncset.done $0x0  }
0x14: {  	[sflag:s17] =	ssyncadd.s32 $0xFFFFFC00  }
0x15: {  	[tilespmem:s4], [sflag:$0x2] =	stream.linear.gather [hbm4b:s10+s4], $0x80, $0x38;
	[tilespmem:$0xA600] =	vst v63  }
0x16: {  	_ =	swait.ge [sflag:s18], $0x80  }
0x17: {  	[sflag:s18] =	ssyncset.done $0x0  }
0x18: {  	[sflag:s18] =	ssyncadd.s32 $0xFFFFFF80  }
0x19: {  	[tilespmem:s20], [sflag:$0x1] =	stream.indirect.gather [hbm4b:s1+s19], $0x80, s4, s19, $0xb8;
	[tilespmem:$0xA600] =	vst v63  }
0x1a: {  	_ = 	snop  }
0x1b: {  	[tilespmem:s19], [sflag:$0x2] =	stream.linear.gather [hbm4b:s11+s4], $0x80, $0x38;
	[tilespmem:$0xA600] =	vst v63  }
0x1c: {  	p0 =	por $0x0, $0x0;
	s28 =	simm.s32 $0x0  }
0x1d: {  	[tilespmem:s21], [sflag:$0x3] =	stream.linear.gather [hbm4b:s12+s4], $0x800, $0x38;
	[tilespmem:$0xA600] =	vst v63  }
.LBB2_2:
0x1e: {  	s26 =	sadd.s32 $0x1, s28  }
0x1f: {  	s0 =	smulhi.u32 $0xAAAAAAAB, s26;
	_ =	sdelay $0x1  }
0x20: {  	s0 =	sshrl.u32 s0, $0x1  }
0x21: {  	s0 =	smul.u32 $0x3, s0  }
0x22: {  	_ =	swait.ge [sflag:s18], $0x80;
	s30 =	sand.u32 $0x1, s26  }
0x23: {  	[sflag:s18] =	ssyncset.done $0x0;
	s29 =	sshll.u32 s30, $0xE;
	s0 =	ssub.s32 s26, s0  }
0x24: {  	[sflag:s18] =	ssyncadd.s32 $0xFFFFFF80;
	s29 =	sor.u32 $0x200, s29;
	s0 =	sshll.u32 s0, $0x7  }
0x25: {  	[tilespmem:s29], [sflag:$0x1] =	stream.indirect.gather [hbm4b:s1+s19], $0x80, s0, s19, $0xb8;
	[tilespmem:$0xA600] =	vst v63  }
0x26: {  	s0 =	sadd.s32 $0x2, s28  }
0x27: {  	s29 =	smulhi.u32 $0xAAAAAAAB, s0  }
0x28: {  	s31 =	smov.u32 s9;
	p1 =	slt.s32 s0, s9  }
0x29: {  	s31 =	smov.u32 @p1 s0;
	s29 =	sshrl.u32 s29, $0x1  }
0x2a: {  	s31 =	sshll.u32 s31, $0xC;
	s29 =	smul.u32 $0x3, s29  }
0x2b: {  	s31 =	sor.u32 s13, s31  }
0x2c: {  	s0 =	ssub.s32 s0, s29;
	s29 =	sshrl.u32 s31, $0x3  }
0x2d: {  	s0 =	sshll.u32 s0, $0x7;
	s31 =	sadd.s32 s6, s29;
	s29 =	simm.s32 $0x0  }
0x2e: {  	[tilespmem:s0], [sflag:$0x2] =	stream.linear.gather [hbm4b:s31+s29], $0x80, $0x38;
	[tilespmem:$0xA600] =	vst v63  }
0x2f: {  	p1 =	slt.s32 s26, s9;
	s0 =	smov.u32 s9  }
0x30: {  	s30 =	sshll.u32 s30, $0xB;
	s0 =	smov.u32 @p1 s26  }
0x31: {  	s30 =	sor.u32 $0x8200, s30;
	s0 =	sshll.u32 s0, $0x10  }
0x32: {  	s31 =	simm.s32 $0x1;
	_ =	swait.ge [sflag:s23], $0x800;
	s0 =	sor.u32 s14, s0  }
0x33: {  	s31 =	simm.s32 @!p0 $0x0;
	[sflag:s23] =	ssyncset.done $0x0;
	s0 =	sshrl.u32 s0, $0x3  }
0x34: {  	s2 =	sshll.u32 s31, $0xB;
	[sflag:s23] =	ssyncadd.s32 $0xFFFFF800;
	s0 =	sadd.s32 s5, s0  }
0x35: {  	[tilespmem:s30], [sflag:$0x3] =	stream.linear.gather [hbm4b:s0+s29], $0x800, $0x38;
	[tilespmem:$0xA600] =	vst v63  }
0x36: {  	s0 =	sor.u32 $0x9270, s2;
	s2 =	sor.u32 $0x8220, s2  }
0x37: {  	_ =	swait.ge [sflag:s22], $0x4000;
	v3 =	vmov s2  }
0x38: {  	s30 =	sshll.u32 s31, $0xE;
	[sflag:s22] =	ssyncset.done $0x0;
	[tilespmem:$0x1FFE0] =	vst v3;
	v3 =	vmov s0  }
0x39: {  	s31 =	sor.u32 $0x400, s30;
	s30 =	sand.u32 $0x1, s28;
	[sflag:s22] =	ssyncadd.s32 $0xFFFFC000;
	[tilespmem:$0x1FFF0] =	vst v3  }
.LBB2_3:
0x3a: {  	v31 =	vld [tilespmem:$0x1FFE0];
	_ =	sdelay $0x6  }
0x3b: {  	s0 =	sshra.s32 s29, $0x2  }
0x3c: {  	v3 =	vld.idx.msk [tilespmem:v31+s0+$0x0 ss:$0x1], $0xffff;
	_ =	sdelay $0x1  }
0x3d: {  	v6 =	vld.idx.msk [tilespmem:v31+s0+$0xFFFFFFE0 ss:$0x1], $0xffff;
	_ =	sdelay $0x2  }
0x3e: {  	v18 =	vperm.xlane v3, v0  }
0x3f: {  	v58 =	vperm.xlane v3, v1;
	v57 =	vperm.xlane v3, v2  }
0x40: {  	v7 =	vld [tilespmem:s31+$0xFFFFFE00];
	v52 =	vperm.xlane v6, v0;
	v49 =	vperm.xlane v6, v1  }
0x41: {  	v46 =	vperm.xlane v6, v2;
	v19 =	vperm.xlane v6, v5  }
0x42: {  	v8 =	vld [tilespmem:s31+$0xFFFFFE10];
	v51 =	vperm.xlane v6, v16;
	v50 =	vperm.xlane v6, v17  }
0x43: {  	v20 =	vperm.xlane v6, v40;
	v30 =	vperm.xlane v6, v41  }
0x44: {  	v4 =	vld [tilespmem:s31+$0xFFFFFE20];
	v36 =	vperm.xlane v6, v53;
	v15 =	vperm.xlane v6, v15  }
0x45: {  	v21 =	vld [tilespmem:s31+$0xFFFFFE80];
	v3 =	vmul.f32 v7, v52;
	v9 =	vmul.f32 v7, v49  }
0x46: {  	v10 =	vmul.f32 v7, v46;
	v11 =	vmul.f32 v7, v19  }
0x47: {  	v12 =	vmul.f32 v8, v52;
	v13 =	vmul.f32 v8, v49  }
0x48: {  	v26 =	vld [tilespmem:s31+$0xFFFFFE90];
	v14 =	vmul.f32 v8, v46;
	v22 =	vmul.f32 v8, v19  }
0x49: {  	v23 =	vmul.f32 v4, v52;
	v24 =	vmul.f32 v4, v49  }
0x4a: {  	v44 =	vld [tilespmem:s31+$0xFFFFFEA0];
	v25 =	vmul.f32 v4, v46;
	v27 =	vmul.f32 v21, v51  }
0x4b: {  	v62 =	vld [tilespmem:s31+$0xFFFFFF00];
	v28 =	vmul.f32 v21, v50;
	v59 =	vmul.f32 v4, v19  }
0x4c: {  	v7 =	vadd.f32 v21, v7;
	v29 =	vmul.f32 v21, v20;
	v55 =	vmul.f32 v21, v30  }
0x4d: {  	v56 =	vmul.f32 v26, v51;
	v60 =	vmul.f32 v26, v50;
	v8 =	vadd.f32 v26, v8  }
0x4e: {  	v61 =	vmul.f32 v26, v20;
	v3 =	vadd.f32 v27, v3;
	v48 =	vadd.f32 v28, v9  }
0x4f: {  	v35 =	vmul.f32 v44, v20;
	v29 =	vadd.f32 v29, v10;
	v11 =	vadd.f32 v55, v11  }
0x50: {  	v37 =	vmul.f32 v62, v15;
	v63 =	vadd.f32 v56, v12;
	v21 =	vadd.f32 v60, v13  }
0x51: {  	[tilespmem:$0x1FE30] =	vst v8;
	v8 =	vadd.f32 v61, v14;
	v13 =	vmul.f32 v44, v51;
	v14 =	vmul.f32 v44, v50  }
0x52: {  	[tilespmem:$0x1FF70] =	vst v19;
	v19 =	vmovc v30;
	v43 =	vadd.f32 v35, v25;
	v56 =	vimm.s32 $0xA;
	v30 =	vperm.xlane v6, v32  }
0x53: {  	v55 =	vld.idx.msk [tilespmem:v31+s0+$0xFFFFFFF0 ss:$0x1], $0xffff;
	v10 =	vimm.s32 $0xD;
	v28 =	vmul.f32 v26, v19;
	v12 =	vperm.xlane v6, v56  }
0x54: {  	v42 =	vadd.f32 v14, v24;
	v24 =	vperm.xlane v6, v54;
	v14 =	vmul.f32 v62, v36  }
0x55: {  	v38 =	vperm.xlane v6, v10;
	v33 =	vadd.f32 v28, v22;
	v22 =	vimm.s32 $0xC  }
0x56: {  	v45 =	vmul.f32 v62, v24;
	v3 =	vadd.f32 v14, v3;
	v14 =	vmul.f32 v62, v12  }
0x57: {  	v39 =	vadd.f32 v13, v23;
	v13 =	vld [tilespmem:s31+$0xFFFFFF80];
	[tilespmem:$0x1FEC0] =	vst v42;
	v47 =	vperm.xlane v6, v22;
	v42 =	vperm.xlane v6, v34  }
0x58: {  	v7 =	vadd.f32 v62, v7;
	v32 =	vperm.xlane v55, v0;
	v2 =	vperm.xlane v55, v2  }
0x59: {  	v11 =	vadd.f32 v37, v11;
	v37 =	vld [tilespmem:s31+$0x80];
	v28 =	vperm.xlane v55, v5;
	v62 =	vperm.xlane v55, v16  }
0x5a: {  	v26 =	vimm.s32 $0xE;
	[tilespmem:$0x1FE20] =	vst v21;
	v0 =	vperm.xlane v55, v17;
	v34 =	vperm.xlane v55, v40  }
0x5b: {  	[tilespmem:$0x1FE60] =	vst v33;
	v33 =	vld [tilespmem:s31+$0x0];
	v26 =	vperm.xlane v55, v26;
	v48 =	vadd.f32 v45, v48;
	v14 =	vadd.f32 v14, v29  }
0x5c: {  	[tilespmem:$0x1FEB0] =	vst v39;
	v29 =	vperm.xlane v55, v1;
	v1 =	vimm.s32 $0xB;
	v39 =	vmul.f32 v13, v47  }
0x5d: {  	[tilespmem:$0x1FE50] =	vst v47;
	v6 =	vmul.f32 v13, v38;
	v7 =	vadd.f32 v13, v7;
	v47 =	vmul.f32 v13, v30  }
0x5e: {  	[tilespmem:$0x1FED0] =	vst v43;
	v13 =	vmul.f32 v13, v42;
	v21 =	vmul.f32 v37, v62;
	v43 =	vadd.f32 v39, v3  }
0x5f: {  	v31 =	vmovc v42;
	v42 =	vmul.f32 v37, v34;
	v6 =	vadd.f32 v6, v48;
	v14 =	vadd.f32 v47, v14  }
0x60: {  	v60 =	vld [tilespmem:s31+$0x100];
	v11 =	vadd.f32 v13, v11;
	v13 =	vmul.f32 v33, v32;
	v35 =	vmul.f32 v33, v29  }
0x61: {  	v27 =	vmovc v38;
	v48 =	vld [tilespmem:$0xA400];
	v7 =	vadd.f32 v33, v7;
	v38 =	vmul.f32 v33, v2;
	v39 =	vmul.f32 v33, v28  }
0x62: {  	v47 =	vld [tilespmem:$0xA500];
	v33 =	vmul.f32 v37, v0;
	v13 =	vadd.f32 v13, v43;
	v6 =	vadd.f32 v35, v6  }
0x63: {  	v14 =	vadd.f32 v38, v14;
	v35 =	vperm.xlane v55, v41;
	v41 =	vld [tilespmem:$0xA580];
	v11 =	vadd.f32 v39, v11  }
0x64: {  	v43 =	vld [tilespmem:$0xA480];
	v7 =	vadd.f32 v37, v7;
	v38 =	vperm.xlane v55, v53;
	v39 =	vperm.xlane v55, v56  }
0x65: {  	v61 =	vld [tilespmem:s31+$0x180];
	v13 =	vadd.f32 v21, v13;
	v37 =	vmul.f32 v37, v35;
	v6 =	vadd.f32 v33, v6  }
0x66: {  	[tilespmem:$0x1FE70] =	vst v2;
	v14 =	vadd.f32 v42, v14;
	v33 =	vperm.xlane v55, v54;
	v48 =	vmul.f32 v48, v18  }
0x67: {  	[tilespmem:$0x1FE80] =	vst v0;
	v0 =	vadd.f32 v60, v7;
	v2 =	vmul.f32 v60, v38;
	v7 =	vperm.xlane v55, v22  }
0x68: {  	[tilespmem:$0x1FE40] =	vst v8;
	v8 =	vmovc v57;
	v16 =	vmul.f32 v60, v39;
	v57 =	vmul.f32 v47, v57;
	v42 =	vimm.s32 $0xF  }
0x69: {  	v47 =	vperm.xlane v55, v42;
	v41 =	vadd.f32 v48, v41;
	v43 =	vmul.f32 v43, v58  }
0x6a: {  	v2 =	vadd.f32 v2, v13;
	v13 =	vmul.f32 v60, v33;
	v22 =	vmul.f32 v61, v7  }
0x6b: {  	v14 =	vadd.f32 v16, v14;
	v16 =	vld [tilespmem:$0xA200];
	v43 =	vadd.f32 v43, v41;
	v41 =	vperm.xlane v55, v10  }
0x6c: {  	[tilespmem:$0x1FE10] =	vst v63;
	v63 =	vld [tilespmem:s31+$0xFFFFFE30];
	v11 =	vadd.f32 v37, v11;
	v48 =	vperm.xlane v55, v1;
	v6 =	vadd.f32 v13, v6  }
0x6d: {  	v23 =	vld [tilespmem:s31+$0xFFFFFEB0];
	v5 =	vadd.f32 v22, v2;
	v2 =	vadd.f32 v44, v4;
	v4 =	vmul.f32 v61, v41  }
0x6e: {  	v40 =	vld [tilespmem:$0xA280];
	v1 =	vadd.f32 v61, v0;
	v0 =	vmul.f32 v61, v26;
	v37 =	vadd.f32 v57, v43  }
0x6f: {  	v13 =	vld [tilespmem:$0xA300];
	[tilespmem:$0x1FEA0] =	vst v2;
	v2 =	vmul.f32 v44, v19;
	v4 =	vadd.f32 v4, v6;
	v6 =	vmul.f32 v60, v48  }
0x70: {  	v5 =	vmul.f32 v16, v5;
	v1 =	vmul.f32 v37, v1  }
0x71: {  	v0 =	vadd.f32 v0, v14;
	v43 =	vmul.f32 v61, v47;
	v6 =	vadd.f32 v6, v11  }
0x72: {  	v44 =	vmul.f32 v23, v51;
	v2 =	vadd.f32 v2, v59;
	v1 =	vadd.f32 v1, v5  }
0x73: {  	v4 =	vmul.f32 v40, v4;
	v5 =	vadd.f32 v43, v6;
	v6 =	vmul.f32 v63, v52  }
0x74: {  	v0 =	vmul.f32 v13, v0;
	v13 =	vmul.f32 v63, v49  }
0x75: {  	[tilespmem:$0x1FEE0] =	vst v2;
	v1 =	vadd.f32 v1, v4;
	v2 =	vadd.f32 v44, v6;
	v6 =	vmul.f32 v23, v50  }
0x76: {  	[tilespmem:$0x1FF20] =	vst v46;
	v46 =	vmul.f32 v63, v46  }
0x77: {  	v59 =	vmul.f32 v23, v20;
	v0 =	vadd.f32 v1, v0;
	v1 =	vadd.f32 v6, v13  }
0x78: {  	v25 =	vmov v15;
	v15 =	vld [tilespmem:s31+$0xFFFFFF10]  }
0x79: {  	v9 =	vmov v18;
	v18 =	vld [tilespmem:$0xA380];
	[tilespmem:$0x1FF00] =	vst v1;
	v1 =	vadd.f32 v59, v46;
	_ =	sdelay $0x1  }
0x7a: {  	[tilespmem:$0x1FF10] =	vst v1;
	v1 =	vld [tilespmem:$0x1FE10];
	_ =	sdelay $0x1  }
0x7b: {  	v17 =	vld [tilespmem:s31+$0x10]  }
0x7c: {  	v45 =	vld [tilespmem:s31+$0xFFFFFF20];
	v18 =	vmul.f32 v18, v5;
	v5 =	vmul.f32 v15, v36  }
0x7d: {  	v3 =	vld [tilespmem:s31+$0xFFFFFF90]  }
0x7e: {  	v5 =	vadd.f32 v5, v1;
	v1 =	vld [tilespmem:$0x1FE20]  }
0x7f: {  	v53 =	vld [tilespmem:s31+$0xFFFFFF30]  }
0x80: {  	v56 =	vld [tilespmem:s31+$0x190]  }
0x81: {  	v21 =	vld [tilespmem:s31+$0xFFFFFFA0];
	v10 =	vmul.f32 v15, v24  }
0x82: {  	v54 =	vld [tilespmem:s31+$0xFFFFFFB0]  }
0x83: {  	v10 =	vadd.f32 v10, v1;
	v1 =	vld [tilespmem:$0x1FE30]  }
0x84: {  	[tilespmem:$0x1FE90] =	vst v7;
	v7 =	vld [tilespmem:s31+$0x20]  }
0x85: {  	v14 =	vld [tilespmem:s31+$0xA0]  }
0x86: {  	v16 =	vld [tilespmem:s31+$0x90]  }
0x87: {  	v61 =	vld [tilespmem:s31+$0xB0]  }
0x88: {  	v37 =	vadd.f32 v15, v1;
	v1 =	vld [tilespmem:$0x1FE40]  }
0x89: {  	v46 =	vld [tilespmem:$0x1FFF0]  }
0x8a: {  	v57 =	vld [tilespmem:s31+$0x110]  }
0x8b: {  	v60 =	vld [tilespmem:s31+$0x30];
	v0 =	vadd.f32 v0, v18;
	v18 =	vmul.f32 v15, v12  }
0x8c: {  	v42 =	vmov v25;
	v15 =	vmul.f32 v15, v25;
	v25 =	vld [tilespmem:$0x1FE50]  }
0x8d: {  	v18 =	vadd.f32 v18, v1;
	v1 =	vld [tilespmem:$0x1FE60]  }
0x8e: {  	v11 =	vld [tilespmem:s31+$0x120]  }
0x8f: {  	v40 =	vld [tilespmem:s31+$0x130]  }
0x90: {  	[tilespmem:$0x1FF60] =	vst v26;
	v26 =	vmov v12;
	v12 =	vld [tilespmem:s31+$0x1A0]  }
0x91: {  	v59 =	vld [tilespmem:s31+$0x1B0];
	[tilespmem:v46+s0+$0xFFFFFF90 ss:$0x1] =	vst.idx.msk $0xffff, v0;
	v0 =	vmul.f32 v3, v25  }
0x92: {  	[tilespmem:$0x1FF40] =	vst v19;
	v4 =	vld [tilespmem:$0xA410];
	v15 =	vadd.f32 v15, v1  }
0x93: {  	v22 =	vmovc v19;
	v19 =	vmul.f32 v3, v27;
	v1 =	vadd.f32 v0, v5;
	v5 =	vadd.f32 v3, v37;
	v37 =	vld [tilespmem:$0x1FE70]  }
0x94: {  	v55 =	vld [tilespmem:$0xA590]  }
0x95: {  	v43 =	vmul.f32 v3, v30;
	v10 =	vadd.f32 v19, v10;
	v19 =	vld [tilespmem:$0xA490];
	v3 =	vmul.f32 v3, v31  }
0x96: {  	v44 =	vmul.f32 v17, v29  }
0x97: {  	[tilespmem:$0x1FEF0] =	vst v2;
	v2 =	vld [tilespmem:$0xA510];
	v4 =	vmul.f32 v4, v9;
	v3 =	vadd.f32 v3, v15;
	v15 =	vmul.f32 v17, v32  }
0x98: {  	v5 =	vadd.f32 v17, v5;
	v0 =	vmul.f32 v17, v37;
	v17 =	vmul.f32 v17, v28  }
0x99: {  	v18 =	vadd.f32 v43, v18;
	v1 =	vadd.f32 v15, v1;
	v15 =	vmul.f32 v16, v62  }
0x9a: {  	v4 =	vadd.f32 v4, v55;
	v3 =	vadd.f32 v17, v3;
	v17 =	vmul.f32 v19, v58  }
0x9b: {  	v6 =	vld [tilespmem:$0x1FE90];
	v1 =	vadd.f32 v15, v1;
	v15 =	vmul.f32 v16, v34;
	v0 =	vadd.f32 v0, v18  }
0x9c: {  	v2 =	vmul.f32 v2, v8;
	v4 =	vadd.f32 v17, v4  }
0x9d: {  	v0 =	vadd.f32 v15, v0  }
0x9e: {  	v13 =	vld [tilespmem:$0x1FE80];
	v15 =	vmul.f32 v57, v38;
	v2 =	vadd.f32 v2, v4;
	v4 =	vmul.f32 v16, v35;
	_ =	sdelay $0x1  }
0x9f: {  	v1 =	vadd.f32 v15, v1;
	v3 =	vadd.f32 v4, v3;
	v4 =	vmul.f32 v56, v6;
	_ =	sdelay $0x1  }
0xa0: {  	v5 =	vadd.f32 v16, v5;
	v1 =	vadd.f32 v4, v1;
	v4 =	vld [tilespmem:$0x1FF70]  }
0xa1: {  	v10 =	vadd.f32 v44, v10;
	v18 =	vmul.f32 v16, v13  }
0xa2: {  	v5 =	vadd.f32 v57, v5  }
0xa3: {  	v10 =	vadd.f32 v18, v10;
	v16 =	vmul.f32 v57, v33  }
0xa4: {  	v5 =	vadd.f32 v56, v5;
	v18 =	vld [tilespmem:$0xA210]  }
0xa5: {  	v10 =	vadd.f32 v16, v10;
	v16 =	vadd.f32 v23, v63;
	v4 =	vmul.f32 v63, v4;
	v63 =	vld [tilespmem:$0x1FF60]  }
0xa6: {  	v17 =	vmul.f32 v57, v39;
	v2 =	vmul.f32 v2, v5;
	v5 =	vld [tilespmem:$0xA290]  }
0xa7: {  	v19 =	vld [tilespmem:$0xA310];
	v15 =	vmul.f32 v56, v41  }
0xa8: {  	v0 =	vadd.f32 v17, v0;
	v17 =	vmul.f32 v57, v48;
	v57 =	vld [tilespmem:$0x1FEB0]  }
0xa9: {  	v23 =	vmul.f32 v23, v22;
	v22 =	vld [tilespmem:$0x1FEC0];
	v10 =	vadd.f32 v15, v10;
	v1 =	vmul.f32 v18, v1  }
0xaa: {  	v3 =	vadd.f32 v17, v3;
	v17 =	vld [tilespmem:$0xA390];
	v15 =	vmul.f32 v56, v63  }
0xab: {  	[tilespmem:$0x1FF30] =	vst v20;
	v20 =	vmul.f32 v45, v26;
	v1 =	vadd.f32 v2, v1;
	v2 =	vmul.f32 v5, v10;
	v5 =	vld [tilespmem:$0x1FEA0]  }
0xac: {  	v55 =	vmul.f32 v56, v47;
	v4 =	vadd.f32 v23, v4;
	v23 =	vld [tilespmem:$0x1FEE0];
	v0 =	vadd.f32 v15, v0  }
0xad: {  	v18 =	vmul.f32 v21, v30;
	v1 =	vadd.f32 v1, v2;
	v2 =	vmul.f32 v45, v24  }
0xae: {  	v3 =	vadd.f32 v55, v3;
	v55 =	vmul.f32 v21, v31;
	v0 =	vmul.f32 v19, v0  }
0xaf: {  	v2 =	vadd.f32 v2, v22;
	v56 =	vmul.f32 v45, v36;
	v15 =	vmul.f32 v45, v42  }
0xb0: {  	v5 =	vadd.f32 v45, v5;
	v0 =	vadd.f32 v1, v0;
	v1 =	vmul.f32 v17, v3  }
0xb1: {  	v43 =	vmovc v9;
	v9 =	vadd.f32 v56, v57;
	v45 =	vadd.f32 v15, v23;
	v15 =	vmul.f32 v21, v25  }
0xb2: {  	v56 =	vmul.f32 v7, v32;
	v3 =	vld [tilespmem:$0x1FED0];
	v17 =	vmul.f32 v21, v27;
	v0 =	vadd.f32 v0, v1  }
0xb3: {  	v57 =	vmul.f32 v7, v29;
	v1 =	vadd.f32 v21, v5;
	v5 =	vadd.f32 v15, v9  }
0xb4: {  	v2 =	vadd.f32 v17, v2;
	v15 =	vmul.f32 v7, v37;
	[tilespmem:v46+s0+$0xFFFFFFA0 ss:$0x1] =	vst.idx.msk $0xffff, v0  }
0xb5: {  	v0 =	vadd.f32 v55, v45;
	v1 =	vadd.f32 v7, v1;
	v7 =	vmul.f32 v7, v28;
	v45 =	vld [tilespmem:$0xA420]  }
0xb6: {  	v22 =	vmovc v28;
	v5 =	vadd.f32 v56, v5;
	v2 =	vadd.f32 v57, v2;
	v28 =	vmul.f32 v14, v13;
	v17 =	vld [tilespmem:$0xA5A0]  }
0xb7: {  	v3 =	vadd.f32 v20, v3;
	v23 =	vld [tilespmem:$0xA4A0];
	v0 =	vadd.f32 v7, v0;
	v7 =	vmul.f32 v14, v62  }
0xb8: {  	v1 =	vadd.f32 v14, v1;
	v2 =	vadd.f32 v28, v2  }
0xb9: {  	v3 =	vadd.f32 v18, v3;
	v18 =	vld [tilespmem:$0xA520];
	v5 =	vadd.f32 v7, v5  }
0xba: {  	v7 =	vmul.f32 v14, v35;
	v1 =	vadd.f32 v11, v1;
	v10 =	vmul.f32 v45, v43  }
0xbb: {  	v19 =	vmovc v43;
	v3 =	vadd.f32 v15, v3;
	v15 =	vmul.f32 v14, v34;
	v43 =	vmul.f32 v11, v38  }
0xbc: {  	v44 =	vmovc v8;
	v0 =	vadd.f32 v7, v0;
	v8 =	vmul.f32 v23, v58;
	v7 =	vadd.f32 v10, v17  }
0xbd: {  	v56 =	vmovc v13;
	v55 =	vld [tilespmem:$0xA220];
	v14 =	vmul.f32 v12, v6;
	v45 =	vmul.f32 v11, v33;
	v1 =	vadd.f32 v12, v1  }
0xbe: {  	v13 =	vmovc v33;
	v5 =	vadd.f32 v43, v5;
	v33 =	vmul.f32 v18, v44;
	v7 =	vadd.f32 v8, v7  }
0xbf: {  	v28 =	vmovc v39;
	v39 =	vmul.f32 v11, v39;
	v3 =	vadd.f32 v15, v3;
	v15 =	vld [tilespmem:$0xA2A0];
	v2 =	vadd.f32 v45, v2  }
0xc0: {  	v5 =	vadd.f32 v14, v5;
	v14 =	vmul.f32 v12, v41;
	v7 =	vadd.f32 v33, v7  }
0xc1: {  	v43 =	vmul.f32 v11, v48;
	v18 =	vmovc v48;
	v45 =	vmul.f32 v12, v63;
	v48 =	vld [tilespmem:$0xA320];
	v3 =	vadd.f32 v39, v3  }
0xc2: {  	v2 =	vadd.f32 v14, v2;
	v5 =	vmul.f32 v55, v5;
	v1 =	vmul.f32 v7, v1;
	_ =	sdelay $0x1  }
0xc3: {  	v3 =	vadd.f32 v45, v3;
	v7 =	vld [tilespmem:$0xA3A0];
	v2 =	vmul.f32 v15, v2;
	v1 =	vadd.f32 v1, v5  }
0xc4: {  	v17 =	vmov v6;
	v6 =	vld [tilespmem:$0x1FF00];
	v0 =	vadd.f32 v43, v0;
	v55 =	vmul.f32 v12, v47  }
0xc5: {  	v1 =	vadd.f32 v1, v2;
	v2 =	vmul.f32 v48, v3  }
0xc6: {  	v21 =	vmovc v63;
	v20 =	vmul.f32 v53, v36;
	v23 =	vmul.f32 v53, v24;
	v0 =	vadd.f32 v55, v0;
	v3 =	vld [tilespmem:$0x1FEF0]  }
0xc7: {  	v63 =	vmovc v36;
	v36 =	vmul.f32 v53, v26;
	v39 =	vmul.f32 v53, v42;
	v1 =	vadd.f32 v1, v2;
	v2 =	vld [tilespmem:$0x1FF10]  }
0xc8: {  	v43 =	vmul.f32 v54, v27;
	v5 =	vadd.f32 v53, v16;
	v0 =	vmul.f32 v7, v0  }
0xc9: {  	v4 =	vadd.f32 v39, v4;
	v45 =	vmul.f32 v54, v30;
	v6 =	vadd.f32 v23, v6  }
0xca: {  	v0 =	vadd.f32 v1, v0;
	v1 =	vadd.f32 v54, v5;
	v5 =	vmul.f32 v54, v31  }
0xcb: {  	v6 =	vadd.f32 v43, v6;
	v7 =	vmul.f32 v54, v25;
	v3 =	vadd.f32 v20, v3  }
0xcc: {  	[tilespmem:v46+s0+$0xFFFFFFB0 ss:$0x1] =	vst.idx.msk $0xffff, v0;
	v0 =	vadd.f32 v5, v4;
	v2 =	vadd.f32 v36, v2  }
0xcd: {  	v4 =	vmul.f32 v60, v32;
	v5 =	vmul.f32 v60, v29;
	v3 =	vadd.f32 v7, v3;
	v7 =	vld [tilespmem:$0xA430]  }
0xce: {  	v54 =	vmovc v22;
	v20 =	vmul.f32 v60, v22;
	v1 =	vadd.f32 v60, v1;
	v22 =	vld [tilespmem:$0xA5B0];
	v2 =	vadd.f32 v45, v2  }
0xcf: {  	v48 =	vmul.f32 v60, v37;
	v3 =	vadd.f32 v4, v3;
	v4 =	vadd.f32 v5, v6;
	v5 =	vld [tilespmem:$0xA4B0]  }
0xd0: {  	v23 =	vmul.f32 v61, v56;
	v0 =	vadd.f32 v20, v0;
	v6 =	vmul.f32 v61, v62  }
0xd1: {  	v55 =	vmul.f32 v40, v38;
	v1 =	vadd.f32 v61, v1;
	v2 =	vadd.f32 v48, v2;
	v48 =	vld [tilespmem:$0xA530]  }
0xd2: {  	v3 =	vadd.f32 v6, v3;
	v6 =	vmul.f32 v61, v35;
	v7 =	vmul.f32 v7, v19  }
0xd3: {  	v53 =	vmovc v62;
	v45 =	vmul.f32 v61, v34;
	v62 =	vmul.f32 v59, v17;
	v1 =	vadd.f32 v40, v1  }
0xd4: {  	v0 =	vadd.f32 v6, v0;
	v6 =	vadd.f32 v7, v22;
	v5 =	vmul.f32 v5, v58  }
0xd5: {  	v60 =	vld [tilespmem:$0xA230];
	v4 =	vadd.f32 v23, v4;
	v1 =	vadd.f32 v59, v1;
	v7 =	vmul.f32 v40, v13  }
0xd6: {  	v3 =	vadd.f32 v55, v3;
	v5 =	vadd.f32 v5, v6;
	v6 =	vmul.f32 v48, v44  }
0xd7: {  	v20 =	vld [tilespmem:$0xA2B0];
	v2 =	vadd.f32 v45, v2;
	v4 =	vadd.f32 v7, v4;
	v7 =	vmul.f32 v40, v28  }
0xd8: {  	v22 =	vmul.f32 v59, v41;
	v3 =	vadd.f32 v62, v3;
	v5 =	vadd.f32 v6, v5  }
0xd9: {  	v23 =	vld [tilespmem:$0xA330];
	v2 =	vadd.f32 v7, v2;
	v6 =	vmul.f32 v40, v18;
	v7 =	vmul.f32 v59, v21  }
0xda: {  	v3 =	vmul.f32 v60, v3;
	v4 =	vadd.f32 v22, v4;
	v1 =	vmul.f32 v5, v1  }
0xdb: {  	v0 =	vadd.f32 v6, v0;
	v2 =	vadd.f32 v7, v2;
	v5 =	vld [tilespmem:$0xA3B0]  }
0xdc: {  	v6 =	vmul.f32 v59, v47;
	v1 =	vadd.f32 v1, v3;
	v3 =	vmul.f32 v20, v4;
	_ =	sdelay $0x1  }
0xdd: {  	v0 =	vadd.f32 v6, v0;
	v2 =	vmul.f32 v23, v2;
	v1 =	vadd.f32 v1, v3;
	_ =	sdelay $0x1  }
0xde: {  	v0 =	vmul.f32 v5, v0;
	v1 =	vadd.f32 v1, v2;
	_ =	sdelay $0x1  }
0xdf: {  	v0 =	vadd.f32 v1, v0;
	_ =	sdelay $0x1  }
0xe0: {  	v16 =	vld [tilespmem:$0x1FF70];
	[tilespmem:v46+s0+$0xFFFFFFC0 ss:$0x1] =	vst.idx.msk $0xffff, v0  }
0xe1: {  	v0 =	vld [tilespmem:s31+$0xFFFFFE40]  }
0xe2: {  	v48 =	vmov v41;
	v41 =	vld [tilespmem:$0x1FF20]  }
0xe3: {  	v1 =	vld [tilespmem:s31+$0xFFFFFE50]  }
0xe4: {  	v59 =	vmov v47;
	v47 =	vld [tilespmem:$0x1FF30]  }
0xe5: {  	v6 =	vld [tilespmem:s31+$0xFFFFFEC0]  }
0xe6: {  	v57 =	vmovc v44;
	v44 =	vmov v46;
	v46 =	vld [tilespmem:$0x1FF40];
	v3 =	vmul.f32 v0, v52;
	v4 =	vmul.f32 v0, v49  }
0xe7: {  	v2 =	vld [tilespmem:s31+$0xFFFFFE60];
	v5 =	vmul.f32 v0, v41;
	v7 =	vmul.f32 v0, v16  }
0xe8: {  	v15 =	vld [tilespmem:s31+$0xFFFFFED0];
	v8 =	vmul.f32 v1, v52;
	v9 =	vmul.f32 v1, v49  }
0xe9: {  	v43 =	vmov v34;
	v10 =	vmul.f32 v1, v41;
	v34 =	vmul.f32 v1, v16  }
0xea: {  	[tilespmem:$0x1FF50] =	vst v58;
	v58 =	vmovc v17;
	v40 =	vmov v18;
	v17 =	vmul.f32 v6, v51;
	v18 =	vmul.f32 v6, v50  }
0xeb: {  	v39 =	vmovc v19;
	v19 =	vmul.f32 v6, v47;
	v20 =	vadd.f32 v6, v0;
	v0 =	vmul.f32 v6, v46;
	v6 =	vld [tilespmem:s31+$0xFFFFFEE0]  }
0xec: {  	v61 =	vmov v13;
	v12 =	vmul.f32 v2, v52;
	v13 =	vmul.f32 v2, v49  }
0xed: {  	v14 =	vmul.f32 v2, v41;
	v7 =	vadd.f32 v0, v7;
	v0 =	vmul.f32 v15, v51  }
0xee: {  	v5 =	vadd.f32 v19, v5;
	v19 =	vadd.f32 v15, v1;
	v1 =	vmul.f32 v15, v47  }
0xef: {  	v4 =	vadd.f32 v18, v4;
	v18 =	vmul.f32 v15, v50;
	v8 =	vadd.f32 v0, v8  }
0xf0: {  	v55 =	vld [tilespmem:s31+$0xFFFFFE70];
	v10 =	vadd.f32 v1, v10;
	v1 =	vmul.f32 v6, v51;
	v0 =	vadd.f32 v6, v2  }
0xf1: {  	v60 =	vld [tilespmem:s31+$0xFFFFFEF0];
	v16 =	vmul.f32 v2, v16;
	v15 =	vmul.f32 v15, v46  }
0xf2: {  	v9 =	vadd.f32 v18, v9;
	v18 =	vld [tilespmem:s31+$0xFFFFFF40];
	v2 =	vmul.f32 v6, v50;
	[tilespmem:$0x1FF90] =	vst v0;
	v0 =	vadd.f32 v1, v12;
	_ =	sdelay $0x1  }
0xf3: {  	v11 =	vadd.f32 v15, v34;
	v15 =	vmul.f32 v6, v47;
	[tilespmem:$0x1FF80] =	vst v0;
	v0 =	vadd.f32 v2, v13  }
0xf4: {  	v3 =	vadd.f32 v17, v3;
	v6 =	vmul.f32 v6, v46  }
0xf5: {  	v17 =	vmul.f32 v55, v52;
	v12 =	vmul.f32 v60, v51;
	[tilespmem:$0x1FFA0] =	vst v0;
	v0 =	vadd.f32 v15, v14  }
0xf6: {  	v34 =	vld [tilespmem:s31+$0xFFFFFFC0];
	v13 =	vmul.f32 v60, v50;
	v50 =	vadd.f32 v6, v16;
	v6 =	vmul.f32 v18, v63  }
0xf7: {  	v62 =	vmul.f32 v55, v49;
	[tilespmem:$0x1FFB0] =	vst v0;
	v0 =	vadd.f32 v12, v17  }
0xf8: {  	v22 =	vld [tilespmem:$0xA5C0];
	v3 =	vadd.f32 v6, v3  }
0xf9: {  	v16 =	vld [tilespmem:s31+$0x40];
	v6 =	vmul.f32 v18, v42;
	[tilespmem:$0x1FFC0] =	vst v0;
	v0 =	vadd.f32 v13, v62;
	v13 =	vmul.f32 v18, v24  }
0xfa: {  	v21 =	vld [tilespmem:s31+$0x1C0];
	v14 =	vmul.f32 v18, v26;
	v15 =	vadd.f32 v18, v20  }
0xfb: {  	v49 =	vld [tilespmem:$0xA540];
	v6 =	vadd.f32 v6, v7;
	v7 =	vmul.f32 v34, v27;
	v4 =	vadd.f32 v13, v4  }
0xfc: {  	v5 =	vadd.f32 v14, v5;
	v17 =	vld [tilespmem:s31+$0xC0];
	v13 =	vmul.f32 v34, v25  }
0xfd: {  	v14 =	vmul.f32 v34, v30;
	v15 =	vadd.f32 v34, v15;
	v4 =	vadd.f32 v7, v4;
	v7 =	vld [tilespmem:s31+$0x140]  }
0xfe: {  	v33 =	vmovc v42;
	v52 =	vld [tilespmem:s31+$0xFFFFFFF0];
	v42 =	vmul.f32 v16, v37;
	v3 =	vadd.f32 v13, v3;
	v13 =	vmul.f32 v34, v31  }
0xff: {  	v51 =	vld [tilespmem:s31+$0xFFFFFF70];
	v5 =	vadd.f32 v14, v5;
	v14 =	vmul.f32 v16, v29;
	v15 =	vadd.f32 v16, v15  }
0x100: {  	v20 =	vld [tilespmem:$0xA440];
	v6 =	vadd.f32 v13, v6;
	v13 =	vmul.f32 v16, v32;
	v16 =	vmul.f32 v16, v54  }
0x101: {  	v23 =	vmovc v56;
	v5 =	vadd.f32 v42, v5;
	v45 =	vmul.f32 v17, v43;
	v4 =	vadd.f32 v14, v4;
	v14 =	vld [tilespmem:$0xA4C0]  }
0x102: {  	v1 =	vmovc v38;
	v6 =	vadd.f32 v16, v6;
	v16 =	vmul.f32 v17, v56;
	v56 =	vmul.f32 v7, v38;
	v38 =	vld [tilespmem:$0x1FF50]  }
0x103: {  	v41 =	vmul.f32 v55, v41;
	v47 =	vmul.f32 v60, v47;
	v2 =	vld [tilespmem:$0x1FF60];
	v15 =	vadd.f32 v17, v15  }
0x104: {  	v36 =	vmovc v32;
	v12 =	vld [tilespmem:s31+$0xFFFFFF50];
	v5 =	vadd.f32 v45, v5;
	v3 =	vadd.f32 v13, v3;
	v13 =	vmul.f32 v17, v53  }
0x105: {  	v62 =	vld [tilespmem:s31+$0xFFFFFF60];
	[tilespmem:$0x1FFD0] =	vst v0;
	v4 =	vadd.f32 v16, v4;
	v16 =	vmul.f32 v17, v35;
	v17 =	vmul.f32 v20, v39  }
0x106: {  	v18 =	vld [tilespmem:s31+$0xFFFFFFD0];
	v42 =	vmovc v35;
	v0 =	vmovc v54;
	v32 =	vmov v29;
	v15 =	vadd.f32 v7, v15;
	v13 =	vadd.f32 v13, v3  }
0x107: {  	v45 =	vld [tilespmem:$0xA240];
	v29 =	vmovc v37;
	v6 =	vadd.f32 v16, v6;
	v16 =	vadd.f32 v17, v22;
	v14 =	vmul.f32 v14, v38  }
0x108: {  	v37 =	vmovc v43;
	v43 =	vmul.f32 v21, v58;
	v54 =	vld [tilespmem:$0xA2C0];
	v35 =	vmul.f32 v7, v61;
	v15 =	vadd.f32 v21, v15  }
0x109: {  	v34 =	vmovc v53;
	v53 =	vld [tilespmem:s31+$0x70];
	v13 =	vadd.f32 v56, v13;
	v14 =	vadd.f32 v14, v16;
	v16 =	vmul.f32 v49, v57  }
0x10a: {  	v3 =	vld [tilespmem:s31+$0xFFFFFFE0];
	v20 =	vadd.f32 v35, v4;
	v49 =	vmul.f32 v7, v28;
	v7 =	vmul.f32 v7, v40  }
0x10b: {  	v17 =	vld [tilespmem:s31+$0x50];
	v13 =	vadd.f32 v43, v13;
	v14 =	vadd.f32 v16, v14;
	v16 =	vmul.f32 v21, v48  }
0x10c: {  	v35 =	vld [tilespmem:$0xA340];
	v5 =	vadd.f32 v49, v5;
	v6 =	vadd.f32 v7, v6;
	v7 =	vmul.f32 v21, v2  }
0x10d: {  	v4 =	vld [tilespmem:s31+$0x60];
	v43 =	vmovc v40;
	v13 =	vmul.f32 v45, v13;
	v16 =	vadd.f32 v16, v20;
	v14 =	vmul.f32 v14, v15  }
0x10e: {  	v40 =	vmovc v48;
	v48 =	vld [tilespmem:$0xA3C0];
	v49 =	vadd.f32 v47, v41;
	v47 =	vmul.f32 v12, v63;
	v5 =	vadd.f32 v7, v5  }
0x10f: {  	v15 =	vld [tilespmem:s31+$0xD0];
	v13 =	vadd.f32 v14, v13;
	v14 =	vmul.f32 v21, v59;
	v16 =	vmul.f32 v54, v16  }
0x110: {  	v7 =	vld [tilespmem:s31+$0xE0];
	v8 =	vadd.f32 v47, v8  }
0x111: {  	v47 =	vld [tilespmem:s31+$0x170];
	v6 =	vadd.f32 v14, v6;
	v13 =	vadd.f32 v13, v16;
	v16 =	vmul.f32 v35, v5  }
0x112: {  	v19 =	vadd.f32 v12, v19;
	v56 =	vmul.f32 v12, v24;
	v41 =	vmul.f32 v12, v26;
	v20 =	vld [tilespmem:s31+$0x1D0]  }
0x113: {  	v12 =	vmul.f32 v12, v33;
	v54 =	vld [tilespmem:s31+$0xF0];
	v13 =	vadd.f32 v13, v16;
	v16 =	vmul.f32 v48, v6  }
0x114: {  	v9 =	vadd.f32 v56, v9;
	v10 =	vadd.f32 v41, v10;
	v14 =	vld [tilespmem:s31+$0x150]  }
0x115: {  	v11 =	vadd.f32 v12, v11;
	v5 =	vld [tilespmem:s31+$0x160];
	v12 =	vadd.f32 v13, v16  }
0x116: {  	v6 =	vld [tilespmem:s31+$0x1E0];
	v13 =	vadd.f32 v18, v19;
	v16 =	vmul.f32 v18, v25;
	v19 =	vmul.f32 v18, v27  }
0x117: {  	v48 =	vld [tilespmem:s31+$0x1F0];
	[tilespmem:v44+s0+$0xFFFFFFD0 ss:$0x1] =	vst.idx.msk $0xffff, v12;
	v12 =	vmul.f32 v18, v30;
	v18 =	vmul.f32 v18, v31  }
0x118: {  	v8 =	vadd.f32 v16, v8;
	v9 =	vadd.f32 v19, v9;
	v16 =	vmul.f32 v17, v36;
	v19 =	vld [tilespmem:$0xA450]  }
0x119: {  	v10 =	vadd.f32 v12, v10;
	v11 =	vadd.f32 v18, v11  }
0x11a: {  	v12 =	vld [tilespmem:$0xA5D0];
	v8 =	vadd.f32 v16, v8;
	v16 =	vmul.f32 v17, v32;
	v18 =	vmul.f32 v17, v29  }
0x11b: {  	v35 =	vmov v33;
	v13 =	vadd.f32 v17, v13;
	v45 =	vld [tilespmem:$0xA4D0];
	v17 =	vmul.f32 v17, v0  }
0x11c: {  	v33 =	vmovc v36;
	v9 =	vadd.f32 v16, v9;
	v10 =	vadd.f32 v18, v10;
	v16 =	vmul.f32 v15, v23;
	v18 =	vld [tilespmem:$0xA550]  }
0x11d: {  	v36 =	vmovc v34;
	v34 =	vmul.f32 v15, v34;
	v11 =	vadd.f32 v17, v11;
	v17 =	vmul.f32 v19, v39  }
0x11e: {  	v13 =	vadd.f32 v15, v13;
	v9 =	vadd.f32 v16, v9;
	v16 =	vmul.f32 v15, v37  }
0x11f: {  	v8 =	vadd.f32 v34, v8;
	v12 =	vadd.f32 v17, v12;
	v17 =	vmul.f32 v14, v1  }
0x120: {  	v56 =	vmovc v0;
	v0 =	vld [tilespmem:$0x1FF70];
	v13 =	vadd.f32 v14, v13;
	v19 =	vmul.f32 v45, v38;
	v10 =	vadd.f32 v16, v10  }
0x121: {  	v16 =	vmul.f32 v14, v61;
	v8 =	vadd.f32 v17, v8;
	v17 =	vmul.f32 v18, v57;
	v18 =	vld [tilespmem:$0xA250]  }
0x122: {  	v13 =	vadd.f32 v20, v13;
	v12 =	vadd.f32 v19, v12;
	v19 =	vmul.f32 v20, v58  }
0x123: {  	v15 =	vmul.f32 v15, v42;
	v9 =	vadd.f32 v16, v9;
	v16 =	vmul.f32 v14, v28  }
0x124: {  	v45 =	vld [tilespmem:$0xA2D0];
	v14 =	vmul.f32 v14, v43;
	v12 =	vadd.f32 v17, v12;
	v8 =	vadd.f32 v19, v8  }
0x125: {  	v17 =	vmul.f32 v20, v40;
	v10 =	vadd.f32 v16, v10;
	v16 =	vmul.f32 v55, v0;
	v0 =	vld [tilespmem:$0x1FF80]  }
0x126: {  	v41 =	vmovc v27;
	v11 =	vadd.f32 v15, v11;
	v12 =	vmul.f32 v12, v13;
	v13 =	vld [tilespmem:$0xA350];
	v8 =	vmul.f32 v18, v8  }
0x127: {  	v27 =	vmovc v23;
	v34 =	vmovc v37;
	v37 =	vmov v1;
	v1 =	vld [tilespmem:$0x1FFA0];
	v9 =	vadd.f32 v17, v9;
	v18 =	vmul.f32 v20, v2  }
0x128: {  	v23 =	vmovc v39;
	v11 =	vadd.f32 v14, v11;
	v14 =	vmul.f32 v62, v63;
	v8 =	vadd.f32 v12, v8;
	v12 =	vld [tilespmem:$0xA3D0]  }
0x129: {  	v39 =	vmovc v2;
	v15 =	vmul.f32 v20, v59;
	v2 =	vld [tilespmem:$0x1FFB0];
	v9 =	vmul.f32 v45, v9;
	v10 =	vadd.f32 v18, v10  }
0x12a: {  	v22 =	vmul.f32 v4, v32;
	v19 =	vmul.f32 v60, v46;
	v46 =	vadd.f32 v14, v0;
	v0 =	vld [tilespmem:$0x1FF90]  }
0x12b: {  	v11 =	vadd.f32 v15, v11;
	v8 =	vadd.f32 v8, v9;
	v45 =	vmul.f32 v13, v10  }
0x12c: {  	v17 =	vadd.f32 v60, v55;
	v55 =	vmul.f32 v62, v26;
	v13 =	vmul.f32 v62, v24  }
0x12d: {  	v21 =	vmul.f32 v4, v33;
	v8 =	vadd.f32 v8, v45;
	v11 =	vmul.f32 v12, v11  }
0x12e: {  	v2 =	vadd.f32 v55, v2;
	v1 =	vadd.f32 v13, v1;
	v12 =	vmul.f32 v62, v35  }
0x12f: {  	v13 =	vmul.f32 v3, v30;
	v0 =	vadd.f32 v62, v0;
	v8 =	vadd.f32 v8, v11  }
0x130: {  	v62 =	vmul.f32 v3, v41;
	v60 =	vadd.f32 v12, v50;
	v12 =	vmul.f32 v3, v25  }
0x131: {  	v0 =	vadd.f32 v3, v0;
	v3 =	vmul.f32 v3, v31;
	[tilespmem:v44+s0+$0xFFFFFFE0 ss:$0x1] =	vst.idx.msk $0xffff, v8  }
0x132: {  	v2 =	vadd.f32 v13, v2;
	v13 =	vmul.f32 v4, v29;
	v10 =	vadd.f32 v12, v46;
	v8 =	vld [tilespmem:$0xA460]  }
0x133: {  	v20 =	vmovc v25;
	v3 =	vadd.f32 v3, v60;
	v0 =	vadd.f32 v4, v0;
	v4 =	vmul.f32 v4, v56;
	v12 =	vld [tilespmem:$0xA5E0]  }
0x134: {  	v18 =	vmovc v24;
	v45 =	vmul.f32 v7, v34;
	v1 =	vadd.f32 v62, v1;
	v2 =	vadd.f32 v13, v2;
	v14 =	vld [tilespmem:$0xA4E0]  }
0x135: {  	v25 =	vmovc v29;
	v29 =	vmul.f32 v7, v27;
	v9 =	vadd.f32 v21, v10;
	v3 =	vadd.f32 v4, v3  }
0x136: {  	v24 =	vmovc v26;
	v26 =	vld [tilespmem:$0xA560];
	v4 =	vmul.f32 v7, v36;
	v0 =	vadd.f32 v7, v0;
	v7 =	vmul.f32 v7, v42  }
0x137: {  	v1 =	vadd.f32 v22, v1;
	v2 =	vadd.f32 v45, v2;
	v8 =	vmul.f32 v8, v23  }
0x138: {  	v4 =	vadd.f32 v4, v9;
	v3 =	vadd.f32 v7, v3;
	v7 =	vmul.f32 v5, v37  }
0x139: {  	v55 =	vld [tilespmem:$0xA260];
	v1 =	vadd.f32 v29, v1;
	v46 =	vmul.f32 v14, v38;
	v8 =	vadd.f32 v8, v12  }
0x13a: {  	v60 =	vmul.f32 v6, v58;
	v0 =	vadd.f32 v5, v0;
	v4 =	vadd.f32 v7, v4  }
0x13b: {  	v50 =	vmul.f32 v26, v57;
	v7 =	vmul.f32 v5, v61;
	v8 =	vadd.f32 v46, v8  }
0x13c: {  	v62 =	vld [tilespmem:$0xA2E0];
	v0 =	vadd.f32 v6, v0;
	v12 =	vmul.f32 v5, v28;
	v4 =	vadd.f32 v60, v4  }
0x13d: {  	v1 =	vadd.f32 v7, v1;
	v7 =	vmul.f32 v6, v40;
	v8 =	vadd.f32 v50, v8  }
0x13e: {  	v22 =	vld [tilespmem:$0xA360];
	v5 =	vmul.f32 v5, v43;
	v2 =	vadd.f32 v12, v2;
	v4 =	vmul.f32 v55, v4  }
0x13f: {  	v1 =	vadd.f32 v7, v1;
	v7 =	vmul.f32 v6, v39;
	v0 =	vmul.f32 v8, v0  }
0x140: {  	v16 =	vadd.f32 v19, v16;
	v3 =	vadd.f32 v5, v3;
	v5 =	vmul.f32 v6, v59;
	v6 =	vld [tilespmem:$0xA3E0]  }
0x141: {  	v2 =	vadd.f32 v7, v2;
	v1 =	vmul.f32 v62, v1;
	v0 =	vadd.f32 v0, v4;
	v4 =	vld [tilespmem:$0x1FFC0]  }
0x142: {  	v29 =	vmul.f32 v51, v35;
	v35 =	vld [tilespmem:$0x1FFD0];
	v3 =	vadd.f32 v5, v3;
	v5 =	vadd.f32 v51, v17  }
0x143: {  	v26 =	vmul.f32 v51, v63;
	v0 =	vadd.f32 v0, v1;
	v1 =	vmul.f32 v22, v2  }
0x144: {  	v21 =	vmovc v40;
	v40 =	vmul.f32 v52, v30;
	v7 =	vmul.f32 v51, v24;
	v5 =	vadd.f32 v52, v5  }
0x145: {  	v2 =	vmul.f32 v51, v18;
	v0 =	vadd.f32 v0, v1;
	v1 =	vmul.f32 v6, v3  }
0x146: {  	v3 =	vadd.f32 v7, v49;
	v7 =	vmul.f32 v52, v20;
	v4 =	vadd.f32 v26, v4  }
0x147: {  	v2 =	vadd.f32 v2, v35;
	v0 =	vadd.f32 v0, v1;
	v1 =	vmul.f32 v52, v41  }
0x148: {  	v6 =	vadd.f32 v29, v16;
	v4 =	vadd.f32 v7, v4;
	v7 =	vmul.f32 v52, v31  }
0x149: {  	v1 =	vadd.f32 v1, v2;
	v2 =	vadd.f32 v40, v3;
	[tilespmem:v44+s0+$0xFFFFFFF0 ss:$0x1] =	vst.idx.msk $0xffff, v0  }
0x14a: {  	v3 =	vmul.f32 v53, v33;
	v0 =	vadd.f32 v7, v6;
	v6 =	vmul.f32 v53, v32;
	v7 =	vld [tilespmem:$0xA470]  }
0x14b: {  	v58 =	vmul.f32 v48, v58;
	v5 =	vadd.f32 v53, v5;
	v46 =	vld [tilespmem:$0xA5F0]  }
0x14c: {  	v3 =	vadd.f32 v3, v4;
	v4 =	vmul.f32 v54, v36;
	v1 =	vadd.f32 v6, v1;
	v6 =	vld [tilespmem:$0xA4F0]  }
0x14d: {  	v13 =	vmovc v27;
	v45 =	vmul.f32 v53, v56;
	v62 =	vmul.f32 v48, v39;
	v5 =	vadd.f32 v54, v5  }
0x14e: {  	v51 =	vmul.f32 v54, v42;
	v50 =	vld [tilespmem:$0xA570];
	v3 =	vadd.f32 v4, v3;
	v4 =	vmul.f32 v54, v13  }
0x14f: {  	v49 =	vmul.f32 v54, v34;
	v5 =	vadd.f32 v47, v5;
	v7 =	vmul.f32 v7, v23  }
0x150: {  	v41 =	vmul.f32 v53, v25;
	v1 =	vadd.f32 v4, v1;
	v4 =	vmul.f32 v47, v37  }
0x151: {  	v5 =	vadd.f32 v48, v5;
	v7 =	vadd.f32 v7, v46;
	v6 =	vmul.f32 v6, v38  }
0x152: {  	v60 =	vld [tilespmem:$0xA270];
	v2 =	vadd.f32 v41, v2;
	v3 =	vadd.f32 v4, v3;
	v4 =	vmul.f32 v47, v61  }
0x153: {  	v0 =	vadd.f32 v45, v0;
	v6 =	vadd.f32 v6, v7;
	v7 =	vmul.f32 v50, v57  }
0x154: {  	v2 =	vadd.f32 v49, v2;
	v61 =	vld [tilespmem:$0xA2F0];
	v1 =	vadd.f32 v4, v1;
	v4 =	vmul.f32 v47, v28  }
0x155: {  	v3 =	vadd.f32 v58, v3;
	v6 =	vadd.f32 v7, v6;
	v7 =	vmul.f32 v48, v21  }
0x156: {  	v63 =	vld [tilespmem:$0xA370];
	v0 =	vadd.f32 v51, v0;
	v2 =	vadd.f32 v4, v2;
	v4 =	vmul.f32 v47, v43  }
0x157: {  	v3 =	vmul.f32 v60, v3;
	v1 =	vadd.f32 v7, v1;
	v5 =	vmul.f32 v6, v5  }
0x158: {  	v0 =	vadd.f32 v4, v0;
	v2 =	vadd.f32 v62, v2;
	v4 =	vld [tilespmem:$0xA3F0]  }
0x159: {  	v6 =	vmul.f32 v48, v59;
	v3 =	vadd.f32 v5, v3;
	v1 =	vmul.f32 v61, v1;
	_ =	sdelay $0x1  }
0x15a: {  	v0 =	vadd.f32 v6, v0;
	v2 =	vmul.f32 v63, v2;
	v1 =	vadd.f32 v3, v1  }
0x15b: {  	p1 =	sne.s32 s29, $0x1E00;
	v15 =	vimm.s32 $0xB  }
.Ltmp0:
0x15c: {  	v17 =	vimm.s32 $0x5;
	v0 =	vmul.f32 v4, v0;
	v1 =	vadd.f32 v1, v2;
	(pc) =	sbr.rel @p1 .LBB2_3-.Ltmp0, $4  }
0x15d: {  	v16 =	vimm.s32 $0x4;
	v34 =	vimm.s32 $0xF;
	v40 =	vimm.s32 $0x6  }
0x15e: {  	v32 =	vimm.s32 $0xE;
	v53 =	vimm.s32 $0x8;
	v0 =	vadd.f32 v1, v0  }
0x15f: {  	v41 =	vimm.s32 $0x7;
	v54 =	vimm.s32 $0x9;
	v5 =	vimm.s32 $0x3  }
0x160: {  	s29 =	sadd.s32 $0x200, s29;
	s31 =	sadd.s32 $0x400, s31;
	v2 =	vimm.s32 $0x2;
	v1 =	vimm.s32 $0x1;
	[tilespmem:v44+s0+$0x0 ss:$0x1] =	vst.idx.msk $0xffff, v0;
	v0 =	vimm.s32 $0x0  }
0x161: {  	p1 =	seq.s32 s28, $0x0  }
0x162: {  	s0 =	simm.s32 @!p1 $0x4  }
0x163: {  	_ =	swait.ge @!p1 [sflag:s0], $0x800  }
0x164: {  	[sflag:s0] =	ssyncset.done @!p1 $0x0  }
0x165: {  	[sflag:s0] =	ssyncadd.s32 @!p1 $0xFFFFF800;
	p1 =	sne.s32 s26, s8  }
.Ltmp1:
0x166: {  	s2 =	sshll.u32 s28, $0x10;
	(pc) =	sbr.rel @p1 .LBB2_2-.Ltmp1, $4  }
0x167: {  	s2 =	sor.u32 s14, s2  }
0x168: {  	s28 =	sshll.u32 s30, $0xB;
	p0 =	por !p0, !p0;
	s2 =	sshrl.u32 s2, $0x3  }
0x169: {  	s31 =	sor.u32 $0x9200, s28;
	s28 =	smov.u32 s26;
	s2 =	sadd.s32 s3, s2  }
0x16a: {  	[hbm4b:s2+s4] =	stream.linear.scatter [tilespmem:s31], [sflag:$0x4], $0x800, $0x38;
	[tilespmem:$0xA600] =	vst v63  }
0x16b: {  	_ =	swait.ge [sflag:s22], $0x4000  }
0x16c: {  	[sflag:s22] =	ssyncset.done $0x0  }
0x16d: {  	[sflag:s22] =	ssyncadd.s32 $0xFFFFC000  }
0x16e: {  	_ =	swait.ge [sflag:s23], $0x800  }
0x16f: {  	[sflag:s23] =	ssyncset.done $0x0  }
0x170: {  	s25 =	sadd.s32 $0x1, s25;
	[sflag:s23] =	ssyncadd.s32 $0xFFFFF800  }
0x171: {  	p0 =	sne.s32 s25, s15;
	_ =	swait.ge [sflag:s18], $0x80  }
.Ltmp2:
0x172: {  	[sflag:s18] =	ssyncset.done $0x0;
	(pc) =	sbr.rel @p0 .LBB2_1-.Ltmp2, $4  }
0x173: {  	[sflag:s18] =	ssyncadd.s32 $0xFFFFFF80  }
0x174: {  	_ =	swait.ge [sflag:s24], $0x800  }
0x175: {  	[sflag:s24] =	ssyncset.done $0x0  }
0x176: {  	[sflag:s24] =	ssyncadd.s32 $0xFFFFF800  }
0x177: {  	_ =	sfence.sel $0x180000  }
0x178: {  	[bflag:$0x0] =	sbarrier.arrive $0xFFFF  }
0x179: {  	_ =	strace $0x90000047  }
0x17a: {  	s0 =	stileid.u32;
	[bflag:$0x2] =	sbarrier.arrive $0xFFFF  }
0x17b: {  	p0 =	sne.s32 s0, $0x0;
	s0 =	rddreg [dreg:$0x3]  }
0x17c: {  	s0 =	sadd.s32 @!p0 $0x100000, s0  }
0x17d: {  	[sflag:s0] =	ssyncadd.tile.s32 @!p0 $0x1;
	_ =	shalt  }
.Lfunc_end2:
_tile_overlayer_lowered:
.L_overlay_start_2:
0x17e: {  	(tag) =	ssettag $0x2  }
0x17f: {  	s0 =	rddreg [dreg:$0x0];
	s2 =	stileid.u32  }
0x180: {  	s1 =	rddreg [dreg:$0x1];
	p0 =	sne.s32 s2, $0x0  }
0x181: {  	s3 =	rddreg [dreg:$0x2];
	[bflag:$0x3] =	sbarrier.arrive $0xFFFF;
	s2 =	simm.s32 @!p0 $0x1C05  }
0x182: {  	[timem:s3], [sflag:s2] =	dma.local @!p0 [hbm:s0], s1  }
0x183: {  	s0 =	simm.s32 @!p0 $0x5  }
0x184: {  	_ =	swait.ge @!p0 [sflag:s0], s1  }
0x185: {  	s1 =	ssub.s32 @!p0 $0x0, s1;
	[sflag:s0] =	ssyncset.done @!p0 $0x0  }
0x186: {  	[sflag:s0] =	ssyncadd.s32 @!p0 s1  }
0x187: {  	[bflag:$0x3] =	sbarrier.arrive $0xFFFF  }
0x188: {  	_ =	shalt  }

</sc_bundles>
